<compile_context>
chip_gen: v7x
topology: tpu7x:2x2x1
jax: 0.10.2.dev20260603
libtpu: 0.0.44.dev20260713+nightly
codegen_flags: <defaults>
</compile_context>

<pallas_src>
import jax
import jax.numpy as jnp
import numpy as np
from jax import lax
from jax.experimental import pallas as pl
from jax.experimental.pallas import tpu as pltpu
from jax.experimental.pallas import tpu_sc as plsc

_RADIUS = 0.05
_R2 = np.float32(_RADIUS * _RADIUS)
_B, _N, _D = 8, 2048, 3
_WORDS = _N // 32
_NW = 32
_G = 4

_SB = 1
_TB = _B - _SB
_ROW_TILE = 2048

_CHUNKS = _NW // _SB
_ROWS_PER_W = _N // _CHUNKS
_SUPER = _ROWS_PER_W // (16 * _G)
_OUT_PER_W = _ROWS_PER_W * _WORDS


def _bf16_rne(v):
    u = lax.bitcast_convert_type(v, jnp.int32)
    lsb = lax.shift_right_logical(u, 16) & 1
    r = (u + (0x7FFF + lsb)) & jnp.int32(-65536)
    return lax.bitcast_convert_type(r, jnp.float32)



def _sc_body(locs_hbm, out_hbm, locs_v, out_v, p_x2, p_y2, p_z2, p_sq, sem):
    wid = lax.axis_index("s") * 2 + lax.axis_index("c")
    batch = wid // _CHUNKS
    chunk = wid % _CHUNKS
    lbase = (_TB + batch) * (_D * _N)

    pltpu.sync_copy(locs_hbm.at[pl.ds(lbase, _D * _N)], locs_v)

    lane = lax.iota(jnp.int32, 16)

    def prep(i, c0):
        sl = pl.ds(i * 16, 16)
        x = locs_v[pl.ds(i * 16, 16)]
        y = locs_v[pl.ds(_N + i * 16, 16)]
        z = locs_v[pl.ds(2 * _N + i * 16, 16)]
        xb = _bf16_rne(x)
        yb = _bf16_rne(y)
        zb = _bf16_rne(z)
        p_x2[sl] = xb + xb
        p_y2[sl] = yb + yb
        p_z2[sl] = zb + zb
        p_sq[sl] = (x * x + y * y) + z * z
        return c0
    lax.fori_loop(0, _N // 16, prep, 0)

    weights = [np.float32(2.0 ** t) for t in range(32)]

    def super_group(sg, c1):
        xi, yi, zi, sqi, rbase = [], [], [], [], []
        for g in range(_G):
            base = chunk * _ROWS_PER_W + sg * (16 * _G) + g * 16
            xi.append(_bf16_rne(locs_v[pl.ds(base, 16)]))
            yi.append(_bf16_rne(locs_v[pl.ds(_N + base, 16)]))
            zi.append(_bf16_rne(locs_v[pl.ds(2 * _N + base, 16)]))
            sqi.append(p_sq[pl.ds(base, 16)])
            rbase.append((lane + sg * (16 * _G) + g * 16) * _WORDS)

        def word(w, c2):
            j0 = w * 32
            xv = [p_x2[pl.ds(j0, 16)], p_x2[pl.ds(j0 + 16, 16)]]
            yv = [p_y2[pl.ds(j0, 16)], p_y2[pl.ds(j0 + 16, 16)]]
            zv = [p_z2[pl.ds(j0, 16)], p_z2[pl.ds(j0 + 16, 16)]]
            sv = [p_sq[pl.ds(j0, 16)], p_sq[pl.ds(j0 + 16, 16)]]
            acc = [jnp.zeros((16,), jnp.float32) for _ in range(_G)]
            for t in range(32):
                h, l = divmod(t, 16)
                x2 = xv[h][l]
                y2 = yv[h][l]
                z2 = zv[h][l]
                sqj = sv[h][l]
                for g in range(_G):
                    dot2 = (xi[g] * x2 + yi[g] * y2) + zi[g] * z2
                    d2 = (sqi[g] + sqj) - dot2
                    acc[g] = jnp.where(d2 <= _R2, acc[g] + weights[t], acc[g])
            for g in range(_G):
                plsc.store_scatter(out_v, [rbase[g] + w], acc[g])
            return c2
        lax.fori_loop(0, _WORDS, word, 0)
        return c1
    lax.fori_loop(0, _SUPER, super_group, 0)

    pltpu.sync_copy(out_v, out_hbm.at[pl.ds(wid * _OUT_PER_W, _OUT_PER_W)])


def _sc_run(locs_t):
    mesh = plsc.VectorSubcoreMesh(core_axis_name="c", subcore_axis_name="s")
    run = pl.kernel(
        _sc_body,
        out_type=jax.ShapeDtypeStruct((_NW * _OUT_PER_W,), jnp.float32),
        mesh=mesh,
        compiler_params=pltpu.CompilerParams(needs_layout_passes=False),
        scratch_types=[
            pltpu.VMEM((_D * _N,), jnp.float32),
            pltpu.VMEM((_OUT_PER_W,), jnp.float32),
        ] + [pltpu.VMEM((_N,), jnp.float32)] * 4 + [
            pltpu.SemaphoreType.DMA,
        ],
    )
    return run(locs_t).reshape(_SB, _N, _WORDS)



def _tc_body(locs_ref, pack_ref, out_ref):
    rt = pl.program_id(1)
    a = locs_ref[0]
    x = a[0]
    y = a[1]
    z = a[2]
    sq = (x * x + y * y) + z * z
    lhs = locs_ref[0, :, pl.ds(rt * _ROW_TILE, _ROW_TILE)]
    lx = lhs[0]
    ly = lhs[1]
    lz = lhs[2]
    sqi = (lx * lx + ly * ly) + lz * lz
    dots = lax.dot_general(
        lhs.astype(jnp.bfloat16), a.astype(jnp.bfloat16),
        (((0,), (0,)), ((), ())),
        preferred_element_type=jnp.float32)
    d2 = (sqi[:, None] + sq[None, :]) - 2.0 * dots
    mask = (d2 <= _R2).astype(jnp.float32)
    out_ref[0] = lax.dot_general(
        mask, pack_ref[...], (((1,), (0,)), ((), ())),
        preferred_element_type=jnp.float32)


def _tc_run(locs_p, pack):
    grid = (_TB, _N // _ROW_TILE)
    return pl.pallas_call(
        _tc_body,
        grid=grid,
        in_specs=[
            pl.BlockSpec((1, _D, _N), lambda b, rt: (b, 0, 0)),
            pl.BlockSpec((_N, _WORDS), lambda b, rt: (0, 0)),
        ],
        out_specs=pl.BlockSpec((1, _ROW_TILE, _WORDS),
                               lambda b, rt: (b, rt, 0)),
        out_shape=jax.ShapeDtypeStruct((_B, _N, _WORDS), jnp.float32),
        compiler_params=pltpu.CompilerParams(
            dimension_semantics=("parallel", "parallel")),
    )(locs_p, pack)


def _pack_matrix():
    j = np.arange(_N)
    p = np.zeros((_N, _WORDS), np.float32)
    p[j, j // 32] = (2.0 ** (j % 32)).astype(np.float32)
    return p


_PACK = _pack_matrix()


def kernel(locs):
    locs_p = jnp.transpose(locs, (0, 2, 1))
    out_sc = _sc_run(locs_p.reshape(_B * _D * _N))
    out_tc = _tc_run(locs_p, jnp.asarray(_PACK))
    return lax.dynamic_update_slice(out_tc, out_sc, (_TB, 0, 0))

# --- scband reference (transcript-rebuilt; emitter-appended) ---
"""Pipeline reference for scband-neighbor-list-55611236549210 (READ-ONLY COPY).

The authoritative reference and input builder live on the scoring server;
editing this copy changes nothing except your own understanding.
"""

import jax, jax.numpy as jnp
import numpy as np

RADIUS = 0.05
BITS_PER_WORD = 32  # locs.element_size() * 8 for float32


def setup_inputs(seed: int = 0) -> dict:
    key = jax.random.key(seed)
    locs = jax.random.uniform(key, (8, 2048, 3), dtype=jnp.float32)
    return {"locs": locs}


def reference(locs):
    # Faithful translation of _NeighborListFunction.forward:
    # for every pair (i, j) in each batch element, set bit j of row i's
    # packed bitmask iff ||locs[b,i] - locs[b,j]|| <= radius.
    B, N, D = locs.shape
    words = int(np.ceil(N / float(BITS_PER_WORD)))
    # squared pairwise distances via the |x|^2 + |y|^2 - 2 x.y identity
    sq = jnp.sum(locs * locs, axis=-1)  # [B, N]
    dots = jnp.einsum('bnd,bmd->bnm', locs, locs)  # [B, N, N]
    d2 = sq[:, :, None] + sq[:, None, :] - 2.0 * dots  # [B, N, N]
    mask = (d2 <= RADIUS * RADIUS).astype(jnp.float32)  # [B, N, N]
    pad = words * BITS_PER_WORD - N
    if pad > 0:
        mask = jnp.pad(mask, ((0, 0), (0, 0), (0, pad)))
    mask = mask.reshape(B, N, words, BITS_PER_WORD)
    # pack 32 bits into one float word (bit j of word w -> weight 2^j),
    # mirroring the bit-packed storage of the CUDA kernel
    weights = jnp.asarray(2.0 ** np.arange(BITS_PER_WORD), dtype=jnp.float32)
    packed = jnp.sum(mask * weights, axis=-1)  # [B, N, words]
    return packed

if __name__ == "__main__":
    import jax
    _d = setup_inputs()
    print(jax.jit(kernel)(*tuple(_d.values())))

</pallas_src>

<mosaic_0001>
#map = affine_map<(d0, d1) -> (0)>
module attributes {stable_mosaic.version = 14 : i64} {
  func.func @_sc_body(%arg0: i32, %arg1: i32, %arg2: memref<49152xf32, #tpu.memory_space<hbm>>, %arg3: memref<131072xf32, #tpu.memory_space<hbm>>, %arg4: memref<6144xf32, #tpu.memory_space<vmem>>, %arg5: memref<4096xf32, #tpu.memory_space<vmem>>, %arg6: memref<2048xf32, #tpu.memory_space<vmem>>, %arg7: memref<2048xf32, #tpu.memory_space<vmem>>, %arg8: memref<2048xf32, #tpu.memory_space<vmem>>, %arg9: memref<2048xf32, #tpu.memory_space<vmem>>, %arg10: memref<!tpu.dma_semaphore, #tpu.memory_space<semaphore_mem>>) attributes {dimension_semantics = [#tpu.dimension_semantics<core_parallel>, #tpu.dimension_semantics<subcore_parallel>], iteration_bounds = array<i64: 2, 16>, scalar_prefetch = 0 : i64, scratch_operands = 7 : i64, tpu.core_type = #tpu.core_type<sc_vector_subcore>, window_params = [{transform_indices = #map}, {transform_indices = #map}]} {
    %mul3A = arith.constant 2 : i32
    %mul3A_0 = arith.muli %arg1, %mul3A : i32
    %add3A = arith.addi %mul3A_0, %arg0 : i32
    %jit3A = arith.constant 32 : i32
    %div3A = arith.divsi %add3A, %jit3A : i32
    %sign3A = arith.constant 0 : i32
    %sign3A_1 = arith.cmpi sgt, %add3A, %sign3A : i32
    %sign3A_2 = arith.extui %sign3A_1 : i1 to i32
    %sign3A_3 = arith.constant 0 : i32
    %sign3A_4 = arith.cmpi slt, %add3A, %sign3A_3 : i32
    %sign3A_5 = arith.extui %sign3A_4 : i1 to i32
    %sign3A_6 = arith.subi %sign3A_2, %sign3A_5 : i32
    %sign3A_7 = arith.constant 0 : i32
    %sign3A_8 = arith.cmpi sgt, %jit3A, %sign3A_7 : i32
    %sign3A_9 = arith.extui %sign3A_8 : i1 to i32
    %sign3A_10 = arith.constant 0 : i32
    %sign3A_11 = arith.cmpi slt, %jit3A, %sign3A_10 : i32
    %sign3A_12 = arith.extui %sign3A_11 : i1 to i32
    %sign3A_13 = arith.subi %sign3A_9, %sign3A_12 : i32
    %ne3A = arith.cmpi ne, %sign3A_6, %sign3A_13 : i32
    %rem3A = arith.remsi %add3A, %jit3A : i32
    %ne3A_14 = arith.constant 0 : i32
    %ne3A_15 = arith.cmpi ne, %rem3A, %ne3A_14 : i32
    %and3A = arith.andi %ne3A, %ne3A_15 : i1
    %sub3A = arith.constant 1 : i32
    %sub3A_16 = arith.subi %div3A, %sub3A : i32
    %select_n3A = arith.select %and3A, %sub3A_16, %div3A : i32
    %jit3A_17 = arith.constant 32 : i32
    %eq3A = arith.constant 0 : i32
    %eq3A_18 = arith.cmpi eq, %jit3A_17, %eq3A : i32
    %jit3A_19 = arith.constant 1 : i32
    %select_n3A_20 = arith.select %eq3A_18, %jit3A_19, %jit3A_17 : i32
    %rem3A_21 = arith.remsi %add3A, %select_n3A_20 : i32
    %ne3A_22 = arith.constant 0 : i32
    %ne3A_23 = arith.cmpi ne, %rem3A_21, %ne3A_22 : i32
    %lt3A = arith.constant 0 : i32
    %lt3A_24 = arith.cmpi slt, %rem3A_21, %lt3A : i32
    %lt3A_25 = arith.constant 0 : i32
    %lt3A_26 = arith.cmpi slt, %select_n3A_20, %lt3A_25 : i32
    %ne3A_27 = arith.xori %lt3A_24, %lt3A_26 : i1
    %and3A_28 = arith.andi %ne3A_27, %ne3A_23 : i1
    %add3A_29 = arith.addi %rem3A_21, %select_n3A_20 : i32
    %select_n3A_30 = arith.select %and3A_28, %add3A_29, %rem3A_21 : i32
    %add3A_31 = arith.constant 7 : i32
    %add3A_32 = arith.addi %add3A_31, %select_n3A : i32
    %mul3A_33 = arith.constant 6144 : i32
    %mul3A_34 = arith.muli %add3A_32, %mul3A_33 : i32
    "tpu.region"() ({
      %run_scoped3A = tpu.sem_alloc : memref<!tpu.dma_semaphore, #tpu.memory_space<semaphore_mem>>
      %dma_start3A = tpu.memref_slice %arg2[%mul3A_34] : memref<49152xf32, #tpu.memory_space<hbm>> -> memref<6144xf32, #tpu.memory_space<hbm>>
      %dma_start3A_344 = tpu.memref_slice %arg2[%mul3A_34] : memref<49152xf32, #tpu.memory_space<hbm>> -> memref<6144xf32, #tpu.memory_space<hbm>>
      tpu.enqueue_dma source(%dma_start3A_344 : memref<6144xf32, #tpu.memory_space<hbm>>) target(%arg4 : memref<6144xf32, #tpu.memory_space<vmem>>) target_semaphore(%run_scoped3A : memref<!tpu.dma_semaphore, #tpu.memory_space<semaphore_mem>>)
      %dma_wait3A = tpu.memref_slice %arg2[%mul3A_34] : memref<49152xf32, #tpu.memory_space<hbm>> -> memref<6144xf32, #tpu.memory_space<hbm>>
      %dma_wait3A_345 = tpu.memref_slice %arg2[%mul3A_34] : memref<49152xf32, #tpu.memory_space<hbm>> -> memref<6144xf32, #tpu.memory_space<hbm>>
      tpu.wait_dma2 semaphore(%run_scoped3A : memref<!tpu.dma_semaphore, #tpu.memory_space<semaphore_mem>>) src(%dma_wait3A_345 : memref<6144xf32, #tpu.memory_space<hbm>>) dst(%arg4 : memref<6144xf32, #tpu.memory_space<vmem>>)
      tpu.yield
    }) : () -> ()
    %iota3A = tpu.iota {dimensions = array<i32: 0>} : vector<16xi32>
    %scan3A = arith.constant 0 : i32
    %scan3A_35 = arith.constant 0 : i32
    %scan3A_36 = arith.constant 128 : i32
    %scan3A_37 = arith.addi %scan3A_35, %scan3A_36 : i32
    %scan3A_38 = arith.constant 1 : i32
    scf.for %scan3A_344 = %scan3A_35 to %scan3A_37 step %scan3A_38  : i32 {
      %mul3A_345 = arith.constant 16 : i32
      %mul3A_346 = arith.muli %scan3A_344, %mul3A_345 : i32
      %mul3A_347 = arith.constant 16 : i32
      %mul3A_348 = arith.muli %scan3A_344, %mul3A_347 : i32
      %get3A_349 = arith.index_cast %mul3A_348 : i32 to index
      %get3A_350 = tpu.vector_load %arg4[%get3A_349] {strides = array<i32>} : memref<6144xf32, #tpu.memory_space<vmem>>, vector<16xf32>,
      %mul3A_351 = arith.constant 16 : i32
      %mul3A_352 = arith.muli %scan3A_344, %mul3A_351 : i32
      %add3A_353 = arith.constant 2048 : i32
      %add3A_354 = arith.addi %add3A_353, %mul3A_352 : i32
      %get3A_355 = arith.index_cast %add3A_354 : i32 to index
      %get3A_356 = tpu.vector_load %arg4[%get3A_355] {strides = array<i32>} : memref<6144xf32, #tpu.memory_space<vmem>>, vector<16xf32>,
      %mul3A_357 = arith.constant 16 : i32
      %mul3A_358 = arith.muli %scan3A_344, %mul3A_357 : i32
      %add3A_359 = arith.constant 4096 : i32
      %add3A_360 = arith.addi %add3A_359, %mul3A_358 : i32
      %get3A_361 = arith.index_cast %add3A_360 : i32 to index
      %get3A_362 = tpu.vector_load %arg4[%get3A_361] {strides = array<i32>} : memref<6144xf32, #tpu.memory_space<vmem>>, vector<16xf32>,
      %bitcast_convert_type3A_363 = tpu.bitcast %get3A_350 : vector<16xf32> -> vector<16xi32>
      %shift_right_logical3A_364 = arith.constant 16 : i32
      %shift_right_logical3A_365 = vector.broadcast %shift_right_logical3A_364 : i32 to vector<16xi32>
      %shift_right_logical3A_366 = arith.shrui %bitcast_convert_type3A_363, %shift_right_logical3A_365 : vector<16xi32>
      %and3A_367 = arith.constant 1 : i32
      %and3A_368 = vector.broadcast %and3A_367 : i32 to vector<16xi32>
      %and3A_369 = arith.andi %shift_right_logical3A_366, %and3A_368 : vector<16xi32>
      %add3A_370 = arith.constant 32767 : i32
      %add3A_371 = vector.broadcast %add3A_370 : i32 to vector<16xi32>
      %add3A_372 = arith.addi %add3A_371, %and3A_369 : vector<16xi32>
      %add3A_373 = arith.addi %bitcast_convert_type3A_363, %add3A_372 : vector<16xi32>
      %and3A_374 = arith.constant -65536 : i32
      %and3A_375 = vector.broadcast %and3A_374 : i32 to vector<16xi32>
      %and3A_376 = arith.andi %add3A_373, %and3A_375 : vector<16xi32>
      %bitcast_convert_type3A_377 = tpu.bitcast %and3A_376 : vector<16xi32> -> vector<16xf32>
      %bitcast_convert_type3A_378 = tpu.bitcast %get3A_356 : vector<16xf32> -> vector<16xi32>
      %shift_right_logical3A_379 = arith.constant 16 : i32
      %shift_right_logical3A_380 = vector.broadcast %shift_right_logical3A_379 : i32 to vector<16xi32>
      %shift_right_logical3A_381 = arith.shrui %bitcast_convert_type3A_378, %shift_right_logical3A_380 : vector<16xi32>
      %and3A_382 = arith.constant 1 : i32
      %and3A_383 = vector.broadcast %and3A_382 : i32 to vector<16xi32>
      %and3A_384 = arith.andi %shift_right_logical3A_381, %and3A_383 : vector<16xi32>
      %add3A_385 = arith.constant 32767 : i32
      %add3A_386 = vector.broadcast %add3A_385 : i32 to vector<16xi32>
      %add3A_387 = arith.addi %add3A_386, %and3A_384 : vector<16xi32>
      %add3A_388 = arith.addi %bitcast_convert_type3A_378, %add3A_387 : vector<16xi32>
      %and3A_389 = arith.constant -65536 : i32
      %and3A_390 = vector.broadcast %and3A_389 : i32 to vector<16xi32>
      %and3A_391 = arith.andi %add3A_388, %and3A_390 : vector<16xi32>
      %bitcast_convert_type3A_392 = tpu.bitcast %and3A_391 : vector<16xi32> -> vector<16xf32>
      %bitcast_convert_type3A_393 = tpu.bitcast %get3A_362 : vector<16xf32> -> vector<16xi32>
      %shift_right_logical3A_394 = arith.constant 16 : i32
      %shift_right_logical3A_395 = vector.broadcast %shift_right_logical3A_394 : i32 to vector<16xi32>
      %shift_right_logical3A_396 = arith.shrui %bitcast_convert_type3A_393, %shift_right_logical3A_395 : vector<16xi32>
      %and3A_397 = arith.constant 1 : i32
      %and3A_398 = vector.broadcast %and3A_397 : i32 to vector<16xi32>
      %and3A_399 = arith.andi %shift_right_logical3A_396, %and3A_398 : vector<16xi32>
      %add3A_400 = arith.constant 32767 : i32
      %add3A_401 = vector.broadcast %add3A_400 : i32 to vector<16xi32>
      %add3A_402 = arith.addi %add3A_401, %and3A_399 : vector<16xi32>
      %add3A_403 = arith.addi %bitcast_convert_type3A_393, %add3A_402 : vector<16xi32>
      %and3A_404 = arith.constant -65536 : i32
      %and3A_405 = vector.broadcast %and3A_404 : i32 to vector<16xi32>
      %and3A_406 = arith.andi %add3A_403, %and3A_405 : vector<16xi32>
      %bitcast_convert_type3A_407 = tpu.bitcast %and3A_406 : vector<16xi32> -> vector<16xf32>
      %add3A_408 = arith.addf %bitcast_convert_type3A_377, %bitcast_convert_type3A_377 : vector<16xf32>
      %swap3A = arith.index_cast %mul3A_346 : i32 to index
      %swap3A_409 = tpu.vector_load %arg6[%swap3A] {strides = array<i32>} : memref<2048xf32, #tpu.memory_space<vmem>>, vector<16xf32>,
      tpu.vector_store %arg6[%swap3A], %add3A_408 {strides = array<i32>} : memref<2048xf32, #tpu.memory_space<vmem>>, vector<16xf32>,
      %add3A_410 = arith.addf %bitcast_convert_type3A_392, %bitcast_convert_type3A_392 : vector<16xf32>
      %swap3A_411 = arith.index_cast %mul3A_346 : i32 to index
      %swap3A_412 = tpu.vector_load %arg7[%swap3A_411] {strides = array<i32>} : memref<2048xf32, #tpu.memory_space<vmem>>, vector<16xf32>,
      tpu.vector_store %arg7[%swap3A_411], %add3A_410 {strides = array<i32>} : memref<2048xf32, #tpu.memory_space<vmem>>, vector<16xf32>,
      %add3A_413 = arith.addf %bitcast_convert_type3A_407, %bitcast_convert_type3A_407 : vector<16xf32>
      %swap3A_414 = arith.index_cast %mul3A_346 : i32 to index
      %swap3A_415 = tpu.vector_load %arg8[%swap3A_414] {strides = array<i32>} : memref<2048xf32, #tpu.memory_space<vmem>>, vector<16xf32>,
      tpu.vector_store %arg8[%swap3A_414], %add3A_413 {strides = array<i32>} : memref<2048xf32, #tpu.memory_space<vmem>>, vector<16xf32>,
      %mul3A_416 = arith.mulf %get3A_350, %get3A_350 : vector<16xf32>
      %mul3A_417 = arith.mulf %get3A_356, %get3A_356 : vector<16xf32>
      %add3A_418 = arith.addf %mul3A_416, %mul3A_417 : vector<16xf32>
      %mul3A_419 = arith.mulf %get3A_362, %get3A_362 : vector<16xf32>
      %add3A_420 = arith.addf %add3A_418, %mul3A_419 : vector<16xf32>
      %swap3A_421 = arith.index_cast %mul3A_346 : i32 to index
      %swap3A_422 = tpu.vector_load %arg9[%swap3A_421] {strides = array<i32>} : memref<2048xf32, #tpu.memory_space<vmem>>, vector<16xf32>,
      tpu.vector_store %arg9[%swap3A_421], %add3A_420 {strides = array<i32>} : memref<2048xf32, #tpu.memory_space<vmem>>, vector<16xf32>,
    }
    %scan3A_39 = arith.constant 128 : i32
    %scan3A_40 = arith.constant 0 : i32
    %scan3A_41 = arith.constant 0 : i32
    %mul3A_42 = arith.constant 64 : i32
    %mul3A_43 = arith.muli %select_n3A_30, %mul3A_42 : i32
    %mul3A_44 = arith.constant 64 : i32
    %mul3A_45 = arith.muli %scan3A_41, %mul3A_44 : i32
    %add3A_46 = arith.addi %mul3A_43, %mul3A_45 : i32
    %add3A_47 = arith.constant 0 : i32
    %add3A_48 = arith.addi %add3A_46, %add3A_47 : i32
    %get3A = arith.index_cast %add3A_48 : i32 to index
    %get3A_49 = tpu.vector_load %arg4[%get3A] {strides = array<i32>} : memref<6144xf32, #tpu.memory_space<vmem>>, vector<16xf32>,
    %bitcast_convert_type3A = tpu.bitcast %get3A_49 : vector<16xf32> -> vector<16xi32>
    %shift_right_logical3A = arith.constant 16 : i32
    %shift_right_logical3A_50 = vector.broadcast %shift_right_logical3A : i32 to vector<16xi32>
    %shift_right_logical3A_51 = arith.shrui %bitcast_convert_type3A, %shift_right_logical3A_50 : vector<16xi32>
    %and3A_52 = arith.constant 1 : i32
    %and3A_53 = vector.broadcast %and3A_52 : i32 to vector<16xi32>
    %and3A_54 = arith.andi %shift_right_logical3A_51, %and3A_53 : vector<16xi32>
    %add3A_55 = arith.constant 32767 : i32
    %add3A_56 = vector.broadcast %add3A_55 : i32 to vector<16xi32>
    %add3A_57 = arith.addi %add3A_56, %and3A_54 : vector<16xi32>
    %add3A_58 = arith.addi %bitcast_convert_type3A, %add3A_57 : vector<16xi32>
    %and3A_59 = arith.constant -65536 : i32
    %and3A_60 = vector.broadcast %and3A_59 : i32 to vector<16xi32>
    %and3A_61 = arith.andi %add3A_58, %and3A_60 : vector<16xi32>
    %bitcast_convert_type3A_62 = tpu.bitcast %and3A_61 : vector<16xi32> -> vector<16xf32>
    %add3A_63 = arith.constant 2048 : i32
    %add3A_64 = arith.addi %add3A_63, %add3A_48 : i32
    %get3A_65 = arith.index_cast %add3A_64 : i32 to index
    %get3A_66 = tpu.vector_load %arg4[%get3A_65] {strides = array<i32>} : memref<6144xf32, #tpu.memory_space<vmem>>, vector<16xf32>,
    %bitcast_convert_type3A_67 = tpu.bitcast %get3A_66 : vector<16xf32> -> vector<16xi32>
    %shift_right_logical3A_68 = arith.constant 16 : i32
    %shift_right_logical3A_69 = vector.broadcast %shift_right_logical3A_68 : i32 to vector<16xi32>
    %shift_right_logical3A_70 = arith.shrui %bitcast_convert_type3A_67, %shift_right_logical3A_69 : vector<16xi32>
    %and3A_71 = arith.constant 1 : i32
    %and3A_72 = vector.broadcast %and3A_71 : i32 to vector<16xi32>
    %and3A_73 = arith.andi %shift_right_logical3A_70, %and3A_72 : vector<16xi32>
    %add3A_74 = arith.constant 32767 : i32
    %add3A_75 = vector.broadcast %add3A_74 : i32 to vector<16xi32>
    %add3A_76 = arith.addi %add3A_75, %and3A_73 : vector<16xi32>
    %add3A_77 = arith.addi %bitcast_convert_type3A_67, %add3A_76 : vector<16xi32>
    %and3A_78 = arith.constant -65536 : i32
    %and3A_79 = vector.broadcast %and3A_78 : i32 to vector<16xi32>
    %and3A_80 = arith.andi %add3A_77, %and3A_79 : vector<16xi32>
    %bitcast_convert_type3A_81 = tpu.bitcast %and3A_80 : vector<16xi32> -> vector<16xf32>
    %add3A_82 = arith.constant 4096 : i32
    %add3A_83 = arith.addi %add3A_82, %add3A_48 : i32
    %get3A_84 = arith.index_cast %add3A_83 : i32 to index
    %get3A_85 = tpu.vector_load %arg4[%get3A_84] {strides = array<i32>} : memref<6144xf32, #tpu.memory_space<vmem>>, vector<16xf32>,
    %bitcast_convert_type3A_86 = tpu.bitcast %get3A_85 : vector<16xf32> -> vector<16xi32>
    %shift_right_logical3A_87 = arith.constant 16 : i32
    %shift_right_logical3A_88 = vector.broadcast %shift_right_logical3A_87 : i32 to vector<16xi32>
    %shift_right_logical3A_89 = arith.shrui %bitcast_convert_type3A_86, %shift_right_logical3A_88 : vector<16xi32>
    %and3A_90 = arith.constant 1 : i32
    %and3A_91 = vector.broadcast %and3A_90 : i32 to vector<16xi32>
    %and3A_92 = arith.andi %shift_right_logical3A_89, %and3A_91 : vector<16xi32>
    %add3A_93 = arith.constant 32767 : i32
    %add3A_94 = vector.broadcast %add3A_93 : i32 to vector<16xi32>
    %add3A_95 = arith.addi %add3A_94, %and3A_92 : vector<16xi32>
    %add3A_96 = arith.addi %bitcast_convert_type3A_86, %add3A_95 : vector<16xi32>
    %and3A_97 = arith.constant -65536 : i32
    %and3A_98 = vector.broadcast %and3A_97 : i32 to vector<16xi32>
    %and3A_99 = arith.andi %add3A_96, %and3A_98 : vector<16xi32>
    %bitcast_convert_type3A_100 = tpu.bitcast %and3A_99 : vector<16xi32> -> vector<16xf32>
    %get3A_101 = arith.index_cast %add3A_48 : i32 to index
    %get3A_102 = tpu.vector_load %arg9[%get3A_101] {strides = array<i32>} : memref<2048xf32, #tpu.memory_space<vmem>>, vector<16xf32>,
    %mul3A_103 = arith.constant 64 : i32
    %mul3A_104 = arith.muli %scan3A_41, %mul3A_103 : i32
    %add3A_105 = vector.broadcast %mul3A_104 : i32 to vector<16xi32>
    %add3A_106 = arith.addi %iota3A, %add3A_105 : vector<16xi32>
    %add3A_107 = arith.constant 0 : i32
    %add3A_108 = vector.broadcast %add3A_107 : i32 to vector<16xi32>
    %add3A_109 = arith.addi %add3A_106, %add3A_108 : vector<16xi32>
    %mul3A_110 = arith.constant 64 : i32
    %mul3A_111 = vector.broadcast %mul3A_110 : i32 to vector<16xi32>
    %mul3A_112 = arith.muli %add3A_109, %mul3A_111 : vector<16xi32>
    %mul3A_113 = arith.constant 64 : i32
    %mul3A_114 = arith.muli %select_n3A_30, %mul3A_113 : i32
    %mul3A_115 = arith.constant 64 : i32
    %mul3A_116 = arith.muli %scan3A_41, %mul3A_115 : i32
    %add3A_117 = arith.addi %mul3A_114, %mul3A_116 : i32
    %add3A_118 = arith.constant 16 : i32
    %add3A_119 = arith.addi %add3A_117, %add3A_118 : i32
    %get3A_120 = arith.index_cast %add3A_119 : i32 to index
    %get3A_121 = tpu.vector_load %arg4[%get3A_120] {strides = array<i32>} : memref<6144xf32, #tpu.memory_space<vmem>>, vector<16xf32>,
    %bitcast_convert_type3A_122 = tpu.bitcast %get3A_121 : vector<16xf32> -> vector<16xi32>
    %shift_right_logical3A_123 = arith.constant 16 : i32
    %shift_right_logical3A_124 = vector.broadcast %shift_right_logical3A_123 : i32 to vector<16xi32>
    %shift_right_logical3A_125 = arith.shrui %bitcast_convert_type3A_122, %shift_right_logical3A_124 : vector<16xi32>
    %and3A_126 = arith.constant 1 : i32
    %and3A_127 = vector.broadcast %and3A_126 : i32 to vector<16xi32>
    %and3A_128 = arith.andi %shift_right_logical3A_125, %and3A_127 : vector<16xi32>
    %add3A_129 = arith.constant 32767 : i32
    %add3A_130 = vector.broadcast %add3A_129 : i32 to vector<16xi32>
    %add3A_131 = arith.addi %add3A_130, %and3A_128 : vector<16xi32>
    %add3A_132 = arith.addi %bitcast_convert_type3A_122, %add3A_131 : vector<16xi32>
    %and3A_133 = arith.constant -65536 : i32
    %and3A_134 = vector.broadcast %and3A_133 : i32 to vector<16xi32>
    %and3A_135 = arith.andi %add3A_132, %and3A_134 : vector<16xi32>
    %bitcast_convert_type3A_136 = tpu.bitcast %and3A_135 : vector<16xi32> -> vector<16xf32>
    %add3A_137 = arith.constant 2048 : i32
    %add3A_138 = arith.addi %add3A_137, %add3A_119 : i32
    %get3A_139 = arith.index_cast %add3A_138 : i32 to index
    %get3A_140 = tpu.vector_load %arg4[%get3A_139] {strides = array<i32>} : memref<6144xf32, #tpu.memory_space<vmem>>, vector<16xf32>,
    %bitcast_convert_type3A_141 = tpu.bitcast %get3A_140 : vector<16xf32> -> vector<16xi32>
    %shift_right_logical3A_142 = arith.constant 16 : i32
    %shift_right_logical3A_143 = vector.broadcast %shift_right_logical3A_142 : i32 to vector<16xi32>
    %shift_right_logical3A_144 = arith.shrui %bitcast_convert_type3A_141, %shift_right_logical3A_143 : vector<16xi32>
    %and3A_145 = arith.constant 1 : i32
    %and3A_146 = vector.broadcast %and3A_145 : i32 to vector<16xi32>
    %and3A_147 = arith.andi %shift_right_logical3A_144, %and3A_146 : vector<16xi32>
    %add3A_148 = arith.constant 32767 : i32
    %add3A_149 = vector.broadcast %add3A_148 : i32 to vector<16xi32>
    %add3A_150 = arith.addi %add3A_149, %and3A_147 : vector<16xi32>
    %add3A_151 = arith.addi %bitcast_convert_type3A_141, %add3A_150 : vector<16xi32>
    %and3A_152 = arith.constant -65536 : i32
    %and3A_153 = vector.broadcast %and3A_152 : i32 to vector<16xi32>
    %and3A_154 = arith.andi %add3A_151, %and3A_153 : vector<16xi32>
    %bitcast_convert_type3A_155 = tpu.bitcast %and3A_154 : vector<16xi32> -> vector<16xf32>
    %add3A_156 = arith.constant 4096 : i32
    %add3A_157 = arith.addi %add3A_156, %add3A_119 : i32
    %get3A_158 = arith.index_cast %add3A_157 : i32 to index
    %get3A_159 = tpu.vector_load %arg4[%get3A_158] {strides = array<i32>} : memref<6144xf32, #tpu.memory_space<vmem>>, vector<16xf32>,
    %bitcast_convert_type3A_160 = tpu.bitcast %get3A_159 : vector<16xf32> -> vector<16xi32>
    %shift_right_logical3A_161 = arith.constant 16 : i32
    %shift_right_logical3A_162 = vector.broadcast %shift_right_logical3A_161 : i32 to vector<16xi32>
    %shift_right_logical3A_163 = arith.shrui %bitcast_convert_type3A_160, %shift_right_logical3A_162 : vector<16xi32>
    %and3A_164 = arith.constant 1 : i32
    %and3A_165 = vector.broadcast %and3A_164 : i32 to vector<16xi32>
    %and3A_166 = arith.andi %shift_right_logical3A_163, %and3A_165 : vector<16xi32>
    %add3A_167 = arith.constant 32767 : i32
    %add3A_168 = vector.broadcast %add3A_167 : i32 to vector<16xi32>
    %add3A_169 = arith.addi %add3A_168, %and3A_166 : vector<16xi32>
    %add3A_170 = arith.addi %bitcast_convert_type3A_160, %add3A_169 : vector<16xi32>
    %and3A_171 = arith.constant -65536 : i32
    %and3A_172 = vector.broadcast %and3A_171 : i32 to vector<16xi32>
    %and3A_173 = arith.andi %add3A_170, %and3A_172 : vector<16xi32>
    %bitcast_convert_type3A_174 = tpu.bitcast %and3A_173 : vector<16xi32> -> vector<16xf32>
    %get3A_175 = arith.index_cast %add3A_119 : i32 to index
    %get3A_176 = tpu.vector_load %arg9[%get3A_175] {strides = array<i32>} : memref<2048xf32, #tpu.memory_space<vmem>>, vector<16xf32>,
    %mul3A_177 = arith.constant 64 : i32
    %mul3A_178 = arith.muli %scan3A_41, %mul3A_177 : i32
    %add3A_179 = vector.broadcast %mul3A_178 : i32 to vector<16xi32>
    %add3A_180 = arith.addi %iota3A, %add3A_179 : vector<16xi32>
    %add3A_181 = arith.constant 16 : i32
    %add3A_182 = vector.broadcast %add3A_181 : i32 to vector<16xi32>
    %add3A_183 = arith.addi %add3A_180, %add3A_182 : vector<16xi32>
    %mul3A_184 = arith.constant 64 : i32
    %mul3A_185 = vector.broadcast %mul3A_184 : i32 to vector<16xi32>
    %mul3A_186 = arith.muli %add3A_183, %mul3A_185 : vector<16xi32>
    %mul3A_187 = arith.constant 64 : i32
    %mul3A_188 = arith.muli %select_n3A_30, %mul3A_187 : i32
    %mul3A_189 = arith.constant 64 : i32
    %mul3A_190 = arith.muli %scan3A_41, %mul3A_189 : i32
    %add3A_191 = arith.addi %mul3A_188, %mul3A_190 : i32
    %add3A_192 = arith.constant 32 : i32
    %add3A_193 = arith.addi %add3A_191, %add3A_192 : i32
    %get3A_194 = arith.index_cast %add3A_193 : i32 to index
    %get3A_195 = tpu.vector_load %arg4[%get3A_194] {strides = array<i32>} : memref<6144xf32, #tpu.memory_space<vmem>>, vector<16xf32>,
    %bitcast_convert_type3A_196 = tpu.bitcast %get3A_195 : vector<16xf32> -> vector<16xi32>
    %shift_right_logical3A_197 = arith.constant 16 : i32
    %shift_right_logical3A_198 = vector.broadcast %shift_right_logical3A_197 : i32 to vector<16xi32>
    %shift_right_logical3A_199 = arith.shrui %bitcast_convert_type3A_196, %shift_right_logical3A_198 : vector<16xi32>
    %and3A_200 = arith.constant 1 : i32
    %and3A_201 = vector.broadcast %and3A_200 : i32 to vector<16xi32>
    %and3A_202 = arith.andi %shift_right_logical3A_199, %and3A_201 : vector<16xi32>
    %add3A_203 = arith.constant 32767 : i32
    %add3A_204 = vector.broadcast %add3A_203 : i32 to vector<16xi32>
    %add3A_205 = arith.addi %add3A_204, %and3A_202 : vector<16xi32>
    %add3A_206 = arith.addi %bitcast_convert_type3A_196, %add3A_205 : vector<16xi32>
    %and3A_207 = arith.constant -65536 : i32
    %and3A_208 = vector.broadcast %and3A_207 : i32 to vector<16xi32>
    %and3A_209 = arith.andi %add3A_206, %and3A_208 : vector<16xi32>
    %bitcast_convert_type3A_210 = tpu.bitcast %and3A_209 : vector<16xi32> -> vector<16xf32>
    %add3A_211 = arith.constant 2048 : i32
    %add3A_212 = arith.addi %add3A_211, %add3A_193 : i32
    %get3A_213 = arith.index_cast %add3A_212 : i32 to index
    %get3A_214 = tpu.vector_load %arg4[%get3A_213] {strides = array<i32>} : memref<6144xf32, #tpu.memory_space<vmem>>, vector<16xf32>,
    %bitcast_convert_type3A_215 = tpu.bitcast %get3A_214 : vector<16xf32> -> vector<16xi32>
    %shift_right_logical3A_216 = arith.constant 16 : i32
    %shift_right_logical3A_217 = vector.broadcast %shift_right_logical3A_216 : i32 to vector<16xi32>
    %shift_right_logical3A_218 = arith.shrui %bitcast_convert_type3A_215, %shift_right_logical3A_217 : vector<16xi32>
    %and3A_219 = arith.constant 1 : i32
    %and3A_220 = vector.broadcast %and3A_219 : i32 to vector<16xi32>
    %and3A_221 = arith.andi %shift_right_logical3A_218, %and3A_220 : vector<16xi32>
    %add3A_222 = arith.constant 32767 : i32
    %add3A_223 = vector.broadcast %add3A_222 : i32 to vector<16xi32>
    %add3A_224 = arith.addi %add3A_223, %and3A_221 : vector<16xi32>
    %add3A_225 = arith.addi %bitcast_convert_type3A_215, %add3A_224 : vector<16xi32>
    %and3A_226 = arith.constant -65536 : i32
    %and3A_227 = vector.broadcast %and3A_226 : i32 to vector<16xi32>
    %and3A_228 = arith.andi %add3A_225, %and3A_227 : vector<16xi32>
    %bitcast_convert_type3A_229 = tpu.bitcast %and3A_228 : vector<16xi32> -> vector<16xf32>
    %add3A_230 = arith.constant 4096 : i32
    %add3A_231 = arith.addi %add3A_230, %add3A_193 : i32
    %get3A_232 = arith.index_cast %add3A_231 : i32 to index
    %get3A_233 = tpu.vector_load %arg4[%get3A_232] {strides = array<i32>} : memref<6144xf32, #tpu.memory_space<vmem>>, vector<16xf32>,
    %bitcast_convert_type3A_234 = tpu.bitcast %get3A_233 : vector<16xf32> -> vector<16xi32>
    %shift_right_logical3A_235 = arith.constant 16 : i32
    %shift_right_logical3A_236 = vector.broadcast %shift_right_logical3A_235 : i32 to vector<16xi32>
    %shift_right_logical3A_237 = arith.shrui %bitcast_convert_type3A_234, %shift_right_logical3A_236 : vector<16xi32>
    %and3A_238 = arith.constant 1 : i32
    %and3A_239 = vector.broadcast %and3A_238 : i32 to vector<16xi32>
    %and3A_240 = arith.andi %shift_right_logical3A_237, %and3A_239 : vector<16xi32>
    %add3A_241 = arith.constant 32767 : i32
    %add3A_242 = vector.broadcast %add3A_241 : i32 to vector<16xi32>
    %add3A_243 = arith.addi %add3A_242, %and3A_240 : vector<16xi32>
    %add3A_244 = arith.addi %bitcast_convert_type3A_234, %add3A_243 : vector<16xi32>
    %and3A_245 = arith.constant -65536 : i32
    %and3A_246 = vector.broadcast %and3A_245 : i32 to vector<16xi32>
    %and3A_247 = arith.andi %add3A_244, %and3A_246 : vector<16xi32>
    %bitcast_convert_type3A_248 = tpu.bitcast %and3A_247 : vector<16xi32> -> vector<16xf32>
    %get3A_249 = arith.index_cast %add3A_193 : i32 to index
    %get3A_250 = tpu.vector_load %arg9[%get3A_249] {strides = array<i32>} : memref<2048xf32, #tpu.memory_space<vmem>>, vector<16xf32>,
    %mul3A_251 = arith.constant 64 : i32
    %mul3A_252 = arith.muli %scan3A_41, %mul3A_251 : i32
    %add3A_253 = vector.broadcast %mul3A_252 : i32 to vector<16xi32>
    %add3A_254 = arith.addi %iota3A, %add3A_253 : vector<16xi32>
    %add3A_255 = arith.constant 32 : i32
    %add3A_256 = vector.broadcast %add3A_255 : i32 to vector<16xi32>
    %add3A_257 = arith.addi %add3A_254, %add3A_256 : vector<16xi32>
    %mul3A_258 = arith.constant 64 : i32
    %mul3A_259 = vector.broadcast %mul3A_258 : i32 to vector<16xi32>
    %mul3A_260 = arith.muli %add3A_257, %mul3A_259 : vector<16xi32>
    %mul3A_261 = arith.constant 64 : i32
    %mul3A_262 = arith.muli %select_n3A_30, %mul3A_261 : i32
    %mul3A_263 = arith.constant 64 : i32
    %mul3A_264 = arith.muli %scan3A_41, %mul3A_263 : i32
    %add3A_265 = arith.addi %mul3A_262, %mul3A_264 : i32
    %add3A_266 = arith.constant 48 : i32
    %add3A_267 = arith.addi %add3A_265, %add3A_266 : i32
    %get3A_268 = arith.index_cast %add3A_267 : i32 to index
    %get3A_269 = tpu.vector_load %arg4[%get3A_268] {strides = array<i32>} : memref<6144xf32, #tpu.memory_space<vmem>>, vector<16xf32>,
    %bitcast_convert_type3A_270 = tpu.bitcast %get3A_269 : vector<16xf32> -> vector<16xi32>
    %shift_right_logical3A_271 = arith.constant 16 : i32
    %shift_right_logical3A_272 = vector.broadcast %shift_right_logical3A_271 : i32 to vector<16xi32>
    %shift_right_logical3A_273 = arith.shrui %bitcast_convert_type3A_270, %shift_right_logical3A_272 : vector<16xi32>
    %and3A_274 = arith.constant 1 : i32
    %and3A_275 = vector.broadcast %and3A_274 : i32 to vector<16xi32>
    %and3A_276 = arith.andi %shift_right_logical3A_273, %and3A_275 : vector<16xi32>
    %add3A_277 = arith.constant 32767 : i32
    %add3A_278 = vector.broadcast %add3A_277 : i32 to vector<16xi32>
    %add3A_279 = arith.addi %add3A_278, %and3A_276 : vector<16xi32>
    %add3A_280 = arith.addi %bitcast_convert_type3A_270, %add3A_279 : vector<16xi32>
    %and3A_281 = arith.constant -65536 : i32
    %and3A_282 = vector.broadcast %and3A_281 : i32 to vector<16xi32>
    %and3A_283 = arith.andi %add3A_280, %and3A_282 : vector<16xi32>
    %bitcast_convert_type3A_284 = tpu.bitcast %and3A_283 : vector<16xi32> -> vector<16xf32>
    %add3A_285 = arith.constant 2048 : i32
    %add3A_286 = arith.addi %add3A_285, %add3A_267 : i32
    %get3A_287 = arith.index_cast %add3A_286 : i32 to index
    %get3A_288 = tpu.vector_load %arg4[%get3A_287] {strides = array<i32>} : memref<6144xf32, #tpu.memory_space<vmem>>, vector<16xf32>,
    %bitcast_convert_type3A_289 = tpu.bitcast %get3A_288 : vector<16xf32> -> vector<16xi32>
    %shift_right_logical3A_290 = arith.constant 16 : i32
    %shift_right_logical3A_291 = vector.broadcast %shift_right_logical3A_290 : i32 to vector<16xi32>
    %shift_right_logical3A_292 = arith.shrui %bitcast_convert_type3A_289, %shift_right_logical3A_291 : vector<16xi32>
    %and3A_293 = arith.constant 1 : i32
    %and3A_294 = vector.broadcast %and3A_293 : i32 to vector<16xi32>
    %and3A_295 = arith.andi %shift_right_logical3A_292, %and3A_294 : vector<16xi32>
    %add3A_296 = arith.constant 32767 : i32
    %add3A_297 = vector.broadcast %add3A_296 : i32 to vector<16xi32>
    %add3A_298 = arith.addi %add3A_297, %and3A_295 : vector<16xi32>
    %add3A_299 = arith.addi %bitcast_convert_type3A_289, %add3A_298 : vector<16xi32>
    %and3A_300 = arith.constant -65536 : i32
    %and3A_301 = vector.broadcast %and3A_300 : i32 to vector<16xi32>
    %and3A_302 = arith.andi %add3A_299, %and3A_301 : vector<16xi32>
    %bitcast_convert_type3A_303 = tpu.bitcast %and3A_302 : vector<16xi32> -> vector<16xf32>
    %add3A_304 = arith.constant 4096 : i32
    %add3A_305 = arith.addi %add3A_304, %add3A_267 : i32
    %get3A_306 = arith.index_cast %add3A_305 : i32 to index
    %get3A_307 = tpu.vector_load %arg4[%get3A_306] {strides = array<i32>} : memref<6144xf32, #tpu.memory_space<vmem>>, vector<16xf32>,
    %bitcast_convert_type3A_308 = tpu.bitcast %get3A_307 : vector<16xf32> -> vector<16xi32>
    %shift_right_logical3A_309 = arith.constant 16 : i32
    %shift_right_logical3A_310 = vector.broadcast %shift_right_logical3A_309 : i32 to vector<16xi32>
    %shift_right_logical3A_311 = arith.shrui %bitcast_convert_type3A_308, %shift_right_logical3A_310 : vector<16xi32>
    %and3A_312 = arith.constant 1 : i32
    %and3A_313 = vector.broadcast %and3A_312 : i32 to vector<16xi32>
    %and3A_314 = arith.andi %shift_right_logical3A_311, %and3A_313 : vector<16xi32>
    %add3A_315 = arith.constant 32767 : i32
    %add3A_316 = vector.broadcast %add3A_315 : i32 to vector<16xi32>
    %add3A_317 = arith.addi %add3A_316, %and3A_314 : vector<16xi32>
    %add3A_318 = arith.addi %bitcast_convert_type3A_308, %add3A_317 : vector<16xi32>
    %and3A_319 = arith.constant -65536 : i32
    %and3A_320 = vector.broadcast %and3A_319 : i32 to vector<16xi32>
    %and3A_321 = arith.andi %add3A_318, %and3A_320 : vector<16xi32>
    %bitcast_convert_type3A_322 = tpu.bitcast %and3A_321 : vector<16xi32> -> vector<16xf32>
    %get3A_323 = arith.index_cast %add3A_267 : i32 to index
    %get3A_324 = tpu.vector_load %arg9[%get3A_323] {strides = array<i32>} : memref<2048xf32, #tpu.memory_space<vmem>>, vector<16xf32>,
    %mul3A_325 = arith.constant 64 : i32
    %mul3A_326 = arith.muli %scan3A_41, %mul3A_325 : i32
    %add3A_327 = vector.broadcast %mul3A_326 : i32 to vector<16xi32>
    %add3A_328 = arith.addi %iota3A, %add3A_327 : vector<16xi32>
    %add3A_329 = arith.constant 48 : i32
    %add3A_330 = vector.broadcast %add3A_329 : i32 to vector<16xi32>
    %add3A_331 = arith.addi %add3A_328, %add3A_330 : vector<16xi32>
    %mul3A_332 = arith.constant 64 : i32
    %mul3A_333 = vector.broadcast %mul3A_332 : i32 to vector<16xi32>
    %mul3A_334 = arith.muli %add3A_331, %mul3A_333 : vector<16xi32>
    %scan3A_335 = arith.constant 0 : i32
    %scan3A_336 = arith.constant 0 : i32
    %scan3A_337 = arith.constant 64 : i32
    %scan3A_338 = arith.addi %scan3A_336, %scan3A_337 : i32
    %scan3A_339 = arith.constant 1 : i32
    scf.for %scan3A_344 = %scan3A_336 to %scan3A_338 step %scan3A_339  : i32 {
      %mul3A_345 = arith.constant 32 : i32
      %mul3A_346 = arith.muli %scan3A_344, %mul3A_345 : i32
      %get3A_347 = arith.index_cast %mul3A_346 : i32 to index
      %get3A_348 = tpu.vector_load %arg6[%get3A_347] {strides = array<i32>} : memref<2048xf32, #tpu.memory_space<vmem>>, vector<16xf32>,
      %add3A_349 = arith.constant 16 : i32
      %add3A_350 = arith.addi %mul3A_346, %add3A_349 : i32
      %get3A_351 = arith.index_cast %add3A_350 : i32 to index
      %get3A_352 = tpu.vector_load %arg6[%get3A_351] {strides = array<i32>} : memref<2048xf32, #tpu.memory_space<vmem>>, vector<16xf32>,
      %get3A_353 = arith.index_cast %mul3A_346 : i32 to index
      %get3A_354 = tpu.vector_load %arg7[%get3A_353] {strides = array<i32>} : memref<2048xf32, #tpu.memory_space<vmem>>, vector<16xf32>,
      %add3A_355 = arith.constant 16 : i32
      %add3A_356 = arith.addi %mul3A_346, %add3A_355 : i32
      %get3A_357 = arith.index_cast %add3A_356 : i32 to index
      %get3A_358 = tpu.vector_load %arg7[%get3A_357] {strides = array<i32>} : memref<2048xf32, #tpu.memory_space<vmem>>, vector<16xf32>,
      %get3A_359 = arith.index_cast %mul3A_346 : i32 to index
      %get3A_360 = tpu.vector_load %arg8[%get3A_359] {strides = array<i32>} : memref<2048xf32, #tpu.memory_space<vmem>>, vector<16xf32>,
      %add3A_361 = arith.constant 16 : i32
      %add3A_362 = arith.addi %mul3A_346, %add3A_361 : i32
      %get3A_363 = arith.index_cast %add3A_362 : i32 to index
      %get3A_364 = tpu.vector_load %arg8[%get3A_363] {strides = array<i32>} : memref<2048xf32, #tpu.memory_space<vmem>>, vector<16xf32>,
      %get3A_365 = arith.index_cast %mul3A_346 : i32 to index
      %get3A_366 = tpu.vector_load %arg9[%get3A_365] {strides = array<i32>} : memref<2048xf32, #tpu.memory_space<vmem>>, vector<16xf32>,
      %add3A_367 = arith.constant 16 : i32
      %add3A_368 = arith.addi %mul3A_346, %add3A_367 : i32
      %get3A_369 = arith.index_cast %add3A_368 : i32 to index
      %get3A_370 = tpu.vector_load %arg9[%get3A_369] {strides = array<i32>} : memref<2048xf32, #tpu.memory_space<vmem>>, vector<16xf32>,
      %broadcast_in_dim3A = arith.constant 0.000000e+00 : f32
      %broadcast_in_dim3A_371 = vector.broadcast %broadcast_in_dim3A : f32 to vector<16xf32>
      %broadcast_in_dim3A_372 = arith.constant 0.000000e+00 : f32
      %broadcast_in_dim3A_373 = vector.broadcast %broadcast_in_dim3A_372 : f32 to vector<16xf32>
      %broadcast_in_dim3A_374 = arith.constant 0.000000e+00 : f32
      %broadcast_in_dim3A_375 = vector.broadcast %broadcast_in_dim3A_374 : f32 to vector<16xf32>
      %broadcast_in_dim3A_376 = arith.constant 0.000000e+00 : f32
      %broadcast_in_dim3A_377 = vector.broadcast %broadcast_in_dim3A_376 : f32 to vector<16xf32>
      %slice3A = vector.extract_strided_slice %get3A_348 {offsets = [0], sizes = [1], strides = [1]} : vector<16xf32> to vector<1xf32>
      %squeeze3A = vector.extract %slice3A[0] : f32 from vector<1xf32>
      %slice3A_378 = vector.extract_strided_slice %get3A_354 {offsets = [0], sizes = [1], strides = [1]} : vector<16xf32> to vector<1xf32>
      %squeeze3A_379 = vector.extract %slice3A_378[0] : f32 from vector<1xf32>
      %slice3A_380 = vector.extract_strided_slice %get3A_360 {offsets = [0], sizes = [1], strides = [1]} : vector<16xf32> to vector<1xf32>
      %squeeze3A_381 = vector.extract %slice3A_380[0] : f32 from vector<1xf32>
      %slice3A_382 = vector.extract_strided_slice %get3A_366 {offsets = [0], sizes = [1], strides = [1]} : vector<16xf32> to vector<1xf32>
      %squeeze3A_383 = vector.extract %slice3A_382[0] : f32 from vector<1xf32>
      %mul3A_384 = vector.broadcast %squeeze3A : f32 to vector<16xf32>
      %mul3A_385 = arith.mulf %bitcast_convert_type3A_62, %mul3A_384 : vector<16xf32>
      %mul3A_386 = vector.broadcast %squeeze3A_379 : f32 to vector<16xf32>
      %mul3A_387 = arith.mulf %bitcast_convert_type3A_81, %mul3A_386 : vector<16xf32>
      %add3A_388 = arith.addf %mul3A_385, %mul3A_387 : vector<16xf32>
      %mul3A_389 = vector.broadcast %squeeze3A_381 : f32 to vector<16xf32>
      %mul3A_390 = arith.mulf %bitcast_convert_type3A_100, %mul3A_389 : vector<16xf32>
      %add3A_391 = arith.addf %add3A_388, %mul3A_390 : vector<16xf32>
      %add3A_392 = vector.broadcast %squeeze3A_383 : f32 to vector<16xf32>
      %add3A_393 = arith.addf %get3A_102, %add3A_392 : vector<16xf32>
      %sub3A_394 = arith.subf %add3A_393, %add3A_391 : vector<16xf32>
      %le3A = arith.constant 2.500000e-03 : f32
      %le3A_395 = vector.broadcast %le3A : f32 to vector<16xf32>
      %le3A_396 = arith.cmpf ole, %sub3A_394, %le3A_395 : vector<16xf32>
      %add3A_397 = arith.constant 1.000000e+00 : f32
      %add3A_398 = vector.broadcast %add3A_397 : f32 to vector<16xf32>
      %add3A_399 = arith.addf %broadcast_in_dim3A_371, %add3A_398 : vector<16xf32>
      %select_n3A_400 = arith.select %le3A_396, %add3A_399, %broadcast_in_dim3A_371 : vector<16xi1>, vector<16xf32>
      %mul3A_401 = vector.broadcast %squeeze3A : f32 to vector<16xf32>
      %mul3A_402 = arith.mulf %bitcast_convert_type3A_136, %mul3A_401 : vector<16xf32>
      %mul3A_403 = vector.broadcast %squeeze3A_379 : f32 to vector<16xf32>
      %mul3A_404 = arith.mulf %bitcast_convert_type3A_155, %mul3A_403 : vector<16xf32>
      %add3A_405 = arith.addf %mul3A_402, %mul3A_404 : vector<16xf32>
      %mul3A_406 = vector.broadcast %squeeze3A_381 : f32 to vector<16xf32>
      %mul3A_407 = arith.mulf %bitcast_convert_type3A_174, %mul3A_406 : vector<16xf32>
      %add3A_408 = arith.addf %add3A_405, %mul3A_407 : vector<16xf32>
      %add3A_409 = vector.broadcast %squeeze3A_383 : f32 to vector<16xf32>
      %add3A_410 = arith.addf %get3A_176, %add3A_409 : vector<16xf32>
      %sub3A_411 = arith.subf %add3A_410, %add3A_408 : vector<16xf32>
      %le3A_412 = arith.constant 2.500000e-03 : f32
      %le3A_413 = vector.broadcast %le3A_412 : f32 to vector<16xf32>
      %le3A_414 = arith.cmpf ole, %sub3A_411, %le3A_413 : vector<16xf32>
      %add3A_415 = arith.constant 1.000000e+00 : f32
      %add3A_416 = vector.broadcast %add3A_415 : f32 to vector<16xf32>
      %add3A_417 = arith.addf %broadcast_in_dim3A_373, %add3A_416 : vector<16xf32>
      %select_n3A_418 = arith.select %le3A_414, %add3A_417, %broadcast_in_dim3A_373 : vector<16xi1>, vector<16xf32>
      %mul3A_419 = vector.broadcast %squeeze3A : f32 to vector<16xf32>
      %mul3A_420 = arith.mulf %bitcast_convert_type3A_210, %mul3A_419 : vector<16xf32>
      %mul3A_421 = vector.broadcast %squeeze3A_379 : f32 to vector<16xf32>
      %mul3A_422 = arith.mulf %bitcast_convert_type3A_229, %mul3A_421 : vector<16xf32>
      %add3A_423 = arith.addf %mul3A_420, %mul3A_422 : vector<16xf32>
      %mul3A_424 = vector.broadcast %squeeze3A_381 : f32 to vector<16xf32>
      %mul3A_425 = arith.mulf %bitcast_convert_type3A_248, %mul3A_424 : vector<16xf32>
      %add3A_426 = arith.addf %add3A_423, %mul3A_425 : vector<16xf32>
      %add3A_427 = vector.broadcast %squeeze3A_383 : f32 to vector<16xf32>
      %add3A_428 = arith.addf %get3A_250, %add3A_427 : vector<16xf32>
      %sub3A_429 = arith.subf %add3A_428, %add3A_426 : vector<16xf32>
      %le3A_430 = arith.constant 2.500000e-03 : f32
      %le3A_431 = vector.broadcast %le3A_430 : f32 to vector<16xf32>
      %le3A_432 = arith.cmpf ole, %sub3A_429, %le3A_431 : vector<16xf32>
      %add3A_433 = arith.constant 1.000000e+00 : f32
      %add3A_434 = vector.broadcast %add3A_433 : f32 to vector<16xf32>
      %add3A_435 = arith.addf %broadcast_in_dim3A_375, %add3A_434 : vector<16xf32>
      %select_n3A_436 = arith.select %le3A_432, %add3A_435, %broadcast_in_dim3A_375 : vector<16xi1>, vector<16xf32>
      %mul3A_437 = vector.broadcast %squeeze3A : f32 to vector<16xf32>
      %mul3A_438 = arith.mulf %bitcast_convert_type3A_284, %mul3A_437 : vector<16xf32>
      %mul3A_439 = vector.broadcast %squeeze3A_379 : f32 to vector<16xf32>
      %mul3A_440 = arith.mulf %bitcast_convert_type3A_303, %mul3A_439 : vector<16xf32>
      %add3A_441 = arith.addf %mul3A_438, %mul3A_440 : vector<16xf32>
      %mul3A_442 = vector.broadcast %squeeze3A_381 : f32 to vector<16xf32>
      %mul3A_443 = arith.mulf %bitcast_convert_type3A_322, %mul3A_442 : vector<16xf32>
      %add3A_444 = arith.addf %add3A_441, %mul3A_443 : vector<16xf32>
      %add3A_445 = vector.broadcast %squeeze3A_383 : f32 to vector<16xf32>
      %add3A_446 = arith.addf %get3A_324, %add3A_445 : vector<16xf32>
      %sub3A_447 = arith.subf %add3A_446, %add3A_444 : vector<16xf32>
      %le3A_448 = arith.constant 2.500000e-03 : f32
      %le3A_449 = vector.broadcast %le3A_448 : f32 to vector<16xf32>
      %le3A_450 = arith.cmpf ole, %sub3A_447, %le3A_449 : vector<16xf32>
      %add3A_451 = arith.constant 1.000000e+00 : f32
      %add3A_452 = vector.broadcast %add3A_451 : f32 to vector<16xf32>
      %add3A_453 = arith.addf %broadcast_in_dim3A_377, %add3A_452 : vector<16xf32>
      %select_n3A_454 = arith.select %le3A_450, %add3A_453, %broadcast_in_dim3A_377 : vector<16xi1>, vector<16xf32>
      %slice3A_455 = vector.extract_strided_slice %get3A_348 {offsets = [1], sizes = [1], strides = [1]} : vector<16xf32> to vector<1xf32>
      %squeeze3A_456 = vector.extract %slice3A_455[0] : f32 from vector<1xf32>
      %slice3A_457 = vector.extract_strided_slice %get3A_354 {offsets = [1], sizes = [1], strides = [1]} : vector<16xf32> to vector<1xf32>
      %squeeze3A_458 = vector.extract %slice3A_457[0] : f32 from vector<1xf32>
      %slice3A_459 = vector.extract_strided_slice %get3A_360 {offsets = [1], sizes = [1], strides = [1]} : vector<16xf32> to vector<1xf32>
      %squeeze3A_460 = vector.extract %slice3A_459[0] : f32 from vector<1xf32>
      %slice3A_461 = vector.extract_strided_slice %get3A_366 {offsets = [1], sizes = [1], strides = [1]} : vector<16xf32> to vector<1xf32>
      %squeeze3A_462 = vector.extract %slice3A_461[0] : f32 from vector<1xf32>
      %mul3A_463 = vector.broadcast %squeeze3A_456 : f32 to vector<16xf32>
      %mul3A_464 = arith.mulf %bitcast_convert_type3A_62, %mul3A_463 : vector<16xf32>
      %mul3A_465 = vector.broadcast %squeeze3A_458 : f32 to vector<16xf32>
      %mul3A_466 = arith.mulf %bitcast_convert_type3A_81, %mul3A_465 : vector<16xf32>
      %add3A_467 = arith.addf %mul3A_464, %mul3A_466 : vector<16xf32>
      %mul3A_468 = vector.broadcast %squeeze3A_460 : f32 to vector<16xf32>
      %mul3A_469 = arith.mulf %bitcast_convert_type3A_100, %mul3A_468 : vector<16xf32>
      %add3A_470 = arith.addf %add3A_467, %mul3A_469 : vector<16xf32>
      %add3A_471 = vector.broadcast %squeeze3A_462 : f32 to vector<16xf32>
      %add3A_472 = arith.addf %get3A_102, %add3A_471 : vector<16xf32>
      %sub3A_473 = arith.subf %add3A_472, %add3A_470 : vector<16xf32>
      %le3A_474 = arith.constant 2.500000e-03 : f32
      %le3A_475 = vector.broadcast %le3A_474 : f32 to vector<16xf32>
      %le3A_476 = arith.cmpf ole, %sub3A_473, %le3A_475 : vector<16xf32>
      %add3A_477 = arith.constant 2.000000e+00 : f32
      %add3A_478 = vector.broadcast %add3A_477 : f32 to vector<16xf32>
      %add3A_479 = arith.addf %select_n3A_400, %add3A_478 : vector<16xf32>
      %select_n3A_480 = arith.select %le3A_476, %add3A_479, %select_n3A_400 : vector<16xi1>, vector<16xf32>
      %mul3A_481 = vector.broadcast %squeeze3A_456 : f32 to vector<16xf32>
      %mul3A_482 = arith.mulf %bitcast_convert_type3A_136, %mul3A_481 : vector<16xf32>
      %mul3A_483 = vector.broadcast %squeeze3A_458 : f32 to vector<16xf32>
      %mul3A_484 = arith.mulf %bitcast_convert_type3A_155, %mul3A_483 : vector<16xf32>
      %add3A_485 = arith.addf %mul3A_482, %mul3A_484 : vector<16xf32>
      %mul3A_486 = vector.broadcast %squeeze3A_460 : f32 to vector<16xf32>
      %mul3A_487 = arith.mulf %bitcast_convert_type3A_174, %mul3A_486 : vector<16xf32>
      %add3A_488 = arith.addf %add3A_485, %mul3A_487 : vector<16xf32>
      %add3A_489 = vector.broadcast %squeeze3A_462 : f32 to vector<16xf32>
      %add3A_490 = arith.addf %get3A_176, %add3A_489 : vector<16xf32>
      %sub3A_491 = arith.subf %add3A_490, %add3A_488 : vector<16xf32>
      %le3A_492 = arith.constant 2.500000e-03 : f32
      %le3A_493 = vector.broadcast %le3A_492 : f32 to vector<16xf32>
      %le3A_494 = arith.cmpf ole, %sub3A_491, %le3A_493 : vector<16xf32>
      %add3A_495 = arith.constant 2.000000e+00 : f32
      %add3A_496 = vector.broadcast %add3A_495 : f32 to vector<16xf32>
      %add3A_497 = arith.addf %select_n3A_418, %add3A_496 : vector<16xf32>
      %select_n3A_498 = arith.select %le3A_494, %add3A_497, %select_n3A_418 : vector<16xi1>, vector<16xf32>
      %mul3A_499 = vector.broadcast %squeeze3A_456 : f32 to vector<16xf32>
      %mul3A_500 = arith.mulf %bitcast_convert_type3A_210, %mul3A_499 : vector<16xf32>
      %mul3A_501 = vector.broadcast %squeeze3A_458 : f32 to vector<16xf32>
      %mul3A_502 = arith.mulf %bitcast_convert_type3A_229, %mul3A_501 : vector<16xf32>
      %add3A_503 = arith.addf %mul3A_500, %mul3A_502 : vector<16xf32>
      %mul3A_504 = vector.broadcast %squeeze3A_460 : f32 to vector<16xf32>
      %mul3A_505 = arith.mulf %bitcast_convert_type3A_248, %mul3A_504 : vector<16xf32>
      %add3A_506 = arith.addf %add3A_503, %mul3A_505 : vector<16xf32>
      %add3A_507 = vector.broadcast %squeeze3A_462 : f32 to vector<16xf32>
      %add3A_508 = arith.addf %get3A_250, %add3A_507 : vector<16xf32>
      %sub3A_509 = arith.subf %add3A_508, %add3A_506 : vector<16xf32>
      %le3A_510 = arith.constant 2.500000e-03 : f32
      %le3A_511 = vector.broadcast %le3A_510 : f32 to vector<16xf32>
      %le3A_512 = arith.cmpf ole, %sub3A_509, %le3A_511 : vector<16xf32>
      %add3A_513 = arith.constant 2.000000e+00 : f32
      %add3A_514 = vector.broadcast %add3A_513 : f32 to vector<16xf32>
      %add3A_515 = arith.addf %select_n3A_436, %add3A_514 : vector<16xf32>
      %select_n3A_516 = arith.select %le3A_512, %add3A_515, %select_n3A_436 : vector<16xi1>, vector<16xf32>
      %mul3A_517 = vector.broadcast %squeeze3A_456 : f32 to vector<16xf32>
      %mul3A_518 = arith.mulf %bitcast_convert_type3A_284, %mul3A_517 : vector<16xf32>
      %mul3A_519 = vector.broadcast %squeeze3A_458 : f32 to vector<16xf32>
      %mul3A_520 = arith.mulf %bitcast_convert_type3A_303, %mul3A_519 : vector<16xf32>
      %add3A_521 = arith.addf %mul3A_518, %mul3A_520 : vector<16xf32>
      %mul3A_522 = vector.broadcast %squeeze3A_460 : f32 to vector<16xf32>
      %mul3A_523 = arith.mulf %bitcast_convert_type3A_322, %mul3A_522 : vector<16xf32>
      %add3A_524 = arith.addf %add3A_521, %mul3A_523 : vector<16xf32>
      %add3A_525 = vector.broadcast %squeeze3A_462 : f32 to vector<16xf32>
      %add3A_526 = arith.addf %get3A_324, %add3A_525 : vector<16xf32>
      %sub3A_527 = arith.subf %add3A_526, %add3A_524 : vector<16xf32>
      %le3A_528 = arith.constant 2.500000e-03 : f32
      %le3A_529 = vector.broadcast %le3A_528 : f32 to vector<16xf32>
      %le3A_530 = arith.cmpf ole, %sub3A_527, %le3A_529 : vector<16xf32>
      %add3A_531 = arith.constant 2.000000e+00 : f32
      %add3A_532 = vector.broadcast %add3A_531 : f32 to vector<16xf32>
      %add3A_533 = arith.addf %select_n3A_454, %add3A_532 : vector<16xf32>
      %select_n3A_534 = arith.select %le3A_530, %add3A_533, %select_n3A_454 : vector<16xi1>, vector<16xf32>
      %slice3A_535 = vector.extract_strided_slice %get3A_348 {offsets = [2], sizes = [1], strides = [1]} : vector<16xf32> to vector<1xf32>
      %squeeze3A_536 = vector.extract %slice3A_535[0] : f32 from vector<1xf32>
      %slice3A_537 = vector.extract_strided_slice %get3A_354 {offsets = [2], sizes = [1], strides = [1]} : vector<16xf32> to vector<1xf32>
      %squeeze3A_538 = vector.extract %slice3A_537[0] : f32 from vector<1xf32>
      %slice3A_539 = vector.extract_strided_slice %get3A_360 {offsets = [2], sizes = [1], strides = [1]} : vector<16xf32> to vector<1xf32>
      %squeeze3A_540 = vector.extract %slice3A_539[0] : f32 from vector<1xf32>
      %slice3A_541 = vector.extract_strided_slice %get3A_366 {offsets = [2], sizes = [1], strides = [1]} : vector<16xf32> to vector<1xf32>
      %squeeze3A_542 = vector.extract %slice3A_541[0] : f32 from vector<1xf32>
      %mul3A_543 = vector.broadcast %squeeze3A_536 : f32 to vector<16xf32>
      %mul3A_544 = arith.mulf %bitcast_convert_type3A_62, %mul3A_543 : vector<16xf32>
      %mul3A_545 = vector.broadcast %squeeze3A_538 : f32 to vector<16xf32>
      %mul3A_546 = arith.mulf %bitcast_convert_type3A_81, %mul3A_545 : vector<16xf32>
      %add3A_547 = arith.addf %mul3A_544, %mul3A_546 : vector<16xf32>
      %mul3A_548 = vector.broadcast %squeeze3A_540 : f32 to vector<16xf32>
      %mul3A_549 = arith.mulf %bitcast_convert_type3A_100, %mul3A_548 : vector<16xf32>
      %add3A_550 = arith.addf %add3A_547, %mul3A_549 : vector<16xf32>
      %add3A_551 = vector.broadcast %squeeze3A_542 : f32 to vector<16xf32>
      %add3A_552 = arith.addf %get3A_102, %add3A_551 : vector<16xf32>
      %sub3A_553 = arith.subf %add3A_552, %add3A_550 : vector<16xf32>
      %le3A_554 = arith.constant 2.500000e-03 : f32
      %le3A_555 = vector.broadcast %le3A_554 : f32 to vector<16xf32>
      %le3A_556 = arith.cmpf ole, %sub3A_553, %le3A_555 : vector<16xf32>
      %add3A_557 = arith.constant 4.000000e+00 : f32
      %add3A_558 = vector.broadcast %add3A_557 : f32 to vector<16xf32>
      %add3A_559 = arith.addf %select_n3A_480, %add3A_558 : vector<16xf32>
      %select_n3A_560 = arith.select %le3A_556, %add3A_559, %select_n3A_480 : vector<16xi1>, vector<16xf32>
      %mul3A_561 = vector.broadcast %squeeze3A_536 : f32 to vector<16xf32>
      %mul3A_562 = arith.mulf %bitcast_convert_type3A_136, %mul3A_561 : vector<16xf32>
      %mul3A_563 = vector.broadcast %squeeze3A_538 : f32 to vector<16xf32>
      %mul3A_564 = arith.mulf %bitcast_convert_type3A_155, %mul3A_563 : vector<16xf32>
      %add3A_565 = arith.addf %mul3A_562, %mul3A_564 : vector<16xf32>
      %mul3A_566 = vector.broadcast %squeeze3A_540 : f32 to vector<16xf32>
      %mul3A_567 = arith.mulf %bitcast_convert_type3A_174, %mul3A_566 : vector<16xf32>
      %add3A_568 = arith.addf %add3A_565, %mul3A_567 : vector<16xf32>
      %add3A_569 = vector.broadcast %squeeze3A_542 : f32 to vector<16xf32>
      %add3A_570 = arith.addf %get3A_176, %add3A_569 : vector<16xf32>
      %sub3A_571 = arith.subf %add3A_570, %add3A_568 : vector<16xf32>
      %le3A_572 = arith.constant 2.500000e-03 : f32
      %le3A_573 = vector.broadcast %le3A_572 : f32 to vector<16xf32>
      %le3A_574 = arith.cmpf ole, %sub3A_571, %le3A_573 : vector<16xf32>
      %add3A_575 = arith.constant 4.000000e+00 : f32
      %add3A_576 = vector.broadcast %add3A_575 : f32 to vector<16xf32>
      %add3A_577 = arith.addf %select_n3A_498, %add3A_576 : vector<16xf32>
      %select_n3A_578 = arith.select %le3A_574, %add3A_577, %select_n3A_498 : vector<16xi1>, vector<16xf32>
      %mul3A_579 = vector.broadcast %squeeze3A_536 : f32 to vector<16xf32>
      %mul3A_580 = arith.mulf %bitcast_convert_type3A_210, %mul3A_579 : vector<16xf32>
      %mul3A_581 = vector.broadcast %squeeze3A_538 : f32 to vector<16xf32>
      %mul3A_582 = arith.mulf %bitcast_convert_type3A_229, %mul3A_581 : vector<16xf32>
      %add3A_583 = arith.addf %mul3A_580, %mul3A_582 : vector<16xf32>
      %mul3A_584 = vector.broadcast %squeeze3A_540 : f32 to vector<16xf32>
      %mul3A_585 = arith.mulf %bitcast_convert_type3A_248, %mul3A_584 : vector<16xf32>
      %add3A_586 = arith.addf %add3A_583, %mul3A_585 : vector<16xf32>
      %add3A_587 = vector.broadcast %squeeze3A_542 : f32 to vector<16xf32>
      %add3A_588 = arith.addf %get3A_250, %add3A_587 : vector<16xf32>
      %sub3A_589 = arith.subf %add3A_588, %add3A_586 : vector<16xf32>
      %le3A_590 = arith.constant 2.500000e-03 : f32
      %le3A_591 = vector.broadcast %le3A_590 : f32 to vector<16xf32>
      %le3A_592 = arith.cmpf ole, %sub3A_589, %le3A_591 : vector<16xf32>
      %add3A_593 = arith.constant 4.000000e+00 : f32
      %add3A_594 = vector.broadcast %add3A_593 : f32 to vector<16xf32>
      %add3A_595 = arith.addf %select_n3A_516, %add3A_594 : vector<16xf32>
      %select_n3A_596 = arith.select %le3A_592, %add3A_595, %select_n3A_516 : vector<16xi1>, vector<16xf32>
      %mul3A_597 = vector.broadcast %squeeze3A_536 : f32 to vector<16xf32>
      %mul3A_598 = arith.mulf %bitcast_convert_type3A_284, %mul3A_597 : vector<16xf32>
      %mul3A_599 = vector.broadcast %squeeze3A_538 : f32 to vector<16xf32>
      %mul3A_600 = arith.mulf %bitcast_convert_type3A_303, %mul3A_599 : vector<16xf32>
      %add3A_601 = arith.addf %mul3A_598, %mul3A_600 : vector<16xf32>
      %mul3A_602 = vector.broadcast %squeeze3A_540 : f32 to vector<16xf32>
      %mul3A_603 = arith.mulf %bitcast_convert_type3A_322, %mul3A_602 : vector<16xf32>
      %add3A_604 = arith.addf %add3A_601, %mul3A_603 : vector<16xf32>
      %add3A_605 = vector.broadcast %squeeze3A_542 : f32 to vector<16xf32>
      %add3A_606 = arith.addf %get3A_324, %add3A_605 : vector<16xf32>
      %sub3A_607 = arith.subf %add3A_606, %add3A_604 : vector<16xf32>
      %le3A_608 = arith.constant 2.500000e-03 : f32
      %le3A_609 = vector.broadcast %le3A_608 : f32 to vector<16xf32>
      %le3A_610 = arith.cmpf ole, %sub3A_607, %le3A_609 : vector<16xf32>
      %add3A_611 = arith.constant 4.000000e+00 : f32
      %add3A_612 = vector.broadcast %add3A_611 : f32 to vector<16xf32>
      %add3A_613 = arith.addf %select_n3A_534, %add3A_612 : vector<16xf32>
      %select_n3A_614 = arith.select %le3A_610, %add3A_613, %select_n3A_534 : vector<16xi1>, vector<16xf32>
      %slice3A_615 = vector.extract_strided_slice %get3A_348 {offsets = [3], sizes = [1], strides = [1]} : vector<16xf32> to vector<1xf32>
      %squeeze3A_616 = vector.extract %slice3A_615[0] : f32 from vector<1xf32>
      %slice3A_617 = vector.extract_strided_slice %get3A_354 {offsets = [3], sizes = [1], strides = [1]} : vector<16xf32> to vector<1xf32>
      %squeeze3A_618 = vector.extract %slice3A_617[0] : f32 from vector<1xf32>
      %slice3A_619 = vector.extract_strided_slice %get3A_360 {offsets = [3], sizes = [1], strides = [1]} : vector<16xf32> to vector<1xf32>
      %squeeze3A_620 = vector.extract %slice3A_619[0] : f32 from vector<1xf32>
      %slice3A_621 = vector.extract_strided_slice %get3A_366 {offsets = [3], sizes = [1], strides = [1]} : vector<16xf32> to vector<1xf32>
      %squeeze3A_622 = vector.extract %slice3A_621[0] : f32 from vector<1xf32>
      %mul3A_623 = vector.broadcast %squeeze3A_616 : f32 to vector<16xf32>
      %mul3A_624 = arith.mulf %bitcast_convert_type3A_62, %mul3A_623 : vector<16xf32>
      %mul3A_625 = vector.broadcast %squeeze3A_618 : f32 to vector<16xf32>
      %mul3A_626 = arith.mulf %bitcast_convert_type3A_81, %mul3A_625 : vector<16xf32>
      %add3A_627 = arith.addf %mul3A_624, %mul3A_626 : vector<16xf32>
      %mul3A_628 = vector.broadcast %squeeze3A_620 : f32 to vector<16xf32>
      %mul3A_629 = arith.mulf %bitcast_convert_type3A_100, %mul3A_628 : vector<16xf32>
      %add3A_630 = arith.addf %add3A_627, %mul3A_629 : vector<16xf32>
      %add3A_631 = vector.broadcast %squeeze3A_622 : f32 to vector<16xf32>
      %add3A_632 = arith.addf %get3A_102, %add3A_631 : vector<16xf32>
      %sub3A_633 = arith.subf %add3A_632, %add3A_630 : vector<16xf32>
      %le3A_634 = arith.constant 2.500000e-03 : f32
      %le3A_635 = vector.broadcast %le3A_634 : f32 to vector<16xf32>
      %le3A_636 = arith.cmpf ole, %sub3A_633, %le3A_635 : vector<16xf32>
      %add3A_637 = arith.constant 8.000000e+00 : f32
      %add3A_638 = vector.broadcast %add3A_637 : f32 to vector<16xf32>
      %add3A_639 = arith.addf %select_n3A_560, %add3A_638 : vector<16xf32>
      %select_n3A_640 = arith.select %le3A_636, %add3A_639, %select_n3A_560 : vector<16xi1>, vector<16xf32>
      %mul3A_641 = vector.broadcast %squeeze3A_616 : f32 to vector<16xf32>
      %mul3A_642 = arith.mulf %bitcast_convert_type3A_136, %mul3A_641 : vector<16xf32>
      %mul3A_643 = vector.broadcast %squeeze3A_618 : f32 to vector<16xf32>
      %mul3A_644 = arith.mulf %bitcast_convert_type3A_155, %mul3A_643 : vector<16xf32>
      %add3A_645 = arith.addf %mul3A_642, %mul3A_644 : vector<16xf32>
      %mul3A_646 = vector.broadcast %squeeze3A_620 : f32 to vector<16xf32>
      %mul3A_647 = arith.mulf %bitcast_convert_type3A_174, %mul3A_646 : vector<16xf32>
      %add3A_648 = arith.addf %add3A_645, %mul3A_647 : vector<16xf32>
      %add3A_649 = vector.broadcast %squeeze3A_622 : f32 to vector<16xf32>
      %add3A_650 = arith.addf %get3A_176, %add3A_649 : vector<16xf32>
      %sub3A_651 = arith.subf %add3A_650, %add3A_648 : vector<16xf32>
      %le3A_652 = arith.constant 2.500000e-03 : f32
      %le3A_653 = vector.broadcast %le3A_652 : f32 to vector<16xf32>
      %le3A_654 = arith.cmpf ole, %sub3A_651, %le3A_653 : vector<16xf32>
      %add3A_655 = arith.constant 8.000000e+00 : f32
      %add3A_656 = vector.broadcast %add3A_655 : f32 to vector<16xf32>
      %add3A_657 = arith.addf %select_n3A_578, %add3A_656 : vector<16xf32>
      %select_n3A_658 = arith.select %le3A_654, %add3A_657, %select_n3A_578 : vector<16xi1>, vector<16xf32>
      %mul3A_659 = vector.broadcast %squeeze3A_616 : f32 to vector<16xf32>
      %mul3A_660 = arith.mulf %bitcast_convert_type3A_210, %mul3A_659 : vector<16xf32>
      %mul3A_661 = vector.broadcast %squeeze3A_618 : f32 to vector<16xf32>
      %mul3A_662 = arith.mulf %bitcast_convert_type3A_229, %mul3A_661 : vector<16xf32>
      %add3A_663 = arith.addf %mul3A_660, %mul3A_662 : vector<16xf32>
      %mul3A_664 = vector.broadcast %squeeze3A_620 : f32 to vector<16xf32>
      %mul3A_665 = arith.mulf %bitcast_convert_type3A_248, %mul3A_664 : vector<16xf32>
      %add3A_666 = arith.addf %add3A_663, %mul3A_665 : vector<16xf32>
      %add3A_667 = vector.broadcast %squeeze3A_622 : f32 to vector<16xf32>
      %add3A_668 = arith.addf %get3A_250, %add3A_667 : vector<16xf32>
      %sub3A_669 = arith.subf %add3A_668, %add3A_666 : vector<16xf32>
      %le3A_670 = arith.constant 2.500000e-03 : f32
      %le3A_671 = vector.broadcast %le3A_670 : f32 to vector<16xf32>
      %le3A_672 = arith.cmpf ole, %sub3A_669, %le3A_671 : vector<16xf32>
      %add3A_673 = arith.constant 8.000000e+00 : f32
      %add3A_674 = vector.broadcast %add3A_673 : f32 to vector<16xf32>
      %add3A_675 = arith.addf %select_n3A_596, %add3A_674 : vector<16xf32>
      %select_n3A_676 = arith.select %le3A_672, %add3A_675, %select_n3A_596 : vector<16xi1>, vector<16xf32>
      %mul3A_677 = vector.broadcast %squeeze3A_616 : f32 to vector<16xf32>
      %mul3A_678 = arith.mulf %bitcast_convert_type3A_284, %mul3A_677 : vector<16xf32>
      %mul3A_679 = vector.broadcast %squeeze3A_618 : f32 to vector<16xf32>
      %mul3A_680 = arith.mulf %bitcast_convert_type3A_303, %mul3A_679 : vector<16xf32>
      %add3A_681 = arith.addf %mul3A_678, %mul3A_680 : vector<16xf32>
      %mul3A_682 = vector.broadcast %squeeze3A_620 : f32 to vector<16xf32>
      %mul3A_683 = arith.mulf %bitcast_convert_type3A_322, %mul3A_682 : vector<16xf32>
      %add3A_684 = arith.addf %add3A_681, %mul3A_683 : vector<16xf32>
      %add3A_685 = vector.broadcast %squeeze3A_622 : f32 to vector<16xf32>
      %add3A_686 = arith.addf %get3A_324, %add3A_685 : vector<16xf32>
      %sub3A_687 = arith.subf %add3A_686, %add3A_684 : vector<16xf32>
      %le3A_688 = arith.constant 2.500000e-03 : f32
      %le3A_689 = vector.broadcast %le3A_688 : f32 to vector<16xf32>
      %le3A_690 = arith.cmpf ole, %sub3A_687, %le3A_689 : vector<16xf32>
      %add3A_691 = arith.constant 8.000000e+00 : f32
      %add3A_692 = vector.broadcast %add3A_691 : f32 to vector<16xf32>
      %add3A_693 = arith.addf %select_n3A_614, %add3A_692 : vector<16xf32>
      %select_n3A_694 = arith.select %le3A_690, %add3A_693, %select_n3A_614 : vector<16xi1>, vector<16xf32>
      %slice3A_695 = vector.extract_strided_slice %get3A_348 {offsets = [4], sizes = [1], strides = [1]} : vector<16xf32> to vector<1xf32>
      %squeeze3A_696 = vector.extract %slice3A_695[0] : f32 from vector<1xf32>
      %slice3A_697 = vector.extract_strided_slice %get3A_354 {offsets = [4], sizes = [1], strides = [1]} : vector<16xf32> to vector<1xf32>
      %squeeze3A_698 = vector.extract %slice3A_697[0] : f32 from vector<1xf32>
      %slice3A_699 = vector.extract_strided_slice %get3A_360 {offsets = [4], sizes = [1], strides = [1]} : vector<16xf32> to vector<1xf32>
      %squeeze3A_700 = vector.extract %slice3A_699[0] : f32 from vector<1xf32>
      %slice3A_701 = vector.extract_strided_slice %get3A_366 {offsets = [4], sizes = [1], strides = [1]} : vector<16xf32> to vector<1xf32>
      %squeeze3A_702 = vector.extract %slice3A_701[0] : f32 from vector<1xf32>
      %mul3A_703 = vector.broadcast %squeeze3A_696 : f32 to vector<16xf32>
      %mul3A_704 = arith.mulf %bitcast_convert_type3A_62, %mul3A_703 : vector<16xf32>
      %mul3A_705 = vector.broadcast %squeeze3A_698 : f32 to vector<16xf32>
      %mul3A_706 = arith.mulf %bitcast_convert_type3A_81, %mul3A_705 : vector<16xf32>
      %add3A_707 = arith.addf %mul3A_704, %mul3A_706 : vector<16xf32>
      %mul3A_708 = vector.broadcast %squeeze3A_700 : f32 to vector<16xf32>
      %mul3A_709 = arith.mulf %bitcast_convert_type3A_100, %mul3A_708 : vector<16xf32>
      %add3A_710 = arith.addf %add3A_707, %mul3A_709 : vector<16xf32>
      %add3A_711 = vector.broadcast %squeeze3A_702 : f32 to vector<16xf32>
      %add3A_712 = arith.addf %get3A_102, %add3A_711 : vector<16xf32>
      %sub3A_713 = arith.subf %add3A_712, %add3A_710 : vector<16xf32>
      %le3A_714 = arith.constant 2.500000e-03 : f32
      %le3A_715 = vector.broadcast %le3A_714 : f32 to vector<16xf32>
      %le3A_716 = arith.cmpf ole, %sub3A_713, %le3A_715 : vector<16xf32>
      %add3A_717 = arith.constant 1.600000e+01 : f32
      %add3A_718 = vector.broadcast %add3A_717 : f32 to vector<16xf32>
      %add3A_719 = arith.addf %select_n3A_640, %add3A_718 : vector<16xf32>
      %select_n3A_720 = arith.select %le3A_716, %add3A_719, %select_n3A_640 : vector<16xi1>, vector<16xf32>
      %mul3A_721 = vector.broadcast %squeeze3A_696 : f32 to vector<16xf32>
      %mul3A_722 = arith.mulf %bitcast_convert_type3A_136, %mul3A_721 : vector<16xf32>
      %mul3A_723 = vector.broadcast %squeeze3A_698 : f32 to vector<16xf32>
      %mul3A_724 = arith.mulf %bitcast_convert_type3A_155, %mul3A_723 : vector<16xf32>
      %add3A_725 = arith.addf %mul3A_722, %mul3A_724 : vector<16xf32>
      %mul3A_726 = vector.broadcast %squeeze3A_700 : f32 to vector<16xf32>
      %mul3A_727 = arith.mulf %bitcast_convert_type3A_174, %mul3A_726 : vector<16xf32>
      %add3A_728 = arith.addf %add3A_725, %mul3A_727 : vector<16xf32>
      %add3A_729 = vector.broadcast %squeeze3A_702 : f32 to vector<16xf32>
      %add3A_730 = arith.addf %get3A_176, %add3A_729 : vector<16xf32>
      %sub3A_731 = arith.subf %add3A_730, %add3A_728 : vector<16xf32>
      %le3A_732 = arith.constant 2.500000e-03 : f32
      %le3A_733 = vector.broadcast %le3A_732 : f32 to vector<16xf32>
      %le3A_734 = arith.cmpf ole, %sub3A_731, %le3A_733 : vector<16xf32>
      %add3A_735 = arith.constant 1.600000e+01 : f32
      %add3A_736 = vector.broadcast %add3A_735 : f32 to vector<16xf32>
      %add3A_737 = arith.addf %select_n3A_658, %add3A_736 : vector<16xf32>
      %select_n3A_738 = arith.select %le3A_734, %add3A_737, %select_n3A_658 : vector<16xi1>, vector<16xf32>
      %mul3A_739 = vector.broadcast %squeeze3A_696 : f32 to vector<16xf32>
      %mul3A_740 = arith.mulf %bitcast_convert_type3A_210, %mul3A_739 : vector<16xf32>
      %mul3A_741 = vector.broadcast %squeeze3A_698 : f32 to vector<16xf32>
      %mul3A_742 = arith.mulf %bitcast_convert_type3A_229, %mul3A_741 : vector<16xf32>
      %add3A_743 = arith.addf %mul3A_740, %mul3A_742 : vector<16xf32>
      %mul3A_744 = vector.broadcast %squeeze3A_700 : f32 to vector<16xf32>
      %mul3A_745 = arith.mulf %bitcast_convert_type3A_248, %mul3A_744 : vector<16xf32>
      %add3A_746 = arith.addf %add3A_743, %mul3A_745 : vector<16xf32>
      %add3A_747 = vector.broadcast %squeeze3A_702 : f32 to vector<16xf32>
      %add3A_748 = arith.addf %get3A_250, %add3A_747 : vector<16xf32>
      %sub3A_749 = arith.subf %add3A_748, %add3A_746 : vector<16xf32>
      %le3A_750 = arith.constant 2.500000e-03 : f32
      %le3A_751 = vector.broadcast %le3A_750 : f32 to vector<16xf32>
      %le3A_752 = arith.cmpf ole, %sub3A_749, %le3A_751 : vector<16xf32>
      %add3A_753 = arith.constant 1.600000e+01 : f32
      %add3A_754 = vector.broadcast %add3A_753 : f32 to vector<16xf32>
      %add3A_755 = arith.addf %select_n3A_676, %add3A_754 : vector<16xf32>
      %select_n3A_756 = arith.select %le3A_752, %add3A_755, %select_n3A_676 : vector<16xi1>, vector<16xf32>
      %mul3A_757 = vector.broadcast %squeeze3A_696 : f32 to vector<16xf32>
      %mul3A_758 = arith.mulf %bitcast_convert_type3A_284, %mul3A_757 : vector<16xf32>
      %mul3A_759 = vector.broadcast %squeeze3A_698 : f32 to vector<16xf32>
      %mul3A_760 = arith.mulf %bitcast_convert_type3A_303, %mul3A_759 : vector<16xf32>
      %add3A_761 = arith.addf %mul3A_758, %mul3A_760 : vector<16xf32>
      %mul3A_762 = vector.broadcast %squeeze3A_700 : f32 to vector<16xf32>
      %mul3A_763 = arith.mulf %bitcast_convert_type3A_322, %mul3A_762 : vector<16xf32>
      %add3A_764 = arith.addf %add3A_761, %mul3A_763 : vector<16xf32>
      %add3A_765 = vector.broadcast %squeeze3A_702 : f32 to vector<16xf32>
      %add3A_766 = arith.addf %get3A_324, %add3A_765 : vector<16xf32>
      %sub3A_767 = arith.subf %add3A_766, %add3A_764 : vector<16xf32>
      %le3A_768 = arith.constant 2.500000e-03 : f32
      %le3A_769 = vector.broadcast %le3A_768 : f32 to vector<16xf32>
      %le3A_770 = arith.cmpf ole, %sub3A_767, %le3A_769 : vector<16xf32>
      %add3A_771 = arith.constant 1.600000e+01 : f32
      %add3A_772 = vector.broadcast %add3A_771 : f32 to vector<16xf32>
      %add3A_773 = arith.addf %select_n3A_694, %add3A_772 : vector<16xf32>
      %select_n3A_774 = arith.select %le3A_770, %add3A_773, %select_n3A_694 : vector<16xi1>, vector<16xf32>
      %slice3A_775 = vector.extract_strided_slice %get3A_348 {offsets = [5], sizes = [1], strides = [1]} : vector<16xf32> to vector<1xf32>
      %squeeze3A_776 = vector.extract %slice3A_775[0] : f32 from vector<1xf32>
      %slice3A_777 = vector.extract_strided_slice %get3A_354 {offsets = [5], sizes = [1], strides = [1]} : vector<16xf32> to vector<1xf32>
      %squeeze3A_778 = vector.extract %slice3A_777[0] : f32 from vector<1xf32>
      %slice3A_779 = vector.extract_strided_slice %get3A_360 {offsets = [5], sizes = [1], strides = [1]} : vector<16xf32> to vector<1xf32>
      %squeeze3A_780 = vector.extract %slice3A_779[0] : f32 from vector<1xf32>
      %slice3A_781 = vector.extract_strided_slice %get3A_366 {offsets = [5], sizes = [1], strides = [1]} : vector<16xf32> to vector<1xf32>
      %squeeze3A_782 = vector.extract %slice3A_781[0] : f32 from vector<1xf32>
      %mul3A_783 = vector.broadcast %squeeze3A_776 : f32 to vector<16xf32>
      %mul3A_784 = arith.mulf %bitcast_convert_type3A_62, %mul3A_783 : vector<16xf32>
      %mul3A_785 = vector.broadcast %squeeze3A_778 : f32 to vector<16xf32>
      %mul3A_786 = arith.mulf %bitcast_convert_type3A_81, %mul3A_785 : vector<16xf32>
      %add3A_787 = arith.addf %mul3A_784, %mul3A_786 : vector<16xf32>
      %mul3A_788 = vector.broadcast %squeeze3A_780 : f32 to vector<16xf32>
      %mul3A_789 = arith.mulf %bitcast_convert_type3A_100, %mul3A_788 : vector<16xf32>
      %add3A_790 = arith.addf %add3A_787, %mul3A_789 : vector<16xf32>
      %add3A_791 = vector.broadcast %squeeze3A_782 : f32 to vector<16xf32>
      %add3A_792 = arith.addf %get3A_102, %add3A_791 : vector<16xf32>
      %sub3A_793 = arith.subf %add3A_792, %add3A_790 : vector<16xf32>
      %le3A_794 = arith.constant 2.500000e-03 : f32
      %le3A_795 = vector.broadcast %le3A_794 : f32 to vector<16xf32>
      %le3A_796 = arith.cmpf ole, %sub3A_793, %le3A_795 : vector<16xf32>
      %add3A_797 = arith.constant 3.200000e+01 : f32
      %add3A_798 = vector.broadcast %add3A_797 : f32 to vector<16xf32>
      %add3A_799 = arith.addf %select_n3A_720, %add3A_798 : vector<16xf32>
      %select_n3A_800 = arith.select %le3A_796, %add3A_799, %select_n3A_720 : vector<16xi1>, vector<16xf32>
      %mul3A_801 = vector.broadcast %squeeze3A_776 : f32 to vector<16xf32>
      %mul3A_802 = arith.mulf %bitcast_convert_type3A_136, %mul3A_801 : vector<16xf32>
      %mul3A_803 = vector.broadcast %squeeze3A_778 : f32 to vector<16xf32>
      %mul3A_804 = arith.mulf %bitcast_convert_type3A_155, %mul3A_803 : vector<16xf32>
      %add3A_805 = arith.addf %mul3A_802, %mul3A_804 : vector<16xf32>
      %mul3A_806 = vector.broadcast %squeeze3A_780 : f32 to vector<16xf32>
      %mul3A_807 = arith.mulf %bitcast_convert_type3A_174, %mul3A_806 : vector<16xf32>
      %add3A_808 = arith.addf %add3A_805, %mul3A_807 : vector<16xf32>
      %add3A_809 = vector.broadcast %squeeze3A_782 : f32 to vector<16xf32>
      %add3A_810 = arith.addf %get3A_176, %add3A_809 : vector<16xf32>
      %sub3A_811 = arith.subf %add3A_810, %add3A_808 : vector<16xf32>
      %le3A_812 = arith.constant 2.500000e-03 : f32
      %le3A_813 = vector.broadcast %le3A_812 : f32 to vector<16xf32>
      %le3A_814 = arith.cmpf ole, %sub3A_811, %le3A_813 : vector<16xf32>
      %add3A_815 = arith.constant 3.200000e+01 : f32
      %add3A_816 = vector.broadcast %add3A_815 : f32 to vector<16xf32>
      %add3A_817 = arith.addf %select_n3A_738, %add3A_816 : vector<16xf32>
      %select_n3A_818 = arith.select %le3A_814, %add3A_817, %select_n3A_738 : vector<16xi1>, vector<16xf32>
      %mul3A_819 = vector.broadcast %squeeze3A_776 : f32 to vector<16xf32>
      %mul3A_820 = arith.mulf %bitcast_convert_type3A_210, %mul3A_819 : vector<16xf32>
      %mul3A_821 = vector.broadcast %squeeze3A_778 : f32 to vector<16xf32>
      %mul3A_822 = arith.mulf %bitcast_convert_type3A_229, %mul3A_821 : vector<16xf32>
      %add3A_823 = arith.addf %mul3A_820, %mul3A_822 : vector<16xf32>
      %mul3A_824 = vector.broadcast %squeeze3A_780 : f32 to vector<16xf32>
      %mul3A_825 = arith.mulf %bitcast_convert_type3A_248, %mul3A_824 : vector<16xf32>
      %add3A_826 = arith.addf %add3A_823, %mul3A_825 : vector<16xf32>
      %add3A_827 = vector.broadcast %squeeze3A_782 : f32 to vector<16xf32>
      %add3A_828 = arith.addf %get3A_250, %add3A_827 : vector<16xf32>
      %sub3A_829 = arith.subf %add3A_828, %add3A_826 : vector<16xf32>
      %le3A_830 = arith.constant 2.500000e-03 : f32
      %le3A_831 = vector.broadcast %le3A_830 : f32 to vector<16xf32>
      %le3A_832 = arith.cmpf ole, %sub3A_829, %le3A_831 : vector<16xf32>
      %add3A_833 = arith.constant 3.200000e+01 : f32
      %add3A_834 = vector.broadcast %add3A_833 : f32 to vector<16xf32>
      %add3A_835 = arith.addf %select_n3A_756, %add3A_834 : vector<16xf32>
      %select_n3A_836 = arith.select %le3A_832, %add3A_835, %select_n3A_756 : vector<16xi1>, vector<16xf32>
      %mul3A_837 = vector.broadcast %squeeze3A_776 : f32 to vector<16xf32>
      %mul3A_838 = arith.mulf %bitcast_convert_type3A_284, %mul3A_837 : vector<16xf32>
      %mul3A_839 = vector.broadcast %squeeze3A_778 : f32 to vector<16xf32>
      %mul3A_840 = arith.mulf %bitcast_convert_type3A_303, %mul3A_839 : vector<16xf32>
      %add3A_841 = arith.addf %mul3A_838, %mul3A_840 : vector<16xf32>
      %mul3A_842 = vector.broadcast %squeeze3A_780 : f32 to vector<16xf32>
      %mul3A_843 = arith.mulf %bitcast_convert_type3A_322, %mul3A_842 : vector<16xf32>
      %add3A_844 = arith.addf %add3A_841, %mul3A_843 : vector<16xf32>
      %add3A_845 = vector.broadcast %squeeze3A_782 : f32 to vector<16xf32>
      %add3A_846 = arith.addf %get3A_324, %add3A_845 : vector<16xf32>
      %sub3A_847 = arith.subf %add3A_846, %add3A_844 : vector<16xf32>
      %le3A_848 = arith.constant 2.500000e-03 : f32
      %le3A_849 = vector.broadcast %le3A_848 : f32 to vector<16xf32>
      %le3A_850 = arith.cmpf ole, %sub3A_847, %le3A_849 : vector<16xf32>
      %add3A_851 = arith.constant 3.200000e+01 : f32
      %add3A_852 = vector.broadcast %add3A_851 : f32 to vector<16xf32>
      %add3A_853 = arith.addf %select_n3A_774, %add3A_852 : vector<16xf32>
      %select_n3A_854 = arith.select %le3A_850, %add3A_853, %select_n3A_774 : vector<16xi1>, vector<16xf32>
      %slice3A_855 = vector.extract_strided_slice %get3A_348 {offsets = [6], sizes = [1], strides = [1]} : vector<16xf32> to vector<1xf32>
      %squeeze3A_856 = vector.extract %slice3A_855[0] : f32 from vector<1xf32>
      %slice3A_857 = vector.extract_strided_slice %get3A_354 {offsets = [6], sizes = [1], strides = [1]} : vector<16xf32> to vector<1xf32>
      %squeeze3A_858 = vector.extract %slice3A_857[0] : f32 from vector<1xf32>
      %slice3A_859 = vector.extract_strided_slice %get3A_360 {offsets = [6], sizes = [1], strides = [1]} : vector<16xf32> to vector<1xf32>
      %squeeze3A_860 = vector.extract %slice3A_859[0] : f32 from vector<1xf32>
      %slice3A_861 = vector.extract_strided_slice %get3A_366 {offsets = [6], sizes = [1], strides = [1]} : vector<16xf32> to vector<1xf32>
      %squeeze3A_862 = vector.extract %slice3A_861[0] : f32 from vector<1xf32>
      %mul3A_863 = vector.broadcast %squeeze3A_856 : f32 to vector<16xf32>
      %mul3A_864 = arith.mulf %bitcast_convert_type3A_62, %mul3A_863 : vector<16xf32>
      %mul3A_865 = vector.broadcast %squeeze3A_858 : f32 to vector<16xf32>
      %mul3A_866 = arith.mulf %bitcast_convert_type3A_81, %mul3A_865 : vector<16xf32>
      %add3A_867 = arith.addf %mul3A_864, %mul3A_866 : vector<16xf32>
      %mul3A_868 = vector.broadcast %squeeze3A_860 : f32 to vector<16xf32>
      %mul3A_869 = arith.mulf %bitcast_convert_type3A_100, %mul3A_868 : vector<16xf32>
      %add3A_870 = arith.addf %add3A_867, %mul3A_869 : vector<16xf32>
      %add3A_871 = vector.broadcast %squeeze3A_862 : f32 to vector<16xf32>
      %add3A_872 = arith.addf %get3A_102, %add3A_871 : vector<16xf32>
      %sub3A_873 = arith.subf %add3A_872, %add3A_870 : vector<16xf32>
      %le3A_874 = arith.constant 2.500000e-03 : f32
      %le3A_875 = vector.broadcast %le3A_874 : f32 to vector<16xf32>
      %le3A_876 = arith.cmpf ole, %sub3A_873, %le3A_875 : vector<16xf32>
      %add3A_877 = arith.constant 6.400000e+01 : f32
      %add3A_878 = vector.broadcast %add3A_877 : f32 to vector<16xf32>
      %add3A_879 = arith.addf %select_n3A_800, %add3A_878 : vector<16xf32>
      %select_n3A_880 = arith.select %le3A_876, %add3A_879, %select_n3A_800 : vector<16xi1>, vector<16xf32>
      %mul3A_881 = vector.broadcast %squeeze3A_856 : f32 to vector<16xf32>
      %mul3A_882 = arith.mulf %bitcast_convert_type3A_136, %mul3A_881 : vector<16xf32>
      %mul3A_883 = vector.broadcast %squeeze3A_858 : f32 to vector<16xf32>
      %mul3A_884 = arith.mulf %bitcast_convert_type3A_155, %mul3A_883 : vector<16xf32>
      %add3A_885 = arith.addf %mul3A_882, %mul3A_884 : vector<16xf32>
      %mul3A_886 = vector.broadcast %squeeze3A_860 : f32 to vector<16xf32>
      %mul3A_887 = arith.mulf %bitcast_convert_type3A_174, %mul3A_886 : vector<16xf32>
      %add3A_888 = arith.addf %add3A_885, %mul3A_887 : vector<16xf32>
      %add3A_889 = vector.broadcast %squeeze3A_862 : f32 to vector<16xf32>
      %add3A_890 = arith.addf %get3A_176, %add3A_889 : vector<16xf32>
      %sub3A_891 = arith.subf %add3A_890, %add3A_888 : vector<16xf32>
      %le3A_892 = arith.constant 2.500000e-03 : f32
      %le3A_893 = vector.broadcast %le3A_892 : f32 to vector<16xf32>
      %le3A_894 = arith.cmpf ole, %sub3A_891, %le3A_893 : vector<16xf32>
      %add3A_895 = arith.constant 6.400000e+01 : f32
      %add3A_896 = vector.broadcast %add3A_895 : f32 to vector<16xf32>
      %add3A_897 = arith.addf %select_n3A_818, %add3A_896 : vector<16xf32>
      %select_n3A_898 = arith.select %le3A_894, %add3A_897, %select_n3A_818 : vector<16xi1>, vector<16xf32>
      %mul3A_899 = vector.broadcast %squeeze3A_856 : f32 to vector<16xf32>
      %mul3A_900 = arith.mulf %bitcast_convert_type3A_210, %mul3A_899 : vector<16xf32>
      %mul3A_901 = vector.broadcast %squeeze3A_858 : f32 to vector<16xf32>
      %mul3A_902 = arith.mulf %bitcast_convert_type3A_229, %mul3A_901 : vector<16xf32>
      %add3A_903 = arith.addf %mul3A_900, %mul3A_902 : vector<16xf32>
      %mul3A_904 = vector.broadcast %squeeze3A_860 : f32 to vector<16xf32>
      %mul3A_905 = arith.mulf %bitcast_convert_type3A_248, %mul3A_904 : vector<16xf32>
      %add3A_906 = arith.addf %add3A_903, %mul3A_905 : vector<16xf32>
      %add3A_907 = vector.broadcast %squeeze3A_862 : f32 to vector<16xf32>
      %add3A_908 = arith.addf %get3A_250, %add3A_907 : vector<16xf32>
      %sub3A_909 = arith.subf %add3A_908, %add3A_906 : vector<16xf32>
      %le3A_910 = arith.constant 2.500000e-03 : f32
      %le3A_911 = vector.broadcast %le3A_910 : f32 to vector<16xf32>
      %le3A_912 = arith.cmpf ole, %sub3A_909, %le3A_911 : vector<16xf32>
      %add3A_913 = arith.constant 6.400000e+01 : f32
      %add3A_914 = vector.broadcast %add3A_913 : f32 to vector<16xf32>
      %add3A_915 = arith.addf %select_n3A_836, %add3A_914 : vector<16xf32>
      %select_n3A_916 = arith.select %le3A_912, %add3A_915, %select_n3A_836 : vector<16xi1>, vector<16xf32>
      %mul3A_917 = vector.broadcast %squeeze3A_856 : f32 to vector<16xf32>
      %mul3A_918 = arith.mulf %bitcast_convert_type3A_284, %mul3A_917 : vector<16xf32>
      %mul3A_919 = vector.broadcast %squeeze3A_858 : f32 to vector<16xf32>
      %mul3A_920 = arith.mulf %bitcast_convert_type3A_303, %mul3A_919 : vector<16xf32>
      %add3A_921 = arith.addf %mul3A_918, %mul3A_920 : vector<16xf32>
      %mul3A_922 = vector.broadcast %squeeze3A_860 : f32 to vector<16xf32>
      %mul3A_923 = arith.mulf %bitcast_convert_type3A_322, %mul3A_922 : vector<16xf32>
      %add3A_924 = arith.addf %add3A_921, %mul3A_923 : vector<16xf32>
      %add3A_925 = vector.broadcast %squeeze3A_862 : f32 to vector<16xf32>
      %add3A_926 = arith.addf %get3A_324, %add3A_925 : vector<16xf32>
      %sub3A_927 = arith.subf %add3A_926, %add3A_924 : vector<16xf32>
      %le3A_928 = arith.constant 2.500000e-03 : f32
      %le3A_929 = vector.broadcast %le3A_928 : f32 to vector<16xf32>
      %le3A_930 = arith.cmpf ole, %sub3A_927, %le3A_929 : vector<16xf32>
      %add3A_931 = arith.constant 6.400000e+01 : f32
      %add3A_932 = vector.broadcast %add3A_931 : f32 to vector<16xf32>
      %add3A_933 = arith.addf %select_n3A_854, %add3A_932 : vector<16xf32>
      %select_n3A_934 = arith.select %le3A_930, %add3A_933, %select_n3A_854 : vector<16xi1>, vector<16xf32>
      %slice3A_935 = vector.extract_strided_slice %get3A_348 {offsets = [7], sizes = [1], strides = [1]} : vector<16xf32> to vector<1xf32>
      %squeeze3A_936 = vector.extract %slice3A_935[0] : f32 from vector<1xf32>
      %slice3A_937 = vector.extract_strided_slice %get3A_354 {offsets = [7], sizes = [1], strides = [1]} : vector<16xf32> to vector<1xf32>
      %squeeze3A_938 = vector.extract %slice3A_937[0] : f32 from vector<1xf32>
      %slice3A_939 = vector.extract_strided_slice %get3A_360 {offsets = [7], sizes = [1], strides = [1]} : vector<16xf32> to vector<1xf32>
      %squeeze3A_940 = vector.extract %slice3A_939[0] : f32 from vector<1xf32>
      %slice3A_941 = vector.extract_strided_slice %get3A_366 {offsets = [7], sizes = [1], strides = [1]} : vector<16xf32> to vector<1xf32>
      %squeeze3A_942 = vector.extract %slice3A_941[0] : f32 from vector<1xf32>
      %mul3A_943 = vector.broadcast %squeeze3A_936 : f32 to vector<16xf32>
      %mul3A_944 = arith.mulf %bitcast_convert_type3A_62, %mul3A_943 : vector<16xf32>
      %mul3A_945 = vector.broadcast %squeeze3A_938 : f32 to vector<16xf32>
      %mul3A_946 = arith.mulf %bitcast_convert_type3A_81, %mul3A_945 : vector<16xf32>
      %add3A_947 = arith.addf %mul3A_944, %mul3A_946 : vector<16xf32>
      %mul3A_948 = vector.broadcast %squeeze3A_940 : f32 to vector<16xf32>
      %mul3A_949 = arith.mulf %bitcast_convert_type3A_100, %mul3A_948 : vector<16xf32>
      %add3A_950 = arith.addf %add3A_947, %mul3A_949 : vector<16xf32>
      %add3A_951 = vector.broadcast %squeeze3A_942 : f32 to vector<16xf32>
      %add3A_952 = arith.addf %get3A_102, %add3A_951 : vector<16xf32>
      %sub3A_953 = arith.subf %add3A_952, %add3A_950 : vector<16xf32>
      %le3A_954 = arith.constant 2.500000e-03 : f32
      %le3A_955 = vector.broadcast %le3A_954 : f32 to vector<16xf32>
      %le3A_956 = arith.cmpf ole, %sub3A_953, %le3A_955 : vector<16xf32>
      %add3A_957 = arith.constant 1.280000e+02 : f32
      %add3A_958 = vector.broadcast %add3A_957 : f32 to vector<16xf32>
      %add3A_959 = arith.addf %select_n3A_880, %add3A_958 : vector<16xf32>
      %select_n3A_960 = arith.select %le3A_956, %add3A_959, %select_n3A_880 : vector<16xi1>, vector<16xf32>
      %mul3A_961 = vector.broadcast %squeeze3A_936 : f32 to vector<16xf32>
      %mul3A_962 = arith.mulf %bitcast_convert_type3A_136, %mul3A_961 : vector<16xf32>
      %mul3A_963 = vector.broadcast %squeeze3A_938 : f32 to vector<16xf32>
      %mul3A_964 = arith.mulf %bitcast_convert_type3A_155, %mul3A_963 : vector<16xf32>
      %add3A_965 = arith.addf %mul3A_962, %mul3A_964 : vector<16xf32>
      %mul3A_966 = vector.broadcast %squeeze3A_940 : f32 to vector<16xf32>
      %mul3A_967 = arith.mulf %bitcast_convert_type3A_174, %mul3A_966 : vector<16xf32>
      %add3A_968 = arith.addf %add3A_965, %mul3A_967 : vector<16xf32>
      %add3A_969 = vector.broadcast %squeeze3A_942 : f32 to vector<16xf32>
      %add3A_970 = arith.addf %get3A_176, %add3A_969 : vector<16xf32>
      %sub3A_971 = arith.subf %add3A_970, %add3A_968 : vector<16xf32>
      %le3A_972 = arith.constant 2.500000e-03 : f32
      %le3A_973 = vector.broadcast %le3A_972 : f32 to vector<16xf32>
      %le3A_974 = arith.cmpf ole, %sub3A_971, %le3A_973 : vector<16xf32>
      %add3A_975 = arith.constant 1.280000e+02 : f32
      %add3A_976 = vector.broadcast %add3A_975 : f32 to vector<16xf32>
      %add3A_977 = arith.addf %select_n3A_898, %add3A_976 : vector<16xf32>
      %select_n3A_978 = arith.select %le3A_974, %add3A_977, %select_n3A_898 : vector<16xi1>, vector<16xf32>
      %mul3A_979 = vector.broadcast %squeeze3A_936 : f32 to vector<16xf32>
      %mul3A_980 = arith.mulf %bitcast_convert_type3A_210, %mul3A_979 : vector<16xf32>
      %mul3A_981 = vector.broadcast %squeeze3A_938 : f32 to vector<16xf32>
      %mul3A_982 = arith.mulf %bitcast_convert_type3A_229, %mul3A_981 : vector<16xf32>
      %add3A_983 = arith.addf %mul3A_980, %mul3A_982 : vector<16xf32>
      %mul3A_984 = vector.broadcast %squeeze3A_940 : f32 to vector<16xf32>
      %mul3A_985 = arith.mulf %bitcast_convert_type3A_248, %mul3A_984 : vector<16xf32>
      %add3A_986 = arith.addf %add3A_983, %mul3A_985 : vector<16xf32>
      %add3A_987 = vector.broadcast %squeeze3A_942 : f32 to vector<16xf32>
      %add3A_988 = arith.addf %get3A_250, %add3A_987 : vector<16xf32>
      %sub3A_989 = arith.subf %add3A_988, %add3A_986 : vector<16xf32>
      %le3A_990 = arith.constant 2.500000e-03 : f32
      %le3A_991 = vector.broadcast %le3A_990 : f32 to vector<16xf32>
      %le3A_992 = arith.cmpf ole, %sub3A_989, %le3A_991 : vector<16xf32>
      %add3A_993 = arith.constant 1.280000e+02 : f32
      %add3A_994 = vector.broadcast %add3A_993 : f32 to vector<16xf32>
      %add3A_995 = arith.addf %select_n3A_916, %add3A_994 : vector<16xf32>
      %select_n3A_996 = arith.select %le3A_992, %add3A_995, %select_n3A_916 : vector<16xi1>, vector<16xf32>
      %mul3A_997 = vector.broadcast %squeeze3A_936 : f32 to vector<16xf32>
      %mul3A_998 = arith.mulf %bitcast_convert_type3A_284, %mul3A_997 : vector<16xf32>
      %mul3A_999 = vector.broadcast %squeeze3A_938 : f32 to vector<16xf32>
      %mul3A_1000 = arith.mulf %bitcast_convert_type3A_303, %mul3A_999 : vector<16xf32>
      %add3A_1001 = arith.addf %mul3A_998, %mul3A_1000 : vector<16xf32>
      %mul3A_1002 = vector.broadcast %squeeze3A_940 : f32 to vector<16xf32>
      %mul3A_1003 = arith.mulf %bitcast_convert_type3A_322, %mul3A_1002 : vector<16xf32>
      %add3A_1004 = arith.addf %add3A_1001, %mul3A_1003 : vector<16xf32>
      %add3A_1005 = vector.broadcast %squeeze3A_942 : f32 to vector<16xf32>
      %add3A_1006 = arith.addf %get3A_324, %add3A_1005 : vector<16xf32>
      %sub3A_1007 = arith.subf %add3A_1006, %add3A_1004 : vector<16xf32>
      %le3A_1008 = arith.constant 2.500000e-03 : f32
      %le3A_1009 = vector.broadcast %le3A_1008 : f32 to vector<16xf32>
      %le3A_1010 = arith.cmpf ole, %sub3A_1007, %le3A_1009 : vector<16xf32>
      %add3A_1011 = arith.constant 1.280000e+02 : f32
      %add3A_1012 = vector.broadcast %add3A_1011 : f32 to vector<16xf32>
      %add3A_1013 = arith.addf %select_n3A_934, %add3A_1012 : vector<16xf32>
      %select_n3A_1014 = arith.select %le3A_1010, %add3A_1013, %select_n3A_934 : vector<16xi1>, vector<16xf32>
      %slice3A_1015 = vector.extract_strided_slice %get3A_348 {offsets = [8], sizes = [1], strides = [1]} : vector<16xf32> to vector<1xf32>
      %squeeze3A_1016 = vector.extract %slice3A_1015[0] : f32 from vector<1xf32>
      %slice3A_1017 = vector.extract_strided_slice %get3A_354 {offsets = [8], sizes = [1], strides = [1]} : vector<16xf32> to vector<1xf32>
      %squeeze3A_1018 = vector.extract %slice3A_1017[0] : f32 from vector<1xf32>
      %slice3A_1019 = vector.extract_strided_slice %get3A_360 {offsets = [8], sizes = [1], strides = [1]} : vector<16xf32> to vector<1xf32>
      %squeeze3A_1020 = vector.extract %slice3A_1019[0] : f32 from vector<1xf32>
      %slice3A_1021 = vector.extract_strided_slice %get3A_366 {offsets = [8], sizes = [1], strides = [1]} : vector<16xf32> to vector<1xf32>
      %squeeze3A_1022 = vector.extract %slice3A_1021[0] : f32 from vector<1xf32>
      %mul3A_1023 = vector.broadcast %squeeze3A_1016 : f32 to vector<16xf32>
      %mul3A_1024 = arith.mulf %bitcast_convert_type3A_62, %mul3A_1023 : vector<16xf32>
      %mul3A_1025 = vector.broadcast %squeeze3A_1018 : f32 to vector<16xf32>
      %mul3A_1026 = arith.mulf %bitcast_convert_type3A_81, %mul3A_1025 : vector<16xf32>
      %add3A_1027 = arith.addf %mul3A_1024, %mul3A_1026 : vector<16xf32>
      %mul3A_1028 = vector.broadcast %squeeze3A_1020 : f32 to vector<16xf32>
      %mul3A_1029 = arith.mulf %bitcast_convert_type3A_100, %mul3A_1028 : vector<16xf32>
      %add3A_1030 = arith.addf %add3A_1027, %mul3A_1029 : vector<16xf32>
      %add3A_1031 = vector.broadcast %squeeze3A_1022 : f32 to vector<16xf32>
      %add3A_1032 = arith.addf %get3A_102, %add3A_1031 : vector<16xf32>
      %sub3A_1033 = arith.subf %add3A_1032, %add3A_1030 : vector<16xf32>
      %le3A_1034 = arith.constant 2.500000e-03 : f32
      %le3A_1035 = vector.broadcast %le3A_1034 : f32 to vector<16xf32>
      %le3A_1036 = arith.cmpf ole, %sub3A_1033, %le3A_1035 : vector<16xf32>
      %add3A_1037 = arith.constant 2.560000e+02 : f32
      %add3A_1038 = vector.broadcast %add3A_1037 : f32 to vector<16xf32>
      %add3A_1039 = arith.addf %select_n3A_960, %add3A_1038 : vector<16xf32>
      %select_n3A_1040 = arith.select %le3A_1036, %add3A_1039, %select_n3A_960 : vector<16xi1>, vector<16xf32>
      %mul3A_1041 = vector.broadcast %squeeze3A_1016 : f32 to vector<16xf32>
      %mul3A_1042 = arith.mulf %bitcast_convert_type3A_136, %mul3A_1041 : vector<16xf32>
      %mul3A_1043 = vector.broadcast %squeeze3A_1018 : f32 to vector<16xf32>
      %mul3A_1044 = arith.mulf %bitcast_convert_type3A_155, %mul3A_1043 : vector<16xf32>
      %add3A_1045 = arith.addf %mul3A_1042, %mul3A_1044 : vector<16xf32>
      %mul3A_1046 = vector.broadcast %squeeze3A_1020 : f32 to vector<16xf32>
      %mul3A_1047 = arith.mulf %bitcast_convert_type3A_174, %mul3A_1046 : vector<16xf32>
      %add3A_1048 = arith.addf %add3A_1045, %mul3A_1047 : vector<16xf32>
      %add3A_1049 = vector.broadcast %squeeze3A_1022 : f32 to vector<16xf32>
      %add3A_1050 = arith.addf %get3A_176, %add3A_1049 : vector<16xf32>
      %sub3A_1051 = arith.subf %add3A_1050, %add3A_1048 : vector<16xf32>
      %le3A_1052 = arith.constant 2.500000e-03 : f32
      %le3A_1053 = vector.broadcast %le3A_1052 : f32 to vector<16xf32>
      %le3A_1054 = arith.cmpf ole, %sub3A_1051, %le3A_1053 : vector<16xf32>
      %add3A_1055 = arith.constant 2.560000e+02 : f32
      %add3A_1056 = vector.broadcast %add3A_1055 : f32 to vector<16xf32>
      %add3A_1057 = arith.addf %select_n3A_978, %add3A_1056 : vector<16xf32>
      %select_n3A_1058 = arith.select %le3A_1054, %add3A_1057, %select_n3A_978 : vector<16xi1>, vector<16xf32>
      %mul3A_1059 = vector.broadcast %squeeze3A_1016 : f32 to vector<16xf32>
      %mul3A_1060 = arith.mulf %bitcast_convert_type3A_210, %mul3A_1059 : vector<16xf32>
      %mul3A_1061 = vector.broadcast %squeeze3A_1018 : f32 to vector<16xf32>
      %mul3A_1062 = arith.mulf %bitcast_convert_type3A_229, %mul3A_1061 : vector<16xf32>
      %add3A_1063 = arith.addf %mul3A_1060, %mul3A_1062 : vector<16xf32>
      %mul3A_1064 = vector.broadcast %squeeze3A_1020 : f32 to vector<16xf32>
      %mul3A_1065 = arith.mulf %bitcast_convert_type3A_248, %mul3A_1064 : vector<16xf32>
      %add3A_1066 = arith.addf %add3A_1063, %mul3A_1065 : vector<16xf32>
      %add3A_1067 = vector.broadcast %squeeze3A_1022 : f32 to vector<16xf32>
      %add3A_1068 = arith.addf %get3A_250, %add3A_1067 : vector<16xf32>
      %sub3A_1069 = arith.subf %add3A_1068, %add3A_1066 : vector<16xf32>
      %le3A_1070 = arith.constant 2.500000e-03 : f32
      %le3A_1071 = vector.broadcast %le3A_1070 : f32 to vector<16xf32>
      %le3A_1072 = arith.cmpf ole, %sub3A_1069, %le3A_1071 : vector<16xf32>
      %add3A_1073 = arith.constant 2.560000e+02 : f32
      %add3A_1074 = vector.broadcast %add3A_1073 : f32 to vector<16xf32>
      %add3A_1075 = arith.addf %select_n3A_996, %add3A_1074 : vector<16xf32>
      %select_n3A_1076 = arith.select %le3A_1072, %add3A_1075, %select_n3A_996 : vector<16xi1>, vector<16xf32>
      %mul3A_1077 = vector.broadcast %squeeze3A_1016 : f32 to vector<16xf32>
      %mul3A_1078 = arith.mulf %bitcast_convert_type3A_284, %mul3A_1077 : vector<16xf32>
      %mul3A_1079 = vector.broadcast %squeeze3A_1018 : f32 to vector<16xf32>
      %mul3A_1080 = arith.mulf %bitcast_convert_type3A_303, %mul3A_1079 : vector<16xf32>
      %add3A_1081 = arith.addf %mul3A_1078, %mul3A_1080 : vector<16xf32>
      %mul3A_1082 = vector.broadcast %squeeze3A_1020 : f32 to vector<16xf32>
      %mul3A_1083 = arith.mulf %bitcast_convert_type3A_322, %mul3A_1082 : vector<16xf32>
      %add3A_1084 = arith.addf %add3A_1081, %mul3A_1083 : vector<16xf32>
      %add3A_1085 = vector.broadcast %squeeze3A_1022 : f32 to vector<16xf32>
      %add3A_1086 = arith.addf %get3A_324, %add3A_1085 : vector<16xf32>
      %sub3A_1087 = arith.subf %add3A_1086, %add3A_1084 : vector<16xf32>
      %le3A_1088 = arith.constant 2.500000e-03 : f32
      %le3A_1089 = vector.broadcast %le3A_1088 : f32 to vector<16xf32>
      %le3A_1090 = arith.cmpf ole, %sub3A_1087, %le3A_1089 : vector<16xf32>
      %add3A_1091 = arith.constant 2.560000e+02 : f32
      %add3A_1092 = vector.broadcast %add3A_1091 : f32 to vector<16xf32>
      %add3A_1093 = arith.addf %select_n3A_1014, %add3A_1092 : vector<16xf32>
      %select_n3A_1094 = arith.select %le3A_1090, %add3A_1093, %select_n3A_1014 : vector<16xi1>, vector<16xf32>
      %slice3A_1095 = vector.extract_strided_slice %get3A_348 {offsets = [9], sizes = [1], strides = [1]} : vector<16xf32> to vector<1xf32>
      %squeeze3A_1096 = vector.extract %slice3A_1095[0] : f32 from vector<1xf32>
      %slice3A_1097 = vector.extract_strided_slice %get3A_354 {offsets = [9], sizes = [1], strides = [1]} : vector<16xf32> to vector<1xf32>
      %squeeze3A_1098 = vector.extract %slice3A_1097[0] : f32 from vector<1xf32>
      %slice3A_1099 = vector.extract_strided_slice %get3A_360 {offsets = [9], sizes = [1], strides = [1]} : vector<16xf32> to vector<1xf32>
      %squeeze3A_1100 = vector.extract %slice3A_1099[0] : f32 from vector<1xf32>
      %slice3A_1101 = vector.extract_strided_slice %get3A_366 {offsets = [9], sizes = [1], strides = [1]} : vector<16xf32> to vector<1xf32>
      %squeeze3A_1102 = vector.extract %slice3A_1101[0] : f32 from vector<1xf32>
      %mul3A_1103 = vector.broadcast %squeeze3A_1096 : f32 to vector<16xf32>
      %mul3A_1104 = arith.mulf %bitcast_convert_type3A_62, %mul3A_1103 : vector<16xf32>
      %mul3A_1105 = vector.broadcast %squeeze3A_1098 : f32 to vector<16xf32>
      %mul3A_1106 = arith.mulf %bitcast_convert_type3A_81, %mul3A_1105 : vector<16xf32>
      %add3A_1107 = arith.addf %mul3A_1104, %mul3A_1106 : vector<16xf32>
      %mul3A_1108 = vector.broadcast %squeeze3A_1100 : f32 to vector<16xf32>
      %mul3A_1109 = arith.mulf %bitcast_convert_type3A_100, %mul3A_1108 : vector<16xf32>
      %add3A_1110 = arith.addf %add3A_1107, %mul3A_1109 : vector<16xf32>
      %add3A_1111 = vector.broadcast %squeeze3A_1102 : f32 to vector<16xf32>
      %add3A_1112 = arith.addf %get3A_102, %add3A_1111 : vector<16xf32>
      %sub3A_1113 = arith.subf %add3A_1112, %add3A_1110 : vector<16xf32>
      %le3A_1114 = arith.constant 2.500000e-03 : f32
      %le3A_1115 = vector.broadcast %le3A_1114 : f32 to vector<16xf32>
      %le3A_1116 = arith.cmpf ole, %sub3A_1113, %le3A_1115 : vector<16xf32>
      %add3A_1117 = arith.constant 5.120000e+02 : f32
      %add3A_1118 = vector.broadcast %add3A_1117 : f32 to vector<16xf32>
      %add3A_1119 = arith.addf %select_n3A_1040, %add3A_1118 : vector<16xf32>
      %select_n3A_1120 = arith.select %le3A_1116, %add3A_1119, %select_n3A_1040 : vector<16xi1>, vector<16xf32>
      %mul3A_1121 = vector.broadcast %squeeze3A_1096 : f32 to vector<16xf32>
      %mul3A_1122 = arith.mulf %bitcast_convert_type3A_136, %mul3A_1121 : vector<16xf32>
      %mul3A_1123 = vector.broadcast %squeeze3A_1098 : f32 to vector<16xf32>
      %mul3A_1124 = arith.mulf %bitcast_convert_type3A_155, %mul3A_1123 : vector<16xf32>
      %add3A_1125 = arith.addf %mul3A_1122, %mul3A_1124 : vector<16xf32>
      %mul3A_1126 = vector.broadcast %squeeze3A_1100 : f32 to vector<16xf32>
      %mul3A_1127 = arith.mulf %bitcast_convert_type3A_174, %mul3A_1126 : vector<16xf32>
      %add3A_1128 = arith.addf %add3A_1125, %mul3A_1127 : vector<16xf32>
      %add3A_1129 = vector.broadcast %squeeze3A_1102 : f32 to vector<16xf32>
      %add3A_1130 = arith.addf %get3A_176, %add3A_1129 : vector<16xf32>
      %sub3A_1131 = arith.subf %add3A_1130, %add3A_1128 : vector<16xf32>
      %le3A_1132 = arith.constant 2.500000e-03 : f32
      %le3A_1133 = vector.broadcast %le3A_1132 : f32 to vector<16xf32>
      %le3A_1134 = arith.cmpf ole, %sub3A_1131, %le3A_1133 : vector<16xf32>
      %add3A_1135 = arith.constant 5.120000e+02 : f32
      %add3A_1136 = vector.broadcast %add3A_1135 : f32 to vector<16xf32>
      %add3A_1137 = arith.addf %select_n3A_1058, %add3A_1136 : vector<16xf32>
      %select_n3A_1138 = arith.select %le3A_1134, %add3A_1137, %select_n3A_1058 : vector<16xi1>, vector<16xf32>
      %mul3A_1139 = vector.broadcast %squeeze3A_1096 : f32 to vector<16xf32>
      %mul3A_1140 = arith.mulf %bitcast_convert_type3A_210, %mul3A_1139 : vector<16xf32>
      %mul3A_1141 = vector.broadcast %squeeze3A_1098 : f32 to vector<16xf32>
      %mul3A_1142 = arith.mulf %bitcast_convert_type3A_229, %mul3A_1141 : vector<16xf32>
      %add3A_1143 = arith.addf %mul3A_1140, %mul3A_1142 : vector<16xf32>
      %mul3A_1144 = vector.broadcast %squeeze3A_1100 : f32 to vector<16xf32>
      %mul3A_1145 = arith.mulf %bitcast_convert_type3A_248, %mul3A_1144 : vector<16xf32>
      %add3A_1146 = arith.addf %add3A_1143, %mul3A_1145 : vector<16xf32>
      %add3A_1147 = vector.broadcast %squeeze3A_1102 : f32 to vector<16xf32>
      %add3A_1148 = arith.addf %get3A_250, %add3A_1147 : vector<16xf32>
      %sub3A_1149 = arith.subf %add3A_1148, %add3A_1146 : vector<16xf32>
      %le3A_1150 = arith.constant 2.500000e-03 : f32
      %le3A_1151 = vector.broadcast %le3A_1150 : f32 to vector<16xf32>
      %le3A_1152 = arith.cmpf ole, %sub3A_1149, %le3A_1151 : vector<16xf32>
      %add3A_1153 = arith.constant 5.120000e+02 : f32
      %add3A_1154 = vector.broadcast %add3A_1153 : f32 to vector<16xf32>
      %add3A_1155 = arith.addf %select_n3A_1076, %add3A_1154 : vector<16xf32>
      %select_n3A_1156 = arith.select %le3A_1152, %add3A_1155, %select_n3A_1076 : vector<16xi1>, vector<16xf32>
      %mul3A_1157 = vector.broadcast %squeeze3A_1096 : f32 to vector<16xf32>
      %mul3A_1158 = arith.mulf %bitcast_convert_type3A_284, %mul3A_1157 : vector<16xf32>
      %mul3A_1159 = vector.broadcast %squeeze3A_1098 : f32 to vector<16xf32>
      %mul3A_1160 = arith.mulf %bitcast_convert_type3A_303, %mul3A_1159 : vector<16xf32>
      %add3A_1161 = arith.addf %mul3A_1158, %mul3A_1160 : vector<16xf32>
      %mul3A_1162 = vector.broadcast %squeeze3A_1100 : f32 to vector<16xf32>
      %mul3A_1163 = arith.mulf %bitcast_convert_type3A_322, %mul3A_1162 : vector<16xf32>
      %add3A_1164 = arith.addf %add3A_1161, %mul3A_1163 : vector<16xf32>
      %add3A_1165 = vector.broadcast %squeeze3A_1102 : f32 to vector<16xf32>
      %add3A_1166 = arith.addf %get3A_324, %add3A_1165 : vector<16xf32>
      %sub3A_1167 = arith.subf %add3A_1166, %add3A_1164 : vector<16xf32>
      %le3A_1168 = arith.constant 2.500000e-03 : f32
      %le3A_1169 = vector.broadcast %le3A_1168 : f32 to vector<16xf32>
      %le3A_1170 = arith.cmpf ole, %sub3A_1167, %le3A_1169 : vector<16xf32>
      %add3A_1171 = arith.constant 5.120000e+02 : f32
      %add3A_1172 = vector.broadcast %add3A_1171 : f32 to vector<16xf32>
      %add3A_1173 = arith.addf %select_n3A_1094, %add3A_1172 : vector<16xf32>
      %select_n3A_1174 = arith.select %le3A_1170, %add3A_1173, %select_n3A_1094 : vector<16xi1>, vector<16xf32>
      %slice3A_1175 = vector.extract_strided_slice %get3A_348 {offsets = [10], sizes = [1], strides = [1]} : vector<16xf32> to vector<1xf32>
      %squeeze3A_1176 = vector.extract %slice3A_1175[0] : f32 from vector<1xf32>
      %slice3A_1177 = vector.extract_strided_slice %get3A_354 {offsets = [10], sizes = [1], strides = [1]} : vector<16xf32> to vector<1xf32>
      %squeeze3A_1178 = vector.extract %slice3A_1177[0] : f32 from vector<1xf32>
      %slice3A_1179 = vector.extract_strided_slice %get3A_360 {offsets = [10], sizes = [1], strides = [1]} : vector<16xf32> to vector<1xf32>
      %squeeze3A_1180 = vector.extract %slice3A_1179[0] : f32 from vector<1xf32>
      %slice3A_1181 = vector.extract_strided_slice %get3A_366 {offsets = [10], sizes = [1], strides = [1]} : vector<16xf32> to vector<1xf32>
      %squeeze3A_1182 = vector.extract %slice3A_1181[0] : f32 from vector<1xf32>
      %mul3A_1183 = vector.broadcast %squeeze3A_1176 : f32 to vector<16xf32>
      %mul3A_1184 = arith.mulf %bitcast_convert_type3A_62, %mul3A_1183 : vector<16xf32>
      %mul3A_1185 = vector.broadcast %squeeze3A_1178 : f32 to vector<16xf32>
      %mul3A_1186 = arith.mulf %bitcast_convert_type3A_81, %mul3A_1185 : vector<16xf32>
      %add3A_1187 = arith.addf %mul3A_1184, %mul3A_1186 : vector<16xf32>
      %mul3A_1188 = vector.broadcast %squeeze3A_1180 : f32 to vector<16xf32>
      %mul3A_1189 = arith.mulf %bitcast_convert_type3A_100, %mul3A_1188 : vector<16xf32>
      %add3A_1190 = arith.addf %add3A_1187, %mul3A_1189 : vector<16xf32>
      %add3A_1191 = vector.broadcast %squeeze3A_1182 : f32 to vector<16xf32>
      %add3A_1192 = arith.addf %get3A_102, %add3A_1191 : vector<16xf32>
      %sub3A_1193 = arith.subf %add3A_1192, %add3A_1190 : vector<16xf32>
      %le3A_1194 = arith.constant 2.500000e-03 : f32
      %le3A_1195 = vector.broadcast %le3A_1194 : f32 to vector<16xf32>
      %le3A_1196 = arith.cmpf ole, %sub3A_1193, %le3A_1195 : vector<16xf32>
      %add3A_1197 = arith.constant 1.024000e+03 : f32
      %add3A_1198 = vector.broadcast %add3A_1197 : f32 to vector<16xf32>
      %add3A_1199 = arith.addf %select_n3A_1120, %add3A_1198 : vector<16xf32>
      %select_n3A_1200 = arith.select %le3A_1196, %add3A_1199, %select_n3A_1120 : vector<16xi1>, vector<16xf32>
      %mul3A_1201 = vector.broadcast %squeeze3A_1176 : f32 to vector<16xf32>
      %mul3A_1202 = arith.mulf %bitcast_convert_type3A_136, %mul3A_1201 : vector<16xf32>
      %mul3A_1203 = vector.broadcast %squeeze3A_1178 : f32 to vector<16xf32>
      %mul3A_1204 = arith.mulf %bitcast_convert_type3A_155, %mul3A_1203 : vector<16xf32>
      %add3A_1205 = arith.addf %mul3A_1202, %mul3A_1204 : vector<16xf32>
      %mul3A_1206 = vector.broadcast %squeeze3A_1180 : f32 to vector<16xf32>
      %mul3A_1207 = arith.mulf %bitcast_convert_type3A_174, %mul3A_1206 : vector<16xf32>
      %add3A_1208 = arith.addf %add3A_1205, %mul3A_1207 : vector<16xf32>
      %add3A_1209 = vector.broadcast %squeeze3A_1182 : f32 to vector<16xf32>
      %add3A_1210 = arith.addf %get3A_176, %add3A_1209 : vector<16xf32>
      %sub3A_1211 = arith.subf %add3A_1210, %add3A_1208 : vector<16xf32>
      %le3A_1212 = arith.constant 2.500000e-03 : f32
      %le3A_1213 = vector.broadcast %le3A_1212 : f32 to vector<16xf32>
      %le3A_1214 = arith.cmpf ole, %sub3A_1211, %le3A_1213 : vector<16xf32>
      %add3A_1215 = arith.constant 1.024000e+03 : f32
      %add3A_1216 = vector.broadcast %add3A_1215 : f32 to vector<16xf32>
      %add3A_1217 = arith.addf %select_n3A_1138, %add3A_1216 : vector<16xf32>
      %select_n3A_1218 = arith.select %le3A_1214, %add3A_1217, %select_n3A_1138 : vector<16xi1>, vector<16xf32>
      %mul3A_1219 = vector.broadcast %squeeze3A_1176 : f32 to vector<16xf32>
      %mul3A_1220 = arith.mulf %bitcast_convert_type3A_210, %mul3A_1219 : vector<16xf32>
      %mul3A_1221 = vector.broadcast %squeeze3A_1178 : f32 to vector<16xf32>
      %mul3A_1222 = arith.mulf %bitcast_convert_type3A_229, %mul3A_1221 : vector<16xf32>
      %add3A_1223 = arith.addf %mul3A_1220, %mul3A_1222 : vector<16xf32>
      %mul3A_1224 = vector.broadcast %squeeze3A_1180 : f32 to vector<16xf32>
      %mul3A_1225 = arith.mulf %bitcast_convert_type3A_248, %mul3A_1224 : vector<16xf32>
      %add3A_1226 = arith.addf %add3A_1223, %mul3A_1225 : vector<16xf32>
      %add3A_1227 = vector.broadcast %squeeze3A_1182 : f32 to vector<16xf32>
      %add3A_1228 = arith.addf %get3A_250, %add3A_1227 : vector<16xf32>
      %sub3A_1229 = arith.subf %add3A_1228, %add3A_1226 : vector<16xf32>
      %le3A_1230 = arith.constant 2.500000e-03 : f32
      %le3A_1231 = vector.broadcast %le3A_1230 : f32 to vector<16xf32>
      %le3A_1232 = arith.cmpf ole, %sub3A_1229, %le3A_1231 : vector<16xf32>
      %add3A_1233 = arith.constant 1.024000e+03 : f32
      %add3A_1234 = vector.broadcast %add3A_1233 : f32 to vector<16xf32>
      %add3A_1235 = arith.addf %select_n3A_1156, %add3A_1234 : vector<16xf32>
      %select_n3A_1236 = arith.select %le3A_1232, %add3A_1235, %select_n3A_1156 : vector<16xi1>, vector<16xf32>
      %mul3A_1237 = vector.broadcast %squeeze3A_1176 : f32 to vector<16xf32>
      %mul3A_1238 = arith.mulf %bitcast_convert_type3A_284, %mul3A_1237 : vector<16xf32>
      %mul3A_1239 = vector.broadcast %squeeze3A_1178 : f32 to vector<16xf32>
      %mul3A_1240 = arith.mulf %bitcast_convert_type3A_303, %mul3A_1239 : vector<16xf32>
      %add3A_1241 = arith.addf %mul3A_1238, %mul3A_1240 : vector<16xf32>
      %mul3A_1242 = vector.broadcast %squeeze3A_1180 : f32 to vector<16xf32>
      %mul3A_1243 = arith.mulf %bitcast_convert_type3A_322, %mul3A_1242 : vector<16xf32>
      %add3A_1244 = arith.addf %add3A_1241, %mul3A_1243 : vector<16xf32>
      %add3A_1245 = vector.broadcast %squeeze3A_1182 : f32 to vector<16xf32>
      %add3A_1246 = arith.addf %get3A_324, %add3A_1245 : vector<16xf32>
      %sub3A_1247 = arith.subf %add3A_1246, %add3A_1244 : vector<16xf32>
      %le3A_1248 = arith.constant 2.500000e-03 : f32
      %le3A_1249 = vector.broadcast %le3A_1248 : f32 to vector<16xf32>
      %le3A_1250 = arith.cmpf ole, %sub3A_1247, %le3A_1249 : vector<16xf32>
      %add3A_1251 = arith.constant 1.024000e+03 : f32
      %add3A_1252 = vector.broadcast %add3A_1251 : f32 to vector<16xf32>
      %add3A_1253 = arith.addf %select_n3A_1174, %add3A_1252 : vector<16xf32>
      %select_n3A_1254 = arith.select %le3A_1250, %add3A_1253, %select_n3A_1174 : vector<16xi1>, vector<16xf32>
      %slice3A_1255 = vector.extract_strided_slice %get3A_348 {offsets = [11], sizes = [1], strides = [1]} : vector<16xf32> to vector<1xf32>
      %squeeze3A_1256 = vector.extract %slice3A_1255[0] : f32 from vector<1xf32>
      %slice3A_1257 = vector.extract_strided_slice %get3A_354 {offsets = [11], sizes = [1], strides = [1]} : vector<16xf32> to vector<1xf32>
      %squeeze3A_1258 = vector.extract %slice3A_1257[0] : f32 from vector<1xf32>
      %slice3A_1259 = vector.extract_strided_slice %get3A_360 {offsets = [11], sizes = [1], strides = [1]} : vector<16xf32> to vector<1xf32>
      %squeeze3A_1260 = vector.extract %slice3A_1259[0] : f32 from vector<1xf32>
      %slice3A_1261 = vector.extract_strided_slice %get3A_366 {offsets = [11], sizes = [1], strides = [1]} : vector<16xf32> to vector<1xf32>
      %squeeze3A_1262 = vector.extract %slice3A_1261[0] : f32 from vector<1xf32>
      %mul3A_1263 = vector.broadcast %squeeze3A_1256 : f32 to vector<16xf32>
      %mul3A_1264 = arith.mulf %bitcast_convert_type3A_62, %mul3A_1263 : vector<16xf32>
      %mul3A_1265 = vector.broadcast %squeeze3A_1258 : f32 to vector<16xf32>
      %mul3A_1266 = arith.mulf %bitcast_convert_type3A_81, %mul3A_1265 : vector<16xf32>
      %add3A_1267 = arith.addf %mul3A_1264, %mul3A_1266 : vector<16xf32>
      %mul3A_1268 = vector.broadcast %squeeze3A_1260 : f32 to vector<16xf32>
      %mul3A_1269 = arith.mulf %bitcast_convert_type3A_100, %mul3A_1268 : vector<16xf32>
      %add3A_1270 = arith.addf %add3A_1267, %mul3A_1269 : vector<16xf32>
      %add3A_1271 = vector.broadcast %squeeze3A_1262 : f32 to vector<16xf32>
      %add3A_1272 = arith.addf %get3A_102, %add3A_1271 : vector<16xf32>
      %sub3A_1273 = arith.subf %add3A_1272, %add3A_1270 : vector<16xf32>
      %le3A_1274 = arith.constant 2.500000e-03 : f32
      %le3A_1275 = vector.broadcast %le3A_1274 : f32 to vector<16xf32>
      %le3A_1276 = arith.cmpf ole, %sub3A_1273, %le3A_1275 : vector<16xf32>
      %add3A_1277 = arith.constant 2.048000e+03 : f32
      %add3A_1278 = vector.broadcast %add3A_1277 : f32 to vector<16xf32>
      %add3A_1279 = arith.addf %select_n3A_1200, %add3A_1278 : vector<16xf32>
      %select_n3A_1280 = arith.select %le3A_1276, %add3A_1279, %select_n3A_1200 : vector<16xi1>, vector<16xf32>
      %mul3A_1281 = vector.broadcast %squeeze3A_1256 : f32 to vector<16xf32>
      %mul3A_1282 = arith.mulf %bitcast_convert_type3A_136, %mul3A_1281 : vector<16xf32>
      %mul3A_1283 = vector.broadcast %squeeze3A_1258 : f32 to vector<16xf32>
      %mul3A_1284 = arith.mulf %bitcast_convert_type3A_155, %mul3A_1283 : vector<16xf32>
      %add3A_1285 = arith.addf %mul3A_1282, %mul3A_1284 : vector<16xf32>
      %mul3A_1286 = vector.broadcast %squeeze3A_1260 : f32 to vector<16xf32>
      %mul3A_1287 = arith.mulf %bitcast_convert_type3A_174, %mul3A_1286 : vector<16xf32>
      %add3A_1288 = arith.addf %add3A_1285, %mul3A_1287 : vector<16xf32>
      %add3A_1289 = vector.broadcast %squeeze3A_1262 : f32 to vector<16xf32>
      %add3A_1290 = arith.addf %get3A_176, %add3A_1289 : vector<16xf32>
      %sub3A_1291 = arith.subf %add3A_1290, %add3A_1288 : vector<16xf32>
      %le3A_1292 = arith.constant 2.500000e-03 : f32
      %le3A_1293 = vector.broadcast %le3A_1292 : f32 to vector<16xf32>
      %le3A_1294 = arith.cmpf ole, %sub3A_1291, %le3A_1293 : vector<16xf32>
      %add3A_1295 = arith.constant 2.048000e+03 : f32
      %add3A_1296 = vector.broadcast %add3A_1295 : f32 to vector<16xf32>
      %add3A_1297 = arith.addf %select_n3A_1218, %add3A_1296 : vector<16xf32>
      %select_n3A_1298 = arith.select %le3A_1294, %add3A_1297, %select_n3A_1218 : vector<16xi1>, vector<16xf32>
      %mul3A_1299 = vector.broadcast %squeeze3A_1256 : f32 to vector<16xf32>
      %mul3A_1300 = arith.mulf %bitcast_convert_type3A_210, %mul3A_1299 : vector<16xf32>
      %mul3A_1301 = vector.broadcast %squeeze3A_1258 : f32 to vector<16xf32>
      %mul3A_1302 = arith.mulf %bitcast_convert_type3A_229, %mul3A_1301 : vector<16xf32>
      %add3A_1303 = arith.addf %mul3A_1300, %mul3A_1302 : vector<16xf32>
      %mul3A_1304 = vector.broadcast %squeeze3A_1260 : f32 to vector<16xf32>
      %mul3A_1305 = arith.mulf %bitcast_convert_type3A_248, %mul3A_1304 : vector<16xf32>
      %add3A_1306 = arith.addf %add3A_1303, %mul3A_1305 : vector<16xf32>
      %add3A_1307 = vector.broadcast %squeeze3A_1262 : f32 to vector<16xf32>
      %add3A_1308 = arith.addf %get3A_250, %add3A_1307 : vector<16xf32>
      %sub3A_1309 = arith.subf %add3A_1308, %add3A_1306 : vector<16xf32>
      %le3A_1310 = arith.constant 2.500000e-03 : f32
      %le3A_1311 = vector.broadcast %le3A_1310 : f32 to vector<16xf32>
      %le3A_1312 = arith.cmpf ole, %sub3A_1309, %le3A_1311 : vector<16xf32>
      %add3A_1313 = arith.constant 2.048000e+03 : f32
      %add3A_1314 = vector.broadcast %add3A_1313 : f32 to vector<16xf32>
      %add3A_1315 = arith.addf %select_n3A_1236, %add3A_1314 : vector<16xf32>
      %select_n3A_1316 = arith.select %le3A_1312, %add3A_1315, %select_n3A_1236 : vector<16xi1>, vector<16xf32>
      %mul3A_1317 = vector.broadcast %squeeze3A_1256 : f32 to vector<16xf32>
      %mul3A_1318 = arith.mulf %bitcast_convert_type3A_284, %mul3A_1317 : vector<16xf32>
      %mul3A_1319 = vector.broadcast %squeeze3A_1258 : f32 to vector<16xf32>
      %mul3A_1320 = arith.mulf %bitcast_convert_type3A_303, %mul3A_1319 : vector<16xf32>
      %add3A_1321 = arith.addf %mul3A_1318, %mul3A_1320 : vector<16xf32>
      %mul3A_1322 = vector.broadcast %squeeze3A_1260 : f32 to vector<16xf32>
      %mul3A_1323 = arith.mulf %bitcast_convert_type3A_322, %mul3A_1322 : vector<16xf32>
      %add3A_1324 = arith.addf %add3A_1321, %mul3A_1323 : vector<16xf32>
      %add3A_1325 = vector.broadcast %squeeze3A_1262 : f32 to vector<16xf32>
      %add3A_1326 = arith.addf %get3A_324, %add3A_1325 : vector<16xf32>
      %sub3A_1327 = arith.subf %add3A_1326, %add3A_1324 : vector<16xf32>
      %le3A_1328 = arith.constant 2.500000e-03 : f32
      %le3A_1329 = vector.broadcast %le3A_1328 : f32 to vector<16xf32>
      %le3A_1330 = arith.cmpf ole, %sub3A_1327, %le3A_1329 : vector<16xf32>
      %add3A_1331 = arith.constant 2.048000e+03 : f32
      %add3A_1332 = vector.broadcast %add3A_1331 : f32 to vector<16xf32>
      %add3A_1333 = arith.addf %select_n3A_1254, %add3A_1332 : vector<16xf32>
      %select_n3A_1334 = arith.select %le3A_1330, %add3A_1333, %select_n3A_1254 : vector<16xi1>, vector<16xf32>
      %slice3A_1335 = vector.extract_strided_slice %get3A_348 {offsets = [12], sizes = [1], strides = [1]} : vector<16xf32> to vector<1xf32>
      %squeeze3A_1336 = vector.extract %slice3A_1335[0] : f32 from vector<1xf32>
      %slice3A_1337 = vector.extract_strided_slice %get3A_354 {offsets = [12], sizes = [1], strides = [1]} : vector<16xf32> to vector<1xf32>
      %squeeze3A_1338 = vector.extract %slice3A_1337[0] : f32 from vector<1xf32>
      %slice3A_1339 = vector.extract_strided_slice %get3A_360 {offsets = [12], sizes = [1], strides = [1]} : vector<16xf32> to vector<1xf32>
      %squeeze3A_1340 = vector.extract %slice3A_1339[0] : f32 from vector<1xf32>
      %slice3A_1341 = vector.extract_strided_slice %get3A_366 {offsets = [12], sizes = [1], strides = [1]} : vector<16xf32> to vector<1xf32>
      %squeeze3A_1342 = vector.extract %slice3A_1341[0] : f32 from vector<1xf32>
      %mul3A_1343 = vector.broadcast %squeeze3A_1336 : f32 to vector<16xf32>
      %mul3A_1344 = arith.mulf %bitcast_convert_type3A_62, %mul3A_1343 : vector<16xf32>
      %mul3A_1345 = vector.broadcast %squeeze3A_1338 : f32 to vector<16xf32>
      %mul3A_1346 = arith.mulf %bitcast_convert_type3A_81, %mul3A_1345 : vector<16xf32>
      %add3A_1347 = arith.addf %mul3A_1344, %mul3A_1346 : vector<16xf32>
      %mul3A_1348 = vector.broadcast %squeeze3A_1340 : f32 to vector<16xf32>
      %mul3A_1349 = arith.mulf %bitcast_convert_type3A_100, %mul3A_1348 : vector<16xf32>
      %add3A_1350 = arith.addf %add3A_1347, %mul3A_1349 : vector<16xf32>
      %add3A_1351 = vector.broadcast %squeeze3A_1342 : f32 to vector<16xf32>
      %add3A_1352 = arith.addf %get3A_102, %add3A_1351 : vector<16xf32>
      %sub3A_1353 = arith.subf %add3A_1352, %add3A_1350 : vector<16xf32>
      %le3A_1354 = arith.constant 2.500000e-03 : f32
      %le3A_1355 = vector.broadcast %le3A_1354 : f32 to vector<16xf32>
      %le3A_1356 = arith.cmpf ole, %sub3A_1353, %le3A_1355 : vector<16xf32>
      %add3A_1357 = arith.constant 4.096000e+03 : f32
      %add3A_1358 = vector.broadcast %add3A_1357 : f32 to vector<16xf32>
      %add3A_1359 = arith.addf %select_n3A_1280, %add3A_1358 : vector<16xf32>
      %select_n3A_1360 = arith.select %le3A_1356, %add3A_1359, %select_n3A_1280 : vector<16xi1>, vector<16xf32>
      %mul3A_1361 = vector.broadcast %squeeze3A_1336 : f32 to vector<16xf32>
      %mul3A_1362 = arith.mulf %bitcast_convert_type3A_136, %mul3A_1361 : vector<16xf32>
      %mul3A_1363 = vector.broadcast %squeeze3A_1338 : f32 to vector<16xf32>
      %mul3A_1364 = arith.mulf %bitcast_convert_type3A_155, %mul3A_1363 : vector<16xf32>
      %add3A_1365 = arith.addf %mul3A_1362, %mul3A_1364 : vector<16xf32>
      %mul3A_1366 = vector.broadcast %squeeze3A_1340 : f32 to vector<16xf32>
      %mul3A_1367 = arith.mulf %bitcast_convert_type3A_174, %mul3A_1366 : vector<16xf32>
      %add3A_1368 = arith.addf %add3A_1365, %mul3A_1367 : vector<16xf32>
      %add3A_1369 = vector.broadcast %squeeze3A_1342 : f32 to vector<16xf32>
      %add3A_1370 = arith.addf %get3A_176, %add3A_1369 : vector<16xf32>
      %sub3A_1371 = arith.subf %add3A_1370, %add3A_1368 : vector<16xf32>
      %le3A_1372 = arith.constant 2.500000e-03 : f32
      %le3A_1373 = vector.broadcast %le3A_1372 : f32 to vector<16xf32>
      %le3A_1374 = arith.cmpf ole, %sub3A_1371, %le3A_1373 : vector<16xf32>
      %add3A_1375 = arith.constant 4.096000e+03 : f32
      %add3A_1376 = vector.broadcast %add3A_1375 : f32 to vector<16xf32>
      %add3A_1377 = arith.addf %select_n3A_1298, %add3A_1376 : vector<16xf32>
      %select_n3A_1378 = arith.select %le3A_1374, %add3A_1377, %select_n3A_1298 : vector<16xi1>, vector<16xf32>
      %mul3A_1379 = vector.broadcast %squeeze3A_1336 : f32 to vector<16xf32>
      %mul3A_1380 = arith.mulf %bitcast_convert_type3A_210, %mul3A_1379 : vector<16xf32>
      %mul3A_1381 = vector.broadcast %squeeze3A_1338 : f32 to vector<16xf32>
      %mul3A_1382 = arith.mulf %bitcast_convert_type3A_229, %mul3A_1381 : vector<16xf32>
      %add3A_1383 = arith.addf %mul3A_1380, %mul3A_1382 : vector<16xf32>
      %mul3A_1384 = vector.broadcast %squeeze3A_1340 : f32 to vector<16xf32>
      %mul3A_1385 = arith.mulf %bitcast_convert_type3A_248, %mul3A_1384 : vector<16xf32>
      %add3A_1386 = arith.addf %add3A_1383, %mul3A_1385 : vector<16xf32>
      %add3A_1387 = vector.broadcast %squeeze3A_1342 : f32 to vector<16xf32>
      %add3A_1388 = arith.addf %get3A_250, %add3A_1387 : vector<16xf32>
      %sub3A_1389 = arith.subf %add3A_1388, %add3A_1386 : vector<16xf32>
      %le3A_1390 = arith.constant 2.500000e-03 : f32
      %le3A_1391 = vector.broadcast %le3A_1390 : f32 to vector<16xf32>
      %le3A_1392 = arith.cmpf ole, %sub3A_1389, %le3A_1391 : vector<16xf32>
      %add3A_1393 = arith.constant 4.096000e+03 : f32
      %add3A_1394 = vector.broadcast %add3A_1393 : f32 to vector<16xf32>
      %add3A_1395 = arith.addf %select_n3A_1316, %add3A_1394 : vector<16xf32>
      %select_n3A_1396 = arith.select %le3A_1392, %add3A_1395, %select_n3A_1316 : vector<16xi1>, vector<16xf32>
      %mul3A_1397 = vector.broadcast %squeeze3A_1336 : f32 to vector<16xf32>
      %mul3A_1398 = arith.mulf %bitcast_convert_type3A_284, %mul3A_1397 : vector<16xf32>
      %mul3A_1399 = vector.broadcast %squeeze3A_1338 : f32 to vector<16xf32>
      %mul3A_1400 = arith.mulf %bitcast_convert_type3A_303, %mul3A_1399 : vector<16xf32>
      %add3A_1401 = arith.addf %mul3A_1398, %mul3A_1400 : vector<16xf32>
      %mul3A_1402 = vector.broadcast %squeeze3A_1340 : f32 to vector<16xf32>
      %mul3A_1403 = arith.mulf %bitcast_convert_type3A_322, %mul3A_1402 : vector<16xf32>
      %add3A_1404 = arith.addf %add3A_1401, %mul3A_1403 : vector<16xf32>
      %add3A_1405 = vector.broadcast %squeeze3A_1342 : f32 to vector<16xf32>
      %add3A_1406 = arith.addf %get3A_324, %add3A_1405 : vector<16xf32>
      %sub3A_1407 = arith.subf %add3A_1406, %add3A_1404 : vector<16xf32>
      %le3A_1408 = arith.constant 2.500000e-03 : f32
      %le3A_1409 = vector.broadcast %le3A_1408 : f32 to vector<16xf32>
      %le3A_1410 = arith.cmpf ole, %sub3A_1407, %le3A_1409 : vector<16xf32>
      %add3A_1411 = arith.constant 4.096000e+03 : f32
      %add3A_1412 = vector.broadcast %add3A_1411 : f32 to vector<16xf32>
      %add3A_1413 = arith.addf %select_n3A_1334, %add3A_1412 : vector<16xf32>
      %select_n3A_1414 = arith.select %le3A_1410, %add3A_1413, %select_n3A_1334 : vector<16xi1>, vector<16xf32>
      %slice3A_1415 = vector.extract_strided_slice %get3A_348 {offsets = [13], sizes = [1], strides = [1]} : vector<16xf32> to vector<1xf32>
      %squeeze3A_1416 = vector.extract %slice3A_1415[0] : f32 from vector<1xf32>
      %slice3A_1417 = vector.extract_strided_slice %get3A_354 {offsets = [13], sizes = [1], strides = [1]} : vector<16xf32> to vector<1xf32>
      %squeeze3A_1418 = vector.extract %slice3A_1417[0] : f32 from vector<1xf32>
      %slice3A_1419 = vector.extract_strided_slice %get3A_360 {offsets = [13], sizes = [1], strides = [1]} : vector<16xf32> to vector<1xf32>
      %squeeze3A_1420 = vector.extract %slice3A_1419[0] : f32 from vector<1xf32>
      %slice3A_1421 = vector.extract_strided_slice %get3A_366 {offsets = [13], sizes = [1], strides = [1]} : vector<16xf32> to vector<1xf32>
      %squeeze3A_1422 = vector.extract %slice3A_1421[0] : f32 from vector<1xf32>
      %mul3A_1423 = vector.broadcast %squeeze3A_1416 : f32 to vector<16xf32>
      %mul3A_1424 = arith.mulf %bitcast_convert_type3A_62, %mul3A_1423 : vector<16xf32>
      %mul3A_1425 = vector.broadcast %squeeze3A_1418 : f32 to vector<16xf32>
      %mul3A_1426 = arith.mulf %bitcast_convert_type3A_81, %mul3A_1425 : vector<16xf32>
      %add3A_1427 = arith.addf %mul3A_1424, %mul3A_1426 : vector<16xf32>
      %mul3A_1428 = vector.broadcast %squeeze3A_1420 : f32 to vector<16xf32>
      %mul3A_1429 = arith.mulf %bitcast_convert_type3A_100, %mul3A_1428 : vector<16xf32>
      %add3A_1430 = arith.addf %add3A_1427, %mul3A_1429 : vector<16xf32>
      %add3A_1431 = vector.broadcast %squeeze3A_1422 : f32 to vector<16xf32>
      %add3A_1432 = arith.addf %get3A_102, %add3A_1431 : vector<16xf32>
      %sub3A_1433 = arith.subf %add3A_1432, %add3A_1430 : vector<16xf32>
      %le3A_1434 = arith.constant 2.500000e-03 : f32
      %le3A_1435 = vector.broadcast %le3A_1434 : f32 to vector<16xf32>
      %le3A_1436 = arith.cmpf ole, %sub3A_1433, %le3A_1435 : vector<16xf32>
      %add3A_1437 = arith.constant 8.192000e+03 : f32
      %add3A_1438 = vector.broadcast %add3A_1437 : f32 to vector<16xf32>
      %add3A_1439 = arith.addf %select_n3A_1360, %add3A_1438 : vector<16xf32>
      %select_n3A_1440 = arith.select %le3A_1436, %add3A_1439, %select_n3A_1360 : vector<16xi1>, vector<16xf32>
      %mul3A_1441 = vector.broadcast %squeeze3A_1416 : f32 to vector<16xf32>
      %mul3A_1442 = arith.mulf %bitcast_convert_type3A_136, %mul3A_1441 : vector<16xf32>
      %mul3A_1443 = vector.broadcast %squeeze3A_1418 : f32 to vector<16xf32>
      %mul3A_1444 = arith.mulf %bitcast_convert_type3A_155, %mul3A_1443 : vector<16xf32>
      %add3A_1445 = arith.addf %mul3A_1442, %mul3A_1444 : vector<16xf32>
      %mul3A_1446 = vector.broadcast %squeeze3A_1420 : f32 to vector<16xf32>
      %mul3A_1447 = arith.mulf %bitcast_convert_type3A_174, %mul3A_1446 : vector<16xf32>
      %add3A_1448 = arith.addf %add3A_1445, %mul3A_1447 : vector<16xf32>
      %add3A_1449 = vector.broadcast %squeeze3A_1422 : f32 to vector<16xf32>
      %add3A_1450 = arith.addf %get3A_176, %add3A_1449 : vector<16xf32>
      %sub3A_1451 = arith.subf %add3A_1450, %add3A_1448 : vector<16xf32>
      %le3A_1452 = arith.constant 2.500000e-03 : f32
      %le3A_1453 = vector.broadcast %le3A_1452 : f32 to vector<16xf32>
      %le3A_1454 = arith.cmpf ole, %sub3A_1451, %le3A_1453 : vector<16xf32>
      %add3A_1455 = arith.constant 8.192000e+03 : f32
      %add3A_1456 = vector.broadcast %add3A_1455 : f32 to vector<16xf32>
      %add3A_1457 = arith.addf %select_n3A_1378, %add3A_1456 : vector<16xf32>
      %select_n3A_1458 = arith.select %le3A_1454, %add3A_1457, %select_n3A_1378 : vector<16xi1>, vector<16xf32>
      %mul3A_1459 = vector.broadcast %squeeze3A_1416 : f32 to vector<16xf32>
      %mul3A_1460 = arith.mulf %bitcast_convert_type3A_210, %mul3A_1459 : vector<16xf32>
      %mul3A_1461 = vector.broadcast %squeeze3A_1418 : f32 to vector<16xf32>
      %mul3A_1462 = arith.mulf %bitcast_convert_type3A_229, %mul3A_1461 : vector<16xf32>
      %add3A_1463 = arith.addf %mul3A_1460, %mul3A_1462 : vector<16xf32>
      %mul3A_1464 = vector.broadcast %squeeze3A_1420 : f32 to vector<16xf32>
      %mul3A_1465 = arith.mulf %bitcast_convert_type3A_248, %mul3A_1464 : vector<16xf32>
      %add3A_1466 = arith.addf %add3A_1463, %mul3A_1465 : vector<16xf32>
      %add3A_1467 = vector.broadcast %squeeze3A_1422 : f32 to vector<16xf32>
      %add3A_1468 = arith.addf %get3A_250, %add3A_1467 : vector<16xf32>
      %sub3A_1469 = arith.subf %add3A_1468, %add3A_1466 : vector<16xf32>
      %le3A_1470 = arith.constant 2.500000e-03 : f32
      %le3A_1471 = vector.broadcast %le3A_1470 : f32 to vector<16xf32>
      %le3A_1472 = arith.cmpf ole, %sub3A_1469, %le3A_1471 : vector<16xf32>
      %add3A_1473 = arith.constant 8.192000e+03 : f32
      %add3A_1474 = vector.broadcast %add3A_1473 : f32 to vector<16xf32>
      %add3A_1475 = arith.addf %select_n3A_1396, %add3A_1474 : vector<16xf32>
      %select_n3A_1476 = arith.select %le3A_1472, %add3A_1475, %select_n3A_1396 : vector<16xi1>, vector<16xf32>
      %mul3A_1477 = vector.broadcast %squeeze3A_1416 : f32 to vector<16xf32>
      %mul3A_1478 = arith.mulf %bitcast_convert_type3A_284, %mul3A_1477 : vector<16xf32>
      %mul3A_1479 = vector.broadcast %squeeze3A_1418 : f32 to vector<16xf32>
      %mul3A_1480 = arith.mulf %bitcast_convert_type3A_303, %mul3A_1479 : vector<16xf32>
      %add3A_1481 = arith.addf %mul3A_1478, %mul3A_1480 : vector<16xf32>
      %mul3A_1482 = vector.broadcast %squeeze3A_1420 : f32 to vector<16xf32>
      %mul3A_1483 = arith.mulf %bitcast_convert_type3A_322, %mul3A_1482 : vector<16xf32>
      %add3A_1484 = arith.addf %add3A_1481, %mul3A_1483 : vector<16xf32>
      %add3A_1485 = vector.broadcast %squeeze3A_1422 : f32 to vector<16xf32>
      %add3A_1486 = arith.addf %get3A_324, %add3A_1485 : vector<16xf32>
      %sub3A_1487 = arith.subf %add3A_1486, %add3A_1484 : vector<16xf32>
      %le3A_1488 = arith.constant 2.500000e-03 : f32
      %le3A_1489 = vector.broadcast %le3A_1488 : f32 to vector<16xf32>
      %le3A_1490 = arith.cmpf ole, %sub3A_1487, %le3A_1489 : vector<16xf32>
      %add3A_1491 = arith.constant 8.192000e+03 : f32
      %add3A_1492 = vector.broadcast %add3A_1491 : f32 to vector<16xf32>
      %add3A_1493 = arith.addf %select_n3A_1414, %add3A_1492 : vector<16xf32>
      %select_n3A_1494 = arith.select %le3A_1490, %add3A_1493, %select_n3A_1414 : vector<16xi1>, vector<16xf32>
      %slice3A_1495 = vector.extract_strided_slice %get3A_348 {offsets = [14], sizes = [1], strides = [1]} : vector<16xf32> to vector<1xf32>
      %squeeze3A_1496 = vector.extract %slice3A_1495[0] : f32 from vector<1xf32>
      %slice3A_1497 = vector.extract_strided_slice %get3A_354 {offsets = [14], sizes = [1], strides = [1]} : vector<16xf32> to vector<1xf32>
      %squeeze3A_1498 = vector.extract %slice3A_1497[0] : f32 from vector<1xf32>
      %slice3A_1499 = vector.extract_strided_slice %get3A_360 {offsets = [14], sizes = [1], strides = [1]} : vector<16xf32> to vector<1xf32>
      %squeeze3A_1500 = vector.extract %slice3A_1499[0] : f32 from vector<1xf32>
      %slice3A_1501 = vector.extract_strided_slice %get3A_366 {offsets = [14], sizes = [1], strides = [1]} : vector<16xf32> to vector<1xf32>
      %squeeze3A_1502 = vector.extract %slice3A_1501[0] : f32 from vector<1xf32>
      %mul3A_1503 = vector.broadcast %squeeze3A_1496 : f32 to vector<16xf32>
      %mul3A_1504 = arith.mulf %bitcast_convert_type3A_62, %mul3A_1503 : vector<16xf32>
      %mul3A_1505 = vector.broadcast %squeeze3A_1498 : f32 to vector<16xf32>
      %mul3A_1506 = arith.mulf %bitcast_convert_type3A_81, %mul3A_1505 : vector<16xf32>
      %add3A_1507 = arith.addf %mul3A_1504, %mul3A_1506 : vector<16xf32>
      %mul3A_1508 = vector.broadcast %squeeze3A_1500 : f32 to vector<16xf32>
      %mul3A_1509 = arith.mulf %bitcast_convert_type3A_100, %mul3A_1508 : vector<16xf32>
      %add3A_1510 = arith.addf %add3A_1507, %mul3A_1509 : vector<16xf32>
      %add3A_1511 = vector.broadcast %squeeze3A_1502 : f32 to vector<16xf32>
      %add3A_1512 = arith.addf %get3A_102, %add3A_1511 : vector<16xf32>
      %sub3A_1513 = arith.subf %add3A_1512, %add3A_1510 : vector<16xf32>
      %le3A_1514 = arith.constant 2.500000e-03 : f32
      %le3A_1515 = vector.broadcast %le3A_1514 : f32 to vector<16xf32>
      %le3A_1516 = arith.cmpf ole, %sub3A_1513, %le3A_1515 : vector<16xf32>
      %add3A_1517 = arith.constant 1.638400e+04 : f32
      %add3A_1518 = vector.broadcast %add3A_1517 : f32 to vector<16xf32>
      %add3A_1519 = arith.addf %select_n3A_1440, %add3A_1518 : vector<16xf32>
      %select_n3A_1520 = arith.select %le3A_1516, %add3A_1519, %select_n3A_1440 : vector<16xi1>, vector<16xf32>
      %mul3A_1521 = vector.broadcast %squeeze3A_1496 : f32 to vector<16xf32>
      %mul3A_1522 = arith.mulf %bitcast_convert_type3A_136, %mul3A_1521 : vector<16xf32>
      %mul3A_1523 = vector.broadcast %squeeze3A_1498 : f32 to vector<16xf32>
      %mul3A_1524 = arith.mulf %bitcast_convert_type3A_155, %mul3A_1523 : vector<16xf32>
      %add3A_1525 = arith.addf %mul3A_1522, %mul3A_1524 : vector<16xf32>
      %mul3A_1526 = vector.broadcast %squeeze3A_1500 : f32 to vector<16xf32>
      %mul3A_1527 = arith.mulf %bitcast_convert_type3A_174, %mul3A_1526 : vector<16xf32>
      %add3A_1528 = arith.addf %add3A_1525, %mul3A_1527 : vector<16xf32>
      %add3A_1529 = vector.broadcast %squeeze3A_1502 : f32 to vector<16xf32>
      %add3A_1530 = arith.addf %get3A_176, %add3A_1529 : vector<16xf32>
      %sub3A_1531 = arith.subf %add3A_1530, %add3A_1528 : vector<16xf32>
      %le3A_1532 = arith.constant 2.500000e-03 : f32
      %le3A_1533 = vector.broadcast %le3A_1532 : f32 to vector<16xf32>
      %le3A_1534 = arith.cmpf ole, %sub3A_1531, %le3A_1533 : vector<16xf32>
      %add3A_1535 = arith.constant 1.638400e+04 : f32
      %add3A_1536 = vector.broadcast %add3A_1535 : f32 to vector<16xf32>
      %add3A_1537 = arith.addf %select_n3A_1458, %add3A_1536 : vector<16xf32>
      %select_n3A_1538 = arith.select %le3A_1534, %add3A_1537, %select_n3A_1458 : vector<16xi1>, vector<16xf32>
      %mul3A_1539 = vector.broadcast %squeeze3A_1496 : f32 to vector<16xf32>
      %mul3A_1540 = arith.mulf %bitcast_convert_type3A_210, %mul3A_1539 : vector<16xf32>
      %mul3A_1541 = vector.broadcast %squeeze3A_1498 : f32 to vector<16xf32>
      %mul3A_1542 = arith.mulf %bitcast_convert_type3A_229, %mul3A_1541 : vector<16xf32>
      %add3A_1543 = arith.addf %mul3A_1540, %mul3A_1542 : vector<16xf32>
      %mul3A_1544 = vector.broadcast %squeeze3A_1500 : f32 to vector<16xf32>
      %mul3A_1545 = arith.mulf %bitcast_convert_type3A_248, %mul3A_1544 : vector<16xf32>
      %add3A_1546 = arith.addf %add3A_1543, %mul3A_1545 : vector<16xf32>
      %add3A_1547 = vector.broadcast %squeeze3A_1502 : f32 to vector<16xf32>
      %add3A_1548 = arith.addf %get3A_250, %add3A_1547 : vector<16xf32>
      %sub3A_1549 = arith.subf %add3A_1548, %add3A_1546 : vector<16xf32>
      %le3A_1550 = arith.constant 2.500000e-03 : f32
      %le3A_1551 = vector.broadcast %le3A_1550 : f32 to vector<16xf32>
      %le3A_1552 = arith.cmpf ole, %sub3A_1549, %le3A_1551 : vector<16xf32>
      %add3A_1553 = arith.constant 1.638400e+04 : f32
      %add3A_1554 = vector.broadcast %add3A_1553 : f32 to vector<16xf32>
      %add3A_1555 = arith.addf %select_n3A_1476, %add3A_1554 : vector<16xf32>
      %select_n3A_1556 = arith.select %le3A_1552, %add3A_1555, %select_n3A_1476 : vector<16xi1>, vector<16xf32>
      %mul3A_1557 = vector.broadcast %squeeze3A_1496 : f32 to vector<16xf32>
      %mul3A_1558 = arith.mulf %bitcast_convert_type3A_284, %mul3A_1557 : vector<16xf32>
      %mul3A_1559 = vector.broadcast %squeeze3A_1498 : f32 to vector<16xf32>
      %mul3A_1560 = arith.mulf %bitcast_convert_type3A_303, %mul3A_1559 : vector<16xf32>
      %add3A_1561 = arith.addf %mul3A_1558, %mul3A_1560 : vector<16xf32>
      %mul3A_1562 = vector.broadcast %squeeze3A_1500 : f32 to vector<16xf32>
      %mul3A_1563 = arith.mulf %bitcast_convert_type3A_322, %mul3A_1562 : vector<16xf32>
      %add3A_1564 = arith.addf %add3A_1561, %mul3A_1563 : vector<16xf32>
      %add3A_1565 = vector.broadcast %squeeze3A_1502 : f32 to vector<16xf32>
      %add3A_1566 = arith.addf %get3A_324, %add3A_1565 : vector<16xf32>
      %sub3A_1567 = arith.subf %add3A_1566, %add3A_1564 : vector<16xf32>
      %le3A_1568 = arith.constant 2.500000e-03 : f32
      %le3A_1569 = vector.broadcast %le3A_1568 : f32 to vector<16xf32>
      %le3A_1570 = arith.cmpf ole, %sub3A_1567, %le3A_1569 : vector<16xf32>
      %add3A_1571 = arith.constant 1.638400e+04 : f32
      %add3A_1572 = vector.broadcast %add3A_1571 : f32 to vector<16xf32>
      %add3A_1573 = arith.addf %select_n3A_1494, %add3A_1572 : vector<16xf32>
      %select_n3A_1574 = arith.select %le3A_1570, %add3A_1573, %select_n3A_1494 : vector<16xi1>, vector<16xf32>
      %slice3A_1575 = vector.extract_strided_slice %get3A_348 {offsets = [15], sizes = [1], strides = [1]} : vector<16xf32> to vector<1xf32>
      %squeeze3A_1576 = vector.extract %slice3A_1575[0] : f32 from vector<1xf32>
      %slice3A_1577 = vector.extract_strided_slice %get3A_354 {offsets = [15], sizes = [1], strides = [1]} : vector<16xf32> to vector<1xf32>
      %squeeze3A_1578 = vector.extract %slice3A_1577[0] : f32 from vector<1xf32>
      %slice3A_1579 = vector.extract_strided_slice %get3A_360 {offsets = [15], sizes = [1], strides = [1]} : vector<16xf32> to vector<1xf32>
      %squeeze3A_1580 = vector.extract %slice3A_1579[0] : f32 from vector<1xf32>
      %slice3A_1581 = vector.extract_strided_slice %get3A_366 {offsets = [15], sizes = [1], strides = [1]} : vector<16xf32> to vector<1xf32>
      %squeeze3A_1582 = vector.extract %slice3A_1581[0] : f32 from vector<1xf32>
      %mul3A_1583 = vector.broadcast %squeeze3A_1576 : f32 to vector<16xf32>
      %mul3A_1584 = arith.mulf %bitcast_convert_type3A_62, %mul3A_1583 : vector<16xf32>
      %mul3A_1585 = vector.broadcast %squeeze3A_1578 : f32 to vector<16xf32>
      %mul3A_1586 = arith.mulf %bitcast_convert_type3A_81, %mul3A_1585 : vector<16xf32>
      %add3A_1587 = arith.addf %mul3A_1584, %mul3A_1586 : vector<16xf32>
      %mul3A_1588 = vector.broadcast %squeeze3A_1580 : f32 to vector<16xf32>
      %mul3A_1589 = arith.mulf %bitcast_convert_type3A_100, %mul3A_1588 : vector<16xf32>
      %add3A_1590 = arith.addf %add3A_1587, %mul3A_1589 : vector<16xf32>
      %add3A_1591 = vector.broadcast %squeeze3A_1582 : f32 to vector<16xf32>
      %add3A_1592 = arith.addf %get3A_102, %add3A_1591 : vector<16xf32>
      %sub3A_1593 = arith.subf %add3A_1592, %add3A_1590 : vector<16xf32>
      %le3A_1594 = arith.constant 2.500000e-03 : f32
      %le3A_1595 = vector.broadcast %le3A_1594 : f32 to vector<16xf32>
      %le3A_1596 = arith.cmpf ole, %sub3A_1593, %le3A_1595 : vector<16xf32>
      %add3A_1597 = arith.constant 3.276800e+04 : f32
      %add3A_1598 = vector.broadcast %add3A_1597 : f32 to vector<16xf32>
      %add3A_1599 = arith.addf %select_n3A_1520, %add3A_1598 : vector<16xf32>
      %select_n3A_1600 = arith.select %le3A_1596, %add3A_1599, %select_n3A_1520 : vector<16xi1>, vector<16xf32>
      %mul3A_1601 = vector.broadcast %squeeze3A_1576 : f32 to vector<16xf32>
      %mul3A_1602 = arith.mulf %bitcast_convert_type3A_136, %mul3A_1601 : vector<16xf32>
      %mul3A_1603 = vector.broadcast %squeeze3A_1578 : f32 to vector<16xf32>
      %mul3A_1604 = arith.mulf %bitcast_convert_type3A_155, %mul3A_1603 : vector<16xf32>
      %add3A_1605 = arith.addf %mul3A_1602, %mul3A_1604 : vector<16xf32>
      %mul3A_1606 = vector.broadcast %squeeze3A_1580 : f32 to vector<16xf32>
      %mul3A_1607 = arith.mulf %bitcast_convert_type3A_174, %mul3A_1606 : vector<16xf32>
      %add3A_1608 = arith.addf %add3A_1605, %mul3A_1607 : vector<16xf32>
      %add3A_1609 = vector.broadcast %squeeze3A_1582 : f32 to vector<16xf32>
      %add3A_1610 = arith.addf %get3A_176, %add3A_1609 : vector<16xf32>
      %sub3A_1611 = arith.subf %add3A_1610, %add3A_1608 : vector<16xf32>
      %le3A_1612 = arith.constant 2.500000e-03 : f32
      %le3A_1613 = vector.broadcast %le3A_1612 : f32 to vector<16xf32>
      %le3A_1614 = arith.cmpf ole, %sub3A_1611, %le3A_1613 : vector<16xf32>
      %add3A_1615 = arith.constant 3.276800e+04 : f32
      %add3A_1616 = vector.broadcast %add3A_1615 : f32 to vector<16xf32>
      %add3A_1617 = arith.addf %select_n3A_1538, %add3A_1616 : vector<16xf32>
      %select_n3A_1618 = arith.select %le3A_1614, %add3A_1617, %select_n3A_1538 : vector<16xi1>, vector<16xf32>
      %mul3A_1619 = vector.broadcast %squeeze3A_1576 : f32 to vector<16xf32>
      %mul3A_1620 = arith.mulf %bitcast_convert_type3A_210, %mul3A_1619 : vector<16xf32>
      %mul3A_1621 = vector.broadcast %squeeze3A_1578 : f32 to vector<16xf32>
      %mul3A_1622 = arith.mulf %bitcast_convert_type3A_229, %mul3A_1621 : vector<16xf32>
      %add3A_1623 = arith.addf %mul3A_1620, %mul3A_1622 : vector<16xf32>
      %mul3A_1624 = vector.broadcast %squeeze3A_1580 : f32 to vector<16xf32>
      %mul3A_1625 = arith.mulf %bitcast_convert_type3A_248, %mul3A_1624 : vector<16xf32>
      %add3A_1626 = arith.addf %add3A_1623, %mul3A_1625 : vector<16xf32>
      %add3A_1627 = vector.broadcast %squeeze3A_1582 : f32 to vector<16xf32>
      %add3A_1628 = arith.addf %get3A_250, %add3A_1627 : vector<16xf32>
      %sub3A_1629 = arith.subf %add3A_1628, %add3A_1626 : vector<16xf32>
      %le3A_1630 = arith.constant 2.500000e-03 : f32
      %le3A_1631 = vector.broadcast %le3A_1630 : f32 to vector<16xf32>
      %le3A_1632 = arith.cmpf ole, %sub3A_1629, %le3A_1631 : vector<16xf32>
      %add3A_1633 = arith.constant 3.276800e+04 : f32
      %add3A_1634 = vector.broadcast %add3A_1633 : f32 to vector<16xf32>
      %add3A_1635 = arith.addf %select_n3A_1556, %add3A_1634 : vector<16xf32>
      %select_n3A_1636 = arith.select %le3A_1632, %add3A_1635, %select_n3A_1556 : vector<16xi1>, vector<16xf32>
      %mul3A_1637 = vector.broadcast %squeeze3A_1576 : f32 to vector<16xf32>
      %mul3A_1638 = arith.mulf %bitcast_convert_type3A_284, %mul3A_1637 : vector<16xf32>
      %mul3A_1639 = vector.broadcast %squeeze3A_1578 : f32 to vector<16xf32>
      %mul3A_1640 = arith.mulf %bitcast_convert_type3A_303, %mul3A_1639 : vector<16xf32>
      %add3A_1641 = arith.addf %mul3A_1638, %mul3A_1640 : vector<16xf32>
      %mul3A_1642 = vector.broadcast %squeeze3A_1580 : f32 to vector<16xf32>
      %mul3A_1643 = arith.mulf %bitcast_convert_type3A_322, %mul3A_1642 : vector<16xf32>
      %add3A_1644 = arith.addf %add3A_1641, %mul3A_1643 : vector<16xf32>
      %add3A_1645 = vector.broadcast %squeeze3A_1582 : f32 to vector<16xf32>
      %add3A_1646 = arith.addf %get3A_324, %add3A_1645 : vector<16xf32>
      %sub3A_1647 = arith.subf %add3A_1646, %add3A_1644 : vector<16xf32>
      %le3A_1648 = arith.constant 2.500000e-03 : f32
      %le3A_1649 = vector.broadcast %le3A_1648 : f32 to vector<16xf32>
      %le3A_1650 = arith.cmpf ole, %sub3A_1647, %le3A_1649 : vector<16xf32>
      %add3A_1651 = arith.constant 3.276800e+04 : f32
      %add3A_1652 = vector.broadcast %add3A_1651 : f32 to vector<16xf32>
      %add3A_1653 = arith.addf %select_n3A_1574, %add3A_1652 : vector<16xf32>
      %select_n3A_1654 = arith.select %le3A_1650, %add3A_1653, %select_n3A_1574 : vector<16xi1>, vector<16xf32>
      %slice3A_1655 = vector.extract_strided_slice %get3A_352 {offsets = [0], sizes = [1], strides = [1]} : vector<16xf32> to vector<1xf32>
      %squeeze3A_1656 = vector.extract %slice3A_1655[0] : f32 from vector<1xf32>
      %slice3A_1657 = vector.extract_strided_slice %get3A_358 {offsets = [0], sizes = [1], strides = [1]} : vector<16xf32> to vector<1xf32>
      %squeeze3A_1658 = vector.extract %slice3A_1657[0] : f32 from vector<1xf32>
      %slice3A_1659 = vector.extract_strided_slice %get3A_364 {offsets = [0], sizes = [1], strides = [1]} : vector<16xf32> to vector<1xf32>
      %squeeze3A_1660 = vector.extract %slice3A_1659[0] : f32 from vector<1xf32>
      %slice3A_1661 = vector.extract_strided_slice %get3A_370 {offsets = [0], sizes = [1], strides = [1]} : vector<16xf32> to vector<1xf32>
      %squeeze3A_1662 = vector.extract %slice3A_1661[0] : f32 from vector<1xf32>
      %mul3A_1663 = vector.broadcast %squeeze3A_1656 : f32 to vector<16xf32>
      %mul3A_1664 = arith.mulf %bitcast_convert_type3A_62, %mul3A_1663 : vector<16xf32>
      %mul3A_1665 = vector.broadcast %squeeze3A_1658 : f32 to vector<16xf32>
      %mul3A_1666 = arith.mulf %bitcast_convert_type3A_81, %mul3A_1665 : vector<16xf32>
      %add3A_1667 = arith.addf %mul3A_1664, %mul3A_1666 : vector<16xf32>
      %mul3A_1668 = vector.broadcast %squeeze3A_1660 : f32 to vector<16xf32>
      %mul3A_1669 = arith.mulf %bitcast_convert_type3A_100, %mul3A_1668 : vector<16xf32>
      %add3A_1670 = arith.addf %add3A_1667, %mul3A_1669 : vector<16xf32>
      %add3A_1671 = vector.broadcast %squeeze3A_1662 : f32 to vector<16xf32>
      %add3A_1672 = arith.addf %get3A_102, %add3A_1671 : vector<16xf32>
      %sub3A_1673 = arith.subf %add3A_1672, %add3A_1670 : vector<16xf32>
      %le3A_1674 = arith.constant 2.500000e-03 : f32
      %le3A_1675 = vector.broadcast %le3A_1674 : f32 to vector<16xf32>
      %le3A_1676 = arith.cmpf ole, %sub3A_1673, %le3A_1675 : vector<16xf32>
      %add3A_1677 = arith.constant 6.553600e+04 : f32
      %add3A_1678 = vector.broadcast %add3A_1677 : f32 to vector<16xf32>
      %add3A_1679 = arith.addf %select_n3A_1600, %add3A_1678 : vector<16xf32>
      %select_n3A_1680 = arith.select %le3A_1676, %add3A_1679, %select_n3A_1600 : vector<16xi1>, vector<16xf32>
      %mul3A_1681 = vector.broadcast %squeeze3A_1656 : f32 to vector<16xf32>
      %mul3A_1682 = arith.mulf %bitcast_convert_type3A_136, %mul3A_1681 : vector<16xf32>
      %mul3A_1683 = vector.broadcast %squeeze3A_1658 : f32 to vector<16xf32>
      %mul3A_1684 = arith.mulf %bitcast_convert_type3A_155, %mul3A_1683 : vector<16xf32>
      %add3A_1685 = arith.addf %mul3A_1682, %mul3A_1684 : vector<16xf32>
      %mul3A_1686 = vector.broadcast %squeeze3A_1660 : f32 to vector<16xf32>
      %mul3A_1687 = arith.mulf %bitcast_convert_type3A_174, %mul3A_1686 : vector<16xf32>
      %add3A_1688 = arith.addf %add3A_1685, %mul3A_1687 : vector<16xf32>
      %add3A_1689 = vector.broadcast %squeeze3A_1662 : f32 to vector<16xf32>
      %add3A_1690 = arith.addf %get3A_176, %add3A_1689 : vector<16xf32>
      %sub3A_1691 = arith.subf %add3A_1690, %add3A_1688 : vector<16xf32>
      %le3A_1692 = arith.constant 2.500000e-03 : f32
      %le3A_1693 = vector.broadcast %le3A_1692 : f32 to vector<16xf32>
      %le3A_1694 = arith.cmpf ole, %sub3A_1691, %le3A_1693 : vector<16xf32>
      %add3A_1695 = arith.constant 6.553600e+04 : f32
      %add3A_1696 = vector.broadcast %add3A_1695 : f32 to vector<16xf32>
      %add3A_1697 = arith.addf %select_n3A_1618, %add3A_1696 : vector<16xf32>
      %select_n3A_1698 = arith.select %le3A_1694, %add3A_1697, %select_n3A_1618 : vector<16xi1>, vector<16xf32>
      %mul3A_1699 = vector.broadcast %squeeze3A_1656 : f32 to vector<16xf32>
      %mul3A_1700 = arith.mulf %bitcast_convert_type3A_210, %mul3A_1699 : vector<16xf32>
      %mul3A_1701 = vector.broadcast %squeeze3A_1658 : f32 to vector<16xf32>
      %mul3A_1702 = arith.mulf %bitcast_convert_type3A_229, %mul3A_1701 : vector<16xf32>
      %add3A_1703 = arith.addf %mul3A_1700, %mul3A_1702 : vector<16xf32>
      %mul3A_1704 = vector.broadcast %squeeze3A_1660 : f32 to vector<16xf32>
      %mul3A_1705 = arith.mulf %bitcast_convert_type3A_248, %mul3A_1704 : vector<16xf32>
      %add3A_1706 = arith.addf %add3A_1703, %mul3A_1705 : vector<16xf32>
      %add3A_1707 = vector.broadcast %squeeze3A_1662 : f32 to vector<16xf32>
      %add3A_1708 = arith.addf %get3A_250, %add3A_1707 : vector<16xf32>
      %sub3A_1709 = arith.subf %add3A_1708, %add3A_1706 : vector<16xf32>
      %le3A_1710 = arith.constant 2.500000e-03 : f32
      %le3A_1711 = vector.broadcast %le3A_1710 : f32 to vector<16xf32>
      %le3A_1712 = arith.cmpf ole, %sub3A_1709, %le3A_1711 : vector<16xf32>
      %add3A_1713 = arith.constant 6.553600e+04 : f32
      %add3A_1714 = vector.broadcast %add3A_1713 : f32 to vector<16xf32>
      %add3A_1715 = arith.addf %select_n3A_1636, %add3A_1714 : vector<16xf32>
      %select_n3A_1716 = arith.select %le3A_1712, %add3A_1715, %select_n3A_1636 : vector<16xi1>, vector<16xf32>
      %mul3A_1717 = vector.broadcast %squeeze3A_1656 : f32 to vector<16xf32>
      %mul3A_1718 = arith.mulf %bitcast_convert_type3A_284, %mul3A_1717 : vector<16xf32>
      %mul3A_1719 = vector.broadcast %squeeze3A_1658 : f32 to vector<16xf32>
      %mul3A_1720 = arith.mulf %bitcast_convert_type3A_303, %mul3A_1719 : vector<16xf32>
      %add3A_1721 = arith.addf %mul3A_1718, %mul3A_1720 : vector<16xf32>
      %mul3A_1722 = vector.broadcast %squeeze3A_1660 : f32 to vector<16xf32>
      %mul3A_1723 = arith.mulf %bitcast_convert_type3A_322, %mul3A_1722 : vector<16xf32>
      %add3A_1724 = arith.addf %add3A_1721, %mul3A_1723 : vector<16xf32>
      %add3A_1725 = vector.broadcast %squeeze3A_1662 : f32 to vector<16xf32>
      %add3A_1726 = arith.addf %get3A_324, %add3A_1725 : vector<16xf32>
      %sub3A_1727 = arith.subf %add3A_1726, %add3A_1724 : vector<16xf32>
      %le3A_1728 = arith.constant 2.500000e-03 : f32
      %le3A_1729 = vector.broadcast %le3A_1728 : f32 to vector<16xf32>
      %le3A_1730 = arith.cmpf ole, %sub3A_1727, %le3A_1729 : vector<16xf32>
      %add3A_1731 = arith.constant 6.553600e+04 : f32
      %add3A_1732 = vector.broadcast %add3A_1731 : f32 to vector<16xf32>
      %add3A_1733 = arith.addf %select_n3A_1654, %add3A_1732 : vector<16xf32>
      %select_n3A_1734 = arith.select %le3A_1730, %add3A_1733, %select_n3A_1654 : vector<16xi1>, vector<16xf32>
      %slice3A_1735 = vector.extract_strided_slice %get3A_352 {offsets = [1], sizes = [1], strides = [1]} : vector<16xf32> to vector<1xf32>
      %squeeze3A_1736 = vector.extract %slice3A_1735[0] : f32 from vector<1xf32>
      %slice3A_1737 = vector.extract_strided_slice %get3A_358 {offsets = [1], sizes = [1], strides = [1]} : vector<16xf32> to vector<1xf32>
      %squeeze3A_1738 = vector.extract %slice3A_1737[0] : f32 from vector<1xf32>
      %slice3A_1739 = vector.extract_strided_slice %get3A_364 {offsets = [1], sizes = [1], strides = [1]} : vector<16xf32> to vector<1xf32>
      %squeeze3A_1740 = vector.extract %slice3A_1739[0] : f32 from vector<1xf32>
      %slice3A_1741 = vector.extract_strided_slice %get3A_370 {offsets = [1], sizes = [1], strides = [1]} : vector<16xf32> to vector<1xf32>
      %squeeze3A_1742 = vector.extract %slice3A_1741[0] : f32 from vector<1xf32>
      %mul3A_1743 = vector.broadcast %squeeze3A_1736 : f32 to vector<16xf32>
      %mul3A_1744 = arith.mulf %bitcast_convert_type3A_62, %mul3A_1743 : vector<16xf32>
      %mul3A_1745 = vector.broadcast %squeeze3A_1738 : f32 to vector<16xf32>
      %mul3A_1746 = arith.mulf %bitcast_convert_type3A_81, %mul3A_1745 : vector<16xf32>
      %add3A_1747 = arith.addf %mul3A_1744, %mul3A_1746 : vector<16xf32>
      %mul3A_1748 = vector.broadcast %squeeze3A_1740 : f32 to vector<16xf32>
      %mul3A_1749 = arith.mulf %bitcast_convert_type3A_100, %mul3A_1748 : vector<16xf32>
      %add3A_1750 = arith.addf %add3A_1747, %mul3A_1749 : vector<16xf32>
      %add3A_1751 = vector.broadcast %squeeze3A_1742 : f32 to vector<16xf32>
      %add3A_1752 = arith.addf %get3A_102, %add3A_1751 : vector<16xf32>
      %sub3A_1753 = arith.subf %add3A_1752, %add3A_1750 : vector<16xf32>
      %le3A_1754 = arith.constant 2.500000e-03 : f32
      %le3A_1755 = vector.broadcast %le3A_1754 : f32 to vector<16xf32>
      %le3A_1756 = arith.cmpf ole, %sub3A_1753, %le3A_1755 : vector<16xf32>
      %add3A_1757 = arith.constant 1.310720e+05 : f32
      %add3A_1758 = vector.broadcast %add3A_1757 : f32 to vector<16xf32>
      %add3A_1759 = arith.addf %select_n3A_1680, %add3A_1758 : vector<16xf32>
      %select_n3A_1760 = arith.select %le3A_1756, %add3A_1759, %select_n3A_1680 : vector<16xi1>, vector<16xf32>
      %mul3A_1761 = vector.broadcast %squeeze3A_1736 : f32 to vector<16xf32>
      %mul3A_1762 = arith.mulf %bitcast_convert_type3A_136, %mul3A_1761 : vector<16xf32>
      %mul3A_1763 = vector.broadcast %squeeze3A_1738 : f32 to vector<16xf32>
      %mul3A_1764 = arith.mulf %bitcast_convert_type3A_155, %mul3A_1763 : vector<16xf32>
      %add3A_1765 = arith.addf %mul3A_1762, %mul3A_1764 : vector<16xf32>
      %mul3A_1766 = vector.broadcast %squeeze3A_1740 : f32 to vector<16xf32>
      %mul3A_1767 = arith.mulf %bitcast_convert_type3A_174, %mul3A_1766 : vector<16xf32>
      %add3A_1768 = arith.addf %add3A_1765, %mul3A_1767 : vector<16xf32>
      %add3A_1769 = vector.broadcast %squeeze3A_1742 : f32 to vector<16xf32>
      %add3A_1770 = arith.addf %get3A_176, %add3A_1769 : vector<16xf32>
      %sub3A_1771 = arith.subf %add3A_1770, %add3A_1768 : vector<16xf32>
      %le3A_1772 = arith.constant 2.500000e-03 : f32
      %le3A_1773 = vector.broadcast %le3A_1772 : f32 to vector<16xf32>
      %le3A_1774 = arith.cmpf ole, %sub3A_1771, %le3A_1773 : vector<16xf32>
      %add3A_1775 = arith.constant 1.310720e+05 : f32
      %add3A_1776 = vector.broadcast %add3A_1775 : f32 to vector<16xf32>
      %add3A_1777 = arith.addf %select_n3A_1698, %add3A_1776 : vector<16xf32>
      %select_n3A_1778 = arith.select %le3A_1774, %add3A_1777, %select_n3A_1698 : vector<16xi1>, vector<16xf32>
      %mul3A_1779 = vector.broadcast %squeeze3A_1736 : f32 to vector<16xf32>
      %mul3A_1780 = arith.mulf %bitcast_convert_type3A_210, %mul3A_1779 : vector<16xf32>
      %mul3A_1781 = vector.broadcast %squeeze3A_1738 : f32 to vector<16xf32>
      %mul3A_1782 = arith.mulf %bitcast_convert_type3A_229, %mul3A_1781 : vector<16xf32>
      %add3A_1783 = arith.addf %mul3A_1780, %mul3A_1782 : vector<16xf32>
      %mul3A_1784 = vector.broadcast %squeeze3A_1740 : f32 to vector<16xf32>
      %mul3A_1785 = arith.mulf %bitcast_convert_type3A_248, %mul3A_1784 : vector<16xf32>
      %add3A_1786 = arith.addf %add3A_1783, %mul3A_1785 : vector<16xf32>
      %add3A_1787 = vector.broadcast %squeeze3A_1742 : f32 to vector<16xf32>
      %add3A_1788 = arith.addf %get3A_250, %add3A_1787 : vector<16xf32>
      %sub3A_1789 = arith.subf %add3A_1788, %add3A_1786 : vector<16xf32>
      %le3A_1790 = arith.constant 2.500000e-03 : f32
      %le3A_1791 = vector.broadcast %le3A_1790 : f32 to vector<16xf32>
      %le3A_1792 = arith.cmpf ole, %sub3A_1789, %le3A_1791 : vector<16xf32>
      %add3A_1793 = arith.constant 1.310720e+05 : f32
      %add3A_1794 = vector.broadcast %add3A_1793 : f32 to vector<16xf32>
      %add3A_1795 = arith.addf %select_n3A_1716, %add3A_1794 : vector<16xf32>
      %select_n3A_1796 = arith.select %le3A_1792, %add3A_1795, %select_n3A_1716 : vector<16xi1>, vector<16xf32>
      %mul3A_1797 = vector.broadcast %squeeze3A_1736 : f32 to vector<16xf32>
      %mul3A_1798 = arith.mulf %bitcast_convert_type3A_284, %mul3A_1797 : vector<16xf32>
      %mul3A_1799 = vector.broadcast %squeeze3A_1738 : f32 to vector<16xf32>
      %mul3A_1800 = arith.mulf %bitcast_convert_type3A_303, %mul3A_1799 : vector<16xf32>
      %add3A_1801 = arith.addf %mul3A_1798, %mul3A_1800 : vector<16xf32>
      %mul3A_1802 = vector.broadcast %squeeze3A_1740 : f32 to vector<16xf32>
      %mul3A_1803 = arith.mulf %bitcast_convert_type3A_322, %mul3A_1802 : vector<16xf32>
      %add3A_1804 = arith.addf %add3A_1801, %mul3A_1803 : vector<16xf32>
      %add3A_1805 = vector.broadcast %squeeze3A_1742 : f32 to vector<16xf32>
      %add3A_1806 = arith.addf %get3A_324, %add3A_1805 : vector<16xf32>
      %sub3A_1807 = arith.subf %add3A_1806, %add3A_1804 : vector<16xf32>
      %le3A_1808 = arith.constant 2.500000e-03 : f32
      %le3A_1809 = vector.broadcast %le3A_1808 : f32 to vector<16xf32>
      %le3A_1810 = arith.cmpf ole, %sub3A_1807, %le3A_1809 : vector<16xf32>
      %add3A_1811 = arith.constant 1.310720e+05 : f32
      %add3A_1812 = vector.broadcast %add3A_1811 : f32 to vector<16xf32>
      %add3A_1813 = arith.addf %select_n3A_1734, %add3A_1812 : vector<16xf32>
      %select_n3A_1814 = arith.select %le3A_1810, %add3A_1813, %select_n3A_1734 : vector<16xi1>, vector<16xf32>
      %slice3A_1815 = vector.extract_strided_slice %get3A_352 {offsets = [2], sizes = [1], strides = [1]} : vector<16xf32> to vector<1xf32>
      %squeeze3A_1816 = vector.extract %slice3A_1815[0] : f32 from vector<1xf32>
      %slice3A_1817 = vector.extract_strided_slice %get3A_358 {offsets = [2], sizes = [1], strides = [1]} : vector<16xf32> to vector<1xf32>
      %squeeze3A_1818 = vector.extract %slice3A_1817[0] : f32 from vector<1xf32>
      %slice3A_1819 = vector.extract_strided_slice %get3A_364 {offsets = [2], sizes = [1], strides = [1]} : vector<16xf32> to vector<1xf32>
      %squeeze3A_1820 = vector.extract %slice3A_1819[0] : f32 from vector<1xf32>
      %slice3A_1821 = vector.extract_strided_slice %get3A_370 {offsets = [2], sizes = [1], strides = [1]} : vector<16xf32> to vector<1xf32>
      %squeeze3A_1822 = vector.extract %slice3A_1821[0] : f32 from vector<1xf32>
      %mul3A_1823 = vector.broadcast %squeeze3A_1816 : f32 to vector<16xf32>
      %mul3A_1824 = arith.mulf %bitcast_convert_type3A_62, %mul3A_1823 : vector<16xf32>
      %mul3A_1825 = vector.broadcast %squeeze3A_1818 : f32 to vector<16xf32>
      %mul3A_1826 = arith.mulf %bitcast_convert_type3A_81, %mul3A_1825 : vector<16xf32>
      %add3A_1827 = arith.addf %mul3A_1824, %mul3A_1826 : vector<16xf32>
      %mul3A_1828 = vector.broadcast %squeeze3A_1820 : f32 to vector<16xf32>
      %mul3A_1829 = arith.mulf %bitcast_convert_type3A_100, %mul3A_1828 : vector<16xf32>
      %add3A_1830 = arith.addf %add3A_1827, %mul3A_1829 : vector<16xf32>
      %add3A_1831 = vector.broadcast %squeeze3A_1822 : f32 to vector<16xf32>
      %add3A_1832 = arith.addf %get3A_102, %add3A_1831 : vector<16xf32>
      %sub3A_1833 = arith.subf %add3A_1832, %add3A_1830 : vector<16xf32>
      %le3A_1834 = arith.constant 2.500000e-03 : f32
      %le3A_1835 = vector.broadcast %le3A_1834 : f32 to vector<16xf32>
      %le3A_1836 = arith.cmpf ole, %sub3A_1833, %le3A_1835 : vector<16xf32>
      %add3A_1837 = arith.constant 2.621440e+05 : f32
      %add3A_1838 = vector.broadcast %add3A_1837 : f32 to vector<16xf32>
      %add3A_1839 = arith.addf %select_n3A_1760, %add3A_1838 : vector<16xf32>
      %select_n3A_1840 = arith.select %le3A_1836, %add3A_1839, %select_n3A_1760 : vector<16xi1>, vector<16xf32>
      %mul3A_1841 = vector.broadcast %squeeze3A_1816 : f32 to vector<16xf32>
      %mul3A_1842 = arith.mulf %bitcast_convert_type3A_136, %mul3A_1841 : vector<16xf32>
      %mul3A_1843 = vector.broadcast %squeeze3A_1818 : f32 to vector<16xf32>
      %mul3A_1844 = arith.mulf %bitcast_convert_type3A_155, %mul3A_1843 : vector<16xf32>
      %add3A_1845 = arith.addf %mul3A_1842, %mul3A_1844 : vector<16xf32>
      %mul3A_1846 = vector.broadcast %squeeze3A_1820 : f32 to vector<16xf32>
      %mul3A_1847 = arith.mulf %bitcast_convert_type3A_174, %mul3A_1846 : vector<16xf32>
      %add3A_1848 = arith.addf %add3A_1845, %mul3A_1847 : vector<16xf32>
      %add3A_1849 = vector.broadcast %squeeze3A_1822 : f32 to vector<16xf32>
      %add3A_1850 = arith.addf %get3A_176, %add3A_1849 : vector<16xf32>
      %sub3A_1851 = arith.subf %add3A_1850, %add3A_1848 : vector<16xf32>
      %le3A_1852 = arith.constant 2.500000e-03 : f32
      %le3A_1853 = vector.broadcast %le3A_1852 : f32 to vector<16xf32>
      %le3A_1854 = arith.cmpf ole, %sub3A_1851, %le3A_1853 : vector<16xf32>
      %add3A_1855 = arith.constant 2.621440e+05 : f32
      %add3A_1856 = vector.broadcast %add3A_1855 : f32 to vector<16xf32>
      %add3A_1857 = arith.addf %select_n3A_1778, %add3A_1856 : vector<16xf32>
      %select_n3A_1858 = arith.select %le3A_1854, %add3A_1857, %select_n3A_1778 : vector<16xi1>, vector<16xf32>
      %mul3A_1859 = vector.broadcast %squeeze3A_1816 : f32 to vector<16xf32>
      %mul3A_1860 = arith.mulf %bitcast_convert_type3A_210, %mul3A_1859 : vector<16xf32>
      %mul3A_1861 = vector.broadcast %squeeze3A_1818 : f32 to vector<16xf32>
      %mul3A_1862 = arith.mulf %bitcast_convert_type3A_229, %mul3A_1861 : vector<16xf32>
      %add3A_1863 = arith.addf %mul3A_1860, %mul3A_1862 : vector<16xf32>
      %mul3A_1864 = vector.broadcast %squeeze3A_1820 : f32 to vector<16xf32>
      %mul3A_1865 = arith.mulf %bitcast_convert_type3A_248, %mul3A_1864 : vector<16xf32>
      %add3A_1866 = arith.addf %add3A_1863, %mul3A_1865 : vector<16xf32>
      %add3A_1867 = vector.broadcast %squeeze3A_1822 : f32 to vector<16xf32>
      %add3A_1868 = arith.addf %get3A_250, %add3A_1867 : vector<16xf32>
      %sub3A_1869 = arith.subf %add3A_1868, %add3A_1866 : vector<16xf32>
      %le3A_1870 = arith.constant 2.500000e-03 : f32
      %le3A_1871 = vector.broadcast %le3A_1870 : f32 to vector<16xf32>
      %le3A_1872 = arith.cmpf ole, %sub3A_1869, %le3A_1871 : vector<16xf32>
      %add3A_1873 = arith.constant 2.621440e+05 : f32
      %add3A_1874 = vector.broadcast %add3A_1873 : f32 to vector<16xf32>
      %add3A_1875 = arith.addf %select_n3A_1796, %add3A_1874 : vector<16xf32>
      %select_n3A_1876 = arith.select %le3A_1872, %add3A_1875, %select_n3A_1796 : vector<16xi1>, vector<16xf32>
      %mul3A_1877 = vector.broadcast %squeeze3A_1816 : f32 to vector<16xf32>
      %mul3A_1878 = arith.mulf %bitcast_convert_type3A_284, %mul3A_1877 : vector<16xf32>
      %mul3A_1879 = vector.broadcast %squeeze3A_1818 : f32 to vector<16xf32>
      %mul3A_1880 = arith.mulf %bitcast_convert_type3A_303, %mul3A_1879 : vector<16xf32>
      %add3A_1881 = arith.addf %mul3A_1878, %mul3A_1880 : vector<16xf32>
      %mul3A_1882 = vector.broadcast %squeeze3A_1820 : f32 to vector<16xf32>
      %mul3A_1883 = arith.mulf %bitcast_convert_type3A_322, %mul3A_1882 : vector<16xf32>
      %add3A_1884 = arith.addf %add3A_1881, %mul3A_1883 : vector<16xf32>
      %add3A_1885 = vector.broadcast %squeeze3A_1822 : f32 to vector<16xf32>
      %add3A_1886 = arith.addf %get3A_324, %add3A_1885 : vector<16xf32>
      %sub3A_1887 = arith.subf %add3A_1886, %add3A_1884 : vector<16xf32>
      %le3A_1888 = arith.constant 2.500000e-03 : f32
      %le3A_1889 = vector.broadcast %le3A_1888 : f32 to vector<16xf32>
      %le3A_1890 = arith.cmpf ole, %sub3A_1887, %le3A_1889 : vector<16xf32>
      %add3A_1891 = arith.constant 2.621440e+05 : f32
      %add3A_1892 = vector.broadcast %add3A_1891 : f32 to vector<16xf32>
      %add3A_1893 = arith.addf %select_n3A_1814, %add3A_1892 : vector<16xf32>
      %select_n3A_1894 = arith.select %le3A_1890, %add3A_1893, %select_n3A_1814 : vector<16xi1>, vector<16xf32>
      %slice3A_1895 = vector.extract_strided_slice %get3A_352 {offsets = [3], sizes = [1], strides = [1]} : vector<16xf32> to vector<1xf32>
      %squeeze3A_1896 = vector.extract %slice3A_1895[0] : f32 from vector<1xf32>
      %slice3A_1897 = vector.extract_strided_slice %get3A_358 {offsets = [3], sizes = [1], strides = [1]} : vector<16xf32> to vector<1xf32>
      %squeeze3A_1898 = vector.extract %slice3A_1897[0] : f32 from vector<1xf32>
      %slice3A_1899 = vector.extract_strided_slice %get3A_364 {offsets = [3], sizes = [1], strides = [1]} : vector<16xf32> to vector<1xf32>
      %squeeze3A_1900 = vector.extract %slice3A_1899[0] : f32 from vector<1xf32>
      %slice3A_1901 = vector.extract_strided_slice %get3A_370 {offsets = [3], sizes = [1], strides = [1]} : vector<16xf32> to vector<1xf32>
      %squeeze3A_1902 = vector.extract %slice3A_1901[0] : f32 from vector<1xf32>
      %mul3A_1903 = vector.broadcast %squeeze3A_1896 : f32 to vector<16xf32>
      %mul3A_1904 = arith.mulf %bitcast_convert_type3A_62, %mul3A_1903 : vector<16xf32>
      %mul3A_1905 = vector.broadcast %squeeze3A_1898 : f32 to vector<16xf32>
      %mul3A_1906 = arith.mulf %bitcast_convert_type3A_81, %mul3A_1905 : vector<16xf32>
      %add3A_1907 = arith.addf %mul3A_1904, %mul3A_1906 : vector<16xf32>
      %mul3A_1908 = vector.broadcast %squeeze3A_1900 : f32 to vector<16xf32>
      %mul3A_1909 = arith.mulf %bitcast_convert_type3A_100, %mul3A_1908 : vector<16xf32>
      %add3A_1910 = arith.addf %add3A_1907, %mul3A_1909 : vector<16xf32>
      %add3A_1911 = vector.broadcast %squeeze3A_1902 : f32 to vector<16xf32>
      %add3A_1912 = arith.addf %get3A_102, %add3A_1911 : vector<16xf32>
      %sub3A_1913 = arith.subf %add3A_1912, %add3A_1910 : vector<16xf32>
      %le3A_1914 = arith.constant 2.500000e-03 : f32
      %le3A_1915 = vector.broadcast %le3A_1914 : f32 to vector<16xf32>
      %le3A_1916 = arith.cmpf ole, %sub3A_1913, %le3A_1915 : vector<16xf32>
      %add3A_1917 = arith.constant 5.242880e+05 : f32
      %add3A_1918 = vector.broadcast %add3A_1917 : f32 to vector<16xf32>
      %add3A_1919 = arith.addf %select_n3A_1840, %add3A_1918 : vector<16xf32>
      %select_n3A_1920 = arith.select %le3A_1916, %add3A_1919, %select_n3A_1840 : vector<16xi1>, vector<16xf32>
      %mul3A_1921 = vector.broadcast %squeeze3A_1896 : f32 to vector<16xf32>
      %mul3A_1922 = arith.mulf %bitcast_convert_type3A_136, %mul3A_1921 : vector<16xf32>
      %mul3A_1923 = vector.broadcast %squeeze3A_1898 : f32 to vector<16xf32>
      %mul3A_1924 = arith.mulf %bitcast_convert_type3A_155, %mul3A_1923 : vector<16xf32>
      %add3A_1925 = arith.addf %mul3A_1922, %mul3A_1924 : vector<16xf32>
      %mul3A_1926 = vector.broadcast %squeeze3A_1900 : f32 to vector<16xf32>
      %mul3A_1927 = arith.mulf %bitcast_convert_type3A_174, %mul3A_1926 : vector<16xf32>
      %add3A_1928 = arith.addf %add3A_1925, %mul3A_1927 : vector<16xf32>
      %add3A_1929 = vector.broadcast %squeeze3A_1902 : f32 to vector<16xf32>
      %add3A_1930 = arith.addf %get3A_176, %add3A_1929 : vector<16xf32>
      %sub3A_1931 = arith.subf %add3A_1930, %add3A_1928 : vector<16xf32>
      %le3A_1932 = arith.constant 2.500000e-03 : f32
      %le3A_1933 = vector.broadcast %le3A_1932 : f32 to vector<16xf32>
      %le3A_1934 = arith.cmpf ole, %sub3A_1931, %le3A_1933 : vector<16xf32>
      %add3A_1935 = arith.constant 5.242880e+05 : f32
      %add3A_1936 = vector.broadcast %add3A_1935 : f32 to vector<16xf32>
      %add3A_1937 = arith.addf %select_n3A_1858, %add3A_1936 : vector<16xf32>
      %select_n3A_1938 = arith.select %le3A_1934, %add3A_1937, %select_n3A_1858 : vector<16xi1>, vector<16xf32>
      %mul3A_1939 = vector.broadcast %squeeze3A_1896 : f32 to vector<16xf32>
      %mul3A_1940 = arith.mulf %bitcast_convert_type3A_210, %mul3A_1939 : vector<16xf32>
      %mul3A_1941 = vector.broadcast %squeeze3A_1898 : f32 to vector<16xf32>
      %mul3A_1942 = arith.mulf %bitcast_convert_type3A_229, %mul3A_1941 : vector<16xf32>
      %add3A_1943 = arith.addf %mul3A_1940, %mul3A_1942 : vector<16xf32>
      %mul3A_1944 = vector.broadcast %squeeze3A_1900 : f32 to vector<16xf32>
      %mul3A_1945 = arith.mulf %bitcast_convert_type3A_248, %mul3A_1944 : vector<16xf32>
      %add3A_1946 = arith.addf %add3A_1943, %mul3A_1945 : vector<16xf32>
      %add3A_1947 = vector.broadcast %squeeze3A_1902 : f32 to vector<16xf32>
      %add3A_1948 = arith.addf %get3A_250, %add3A_1947 : vector<16xf32>
      %sub3A_1949 = arith.subf %add3A_1948, %add3A_1946 : vector<16xf32>
      %le3A_1950 = arith.constant 2.500000e-03 : f32
      %le3A_1951 = vector.broadcast %le3A_1950 : f32 to vector<16xf32>
      %le3A_1952 = arith.cmpf ole, %sub3A_1949, %le3A_1951 : vector<16xf32>
      %add3A_1953 = arith.constant 5.242880e+05 : f32
      %add3A_1954 = vector.broadcast %add3A_1953 : f32 to vector<16xf32>
      %add3A_1955 = arith.addf %select_n3A_1876, %add3A_1954 : vector<16xf32>
      %select_n3A_1956 = arith.select %le3A_1952, %add3A_1955, %select_n3A_1876 : vector<16xi1>, vector<16xf32>
      %mul3A_1957 = vector.broadcast %squeeze3A_1896 : f32 to vector<16xf32>
      %mul3A_1958 = arith.mulf %bitcast_convert_type3A_284, %mul3A_1957 : vector<16xf32>
      %mul3A_1959 = vector.broadcast %squeeze3A_1898 : f32 to vector<16xf32>
      %mul3A_1960 = arith.mulf %bitcast_convert_type3A_303, %mul3A_1959 : vector<16xf32>
      %add3A_1961 = arith.addf %mul3A_1958, %mul3A_1960 : vector<16xf32>
      %mul3A_1962 = vector.broadcast %squeeze3A_1900 : f32 to vector<16xf32>
      %mul3A_1963 = arith.mulf %bitcast_convert_type3A_322, %mul3A_1962 : vector<16xf32>
      %add3A_1964 = arith.addf %add3A_1961, %mul3A_1963 : vector<16xf32>
      %add3A_1965 = vector.broadcast %squeeze3A_1902 : f32 to vector<16xf32>
      %add3A_1966 = arith.addf %get3A_324, %add3A_1965 : vector<16xf32>
      %sub3A_1967 = arith.subf %add3A_1966, %add3A_1964 : vector<16xf32>
      %le3A_1968 = arith.constant 2.500000e-03 : f32
      %le3A_1969 = vector.broadcast %le3A_1968 : f32 to vector<16xf32>
      %le3A_1970 = arith.cmpf ole, %sub3A_1967, %le3A_1969 : vector<16xf32>
      %add3A_1971 = arith.constant 5.242880e+05 : f32
      %add3A_1972 = vector.broadcast %add3A_1971 : f32 to vector<16xf32>
      %add3A_1973 = arith.addf %select_n3A_1894, %add3A_1972 : vector<16xf32>
      %select_n3A_1974 = arith.select %le3A_1970, %add3A_1973, %select_n3A_1894 : vector<16xi1>, vector<16xf32>
      %slice3A_1975 = vector.extract_strided_slice %get3A_352 {offsets = [4], sizes = [1], strides = [1]} : vector<16xf32> to vector<1xf32>
      %squeeze3A_1976 = vector.extract %slice3A_1975[0] : f32 from vector<1xf32>
      %slice3A_1977 = vector.extract_strided_slice %get3A_358 {offsets = [4], sizes = [1], strides = [1]} : vector<16xf32> to vector<1xf32>
      %squeeze3A_1978 = vector.extract %slice3A_1977[0] : f32 from vector<1xf32>
      %slice3A_1979 = vector.extract_strided_slice %get3A_364 {offsets = [4], sizes = [1], strides = [1]} : vector<16xf32> to vector<1xf32>
      %squeeze3A_1980 = vector.extract %slice3A_1979[0] : f32 from vector<1xf32>
      %slice3A_1981 = vector.extract_strided_slice %get3A_370 {offsets = [4], sizes = [1], strides = [1]} : vector<16xf32> to vector<1xf32>
      %squeeze3A_1982 = vector.extract %slice3A_1981[0] : f32 from vector<1xf32>
      %mul3A_1983 = vector.broadcast %squeeze3A_1976 : f32 to vector<16xf32>
      %mul3A_1984 = arith.mulf %bitcast_convert_type3A_62, %mul3A_1983 : vector<16xf32>
      %mul3A_1985 = vector.broadcast %squeeze3A_1978 : f32 to vector<16xf32>
      %mul3A_1986 = arith.mulf %bitcast_convert_type3A_81, %mul3A_1985 : vector<16xf32>
      %add3A_1987 = arith.addf %mul3A_1984, %mul3A_1986 : vector<16xf32>
      %mul3A_1988 = vector.broadcast %squeeze3A_1980 : f32 to vector<16xf32>
      %mul3A_1989 = arith.mulf %bitcast_convert_type3A_100, %mul3A_1988 : vector<16xf32>
      %add3A_1990 = arith.addf %add3A_1987, %mul3A_1989 : vector<16xf32>
      %add3A_1991 = vector.broadcast %squeeze3A_1982 : f32 to vector<16xf32>
      %add3A_1992 = arith.addf %get3A_102, %add3A_1991 : vector<16xf32>
      %sub3A_1993 = arith.subf %add3A_1992, %add3A_1990 : vector<16xf32>
      %le3A_1994 = arith.constant 2.500000e-03 : f32
      %le3A_1995 = vector.broadcast %le3A_1994 : f32 to vector<16xf32>
      %le3A_1996 = arith.cmpf ole, %sub3A_1993, %le3A_1995 : vector<16xf32>
      %add3A_1997 = arith.constant 0x49800000 : f32
      %add3A_1998 = vector.broadcast %add3A_1997 : f32 to vector<16xf32>
      %add3A_1999 = arith.addf %select_n3A_1920, %add3A_1998 : vector<16xf32>
      %select_n3A_2000 = arith.select %le3A_1996, %add3A_1999, %select_n3A_1920 : vector<16xi1>, vector<16xf32>
      %mul3A_2001 = vector.broadcast %squeeze3A_1976 : f32 to vector<16xf32>
      %mul3A_2002 = arith.mulf %bitcast_convert_type3A_136, %mul3A_2001 : vector<16xf32>
      %mul3A_2003 = vector.broadcast %squeeze3A_1978 : f32 to vector<16xf32>
      %mul3A_2004 = arith.mulf %bitcast_convert_type3A_155, %mul3A_2003 : vector<16xf32>
      %add3A_2005 = arith.addf %mul3A_2002, %mul3A_2004 : vector<16xf32>
      %mul3A_2006 = vector.broadcast %squeeze3A_1980 : f32 to vector<16xf32>
      %mul3A_2007 = arith.mulf %bitcast_convert_type3A_174, %mul3A_2006 : vector<16xf32>
      %add3A_2008 = arith.addf %add3A_2005, %mul3A_2007 : vector<16xf32>
      %add3A_2009 = vector.broadcast %squeeze3A_1982 : f32 to vector<16xf32>
      %add3A_2010 = arith.addf %get3A_176, %add3A_2009 : vector<16xf32>
      %sub3A_2011 = arith.subf %add3A_2010, %add3A_2008 : vector<16xf32>
      %le3A_2012 = arith.constant 2.500000e-03 : f32
      %le3A_2013 = vector.broadcast %le3A_2012 : f32 to vector<16xf32>
      %le3A_2014 = arith.cmpf ole, %sub3A_2011, %le3A_2013 : vector<16xf32>
      %add3A_2015 = arith.constant 0x49800000 : f32
      %add3A_2016 = vector.broadcast %add3A_2015 : f32 to vector<16xf32>
      %add3A_2017 = arith.addf %select_n3A_1938, %add3A_2016 : vector<16xf32>
      %select_n3A_2018 = arith.select %le3A_2014, %add3A_2017, %select_n3A_1938 : vector<16xi1>, vector<16xf32>
      %mul3A_2019 = vector.broadcast %squeeze3A_1976 : f32 to vector<16xf32>
      %mul3A_2020 = arith.mulf %bitcast_convert_type3A_210, %mul3A_2019 : vector<16xf32>
      %mul3A_2021 = vector.broadcast %squeeze3A_1978 : f32 to vector<16xf32>
      %mul3A_2022 = arith.mulf %bitcast_convert_type3A_229, %mul3A_2021 : vector<16xf32>
      %add3A_2023 = arith.addf %mul3A_2020, %mul3A_2022 : vector<16xf32>
      %mul3A_2024 = vector.broadcast %squeeze3A_1980 : f32 to vector<16xf32>
      %mul3A_2025 = arith.mulf %bitcast_convert_type3A_248, %mul3A_2024 : vector<16xf32>
      %add3A_2026 = arith.addf %add3A_2023, %mul3A_2025 : vector<16xf32>
      %add3A_2027 = vector.broadcast %squeeze3A_1982 : f32 to vector<16xf32>
      %add3A_2028 = arith.addf %get3A_250, %add3A_2027 : vector<16xf32>
      %sub3A_2029 = arith.subf %add3A_2028, %add3A_2026 : vector<16xf32>
      %le3A_2030 = arith.constant 2.500000e-03 : f32
      %le3A_2031 = vector.broadcast %le3A_2030 : f32 to vector<16xf32>
      %le3A_2032 = arith.cmpf ole, %sub3A_2029, %le3A_2031 : vector<16xf32>
      %add3A_2033 = arith.constant 0x49800000 : f32
      %add3A_2034 = vector.broadcast %add3A_2033 : f32 to vector<16xf32>
      %add3A_2035 = arith.addf %select_n3A_1956, %add3A_2034 : vector<16xf32>
      %select_n3A_2036 = arith.select %le3A_2032, %add3A_2035, %select_n3A_1956 : vector<16xi1>, vector<16xf32>
      %mul3A_2037 = vector.broadcast %squeeze3A_1976 : f32 to vector<16xf32>
      %mul3A_2038 = arith.mulf %bitcast_convert_type3A_284, %mul3A_2037 : vector<16xf32>
      %mul3A_2039 = vector.broadcast %squeeze3A_1978 : f32 to vector<16xf32>
      %mul3A_2040 = arith.mulf %bitcast_convert_type3A_303, %mul3A_2039 : vector<16xf32>
      %add3A_2041 = arith.addf %mul3A_2038, %mul3A_2040 : vector<16xf32>
      %mul3A_2042 = vector.broadcast %squeeze3A_1980 : f32 to vector<16xf32>
      %mul3A_2043 = arith.mulf %bitcast_convert_type3A_322, %mul3A_2042 : vector<16xf32>
      %add3A_2044 = arith.addf %add3A_2041, %mul3A_2043 : vector<16xf32>
      %add3A_2045 = vector.broadcast %squeeze3A_1982 : f32 to vector<16xf32>
      %add3A_2046 = arith.addf %get3A_324, %add3A_2045 : vector<16xf32>
      %sub3A_2047 = arith.subf %add3A_2046, %add3A_2044 : vector<16xf32>
      %le3A_2048 = arith.constant 2.500000e-03 : f32
      %le3A_2049 = vector.broadcast %le3A_2048 : f32 to vector<16xf32>
      %le3A_2050 = arith.cmpf ole, %sub3A_2047, %le3A_2049 : vector<16xf32>
      %add3A_2051 = arith.constant 0x49800000 : f32
      %add3A_2052 = vector.broadcast %add3A_2051 : f32 to vector<16xf32>
      %add3A_2053 = arith.addf %select_n3A_1974, %add3A_2052 : vector<16xf32>
      %select_n3A_2054 = arith.select %le3A_2050, %add3A_2053, %select_n3A_1974 : vector<16xi1>, vector<16xf32>
      %slice3A_2055 = vector.extract_strided_slice %get3A_352 {offsets = [5], sizes = [1], strides = [1]} : vector<16xf32> to vector<1xf32>
      %squeeze3A_2056 = vector.extract %slice3A_2055[0] : f32 from vector<1xf32>
      %slice3A_2057 = vector.extract_strided_slice %get3A_358 {offsets = [5], sizes = [1], strides = [1]} : vector<16xf32> to vector<1xf32>
      %squeeze3A_2058 = vector.extract %slice3A_2057[0] : f32 from vector<1xf32>
      %slice3A_2059 = vector.extract_strided_slice %get3A_364 {offsets = [5], sizes = [1], strides = [1]} : vector<16xf32> to vector<1xf32>
      %squeeze3A_2060 = vector.extract %slice3A_2059[0] : f32 from vector<1xf32>
      %slice3A_2061 = vector.extract_strided_slice %get3A_370 {offsets = [5], sizes = [1], strides = [1]} : vector<16xf32> to vector<1xf32>
      %squeeze3A_2062 = vector.extract %slice3A_2061[0] : f32 from vector<1xf32>
      %mul3A_2063 = vector.broadcast %squeeze3A_2056 : f32 to vector<16xf32>
      %mul3A_2064 = arith.mulf %bitcast_convert_type3A_62, %mul3A_2063 : vector<16xf32>
      %mul3A_2065 = vector.broadcast %squeeze3A_2058 : f32 to vector<16xf32>
      %mul3A_2066 = arith.mulf %bitcast_convert_type3A_81, %mul3A_2065 : vector<16xf32>
      %add3A_2067 = arith.addf %mul3A_2064, %mul3A_2066 : vector<16xf32>
      %mul3A_2068 = vector.broadcast %squeeze3A_2060 : f32 to vector<16xf32>
      %mul3A_2069 = arith.mulf %bitcast_convert_type3A_100, %mul3A_2068 : vector<16xf32>
      %add3A_2070 = arith.addf %add3A_2067, %mul3A_2069 : vector<16xf32>
      %add3A_2071 = vector.broadcast %squeeze3A_2062 : f32 to vector<16xf32>
      %add3A_2072 = arith.addf %get3A_102, %add3A_2071 : vector<16xf32>
      %sub3A_2073 = arith.subf %add3A_2072, %add3A_2070 : vector<16xf32>
      %le3A_2074 = arith.constant 2.500000e-03 : f32
      %le3A_2075 = vector.broadcast %le3A_2074 : f32 to vector<16xf32>
      %le3A_2076 = arith.cmpf ole, %sub3A_2073, %le3A_2075 : vector<16xf32>
      %add3A_2077 = arith.constant 0x4A000000 : f32
      %add3A_2078 = vector.broadcast %add3A_2077 : f32 to vector<16xf32>
      %add3A_2079 = arith.addf %select_n3A_2000, %add3A_2078 : vector<16xf32>
      %select_n3A_2080 = arith.select %le3A_2076, %add3A_2079, %select_n3A_2000 : vector<16xi1>, vector<16xf32>
      %mul3A_2081 = vector.broadcast %squeeze3A_2056 : f32 to vector<16xf32>
      %mul3A_2082 = arith.mulf %bitcast_convert_type3A_136, %mul3A_2081 : vector<16xf32>
      %mul3A_2083 = vector.broadcast %squeeze3A_2058 : f32 to vector<16xf32>
      %mul3A_2084 = arith.mulf %bitcast_convert_type3A_155, %mul3A_2083 : vector<16xf32>
      %add3A_2085 = arith.addf %mul3A_2082, %mul3A_2084 : vector<16xf32>
      %mul3A_2086 = vector.broadcast %squeeze3A_2060 : f32 to vector<16xf32>
      %mul3A_2087 = arith.mulf %bitcast_convert_type3A_174, %mul3A_2086 : vector<16xf32>
      %add3A_2088 = arith.addf %add3A_2085, %mul3A_2087 : vector<16xf32>
      %add3A_2089 = vector.broadcast %squeeze3A_2062 : f32 to vector<16xf32>
      %add3A_2090 = arith.addf %get3A_176, %add3A_2089 : vector<16xf32>
      %sub3A_2091 = arith.subf %add3A_2090, %add3A_2088 : vector<16xf32>
      %le3A_2092 = arith.constant 2.500000e-03 : f32
      %le3A_2093 = vector.broadcast %le3A_2092 : f32 to vector<16xf32>
      %le3A_2094 = arith.cmpf ole, %sub3A_2091, %le3A_2093 : vector<16xf32>
      %add3A_2095 = arith.constant 0x4A000000 : f32
      %add3A_2096 = vector.broadcast %add3A_2095 : f32 to vector<16xf32>
      %add3A_2097 = arith.addf %select_n3A_2018, %add3A_2096 : vector<16xf32>
      %select_n3A_2098 = arith.select %le3A_2094, %add3A_2097, %select_n3A_2018 : vector<16xi1>, vector<16xf32>
      %mul3A_2099 = vector.broadcast %squeeze3A_2056 : f32 to vector<16xf32>
      %mul3A_2100 = arith.mulf %bitcast_convert_type3A_210, %mul3A_2099 : vector<16xf32>
      %mul3A_2101 = vector.broadcast %squeeze3A_2058 : f32 to vector<16xf32>
      %mul3A_2102 = arith.mulf %bitcast_convert_type3A_229, %mul3A_2101 : vector<16xf32>
      %add3A_2103 = arith.addf %mul3A_2100, %mul3A_2102 : vector<16xf32>
      %mul3A_2104 = vector.broadcast %squeeze3A_2060 : f32 to vector<16xf32>
      %mul3A_2105 = arith.mulf %bitcast_convert_type3A_248, %mul3A_2104 : vector<16xf32>
      %add3A_2106 = arith.addf %add3A_2103, %mul3A_2105 : vector<16xf32>
      %add3A_2107 = vector.broadcast %squeeze3A_2062 : f32 to vector<16xf32>
      %add3A_2108 = arith.addf %get3A_250, %add3A_2107 : vector<16xf32>
      %sub3A_2109 = arith.subf %add3A_2108, %add3A_2106 : vector<16xf32>
      %le3A_2110 = arith.constant 2.500000e-03 : f32
      %le3A_2111 = vector.broadcast %le3A_2110 : f32 to vector<16xf32>
      %le3A_2112 = arith.cmpf ole, %sub3A_2109, %le3A_2111 : vector<16xf32>
      %add3A_2113 = arith.constant 0x4A000000 : f32
      %add3A_2114 = vector.broadcast %add3A_2113 : f32 to vector<16xf32>
      %add3A_2115 = arith.addf %select_n3A_2036, %add3A_2114 : vector<16xf32>
      %select_n3A_2116 = arith.select %le3A_2112, %add3A_2115, %select_n3A_2036 : vector<16xi1>, vector<16xf32>
      %mul3A_2117 = vector.broadcast %squeeze3A_2056 : f32 to vector<16xf32>
      %mul3A_2118 = arith.mulf %bitcast_convert_type3A_284, %mul3A_2117 : vector<16xf32>
      %mul3A_2119 = vector.broadcast %squeeze3A_2058 : f32 to vector<16xf32>
      %mul3A_2120 = arith.mulf %bitcast_convert_type3A_303, %mul3A_2119 : vector<16xf32>
      %add3A_2121 = arith.addf %mul3A_2118, %mul3A_2120 : vector<16xf32>
      %mul3A_2122 = vector.broadcast %squeeze3A_2060 : f32 to vector<16xf32>
      %mul3A_2123 = arith.mulf %bitcast_convert_type3A_322, %mul3A_2122 : vector<16xf32>
      %add3A_2124 = arith.addf %add3A_2121, %mul3A_2123 : vector<16xf32>
      %add3A_2125 = vector.broadcast %squeeze3A_2062 : f32 to vector<16xf32>
      %add3A_2126 = arith.addf %get3A_324, %add3A_2125 : vector<16xf32>
      %sub3A_2127 = arith.subf %add3A_2126, %add3A_2124 : vector<16xf32>
      %le3A_2128 = arith.constant 2.500000e-03 : f32
      %le3A_2129 = vector.broadcast %le3A_2128 : f32 to vector<16xf32>
      %le3A_2130 = arith.cmpf ole, %sub3A_2127, %le3A_2129 : vector<16xf32>
      %add3A_2131 = arith.constant 0x4A000000 : f32
      %add3A_2132 = vector.broadcast %add3A_2131 : f32 to vector<16xf32>
      %add3A_2133 = arith.addf %select_n3A_2054, %add3A_2132 : vector<16xf32>
      %select_n3A_2134 = arith.select %le3A_2130, %add3A_2133, %select_n3A_2054 : vector<16xi1>, vector<16xf32>
      %slice3A_2135 = vector.extract_strided_slice %get3A_352 {offsets = [6], sizes = [1], strides = [1]} : vector<16xf32> to vector<1xf32>
      %squeeze3A_2136 = vector.extract %slice3A_2135[0] : f32 from vector<1xf32>
      %slice3A_2137 = vector.extract_strided_slice %get3A_358 {offsets = [6], sizes = [1], strides = [1]} : vector<16xf32> to vector<1xf32>
      %squeeze3A_2138 = vector.extract %slice3A_2137[0] : f32 from vector<1xf32>
      %slice3A_2139 = vector.extract_strided_slice %get3A_364 {offsets = [6], sizes = [1], strides = [1]} : vector<16xf32> to vector<1xf32>
      %squeeze3A_2140 = vector.extract %slice3A_2139[0] : f32 from vector<1xf32>
      %slice3A_2141 = vector.extract_strided_slice %get3A_370 {offsets = [6], sizes = [1], strides = [1]} : vector<16xf32> to vector<1xf32>
      %squeeze3A_2142 = vector.extract %slice3A_2141[0] : f32 from vector<1xf32>
      %mul3A_2143 = vector.broadcast %squeeze3A_2136 : f32 to vector<16xf32>
      %mul3A_2144 = arith.mulf %bitcast_convert_type3A_62, %mul3A_2143 : vector<16xf32>
      %mul3A_2145 = vector.broadcast %squeeze3A_2138 : f32 to vector<16xf32>
      %mul3A_2146 = arith.mulf %bitcast_convert_type3A_81, %mul3A_2145 : vector<16xf32>
      %add3A_2147 = arith.addf %mul3A_2144, %mul3A_2146 : vector<16xf32>
      %mul3A_2148 = vector.broadcast %squeeze3A_2140 : f32 to vector<16xf32>
      %mul3A_2149 = arith.mulf %bitcast_convert_type3A_100, %mul3A_2148 : vector<16xf32>
      %add3A_2150 = arith.addf %add3A_2147, %mul3A_2149 : vector<16xf32>
      %add3A_2151 = vector.broadcast %squeeze3A_2142 : f32 to vector<16xf32>
      %add3A_2152 = arith.addf %get3A_102, %add3A_2151 : vector<16xf32>
      %sub3A_2153 = arith.subf %add3A_2152, %add3A_2150 : vector<16xf32>
      %le3A_2154 = arith.constant 2.500000e-03 : f32
      %le3A_2155 = vector.broadcast %le3A_2154 : f32 to vector<16xf32>
      %le3A_2156 = arith.cmpf ole, %sub3A_2153, %le3A_2155 : vector<16xf32>
      %add3A_2157 = arith.constant 0x4A800000 : f32
      %add3A_2158 = vector.broadcast %add3A_2157 : f32 to vector<16xf32>
      %add3A_2159 = arith.addf %select_n3A_2080, %add3A_2158 : vector<16xf32>
      %select_n3A_2160 = arith.select %le3A_2156, %add3A_2159, %select_n3A_2080 : vector<16xi1>, vector<16xf32>
      %mul3A_2161 = vector.broadcast %squeeze3A_2136 : f32 to vector<16xf32>
      %mul3A_2162 = arith.mulf %bitcast_convert_type3A_136, %mul3A_2161 : vector<16xf32>
      %mul3A_2163 = vector.broadcast %squeeze3A_2138 : f32 to vector<16xf32>
      %mul3A_2164 = arith.mulf %bitcast_convert_type3A_155, %mul3A_2163 : vector<16xf32>
      %add3A_2165 = arith.addf %mul3A_2162, %mul3A_2164 : vector<16xf32>
      %mul3A_2166 = vector.broadcast %squeeze3A_2140 : f32 to vector<16xf32>
      %mul3A_2167 = arith.mulf %bitcast_convert_type3A_174, %mul3A_2166 : vector<16xf32>
      %add3A_2168 = arith.addf %add3A_2165, %mul3A_2167 : vector<16xf32>
      %add3A_2169 = vector.broadcast %squeeze3A_2142 : f32 to vector<16xf32>
      %add3A_2170 = arith.addf %get3A_176, %add3A_2169 : vector<16xf32>
      %sub3A_2171 = arith.subf %add3A_2170, %add3A_2168 : vector<16xf32>
      %le3A_2172 = arith.constant 2.500000e-03 : f32
      %le3A_2173 = vector.broadcast %le3A_2172 : f32 to vector<16xf32>
      %le3A_2174 = arith.cmpf ole, %sub3A_2171, %le3A_2173 : vector<16xf32>
      %add3A_2175 = arith.constant 0x4A800000 : f32
      %add3A_2176 = vector.broadcast %add3A_2175 : f32 to vector<16xf32>
      %add3A_2177 = arith.addf %select_n3A_2098, %add3A_2176 : vector<16xf32>
      %select_n3A_2178 = arith.select %le3A_2174, %add3A_2177, %select_n3A_2098 : vector<16xi1>, vector<16xf32>
      %mul3A_2179 = vector.broadcast %squeeze3A_2136 : f32 to vector<16xf32>
      %mul3A_2180 = arith.mulf %bitcast_convert_type3A_210, %mul3A_2179 : vector<16xf32>
      %mul3A_2181 = vector.broadcast %squeeze3A_2138 : f32 to vector<16xf32>
      %mul3A_2182 = arith.mulf %bitcast_convert_type3A_229, %mul3A_2181 : vector<16xf32>
      %add3A_2183 = arith.addf %mul3A_2180, %mul3A_2182 : vector<16xf32>
      %mul3A_2184 = vector.broadcast %squeeze3A_2140 : f32 to vector<16xf32>
      %mul3A_2185 = arith.mulf %bitcast_convert_type3A_248, %mul3A_2184 : vector<16xf32>
      %add3A_2186 = arith.addf %add3A_2183, %mul3A_2185 : vector<16xf32>
      %add3A_2187 = vector.broadcast %squeeze3A_2142 : f32 to vector<16xf32>
      %add3A_2188 = arith.addf %get3A_250, %add3A_2187 : vector<16xf32>
      %sub3A_2189 = arith.subf %add3A_2188, %add3A_2186 : vector<16xf32>
      %le3A_2190 = arith.constant 2.500000e-03 : f32
      %le3A_2191 = vector.broadcast %le3A_2190 : f32 to vector<16xf32>
      %le3A_2192 = arith.cmpf ole, %sub3A_2189, %le3A_2191 : vector<16xf32>
      %add3A_2193 = arith.constant 0x4A800000 : f32
      %add3A_2194 = vector.broadcast %add3A_2193 : f32 to vector<16xf32>
      %add3A_2195 = arith.addf %select_n3A_2116, %add3A_2194 : vector<16xf32>
      %select_n3A_2196 = arith.select %le3A_2192, %add3A_2195, %select_n3A_2116 : vector<16xi1>, vector<16xf32>
      %mul3A_2197 = vector.broadcast %squeeze3A_2136 : f32 to vector<16xf32>
      %mul3A_2198 = arith.mulf %bitcast_convert_type3A_284, %mul3A_2197 : vector<16xf32>
      %mul3A_2199 = vector.broadcast %squeeze3A_2138 : f32 to vector<16xf32>
      %mul3A_2200 = arith.mulf %bitcast_convert_type3A_303, %mul3A_2199 : vector<16xf32>
      %add3A_2201 = arith.addf %mul3A_2198, %mul3A_2200 : vector<16xf32>
      %mul3A_2202 = vector.broadcast %squeeze3A_2140 : f32 to vector<16xf32>
      %mul3A_2203 = arith.mulf %bitcast_convert_type3A_322, %mul3A_2202 : vector<16xf32>
      %add3A_2204 = arith.addf %add3A_2201, %mul3A_2203 : vector<16xf32>
      %add3A_2205 = vector.broadcast %squeeze3A_2142 : f32 to vector<16xf32>
      %add3A_2206 = arith.addf %get3A_324, %add3A_2205 : vector<16xf32>
      %sub3A_2207 = arith.subf %add3A_2206, %add3A_2204 : vector<16xf32>
      %le3A_2208 = arith.constant 2.500000e-03 : f32
      %le3A_2209 = vector.broadcast %le3A_2208 : f32 to vector<16xf32>
      %le3A_2210 = arith.cmpf ole, %sub3A_2207, %le3A_2209 : vector<16xf32>
      %add3A_2211 = arith.constant 0x4A800000 : f32
      %add3A_2212 = vector.broadcast %add3A_2211 : f32 to vector<16xf32>
      %add3A_2213 = arith.addf %select_n3A_2134, %add3A_2212 : vector<16xf32>
      %select_n3A_2214 = arith.select %le3A_2210, %add3A_2213, %select_n3A_2134 : vector<16xi1>, vector<16xf32>
      %slice3A_2215 = vector.extract_strided_slice %get3A_352 {offsets = [7], sizes = [1], strides = [1]} : vector<16xf32> to vector<1xf32>
      %squeeze3A_2216 = vector.extract %slice3A_2215[0] : f32 from vector<1xf32>
      %slice3A_2217 = vector.extract_strided_slice %get3A_358 {offsets = [7], sizes = [1], strides = [1]} : vector<16xf32> to vector<1xf32>
      %squeeze3A_2218 = vector.extract %slice3A_2217[0] : f32 from vector<1xf32>
      %slice3A_2219 = vector.extract_strided_slice %get3A_364 {offsets = [7], sizes = [1], strides = [1]} : vector<16xf32> to vector<1xf32>
      %squeeze3A_2220 = vector.extract %slice3A_2219[0] : f32 from vector<1xf32>
      %slice3A_2221 = vector.extract_strided_slice %get3A_370 {offsets = [7], sizes = [1], strides = [1]} : vector<16xf32> to vector<1xf32>
      %squeeze3A_2222 = vector.extract %slice3A_2221[0] : f32 from vector<1xf32>
      %mul3A_2223 = vector.broadcast %squeeze3A_2216 : f32 to vector<16xf32>
      %mul3A_2224 = arith.mulf %bitcast_convert_type3A_62, %mul3A_2223 : vector<16xf32>
      %mul3A_2225 = vector.broadcast %squeeze3A_2218 : f32 to vector<16xf32>
      %mul3A_2226 = arith.mulf %bitcast_convert_type3A_81, %mul3A_2225 : vector<16xf32>
      %add3A_2227 = arith.addf %mul3A_2224, %mul3A_2226 : vector<16xf32>
      %mul3A_2228 = vector.broadcast %squeeze3A_2220 : f32 to vector<16xf32>
      %mul3A_2229 = arith.mulf %bitcast_convert_type3A_100, %mul3A_2228 : vector<16xf32>
      %add3A_2230 = arith.addf %add3A_2227, %mul3A_2229 : vector<16xf32>
      %add3A_2231 = vector.broadcast %squeeze3A_2222 : f32 to vector<16xf32>
      %add3A_2232 = arith.addf %get3A_102, %add3A_2231 : vector<16xf32>
      %sub3A_2233 = arith.subf %add3A_2232, %add3A_2230 : vector<16xf32>
      %le3A_2234 = arith.constant 2.500000e-03 : f32
      %le3A_2235 = vector.broadcast %le3A_2234 : f32 to vector<16xf32>
      %le3A_2236 = arith.cmpf ole, %sub3A_2233, %le3A_2235 : vector<16xf32>
      %add3A_2237 = arith.constant 0x4B000000 : f32
      %add3A_2238 = vector.broadcast %add3A_2237 : f32 to vector<16xf32>
      %add3A_2239 = arith.addf %select_n3A_2160, %add3A_2238 : vector<16xf32>
      %select_n3A_2240 = arith.select %le3A_2236, %add3A_2239, %select_n3A_2160 : vector<16xi1>, vector<16xf32>
      %mul3A_2241 = vector.broadcast %squeeze3A_2216 : f32 to vector<16xf32>
      %mul3A_2242 = arith.mulf %bitcast_convert_type3A_136, %mul3A_2241 : vector<16xf32>
      %mul3A_2243 = vector.broadcast %squeeze3A_2218 : f32 to vector<16xf32>
      %mul3A_2244 = arith.mulf %bitcast_convert_type3A_155, %mul3A_2243 : vector<16xf32>
      %add3A_2245 = arith.addf %mul3A_2242, %mul3A_2244 : vector<16xf32>
      %mul3A_2246 = vector.broadcast %squeeze3A_2220 : f32 to vector<16xf32>
      %mul3A_2247 = arith.mulf %bitcast_convert_type3A_174, %mul3A_2246 : vector<16xf32>
      %add3A_2248 = arith.addf %add3A_2245, %mul3A_2247 : vector<16xf32>
      %add3A_2249 = vector.broadcast %squeeze3A_2222 : f32 to vector<16xf32>
      %add3A_2250 = arith.addf %get3A_176, %add3A_2249 : vector<16xf32>
      %sub3A_2251 = arith.subf %add3A_2250, %add3A_2248 : vector<16xf32>
      %le3A_2252 = arith.constant 2.500000e-03 : f32
      %le3A_2253 = vector.broadcast %le3A_2252 : f32 to vector<16xf32>
      %le3A_2254 = arith.cmpf ole, %sub3A_2251, %le3A_2253 : vector<16xf32>
      %add3A_2255 = arith.constant 0x4B000000 : f32
      %add3A_2256 = vector.broadcast %add3A_2255 : f32 to vector<16xf32>
      %add3A_2257 = arith.addf %select_n3A_2178, %add3A_2256 : vector<16xf32>
      %select_n3A_2258 = arith.select %le3A_2254, %add3A_2257, %select_n3A_2178 : vector<16xi1>, vector<16xf32>
      %mul3A_2259 = vector.broadcast %squeeze3A_2216 : f32 to vector<16xf32>
      %mul3A_2260 = arith.mulf %bitcast_convert_type3A_210, %mul3A_2259 : vector<16xf32>
      %mul3A_2261 = vector.broadcast %squeeze3A_2218 : f32 to vector<16xf32>
      %mul3A_2262 = arith.mulf %bitcast_convert_type3A_229, %mul3A_2261 : vector<16xf32>
      %add3A_2263 = arith.addf %mul3A_2260, %mul3A_2262 : vector<16xf32>
      %mul3A_2264 = vector.broadcast %squeeze3A_2220 : f32 to vector<16xf32>
      %mul3A_2265 = arith.mulf %bitcast_convert_type3A_248, %mul3A_2264 : vector<16xf32>
      %add3A_2266 = arith.addf %add3A_2263, %mul3A_2265 : vector<16xf32>
      %add3A_2267 = vector.broadcast %squeeze3A_2222 : f32 to vector<16xf32>
      %add3A_2268 = arith.addf %get3A_250, %add3A_2267 : vector<16xf32>
      %sub3A_2269 = arith.subf %add3A_2268, %add3A_2266 : vector<16xf32>
      %le3A_2270 = arith.constant 2.500000e-03 : f32
      %le3A_2271 = vector.broadcast %le3A_2270 : f32 to vector<16xf32>
      %le3A_2272 = arith.cmpf ole, %sub3A_2269, %le3A_2271 : vector<16xf32>
      %add3A_2273 = arith.constant 0x4B000000 : f32
      %add3A_2274 = vector.broadcast %add3A_2273 : f32 to vector<16xf32>
      %add3A_2275 = arith.addf %select_n3A_2196, %add3A_2274 : vector<16xf32>
      %select_n3A_2276 = arith.select %le3A_2272, %add3A_2275, %select_n3A_2196 : vector<16xi1>, vector<16xf32>
      %mul3A_2277 = vector.broadcast %squeeze3A_2216 : f32 to vector<16xf32>
      %mul3A_2278 = arith.mulf %bitcast_convert_type3A_284, %mul3A_2277 : vector<16xf32>
      %mul3A_2279 = vector.broadcast %squeeze3A_2218 : f32 to vector<16xf32>
      %mul3A_2280 = arith.mulf %bitcast_convert_type3A_303, %mul3A_2279 : vector<16xf32>
      %add3A_2281 = arith.addf %mul3A_2278, %mul3A_2280 : vector<16xf32>
      %mul3A_2282 = vector.broadcast %squeeze3A_2220 : f32 to vector<16xf32>
      %mul3A_2283 = arith.mulf %bitcast_convert_type3A_322, %mul3A_2282 : vector<16xf32>
      %add3A_2284 = arith.addf %add3A_2281, %mul3A_2283 : vector<16xf32>
      %add3A_2285 = vector.broadcast %squeeze3A_2222 : f32 to vector<16xf32>
      %add3A_2286 = arith.addf %get3A_324, %add3A_2285 : vector<16xf32>
      %sub3A_2287 = arith.subf %add3A_2286, %add3A_2284 : vector<16xf32>
      %le3A_2288 = arith.constant 2.500000e-03 : f32
      %le3A_2289 = vector.broadcast %le3A_2288 : f32 to vector<16xf32>
      %le3A_2290 = arith.cmpf ole, %sub3A_2287, %le3A_2289 : vector<16xf32>
      %add3A_2291 = arith.constant 0x4B000000 : f32
      %add3A_2292 = vector.broadcast %add3A_2291 : f32 to vector<16xf32>
      %add3A_2293 = arith.addf %select_n3A_2214, %add3A_2292 : vector<16xf32>
      %select_n3A_2294 = arith.select %le3A_2290, %add3A_2293, %select_n3A_2214 : vector<16xi1>, vector<16xf32>
      %slice3A_2295 = vector.extract_strided_slice %get3A_352 {offsets = [8], sizes = [1], strides = [1]} : vector<16xf32> to vector<1xf32>
      %squeeze3A_2296 = vector.extract %slice3A_2295[0] : f32 from vector<1xf32>
      %slice3A_2297 = vector.extract_strided_slice %get3A_358 {offsets = [8], sizes = [1], strides = [1]} : vector<16xf32> to vector<1xf32>
      %squeeze3A_2298 = vector.extract %slice3A_2297[0] : f32 from vector<1xf32>
      %slice3A_2299 = vector.extract_strided_slice %get3A_364 {offsets = [8], sizes = [1], strides = [1]} : vector<16xf32> to vector<1xf32>
      %squeeze3A_2300 = vector.extract %slice3A_2299[0] : f32 from vector<1xf32>
      %slice3A_2301 = vector.extract_strided_slice %get3A_370 {offsets = [8], sizes = [1], strides = [1]} : vector<16xf32> to vector<1xf32>
      %squeeze3A_2302 = vector.extract %slice3A_2301[0] : f32 from vector<1xf32>
      %mul3A_2303 = vector.broadcast %squeeze3A_2296 : f32 to vector<16xf32>
      %mul3A_2304 = arith.mulf %bitcast_convert_type3A_62, %mul3A_2303 : vector<16xf32>
      %mul3A_2305 = vector.broadcast %squeeze3A_2298 : f32 to vector<16xf32>
      %mul3A_2306 = arith.mulf %bitcast_convert_type3A_81, %mul3A_2305 : vector<16xf32>
      %add3A_2307 = arith.addf %mul3A_2304, %mul3A_2306 : vector<16xf32>
      %mul3A_2308 = vector.broadcast %squeeze3A_2300 : f32 to vector<16xf32>
      %mul3A_2309 = arith.mulf %bitcast_convert_type3A_100, %mul3A_2308 : vector<16xf32>
      %add3A_2310 = arith.addf %add3A_2307, %mul3A_2309 : vector<16xf32>
      %add3A_2311 = vector.broadcast %squeeze3A_2302 : f32 to vector<16xf32>
      %add3A_2312 = arith.addf %get3A_102, %add3A_2311 : vector<16xf32>
      %sub3A_2313 = arith.subf %add3A_2312, %add3A_2310 : vector<16xf32>
      %le3A_2314 = arith.constant 2.500000e-03 : f32
      %le3A_2315 = vector.broadcast %le3A_2314 : f32 to vector<16xf32>
      %le3A_2316 = arith.cmpf ole, %sub3A_2313, %le3A_2315 : vector<16xf32>
      %add3A_2317 = arith.constant 0x4B800000 : f32
      %add3A_2318 = vector.broadcast %add3A_2317 : f32 to vector<16xf32>
      %add3A_2319 = arith.addf %select_n3A_2240, %add3A_2318 : vector<16xf32>
      %select_n3A_2320 = arith.select %le3A_2316, %add3A_2319, %select_n3A_2240 : vector<16xi1>, vector<16xf32>
      %mul3A_2321 = vector.broadcast %squeeze3A_2296 : f32 to vector<16xf32>
      %mul3A_2322 = arith.mulf %bitcast_convert_type3A_136, %mul3A_2321 : vector<16xf32>
      %mul3A_2323 = vector.broadcast %squeeze3A_2298 : f32 to vector<16xf32>
      %mul3A_2324 = arith.mulf %bitcast_convert_type3A_155, %mul3A_2323 : vector<16xf32>
      %add3A_2325 = arith.addf %mul3A_2322, %mul3A_2324 : vector<16xf32>
      %mul3A_2326 = vector.broadcast %squeeze3A_2300 : f32 to vector<16xf32>
      %mul3A_2327 = arith.mulf %bitcast_convert_type3A_174, %mul3A_2326 : vector<16xf32>
      %add3A_2328 = arith.addf %add3A_2325, %mul3A_2327 : vector<16xf32>
      %add3A_2329 = vector.broadcast %squeeze3A_2302 : f32 to vector<16xf32>
      %add3A_2330 = arith.addf %get3A_176, %add3A_2329 : vector<16xf32>
      %sub3A_2331 = arith.subf %add3A_2330, %add3A_2328 : vector<16xf32>
      %le3A_2332 = arith.constant 2.500000e-03 : f32
      %le3A_2333 = vector.broadcast %le3A_2332 : f32 to vector<16xf32>
      %le3A_2334 = arith.cmpf ole, %sub3A_2331, %le3A_2333 : vector<16xf32>
      %add3A_2335 = arith.constant 0x4B800000 : f32
      %add3A_2336 = vector.broadcast %add3A_2335 : f32 to vector<16xf32>
      %add3A_2337 = arith.addf %select_n3A_2258, %add3A_2336 : vector<16xf32>
      %select_n3A_2338 = arith.select %le3A_2334, %add3A_2337, %select_n3A_2258 : vector<16xi1>, vector<16xf32>
      %mul3A_2339 = vector.broadcast %squeeze3A_2296 : f32 to vector<16xf32>
      %mul3A_2340 = arith.mulf %bitcast_convert_type3A_210, %mul3A_2339 : vector<16xf32>
      %mul3A_2341 = vector.broadcast %squeeze3A_2298 : f32 to vector<16xf32>
      %mul3A_2342 = arith.mulf %bitcast_convert_type3A_229, %mul3A_2341 : vector<16xf32>
      %add3A_2343 = arith.addf %mul3A_2340, %mul3A_2342 : vector<16xf32>
      %mul3A_2344 = vector.broadcast %squeeze3A_2300 : f32 to vector<16xf32>
      %mul3A_2345 = arith.mulf %bitcast_convert_type3A_248, %mul3A_2344 : vector<16xf32>
      %add3A_2346 = arith.addf %add3A_2343, %mul3A_2345 : vector<16xf32>
      %add3A_2347 = vector.broadcast %squeeze3A_2302 : f32 to vector<16xf32>
      %add3A_2348 = arith.addf %get3A_250, %add3A_2347 : vector<16xf32>
      %sub3A_2349 = arith.subf %add3A_2348, %add3A_2346 : vector<16xf32>
      %le3A_2350 = arith.constant 2.500000e-03 : f32
      %le3A_2351 = vector.broadcast %le3A_2350 : f32 to vector<16xf32>
      %le3A_2352 = arith.cmpf ole, %sub3A_2349, %le3A_2351 : vector<16xf32>
      %add3A_2353 = arith.constant 0x4B800000 : f32
      %add3A_2354 = vector.broadcast %add3A_2353 : f32 to vector<16xf32>
      %add3A_2355 = arith.addf %select_n3A_2276, %add3A_2354 : vector<16xf32>
      %select_n3A_2356 = arith.select %le3A_2352, %add3A_2355, %select_n3A_2276 : vector<16xi1>, vector<16xf32>
      %mul3A_2357 = vector.broadcast %squeeze3A_2296 : f32 to vector<16xf32>
      %mul3A_2358 = arith.mulf %bitcast_convert_type3A_284, %mul3A_2357 : vector<16xf32>
      %mul3A_2359 = vector.broadcast %squeeze3A_2298 : f32 to vector<16xf32>
      %mul3A_2360 = arith.mulf %bitcast_convert_type3A_303, %mul3A_2359 : vector<16xf32>
      %add3A_2361 = arith.addf %mul3A_2358, %mul3A_2360 : vector<16xf32>
      %mul3A_2362 = vector.broadcast %squeeze3A_2300 : f32 to vector<16xf32>
      %mul3A_2363 = arith.mulf %bitcast_convert_type3A_322, %mul3A_2362 : vector<16xf32>
      %add3A_2364 = arith.addf %add3A_2361, %mul3A_2363 : vector<16xf32>
      %add3A_2365 = vector.broadcast %squeeze3A_2302 : f32 to vector<16xf32>
      %add3A_2366 = arith.addf %get3A_324, %add3A_2365 : vector<16xf32>
      %sub3A_2367 = arith.subf %add3A_2366, %add3A_2364 : vector<16xf32>
      %le3A_2368 = arith.constant 2.500000e-03 : f32
      %le3A_2369 = vector.broadcast %le3A_2368 : f32 to vector<16xf32>
      %le3A_2370 = arith.cmpf ole, %sub3A_2367, %le3A_2369 : vector<16xf32>
      %add3A_2371 = arith.constant 0x4B800000 : f32
      %add3A_2372 = vector.broadcast %add3A_2371 : f32 to vector<16xf32>
      %add3A_2373 = arith.addf %select_n3A_2294, %add3A_2372 : vector<16xf32>
      %select_n3A_2374 = arith.select %le3A_2370, %add3A_2373, %select_n3A_2294 : vector<16xi1>, vector<16xf32>
      %slice3A_2375 = vector.extract_strided_slice %get3A_352 {offsets = [9], sizes = [1], strides = [1]} : vector<16xf32> to vector<1xf32>
      %squeeze3A_2376 = vector.extract %slice3A_2375[0] : f32 from vector<1xf32>
      %slice3A_2377 = vector.extract_strided_slice %get3A_358 {offsets = [9], sizes = [1], strides = [1]} : vector<16xf32> to vector<1xf32>
      %squeeze3A_2378 = vector.extract %slice3A_2377[0] : f32 from vector<1xf32>
      %slice3A_2379 = vector.extract_strided_slice %get3A_364 {offsets = [9], sizes = [1], strides = [1]} : vector<16xf32> to vector<1xf32>
      %squeeze3A_2380 = vector.extract %slice3A_2379[0] : f32 from vector<1xf32>
      %slice3A_2381 = vector.extract_strided_slice %get3A_370 {offsets = [9], sizes = [1], strides = [1]} : vector<16xf32> to vector<1xf32>
      %squeeze3A_2382 = vector.extract %slice3A_2381[0] : f32 from vector<1xf32>
      %mul3A_2383 = vector.broadcast %squeeze3A_2376 : f32 to vector<16xf32>
      %mul3A_2384 = arith.mulf %bitcast_convert_type3A_62, %mul3A_2383 : vector<16xf32>
      %mul3A_2385 = vector.broadcast %squeeze3A_2378 : f32 to vector<16xf32>
      %mul3A_2386 = arith.mulf %bitcast_convert_type3A_81, %mul3A_2385 : vector<16xf32>
      %add3A_2387 = arith.addf %mul3A_2384, %mul3A_2386 : vector<16xf32>
      %mul3A_2388 = vector.broadcast %squeeze3A_2380 : f32 to vector<16xf32>
      %mul3A_2389 = arith.mulf %bitcast_convert_type3A_100, %mul3A_2388 : vector<16xf32>
      %add3A_2390 = arith.addf %add3A_2387, %mul3A_2389 : vector<16xf32>
      %add3A_2391 = vector.broadcast %squeeze3A_2382 : f32 to vector<16xf32>
      %add3A_2392 = arith.addf %get3A_102, %add3A_2391 : vector<16xf32>
      %sub3A_2393 = arith.subf %add3A_2392, %add3A_2390 : vector<16xf32>
      %le3A_2394 = arith.constant 2.500000e-03 : f32
      %le3A_2395 = vector.broadcast %le3A_2394 : f32 to vector<16xf32>
      %le3A_2396 = arith.cmpf ole, %sub3A_2393, %le3A_2395 : vector<16xf32>
      %add3A_2397 = arith.constant 0x4C000000 : f32
      %add3A_2398 = vector.broadcast %add3A_2397 : f32 to vector<16xf32>
      %add3A_2399 = arith.addf %select_n3A_2320, %add3A_2398 : vector<16xf32>
      %select_n3A_2400 = arith.select %le3A_2396, %add3A_2399, %select_n3A_2320 : vector<16xi1>, vector<16xf32>
      %mul3A_2401 = vector.broadcast %squeeze3A_2376 : f32 to vector<16xf32>
      %mul3A_2402 = arith.mulf %bitcast_convert_type3A_136, %mul3A_2401 : vector<16xf32>
      %mul3A_2403 = vector.broadcast %squeeze3A_2378 : f32 to vector<16xf32>
      %mul3A_2404 = arith.mulf %bitcast_convert_type3A_155, %mul3A_2403 : vector<16xf32>
      %add3A_2405 = arith.addf %mul3A_2402, %mul3A_2404 : vector<16xf32>
      %mul3A_2406 = vector.broadcast %squeeze3A_2380 : f32 to vector<16xf32>
      %mul3A_2407 = arith.mulf %bitcast_convert_type3A_174, %mul3A_2406 : vector<16xf32>
      %add3A_2408 = arith.addf %add3A_2405, %mul3A_2407 : vector<16xf32>
      %add3A_2409 = vector.broadcast %squeeze3A_2382 : f32 to vector<16xf32>
      %add3A_2410 = arith.addf %get3A_176, %add3A_2409 : vector<16xf32>
      %sub3A_2411 = arith.subf %add3A_2410, %add3A_2408 : vector<16xf32>
      %le3A_2412 = arith.constant 2.500000e-03 : f32
      %le3A_2413 = vector.broadcast %le3A_2412 : f32 to vector<16xf32>
      %le3A_2414 = arith.cmpf ole, %sub3A_2411, %le3A_2413 : vector<16xf32>
      %add3A_2415 = arith.constant 0x4C000000 : f32
      %add3A_2416 = vector.broadcast %add3A_2415 : f32 to vector<16xf32>
      %add3A_2417 = arith.addf %select_n3A_2338, %add3A_2416 : vector<16xf32>
      %select_n3A_2418 = arith.select %le3A_2414, %add3A_2417, %select_n3A_2338 : vector<16xi1>, vector<16xf32>
      %mul3A_2419 = vector.broadcast %squeeze3A_2376 : f32 to vector<16xf32>
      %mul3A_2420 = arith.mulf %bitcast_convert_type3A_210, %mul3A_2419 : vector<16xf32>
      %mul3A_2421 = vector.broadcast %squeeze3A_2378 : f32 to vector<16xf32>
      %mul3A_2422 = arith.mulf %bitcast_convert_type3A_229, %mul3A_2421 : vector<16xf32>
      %add3A_2423 = arith.addf %mul3A_2420, %mul3A_2422 : vector<16xf32>
      %mul3A_2424 = vector.broadcast %squeeze3A_2380 : f32 to vector<16xf32>
      %mul3A_2425 = arith.mulf %bitcast_convert_type3A_248, %mul3A_2424 : vector<16xf32>
      %add3A_2426 = arith.addf %add3A_2423, %mul3A_2425 : vector<16xf32>
      %add3A_2427 = vector.broadcast %squeeze3A_2382 : f32 to vector<16xf32>
      %add3A_2428 = arith.addf %get3A_250, %add3A_2427 : vector<16xf32>
      %sub3A_2429 = arith.subf %add3A_2428, %add3A_2426 : vector<16xf32>
      %le3A_2430 = arith.constant 2.500000e-03 : f32
      %le3A_2431 = vector.broadcast %le3A_2430 : f32 to vector<16xf32>
      %le3A_2432 = arith.cmpf ole, %sub3A_2429, %le3A_2431 : vector<16xf32>
      %add3A_2433 = arith.constant 0x4C000000 : f32
      %add3A_2434 = vector.broadcast %add3A_2433 : f32 to vector<16xf32>
      %add3A_2435 = arith.addf %select_n3A_2356, %add3A_2434 : vector<16xf32>
      %select_n3A_2436 = arith.select %le3A_2432, %add3A_2435, %select_n3A_2356 : vector<16xi1>, vector<16xf32>
      %mul3A_2437 = vector.broadcast %squeeze3A_2376 : f32 to vector<16xf32>
      %mul3A_2438 = arith.mulf %bitcast_convert_type3A_284, %mul3A_2437 : vector<16xf32>
      %mul3A_2439 = vector.broadcast %squeeze3A_2378 : f32 to vector<16xf32>
      %mul3A_2440 = arith.mulf %bitcast_convert_type3A_303, %mul3A_2439 : vector<16xf32>
      %add3A_2441 = arith.addf %mul3A_2438, %mul3A_2440 : vector<16xf32>
      %mul3A_2442 = vector.broadcast %squeeze3A_2380 : f32 to vector<16xf32>
      %mul3A_2443 = arith.mulf %bitcast_convert_type3A_322, %mul3A_2442 : vector<16xf32>
      %add3A_2444 = arith.addf %add3A_2441, %mul3A_2443 : vector<16xf32>
      %add3A_2445 = vector.broadcast %squeeze3A_2382 : f32 to vector<16xf32>
      %add3A_2446 = arith.addf %get3A_324, %add3A_2445 : vector<16xf32>
      %sub3A_2447 = arith.subf %add3A_2446, %add3A_2444 : vector<16xf32>
      %le3A_2448 = arith.constant 2.500000e-03 : f32
      %le3A_2449 = vector.broadcast %le3A_2448 : f32 to vector<16xf32>
      %le3A_2450 = arith.cmpf ole, %sub3A_2447, %le3A_2449 : vector<16xf32>
      %add3A_2451 = arith.constant 0x4C000000 : f32
      %add3A_2452 = vector.broadcast %add3A_2451 : f32 to vector<16xf32>
      %add3A_2453 = arith.addf %select_n3A_2374, %add3A_2452 : vector<16xf32>
      %select_n3A_2454 = arith.select %le3A_2450, %add3A_2453, %select_n3A_2374 : vector<16xi1>, vector<16xf32>
      %slice3A_2455 = vector.extract_strided_slice %get3A_352 {offsets = [10], sizes = [1], strides = [1]} : vector<16xf32> to vector<1xf32>
      %squeeze3A_2456 = vector.extract %slice3A_2455[0] : f32 from vector<1xf32>
      %slice3A_2457 = vector.extract_strided_slice %get3A_358 {offsets = [10], sizes = [1], strides = [1]} : vector<16xf32> to vector<1xf32>
      %squeeze3A_2458 = vector.extract %slice3A_2457[0] : f32 from vector<1xf32>
      %slice3A_2459 = vector.extract_strided_slice %get3A_364 {offsets = [10], sizes = [1], strides = [1]} : vector<16xf32> to vector<1xf32>
      %squeeze3A_2460 = vector.extract %slice3A_2459[0] : f32 from vector<1xf32>
      %slice3A_2461 = vector.extract_strided_slice %get3A_370 {offsets = [10], sizes = [1], strides = [1]} : vector<16xf32> to vector<1xf32>
      %squeeze3A_2462 = vector.extract %slice3A_2461[0] : f32 from vector<1xf32>
      %mul3A_2463 = vector.broadcast %squeeze3A_2456 : f32 to vector<16xf32>
      %mul3A_2464 = arith.mulf %bitcast_convert_type3A_62, %mul3A_2463 : vector<16xf32>
      %mul3A_2465 = vector.broadcast %squeeze3A_2458 : f32 to vector<16xf32>
      %mul3A_2466 = arith.mulf %bitcast_convert_type3A_81, %mul3A_2465 : vector<16xf32>
      %add3A_2467 = arith.addf %mul3A_2464, %mul3A_2466 : vector<16xf32>
      %mul3A_2468 = vector.broadcast %squeeze3A_2460 : f32 to vector<16xf32>
      %mul3A_2469 = arith.mulf %bitcast_convert_type3A_100, %mul3A_2468 : vector<16xf32>
      %add3A_2470 = arith.addf %add3A_2467, %mul3A_2469 : vector<16xf32>
      %add3A_2471 = vector.broadcast %squeeze3A_2462 : f32 to vector<16xf32>
      %add3A_2472 = arith.addf %get3A_102, %add3A_2471 : vector<16xf32>
      %sub3A_2473 = arith.subf %add3A_2472, %add3A_2470 : vector<16xf32>
      %le3A_2474 = arith.constant 2.500000e-03 : f32
      %le3A_2475 = vector.broadcast %le3A_2474 : f32 to vector<16xf32>
      %le3A_2476 = arith.cmpf ole, %sub3A_2473, %le3A_2475 : vector<16xf32>
      %add3A_2477 = arith.constant 0x4C800000 : f32
      %add3A_2478 = vector.broadcast %add3A_2477 : f32 to vector<16xf32>
      %add3A_2479 = arith.addf %select_n3A_2400, %add3A_2478 : vector<16xf32>
      %select_n3A_2480 = arith.select %le3A_2476, %add3A_2479, %select_n3A_2400 : vector<16xi1>, vector<16xf32>
      %mul3A_2481 = vector.broadcast %squeeze3A_2456 : f32 to vector<16xf32>
      %mul3A_2482 = arith.mulf %bitcast_convert_type3A_136, %mul3A_2481 : vector<16xf32>
      %mul3A_2483 = vector.broadcast %squeeze3A_2458 : f32 to vector<16xf32>
      %mul3A_2484 = arith.mulf %bitcast_convert_type3A_155, %mul3A_2483 : vector<16xf32>
      %add3A_2485 = arith.addf %mul3A_2482, %mul3A_2484 : vector<16xf32>
      %mul3A_2486 = vector.broadcast %squeeze3A_2460 : f32 to vector<16xf32>
      %mul3A_2487 = arith.mulf %bitcast_convert_type3A_174, %mul3A_2486 : vector<16xf32>
      %add3A_2488 = arith.addf %add3A_2485, %mul3A_2487 : vector<16xf32>
      %add3A_2489 = vector.broadcast %squeeze3A_2462 : f32 to vector<16xf32>
      %add3A_2490 = arith.addf %get3A_176, %add3A_2489 : vector<16xf32>
      %sub3A_2491 = arith.subf %add3A_2490, %add3A_2488 : vector<16xf32>
      %le3A_2492 = arith.constant 2.500000e-03 : f32
      %le3A_2493 = vector.broadcast %le3A_2492 : f32 to vector<16xf32>
      %le3A_2494 = arith.cmpf ole, %sub3A_2491, %le3A_2493 : vector<16xf32>
      %add3A_2495 = arith.constant 0x4C800000 : f32
      %add3A_2496 = vector.broadcast %add3A_2495 : f32 to vector<16xf32>
      %add3A_2497 = arith.addf %select_n3A_2418, %add3A_2496 : vector<16xf32>
      %select_n3A_2498 = arith.select %le3A_2494, %add3A_2497, %select_n3A_2418 : vector<16xi1>, vector<16xf32>
      %mul3A_2499 = vector.broadcast %squeeze3A_2456 : f32 to vector<16xf32>
      %mul3A_2500 = arith.mulf %bitcast_convert_type3A_210, %mul3A_2499 : vector<16xf32>
      %mul3A_2501 = vector.broadcast %squeeze3A_2458 : f32 to vector<16xf32>
      %mul3A_2502 = arith.mulf %bitcast_convert_type3A_229, %mul3A_2501 : vector<16xf32>
      %add3A_2503 = arith.addf %mul3A_2500, %mul3A_2502 : vector<16xf32>
      %mul3A_2504 = vector.broadcast %squeeze3A_2460 : f32 to vector<16xf32>
      %mul3A_2505 = arith.mulf %bitcast_convert_type3A_248, %mul3A_2504 : vector<16xf32>
      %add3A_2506 = arith.addf %add3A_2503, %mul3A_2505 : vector<16xf32>
      %add3A_2507 = vector.broadcast %squeeze3A_2462 : f32 to vector<16xf32>
      %add3A_2508 = arith.addf %get3A_250, %add3A_2507 : vector<16xf32>
      %sub3A_2509 = arith.subf %add3A_2508, %add3A_2506 : vector<16xf32>
      %le3A_2510 = arith.constant 2.500000e-03 : f32
      %le3A_2511 = vector.broadcast %le3A_2510 : f32 to vector<16xf32>
      %le3A_2512 = arith.cmpf ole, %sub3A_2509, %le3A_2511 : vector<16xf32>
      %add3A_2513 = arith.constant 0x4C800000 : f32
      %add3A_2514 = vector.broadcast %add3A_2513 : f32 to vector<16xf32>
      %add3A_2515 = arith.addf %select_n3A_2436, %add3A_2514 : vector<16xf32>
      %select_n3A_2516 = arith.select %le3A_2512, %add3A_2515, %select_n3A_2436 : vector<16xi1>, vector<16xf32>
      %mul3A_2517 = vector.broadcast %squeeze3A_2456 : f32 to vector<16xf32>
      %mul3A_2518 = arith.mulf %bitcast_convert_type3A_284, %mul3A_2517 : vector<16xf32>
      %mul3A_2519 = vector.broadcast %squeeze3A_2458 : f32 to vector<16xf32>
      %mul3A_2520 = arith.mulf %bitcast_convert_type3A_303, %mul3A_2519 : vector<16xf32>
      %add3A_2521 = arith.addf %mul3A_2518, %mul3A_2520 : vector<16xf32>
      %mul3A_2522 = vector.broadcast %squeeze3A_2460 : f32 to vector<16xf32>
      %mul3A_2523 = arith.mulf %bitcast_convert_type3A_322, %mul3A_2522 : vector<16xf32>
      %add3A_2524 = arith.addf %add3A_2521, %mul3A_2523 : vector<16xf32>
      %add3A_2525 = vector.broadcast %squeeze3A_2462 : f32 to vector<16xf32>
      %add3A_2526 = arith.addf %get3A_324, %add3A_2525 : vector<16xf32>
      %sub3A_2527 = arith.subf %add3A_2526, %add3A_2524 : vector<16xf32>
      %le3A_2528 = arith.constant 2.500000e-03 : f32
      %le3A_2529 = vector.broadcast %le3A_2528 : f32 to vector<16xf32>
      %le3A_2530 = arith.cmpf ole, %sub3A_2527, %le3A_2529 : vector<16xf32>
      %add3A_2531 = arith.constant 0x4C800000 : f32
      %add3A_2532 = vector.broadcast %add3A_2531 : f32 to vector<16xf32>
      %add3A_2533 = arith.addf %select_n3A_2454, %add3A_2532 : vector<16xf32>
      %select_n3A_2534 = arith.select %le3A_2530, %add3A_2533, %select_n3A_2454 : vector<16xi1>, vector<16xf32>
      %slice3A_2535 = vector.extract_strided_slice %get3A_352 {offsets = [11], sizes = [1], strides = [1]} : vector<16xf32> to vector<1xf32>
      %squeeze3A_2536 = vector.extract %slice3A_2535[0] : f32 from vector<1xf32>
      %slice3A_2537 = vector.extract_strided_slice %get3A_358 {offsets = [11], sizes = [1], strides = [1]} : vector<16xf32> to vector<1xf32>
      %squeeze3A_2538 = vector.extract %slice3A_2537[0] : f32 from vector<1xf32>
      %slice3A_2539 = vector.extract_strided_slice %get3A_364 {offsets = [11], sizes = [1], strides = [1]} : vector<16xf32> to vector<1xf32>
      %squeeze3A_2540 = vector.extract %slice3A_2539[0] : f32 from vector<1xf32>
      %slice3A_2541 = vector.extract_strided_slice %get3A_370 {offsets = [11], sizes = [1], strides = [1]} : vector<16xf32> to vector<1xf32>
      %squeeze3A_2542 = vector.extract %slice3A_2541[0] : f32 from vector<1xf32>
      %mul3A_2543 = vector.broadcast %squeeze3A_2536 : f32 to vector<16xf32>
      %mul3A_2544 = arith.mulf %bitcast_convert_type3A_62, %mul3A_2543 : vector<16xf32>
      %mul3A_2545 = vector.broadcast %squeeze3A_2538 : f32 to vector<16xf32>
      %mul3A_2546 = arith.mulf %bitcast_convert_type3A_81, %mul3A_2545 : vector<16xf32>
      %add3A_2547 = arith.addf %mul3A_2544, %mul3A_2546 : vector<16xf32>
      %mul3A_2548 = vector.broadcast %squeeze3A_2540 : f32 to vector<16xf32>
      %mul3A_2549 = arith.mulf %bitcast_convert_type3A_100, %mul3A_2548 : vector<16xf32>
      %add3A_2550 = arith.addf %add3A_2547, %mul3A_2549 : vector<16xf32>
      %add3A_2551 = vector.broadcast %squeeze3A_2542 : f32 to vector<16xf32>
      %add3A_2552 = arith.addf %get3A_102, %add3A_2551 : vector<16xf32>
      %sub3A_2553 = arith.subf %add3A_2552, %add3A_2550 : vector<16xf32>
      %le3A_2554 = arith.constant 2.500000e-03 : f32
      %le3A_2555 = vector.broadcast %le3A_2554 : f32 to vector<16xf32>
      %le3A_2556 = arith.cmpf ole, %sub3A_2553, %le3A_2555 : vector<16xf32>
      %add3A_2557 = arith.constant 0x4D000000 : f32
      %add3A_2558 = vector.broadcast %add3A_2557 : f32 to vector<16xf32>
      %add3A_2559 = arith.addf %select_n3A_2480, %add3A_2558 : vector<16xf32>
      %select_n3A_2560 = arith.select %le3A_2556, %add3A_2559, %select_n3A_2480 : vector<16xi1>, vector<16xf32>
      %mul3A_2561 = vector.broadcast %squeeze3A_2536 : f32 to vector<16xf32>
      %mul3A_2562 = arith.mulf %bitcast_convert_type3A_136, %mul3A_2561 : vector<16xf32>
      %mul3A_2563 = vector.broadcast %squeeze3A_2538 : f32 to vector<16xf32>
      %mul3A_2564 = arith.mulf %bitcast_convert_type3A_155, %mul3A_2563 : vector<16xf32>
      %add3A_2565 = arith.addf %mul3A_2562, %mul3A_2564 : vector<16xf32>
      %mul3A_2566 = vector.broadcast %squeeze3A_2540 : f32 to vector<16xf32>
      %mul3A_2567 = arith.mulf %bitcast_convert_type3A_174, %mul3A_2566 : vector<16xf32>
      %add3A_2568 = arith.addf %add3A_2565, %mul3A_2567 : vector<16xf32>
      %add3A_2569 = vector.broadcast %squeeze3A_2542 : f32 to vector<16xf32>
      %add3A_2570 = arith.addf %get3A_176, %add3A_2569 : vector<16xf32>
      %sub3A_2571 = arith.subf %add3A_2570, %add3A_2568 : vector<16xf32>
      %le3A_2572 = arith.constant 2.500000e-03 : f32
      %le3A_2573 = vector.broadcast %le3A_2572 : f32 to vector<16xf32>
      %le3A_2574 = arith.cmpf ole, %sub3A_2571, %le3A_2573 : vector<16xf32>
      %add3A_2575 = arith.constant 0x4D000000 : f32
      %add3A_2576 = vector.broadcast %add3A_2575 : f32 to vector<16xf32>
      %add3A_2577 = arith.addf %select_n3A_2498, %add3A_2576 : vector<16xf32>
      %select_n3A_2578 = arith.select %le3A_2574, %add3A_2577, %select_n3A_2498 : vector<16xi1>, vector<16xf32>
      %mul3A_2579 = vector.broadcast %squeeze3A_2536 : f32 to vector<16xf32>
      %mul3A_2580 = arith.mulf %bitcast_convert_type3A_210, %mul3A_2579 : vector<16xf32>
      %mul3A_2581 = vector.broadcast %squeeze3A_2538 : f32 to vector<16xf32>
      %mul3A_2582 = arith.mulf %bitcast_convert_type3A_229, %mul3A_2581 : vector<16xf32>
      %add3A_2583 = arith.addf %mul3A_2580, %mul3A_2582 : vector<16xf32>
      %mul3A_2584 = vector.broadcast %squeeze3A_2540 : f32 to vector<16xf32>
      %mul3A_2585 = arith.mulf %bitcast_convert_type3A_248, %mul3A_2584 : vector<16xf32>
      %add3A_2586 = arith.addf %add3A_2583, %mul3A_2585 : vector<16xf32>
      %add3A_2587 = vector.broadcast %squeeze3A_2542 : f32 to vector<16xf32>
      %add3A_2588 = arith.addf %get3A_250, %add3A_2587 : vector<16xf32>
      %sub3A_2589 = arith.subf %add3A_2588, %add3A_2586 : vector<16xf32>
      %le3A_2590 = arith.constant 2.500000e-03 : f32
      %le3A_2591 = vector.broadcast %le3A_2590 : f32 to vector<16xf32>
      %le3A_2592 = arith.cmpf ole, %sub3A_2589, %le3A_2591 : vector<16xf32>
      %add3A_2593 = arith.constant 0x4D000000 : f32
      %add3A_2594 = vector.broadcast %add3A_2593 : f32 to vector<16xf32>
      %add3A_2595 = arith.addf %select_n3A_2516, %add3A_2594 : vector<16xf32>
      %select_n3A_2596 = arith.select %le3A_2592, %add3A_2595, %select_n3A_2516 : vector<16xi1>, vector<16xf32>
      %mul3A_2597 = vector.broadcast %squeeze3A_2536 : f32 to vector<16xf32>
      %mul3A_2598 = arith.mulf %bitcast_convert_type3A_284, %mul3A_2597 : vector<16xf32>
      %mul3A_2599 = vector.broadcast %squeeze3A_2538 : f32 to vector<16xf32>
      %mul3A_2600 = arith.mulf %bitcast_convert_type3A_303, %mul3A_2599 : vector<16xf32>
      %add3A_2601 = arith.addf %mul3A_2598, %mul3A_2600 : vector<16xf32>
      %mul3A_2602 = vector.broadcast %squeeze3A_2540 : f32 to vector<16xf32>
      %mul3A_2603 = arith.mulf %bitcast_convert_type3A_322, %mul3A_2602 : vector<16xf32>
      %add3A_2604 = arith.addf %add3A_2601, %mul3A_2603 : vector<16xf32>
      %add3A_2605 = vector.broadcast %squeeze3A_2542 : f32 to vector<16xf32>
      %add3A_2606 = arith.addf %get3A_324, %add3A_2605 : vector<16xf32>
      %sub3A_2607 = arith.subf %add3A_2606, %add3A_2604 : vector<16xf32>
      %le3A_2608 = arith.constant 2.500000e-03 : f32
      %le3A_2609 = vector.broadcast %le3A_2608 : f32 to vector<16xf32>
      %le3A_2610 = arith.cmpf ole, %sub3A_2607, %le3A_2609 : vector<16xf32>
      %add3A_2611 = arith.constant 0x4D000000 : f32
      %add3A_2612 = vector.broadcast %add3A_2611 : f32 to vector<16xf32>
      %add3A_2613 = arith.addf %select_n3A_2534, %add3A_2612 : vector<16xf32>
      %select_n3A_2614 = arith.select %le3A_2610, %add3A_2613, %select_n3A_2534 : vector<16xi1>, vector<16xf32>
      %slice3A_2615 = vector.extract_strided_slice %get3A_352 {offsets = [12], sizes = [1], strides = [1]} : vector<16xf32> to vector<1xf32>
      %squeeze3A_2616 = vector.extract %slice3A_2615[0] : f32 from vector<1xf32>
      %slice3A_2617 = vector.extract_strided_slice %get3A_358 {offsets = [12], sizes = [1], strides = [1]} : vector<16xf32> to vector<1xf32>
      %squeeze3A_2618 = vector.extract %slice3A_2617[0] : f32 from vector<1xf32>
      %slice3A_2619 = vector.extract_strided_slice %get3A_364 {offsets = [12], sizes = [1], strides = [1]} : vector<16xf32> to vector<1xf32>
      %squeeze3A_2620 = vector.extract %slice3A_2619[0] : f32 from vector<1xf32>
      %slice3A_2621 = vector.extract_strided_slice %get3A_370 {offsets = [12], sizes = [1], strides = [1]} : vector<16xf32> to vector<1xf32>
      %squeeze3A_2622 = vector.extract %slice3A_2621[0] : f32 from vector<1xf32>
      %mul3A_2623 = vector.broadcast %squeeze3A_2616 : f32 to vector<16xf32>
      %mul3A_2624 = arith.mulf %bitcast_convert_type3A_62, %mul3A_2623 : vector<16xf32>
      %mul3A_2625 = vector.broadcast %squeeze3A_2618 : f32 to vector<16xf32>
      %mul3A_2626 = arith.mulf %bitcast_convert_type3A_81, %mul3A_2625 : vector<16xf32>
      %add3A_2627 = arith.addf %mul3A_2624, %mul3A_2626 : vector<16xf32>
      %mul3A_2628 = vector.broadcast %squeeze3A_2620 : f32 to vector<16xf32>
      %mul3A_2629 = arith.mulf %bitcast_convert_type3A_100, %mul3A_2628 : vector<16xf32>
      %add3A_2630 = arith.addf %add3A_2627, %mul3A_2629 : vector<16xf32>
      %add3A_2631 = vector.broadcast %squeeze3A_2622 : f32 to vector<16xf32>
      %add3A_2632 = arith.addf %get3A_102, %add3A_2631 : vector<16xf32>
      %sub3A_2633 = arith.subf %add3A_2632, %add3A_2630 : vector<16xf32>
      %le3A_2634 = arith.constant 2.500000e-03 : f32
      %le3A_2635 = vector.broadcast %le3A_2634 : f32 to vector<16xf32>
      %le3A_2636 = arith.cmpf ole, %sub3A_2633, %le3A_2635 : vector<16xf32>
      %add3A_2637 = arith.constant 0x4D800000 : f32
      %add3A_2638 = vector.broadcast %add3A_2637 : f32 to vector<16xf32>
      %add3A_2639 = arith.addf %select_n3A_2560, %add3A_2638 : vector<16xf32>
      %select_n3A_2640 = arith.select %le3A_2636, %add3A_2639, %select_n3A_2560 : vector<16xi1>, vector<16xf32>
      %mul3A_2641 = vector.broadcast %squeeze3A_2616 : f32 to vector<16xf32>
      %mul3A_2642 = arith.mulf %bitcast_convert_type3A_136, %mul3A_2641 : vector<16xf32>
      %mul3A_2643 = vector.broadcast %squeeze3A_2618 : f32 to vector<16xf32>
      %mul3A_2644 = arith.mulf %bitcast_convert_type3A_155, %mul3A_2643 : vector<16xf32>
      %add3A_2645 = arith.addf %mul3A_2642, %mul3A_2644 : vector<16xf32>
      %mul3A_2646 = vector.broadcast %squeeze3A_2620 : f32 to vector<16xf32>
      %mul3A_2647 = arith.mulf %bitcast_convert_type3A_174, %mul3A_2646 : vector<16xf32>
      %add3A_2648 = arith.addf %add3A_2645, %mul3A_2647 : vector<16xf32>
      %add3A_2649 = vector.broadcast %squeeze3A_2622 : f32 to vector<16xf32>
      %add3A_2650 = arith.addf %get3A_176, %add3A_2649 : vector<16xf32>
      %sub3A_2651 = arith.subf %add3A_2650, %add3A_2648 : vector<16xf32>
      %le3A_2652 = arith.constant 2.500000e-03 : f32
      %le3A_2653 = vector.broadcast %le3A_2652 : f32 to vector<16xf32>
      %le3A_2654 = arith.cmpf ole, %sub3A_2651, %le3A_2653 : vector<16xf32>
      %add3A_2655 = arith.constant 0x4D800000 : f32
      %add3A_2656 = vector.broadcast %add3A_2655 : f32 to vector<16xf32>
      %add3A_2657 = arith.addf %select_n3A_2578, %add3A_2656 : vector<16xf32>
      %select_n3A_2658 = arith.select %le3A_2654, %add3A_2657, %select_n3A_2578 : vector<16xi1>, vector<16xf32>
      %mul3A_2659 = vector.broadcast %squeeze3A_2616 : f32 to vector<16xf32>
      %mul3A_2660 = arith.mulf %bitcast_convert_type3A_210, %mul3A_2659 : vector<16xf32>
      %mul3A_2661 = vector.broadcast %squeeze3A_2618 : f32 to vector<16xf32>
      %mul3A_2662 = arith.mulf %bitcast_convert_type3A_229, %mul3A_2661 : vector<16xf32>
      %add3A_2663 = arith.addf %mul3A_2660, %mul3A_2662 : vector<16xf32>
      %mul3A_2664 = vector.broadcast %squeeze3A_2620 : f32 to vector<16xf32>
      %mul3A_2665 = arith.mulf %bitcast_convert_type3A_248, %mul3A_2664 : vector<16xf32>
      %add3A_2666 = arith.addf %add3A_2663, %mul3A_2665 : vector<16xf32>
      %add3A_2667 = vector.broadcast %squeeze3A_2622 : f32 to vector<16xf32>
      %add3A_2668 = arith.addf %get3A_250, %add3A_2667 : vector<16xf32>
      %sub3A_2669 = arith.subf %add3A_2668, %add3A_2666 : vector<16xf32>
      %le3A_2670 = arith.constant 2.500000e-03 : f32
      %le3A_2671 = vector.broadcast %le3A_2670 : f32 to vector<16xf32>
      %le3A_2672 = arith.cmpf ole, %sub3A_2669, %le3A_2671 : vector<16xf32>
      %add3A_2673 = arith.constant 0x4D800000 : f32
      %add3A_2674 = vector.broadcast %add3A_2673 : f32 to vector<16xf32>
      %add3A_2675 = arith.addf %select_n3A_2596, %add3A_2674 : vector<16xf32>
      %select_n3A_2676 = arith.select %le3A_2672, %add3A_2675, %select_n3A_2596 : vector<16xi1>, vector<16xf32>
      %mul3A_2677 = vector.broadcast %squeeze3A_2616 : f32 to vector<16xf32>
      %mul3A_2678 = arith.mulf %bitcast_convert_type3A_284, %mul3A_2677 : vector<16xf32>
      %mul3A_2679 = vector.broadcast %squeeze3A_2618 : f32 to vector<16xf32>
      %mul3A_2680 = arith.mulf %bitcast_convert_type3A_303, %mul3A_2679 : vector<16xf32>
      %add3A_2681 = arith.addf %mul3A_2678, %mul3A_2680 : vector<16xf32>
      %mul3A_2682 = vector.broadcast %squeeze3A_2620 : f32 to vector<16xf32>
      %mul3A_2683 = arith.mulf %bitcast_convert_type3A_322, %mul3A_2682 : vector<16xf32>
      %add3A_2684 = arith.addf %add3A_2681, %mul3A_2683 : vector<16xf32>
      %add3A_2685 = vector.broadcast %squeeze3A_2622 : f32 to vector<16xf32>
      %add3A_2686 = arith.addf %get3A_324, %add3A_2685 : vector<16xf32>
      %sub3A_2687 = arith.subf %add3A_2686, %add3A_2684 : vector<16xf32>
      %le3A_2688 = arith.constant 2.500000e-03 : f32
      %le3A_2689 = vector.broadcast %le3A_2688 : f32 to vector<16xf32>
      %le3A_2690 = arith.cmpf ole, %sub3A_2687, %le3A_2689 : vector<16xf32>
      %add3A_2691 = arith.constant 0x4D800000 : f32
      %add3A_2692 = vector.broadcast %add3A_2691 : f32 to vector<16xf32>
      %add3A_2693 = arith.addf %select_n3A_2614, %add3A_2692 : vector<16xf32>
      %select_n3A_2694 = arith.select %le3A_2690, %add3A_2693, %select_n3A_2614 : vector<16xi1>, vector<16xf32>
      %slice3A_2695 = vector.extract_strided_slice %get3A_352 {offsets = [13], sizes = [1], strides = [1]} : vector<16xf32> to vector<1xf32>
      %squeeze3A_2696 = vector.extract %slice3A_2695[0] : f32 from vector<1xf32>
      %slice3A_2697 = vector.extract_strided_slice %get3A_358 {offsets = [13], sizes = [1], strides = [1]} : vector<16xf32> to vector<1xf32>
      %squeeze3A_2698 = vector.extract %slice3A_2697[0] : f32 from vector<1xf32>
      %slice3A_2699 = vector.extract_strided_slice %get3A_364 {offsets = [13], sizes = [1], strides = [1]} : vector<16xf32> to vector<1xf32>
      %squeeze3A_2700 = vector.extract %slice3A_2699[0] : f32 from vector<1xf32>
      %slice3A_2701 = vector.extract_strided_slice %get3A_370 {offsets = [13], sizes = [1], strides = [1]} : vector<16xf32> to vector<1xf32>
      %squeeze3A_2702 = vector.extract %slice3A_2701[0] : f32 from vector<1xf32>
      %mul3A_2703 = vector.broadcast %squeeze3A_2696 : f32 to vector<16xf32>
      %mul3A_2704 = arith.mulf %bitcast_convert_type3A_62, %mul3A_2703 : vector<16xf32>
      %mul3A_2705 = vector.broadcast %squeeze3A_2698 : f32 to vector<16xf32>
      %mul3A_2706 = arith.mulf %bitcast_convert_type3A_81, %mul3A_2705 : vector<16xf32>
      %add3A_2707 = arith.addf %mul3A_2704, %mul3A_2706 : vector<16xf32>
      %mul3A_2708 = vector.broadcast %squeeze3A_2700 : f32 to vector<16xf32>
      %mul3A_2709 = arith.mulf %bitcast_convert_type3A_100, %mul3A_2708 : vector<16xf32>
      %add3A_2710 = arith.addf %add3A_2707, %mul3A_2709 : vector<16xf32>
      %add3A_2711 = vector.broadcast %squeeze3A_2702 : f32 to vector<16xf32>
      %add3A_2712 = arith.addf %get3A_102, %add3A_2711 : vector<16xf32>
      %sub3A_2713 = arith.subf %add3A_2712, %add3A_2710 : vector<16xf32>
      %le3A_2714 = arith.constant 2.500000e-03 : f32
      %le3A_2715 = vector.broadcast %le3A_2714 : f32 to vector<16xf32>
      %le3A_2716 = arith.cmpf ole, %sub3A_2713, %le3A_2715 : vector<16xf32>
      %add3A_2717 = arith.constant 0x4E000000 : f32
      %add3A_2718 = vector.broadcast %add3A_2717 : f32 to vector<16xf32>
      %add3A_2719 = arith.addf %select_n3A_2640, %add3A_2718 : vector<16xf32>
      %select_n3A_2720 = arith.select %le3A_2716, %add3A_2719, %select_n3A_2640 : vector<16xi1>, vector<16xf32>
      %mul3A_2721 = vector.broadcast %squeeze3A_2696 : f32 to vector<16xf32>
      %mul3A_2722 = arith.mulf %bitcast_convert_type3A_136, %mul3A_2721 : vector<16xf32>
      %mul3A_2723 = vector.broadcast %squeeze3A_2698 : f32 to vector<16xf32>
      %mul3A_2724 = arith.mulf %bitcast_convert_type3A_155, %mul3A_2723 : vector<16xf32>
      %add3A_2725 = arith.addf %mul3A_2722, %mul3A_2724 : vector<16xf32>
      %mul3A_2726 = vector.broadcast %squeeze3A_2700 : f32 to vector<16xf32>
      %mul3A_2727 = arith.mulf %bitcast_convert_type3A_174, %mul3A_2726 : vector<16xf32>
      %add3A_2728 = arith.addf %add3A_2725, %mul3A_2727 : vector<16xf32>
      %add3A_2729 = vector.broadcast %squeeze3A_2702 : f32 to vector<16xf32>
      %add3A_2730 = arith.addf %get3A_176, %add3A_2729 : vector<16xf32>
      %sub3A_2731 = arith.subf %add3A_2730, %add3A_2728 : vector<16xf32>
      %le3A_2732 = arith.constant 2.500000e-03 : f32
      %le3A_2733 = vector.broadcast %le3A_2732 : f32 to vector<16xf32>
      %le3A_2734 = arith.cmpf ole, %sub3A_2731, %le3A_2733 : vector<16xf32>
      %add3A_2735 = arith.constant 0x4E000000 : f32
      %add3A_2736 = vector.broadcast %add3A_2735 : f32 to vector<16xf32>
      %add3A_2737 = arith.addf %select_n3A_2658, %add3A_2736 : vector<16xf32>
      %select_n3A_2738 = arith.select %le3A_2734, %add3A_2737, %select_n3A_2658 : vector<16xi1>, vector<16xf32>
      %mul3A_2739 = vector.broadcast %squeeze3A_2696 : f32 to vector<16xf32>
      %mul3A_2740 = arith.mulf %bitcast_convert_type3A_210, %mul3A_2739 : vector<16xf32>
      %mul3A_2741 = vector.broadcast %squeeze3A_2698 : f32 to vector<16xf32>
      %mul3A_2742 = arith.mulf %bitcast_convert_type3A_229, %mul3A_2741 : vector<16xf32>
      %add3A_2743 = arith.addf %mul3A_2740, %mul3A_2742 : vector<16xf32>
      %mul3A_2744 = vector.broadcast %squeeze3A_2700 : f32 to vector<16xf32>
      %mul3A_2745 = arith.mulf %bitcast_convert_type3A_248, %mul3A_2744 : vector<16xf32>
      %add3A_2746 = arith.addf %add3A_2743, %mul3A_2745 : vector<16xf32>
      %add3A_2747 = vector.broadcast %squeeze3A_2702 : f32 to vector<16xf32>
      %add3A_2748 = arith.addf %get3A_250, %add3A_2747 : vector<16xf32>
      %sub3A_2749 = arith.subf %add3A_2748, %add3A_2746 : vector<16xf32>
      %le3A_2750 = arith.constant 2.500000e-03 : f32
      %le3A_2751 = vector.broadcast %le3A_2750 : f32 to vector<16xf32>
      %le3A_2752 = arith.cmpf ole, %sub3A_2749, %le3A_2751 : vector<16xf32>
      %add3A_2753 = arith.constant 0x4E000000 : f32
      %add3A_2754 = vector.broadcast %add3A_2753 : f32 to vector<16xf32>
      %add3A_2755 = arith.addf %select_n3A_2676, %add3A_2754 : vector<16xf32>
      %select_n3A_2756 = arith.select %le3A_2752, %add3A_2755, %select_n3A_2676 : vector<16xi1>, vector<16xf32>
      %mul3A_2757 = vector.broadcast %squeeze3A_2696 : f32 to vector<16xf32>
      %mul3A_2758 = arith.mulf %bitcast_convert_type3A_284, %mul3A_2757 : vector<16xf32>
      %mul3A_2759 = vector.broadcast %squeeze3A_2698 : f32 to vector<16xf32>
      %mul3A_2760 = arith.mulf %bitcast_convert_type3A_303, %mul3A_2759 : vector<16xf32>
      %add3A_2761 = arith.addf %mul3A_2758, %mul3A_2760 : vector<16xf32>
      %mul3A_2762 = vector.broadcast %squeeze3A_2700 : f32 to vector<16xf32>
      %mul3A_2763 = arith.mulf %bitcast_convert_type3A_322, %mul3A_2762 : vector<16xf32>
      %add3A_2764 = arith.addf %add3A_2761, %mul3A_2763 : vector<16xf32>
      %add3A_2765 = vector.broadcast %squeeze3A_2702 : f32 to vector<16xf32>
      %add3A_2766 = arith.addf %get3A_324, %add3A_2765 : vector<16xf32>
      %sub3A_2767 = arith.subf %add3A_2766, %add3A_2764 : vector<16xf32>
      %le3A_2768 = arith.constant 2.500000e-03 : f32
      %le3A_2769 = vector.broadcast %le3A_2768 : f32 to vector<16xf32>
      %le3A_2770 = arith.cmpf ole, %sub3A_2767, %le3A_2769 : vector<16xf32>
      %add3A_2771 = arith.constant 0x4E000000 : f32
      %add3A_2772 = vector.broadcast %add3A_2771 : f32 to vector<16xf32>
      %add3A_2773 = arith.addf %select_n3A_2694, %add3A_2772 : vector<16xf32>
      %select_n3A_2774 = arith.select %le3A_2770, %add3A_2773, %select_n3A_2694 : vector<16xi1>, vector<16xf32>
      %slice3A_2775 = vector.extract_strided_slice %get3A_352 {offsets = [14], sizes = [1], strides = [1]} : vector<16xf32> to vector<1xf32>
      %squeeze3A_2776 = vector.extract %slice3A_2775[0] : f32 from vector<1xf32>
      %slice3A_2777 = vector.extract_strided_slice %get3A_358 {offsets = [14], sizes = [1], strides = [1]} : vector<16xf32> to vector<1xf32>
      %squeeze3A_2778 = vector.extract %slice3A_2777[0] : f32 from vector<1xf32>
      %slice3A_2779 = vector.extract_strided_slice %get3A_364 {offsets = [14], sizes = [1], strides = [1]} : vector<16xf32> to vector<1xf32>
      %squeeze3A_2780 = vector.extract %slice3A_2779[0] : f32 from vector<1xf32>
      %slice3A_2781 = vector.extract_strided_slice %get3A_370 {offsets = [14], sizes = [1], strides = [1]} : vector<16xf32> to vector<1xf32>
      %squeeze3A_2782 = vector.extract %slice3A_2781[0] : f32 from vector<1xf32>
      %mul3A_2783 = vector.broadcast %squeeze3A_2776 : f32 to vector<16xf32>
      %mul3A_2784 = arith.mulf %bitcast_convert_type3A_62, %mul3A_2783 : vector<16xf32>
      %mul3A_2785 = vector.broadcast %squeeze3A_2778 : f32 to vector<16xf32>
      %mul3A_2786 = arith.mulf %bitcast_convert_type3A_81, %mul3A_2785 : vector<16xf32>
      %add3A_2787 = arith.addf %mul3A_2784, %mul3A_2786 : vector<16xf32>
      %mul3A_2788 = vector.broadcast %squeeze3A_2780 : f32 to vector<16xf32>
      %mul3A_2789 = arith.mulf %bitcast_convert_type3A_100, %mul3A_2788 : vector<16xf32>
      %add3A_2790 = arith.addf %add3A_2787, %mul3A_2789 : vector<16xf32>
      %add3A_2791 = vector.broadcast %squeeze3A_2782 : f32 to vector<16xf32>
      %add3A_2792 = arith.addf %get3A_102, %add3A_2791 : vector<16xf32>
      %sub3A_2793 = arith.subf %add3A_2792, %add3A_2790 : vector<16xf32>
      %le3A_2794 = arith.constant 2.500000e-03 : f32
      %le3A_2795 = vector.broadcast %le3A_2794 : f32 to vector<16xf32>
      %le3A_2796 = arith.cmpf ole, %sub3A_2793, %le3A_2795 : vector<16xf32>
      %add3A_2797 = arith.constant 1.07374182E+9 : f32
      %add3A_2798 = vector.broadcast %add3A_2797 : f32 to vector<16xf32>
      %add3A_2799 = arith.addf %select_n3A_2720, %add3A_2798 : vector<16xf32>
      %select_n3A_2800 = arith.select %le3A_2796, %add3A_2799, %select_n3A_2720 : vector<16xi1>, vector<16xf32>
      %mul3A_2801 = vector.broadcast %squeeze3A_2776 : f32 to vector<16xf32>
      %mul3A_2802 = arith.mulf %bitcast_convert_type3A_136, %mul3A_2801 : vector<16xf32>
      %mul3A_2803 = vector.broadcast %squeeze3A_2778 : f32 to vector<16xf32>
      %mul3A_2804 = arith.mulf %bitcast_convert_type3A_155, %mul3A_2803 : vector<16xf32>
      %add3A_2805 = arith.addf %mul3A_2802, %mul3A_2804 : vector<16xf32>
      %mul3A_2806 = vector.broadcast %squeeze3A_2780 : f32 to vector<16xf32>
      %mul3A_2807 = arith.mulf %bitcast_convert_type3A_174, %mul3A_2806 : vector<16xf32>
      %add3A_2808 = arith.addf %add3A_2805, %mul3A_2807 : vector<16xf32>
      %add3A_2809 = vector.broadcast %squeeze3A_2782 : f32 to vector<16xf32>
      %add3A_2810 = arith.addf %get3A_176, %add3A_2809 : vector<16xf32>
      %sub3A_2811 = arith.subf %add3A_2810, %add3A_2808 : vector<16xf32>
      %le3A_2812 = arith.constant 2.500000e-03 : f32
      %le3A_2813 = vector.broadcast %le3A_2812 : f32 to vector<16xf32>
      %le3A_2814 = arith.cmpf ole, %sub3A_2811, %le3A_2813 : vector<16xf32>
      %add3A_2815 = arith.constant 1.07374182E+9 : f32
      %add3A_2816 = vector.broadcast %add3A_2815 : f32 to vector<16xf32>
      %add3A_2817 = arith.addf %select_n3A_2738, %add3A_2816 : vector<16xf32>
      %select_n3A_2818 = arith.select %le3A_2814, %add3A_2817, %select_n3A_2738 : vector<16xi1>, vector<16xf32>
      %mul3A_2819 = vector.broadcast %squeeze3A_2776 : f32 to vector<16xf32>
      %mul3A_2820 = arith.mulf %bitcast_convert_type3A_210, %mul3A_2819 : vector<16xf32>
      %mul3A_2821 = vector.broadcast %squeeze3A_2778 : f32 to vector<16xf32>
      %mul3A_2822 = arith.mulf %bitcast_convert_type3A_229, %mul3A_2821 : vector<16xf32>
      %add3A_2823 = arith.addf %mul3A_2820, %mul3A_2822 : vector<16xf32>
      %mul3A_2824 = vector.broadcast %squeeze3A_2780 : f32 to vector<16xf32>
      %mul3A_2825 = arith.mulf %bitcast_convert_type3A_248, %mul3A_2824 : vector<16xf32>
      %add3A_2826 = arith.addf %add3A_2823, %mul3A_2825 : vector<16xf32>
      %add3A_2827 = vector.broadcast %squeeze3A_2782 : f32 to vector<16xf32>
      %add3A_2828 = arith.addf %get3A_250, %add3A_2827 : vector<16xf32>
      %sub3A_2829 = arith.subf %add3A_2828, %add3A_2826 : vector<16xf32>
      %le3A_2830 = arith.constant 2.500000e-03 : f32
      %le3A_2831 = vector.broadcast %le3A_2830 : f32 to vector<16xf32>
      %le3A_2832 = arith.cmpf ole, %sub3A_2829, %le3A_2831 : vector<16xf32>
      %add3A_2833 = arith.constant 1.07374182E+9 : f32
      %add3A_2834 = vector.broadcast %add3A_2833 : f32 to vector<16xf32>
      %add3A_2835 = arith.addf %select_n3A_2756, %add3A_2834 : vector<16xf32>
      %select_n3A_2836 = arith.select %le3A_2832, %add3A_2835, %select_n3A_2756 : vector<16xi1>, vector<16xf32>
      %mul3A_2837 = vector.broadcast %squeeze3A_2776 : f32 to vector<16xf32>
      %mul3A_2838 = arith.mulf %bitcast_convert_type3A_284, %mul3A_2837 : vector<16xf32>
      %mul3A_2839 = vector.broadcast %squeeze3A_2778 : f32 to vector<16xf32>
      %mul3A_2840 = arith.mulf %bitcast_convert_type3A_303, %mul3A_2839 : vector<16xf32>
      %add3A_2841 = arith.addf %mul3A_2838, %mul3A_2840 : vector<16xf32>
      %mul3A_2842 = vector.broadcast %squeeze3A_2780 : f32 to vector<16xf32>
      %mul3A_2843 = arith.mulf %bitcast_convert_type3A_322, %mul3A_2842 : vector<16xf32>
      %add3A_2844 = arith.addf %add3A_2841, %mul3A_2843 : vector<16xf32>
      %add3A_2845 = vector.broadcast %squeeze3A_2782 : f32 to vector<16xf32>
      %add3A_2846 = arith.addf %get3A_324, %add3A_2845 : vector<16xf32>
      %sub3A_2847 = arith.subf %add3A_2846, %add3A_2844 : vector<16xf32>
      %le3A_2848 = arith.constant 2.500000e-03 : f32
      %le3A_2849 = vector.broadcast %le3A_2848 : f32 to vector<16xf32>
      %le3A_2850 = arith.cmpf ole, %sub3A_2847, %le3A_2849 : vector<16xf32>
      %add3A_2851 = arith.constant 1.07374182E+9 : f32
      %add3A_2852 = vector.broadcast %add3A_2851 : f32 to vector<16xf32>
      %add3A_2853 = arith.addf %select_n3A_2774, %add3A_2852 : vector<16xf32>
      %select_n3A_2854 = arith.select %le3A_2850, %add3A_2853, %select_n3A_2774 : vector<16xi1>, vector<16xf32>
      %slice3A_2855 = vector.extract_strided_slice %get3A_352 {offsets = [15], sizes = [1], strides = [1]} : vector<16xf32> to vector<1xf32>
      %squeeze3A_2856 = vector.extract %slice3A_2855[0] : f32 from vector<1xf32>
      %slice3A_2857 = vector.extract_strided_slice %get3A_358 {offsets = [15], sizes = [1], strides = [1]} : vector<16xf32> to vector<1xf32>
      %squeeze3A_2858 = vector.extract %slice3A_2857[0] : f32 from vector<1xf32>
      %slice3A_2859 = vector.extract_strided_slice %get3A_364 {offsets = [15], sizes = [1], strides = [1]} : vector<16xf32> to vector<1xf32>
      %squeeze3A_2860 = vector.extract %slice3A_2859[0] : f32 from vector<1xf32>
      %slice3A_2861 = vector.extract_strided_slice %get3A_370 {offsets = [15], sizes = [1], strides = [1]} : vector<16xf32> to vector<1xf32>
      %squeeze3A_2862 = vector.extract %slice3A_2861[0] : f32 from vector<1xf32>
      %mul3A_2863 = vector.broadcast %squeeze3A_2856 : f32 to vector<16xf32>
      %mul3A_2864 = arith.mulf %bitcast_convert_type3A_62, %mul3A_2863 : vector<16xf32>
      %mul3A_2865 = vector.broadcast %squeeze3A_2858 : f32 to vector<16xf32>
      %mul3A_2866 = arith.mulf %bitcast_convert_type3A_81, %mul3A_2865 : vector<16xf32>
      %add3A_2867 = arith.addf %mul3A_2864, %mul3A_2866 : vector<16xf32>
      %mul3A_2868 = vector.broadcast %squeeze3A_2860 : f32 to vector<16xf32>
      %mul3A_2869 = arith.mulf %bitcast_convert_type3A_100, %mul3A_2868 : vector<16xf32>
      %add3A_2870 = arith.addf %add3A_2867, %mul3A_2869 : vector<16xf32>
      %add3A_2871 = vector.broadcast %squeeze3A_2862 : f32 to vector<16xf32>
      %add3A_2872 = arith.addf %get3A_102, %add3A_2871 : vector<16xf32>
      %sub3A_2873 = arith.subf %add3A_2872, %add3A_2870 : vector<16xf32>
      %le3A_2874 = arith.constant 2.500000e-03 : f32
      %le3A_2875 = vector.broadcast %le3A_2874 : f32 to vector<16xf32>
      %le3A_2876 = arith.cmpf ole, %sub3A_2873, %le3A_2875 : vector<16xf32>
      %add3A_2877 = arith.constant 2.14748365E+9 : f32
      %add3A_2878 = vector.broadcast %add3A_2877 : f32 to vector<16xf32>
      %add3A_2879 = arith.addf %select_n3A_2800, %add3A_2878 : vector<16xf32>
      %select_n3A_2880 = arith.select %le3A_2876, %add3A_2879, %select_n3A_2800 : vector<16xi1>, vector<16xf32>
      %mul3A_2881 = vector.broadcast %squeeze3A_2856 : f32 to vector<16xf32>
      %mul3A_2882 = arith.mulf %bitcast_convert_type3A_136, %mul3A_2881 : vector<16xf32>
      %mul3A_2883 = vector.broadcast %squeeze3A_2858 : f32 to vector<16xf32>
      %mul3A_2884 = arith.mulf %bitcast_convert_type3A_155, %mul3A_2883 : vector<16xf32>
      %add3A_2885 = arith.addf %mul3A_2882, %mul3A_2884 : vector<16xf32>
      %mul3A_2886 = vector.broadcast %squeeze3A_2860 : f32 to vector<16xf32>
      %mul3A_2887 = arith.mulf %bitcast_convert_type3A_174, %mul3A_2886 : vector<16xf32>
      %add3A_2888 = arith.addf %add3A_2885, %mul3A_2887 : vector<16xf32>
      %add3A_2889 = vector.broadcast %squeeze3A_2862 : f32 to vector<16xf32>
      %add3A_2890 = arith.addf %get3A_176, %add3A_2889 : vector<16xf32>
      %sub3A_2891 = arith.subf %add3A_2890, %add3A_2888 : vector<16xf32>
      %le3A_2892 = arith.constant 2.500000e-03 : f32
      %le3A_2893 = vector.broadcast %le3A_2892 : f32 to vector<16xf32>
      %le3A_2894 = arith.cmpf ole, %sub3A_2891, %le3A_2893 : vector<16xf32>
      %add3A_2895 = arith.constant 2.14748365E+9 : f32
      %add3A_2896 = vector.broadcast %add3A_2895 : f32 to vector<16xf32>
      %add3A_2897 = arith.addf %select_n3A_2818, %add3A_2896 : vector<16xf32>
      %select_n3A_2898 = arith.select %le3A_2894, %add3A_2897, %select_n3A_2818 : vector<16xi1>, vector<16xf32>
      %mul3A_2899 = vector.broadcast %squeeze3A_2856 : f32 to vector<16xf32>
      %mul3A_2900 = arith.mulf %bitcast_convert_type3A_210, %mul3A_2899 : vector<16xf32>
      %mul3A_2901 = vector.broadcast %squeeze3A_2858 : f32 to vector<16xf32>
      %mul3A_2902 = arith.mulf %bitcast_convert_type3A_229, %mul3A_2901 : vector<16xf32>
      %add3A_2903 = arith.addf %mul3A_2900, %mul3A_2902 : vector<16xf32>
      %mul3A_2904 = vector.broadcast %squeeze3A_2860 : f32 to vector<16xf32>
      %mul3A_2905 = arith.mulf %bitcast_convert_type3A_248, %mul3A_2904 : vector<16xf32>
      %add3A_2906 = arith.addf %add3A_2903, %mul3A_2905 : vector<16xf32>
      %add3A_2907 = vector.broadcast %squeeze3A_2862 : f32 to vector<16xf32>
      %add3A_2908 = arith.addf %get3A_250, %add3A_2907 : vector<16xf32>
      %sub3A_2909 = arith.subf %add3A_2908, %add3A_2906 : vector<16xf32>
      %le3A_2910 = arith.constant 2.500000e-03 : f32
      %le3A_2911 = vector.broadcast %le3A_2910 : f32 to vector<16xf32>
      %le3A_2912 = arith.cmpf ole, %sub3A_2909, %le3A_2911 : vector<16xf32>
      %add3A_2913 = arith.constant 2.14748365E+9 : f32
      %add3A_2914 = vector.broadcast %add3A_2913 : f32 to vector<16xf32>
      %add3A_2915 = arith.addf %select_n3A_2836, %add3A_2914 : vector<16xf32>
      %select_n3A_2916 = arith.select %le3A_2912, %add3A_2915, %select_n3A_2836 : vector<16xi1>, vector<16xf32>
      %mul3A_2917 = vector.broadcast %squeeze3A_2856 : f32 to vector<16xf32>
      %mul3A_2918 = arith.mulf %bitcast_convert_type3A_284, %mul3A_2917 : vector<16xf32>
      %mul3A_2919 = vector.broadcast %squeeze3A_2858 : f32 to vector<16xf32>
      %mul3A_2920 = arith.mulf %bitcast_convert_type3A_303, %mul3A_2919 : vector<16xf32>
      %add3A_2921 = arith.addf %mul3A_2918, %mul3A_2920 : vector<16xf32>
      %mul3A_2922 = vector.broadcast %squeeze3A_2860 : f32 to vector<16xf32>
      %mul3A_2923 = arith.mulf %bitcast_convert_type3A_322, %mul3A_2922 : vector<16xf32>
      %add3A_2924 = arith.addf %add3A_2921, %mul3A_2923 : vector<16xf32>
      %add3A_2925 = vector.broadcast %squeeze3A_2862 : f32 to vector<16xf32>
      %add3A_2926 = arith.addf %get3A_324, %add3A_2925 : vector<16xf32>
      %sub3A_2927 = arith.subf %add3A_2926, %add3A_2924 : vector<16xf32>
      %le3A_2928 = arith.constant 2.500000e-03 : f32
      %le3A_2929 = vector.broadcast %le3A_2928 : f32 to vector<16xf32>
      %le3A_2930 = arith.cmpf ole, %sub3A_2927, %le3A_2929 : vector<16xf32>
      %add3A_2931 = arith.constant 2.14748365E+9 : f32
      %add3A_2932 = vector.broadcast %add3A_2931 : f32 to vector<16xf32>
      %add3A_2933 = arith.addf %select_n3A_2854, %add3A_2932 : vector<16xf32>
      %select_n3A_2934 = arith.select %le3A_2930, %add3A_2933, %select_n3A_2854 : vector<16xi1>, vector<16xf32>
      %add3A_2935 = vector.broadcast %scan3A_344 : i32 to vector<16xi32>
      %add3A_2936 = arith.addi %mul3A_112, %add3A_2935 : vector<16xi32>
      tpu.vector_store_idx %arg5[%add3A_2936], %select_n3A_2880 : memref<4096xf32, #tpu.memory_space<vmem>>[vector<16xi32>], vector<16xf32>,
      %add3A_2937 = vector.broadcast %scan3A_344 : i32 to vector<16xi32>
      %add3A_2938 = arith.addi %mul3A_186, %add3A_2937 : vector<16xi32>
      tpu.vector_store_idx %arg5[%add3A_2938], %select_n3A_2898 : memref<4096xf32, #tpu.memory_space<vmem>>[vector<16xi32>], vector<16xf32>,
      %add3A_2939 = vector.broadcast %scan3A_344 : i32 to vector<16xi32>
      %add3A_2940 = arith.addi %mul3A_260, %add3A_2939 : vector<16xi32>
      tpu.vector_store_idx %arg5[%add3A_2940], %select_n3A_2916 : memref<4096xf32, #tpu.memory_space<vmem>>[vector<16xi32>], vector<16xf32>,
      %add3A_2941 = vector.broadcast %scan3A_344 : i32 to vector<16xi32>
      %add3A_2942 = arith.addi %mul3A_334, %add3A_2941 : vector<16xi32>
      tpu.vector_store_idx %arg5[%add3A_2942], %select_n3A_2934 : memref<4096xf32, #tpu.memory_space<vmem>>[vector<16xi32>], vector<16xf32>,
    }
    %scan3A_340 = arith.constant 64 : i32
    %scan3A_341 = arith.constant 1 : i32
    %mul3A_342 = arith.constant 4096 : i32
    %mul3A_343 = arith.muli %add3A, %mul3A_342 : i32
    "tpu.region"() ({
      %run_scoped3A = tpu.sem_alloc : memref<!tpu.dma_semaphore, #tpu.memory_space<semaphore_mem>>
      %dma_start3A = tpu.memref_slice %arg3[%mul3A_343] : memref<131072xf32, #tpu.memory_space<hbm>> -> memref<4096xf32, #tpu.memory_space<hbm>>
      %dma_start3A_344 = tpu.memref_slice %arg3[%mul3A_343] : memref<131072xf32, #tpu.memory_space<hbm>> -> memref<4096xf32, #tpu.memory_space<hbm>>
      tpu.enqueue_dma source(%arg5 : memref<4096xf32, #tpu.memory_space<vmem>>) target(%dma_start3A_344 : memref<4096xf32, #tpu.memory_space<hbm>>) target_semaphore(%run_scoped3A : memref<!tpu.dma_semaphore, #tpu.memory_space<semaphore_mem>>)
      %dma_wait3A = tpu.memref_slice %arg3[%mul3A_343] : memref<131072xf32, #tpu.memory_space<hbm>> -> memref<4096xf32, #tpu.memory_space<hbm>>
      %dma_wait3A_345 = tpu.memref_slice %arg3[%mul3A_343] : memref<131072xf32, #tpu.memory_space<hbm>> -> memref<4096xf32, #tpu.memory_space<hbm>>
      tpu.wait_dma2 semaphore(%run_scoped3A : memref<!tpu.dma_semaphore, #tpu.memory_space<semaphore_mem>>) src(%arg5 : memref<4096xf32, #tpu.memory_space<vmem>>) dst(%dma_wait3A_345 : memref<4096xf32, #tpu.memory_space<hbm>>)
      tpu.yield
    }) : () -> ()
    return
  }
}

module attributes {stable_mosaic.version = 14 : i64} {
  func.func @_tc_body(%arg0: i32, %arg1: i32, %arg2: memref<1x3x2048xf32, #tpu.memory_space<vmem>>, %arg3: memref<2048x64xf32, #tpu.memory_space<vmem>>, %arg4: memref<1x2048x64xf32, #tpu.memory_space<vmem>>) attributes {dimension_semantics = [#tpu.dimension_semantics<parallel>, #tpu.dimension_semantics<parallel>], iteration_bounds = array<i64: 7, 1>, scalar_prefetch = 0 : i64, scratch_operands = 0 : i64, tpu.core_type = #tpu.core_type<tc>, window_params = [{transform_indices = @transform_0, window_bounds = array<i64: 1, 3, 2048>}, {pipeline_mode = #tpu.pipeline_mode<synchronous>, transform_indices = @transform_1, window_bounds = array<i64: 2048, 64>}, {transform_indices = @transform_2, window_bounds = array<i64: 1, 2048, 64>}]} {
    %get3A = arith.constant 0 : index
    %get3A_0 = arith.constant 0 : index
    %get3A_1 = arith.constant 0 : index
    %get3A_2 = vector.load %arg2[%get3A, %get3A_0, %get3A_1] : memref<1x3x2048xf32, #tpu.memory_space<vmem>>, vector<1x3x2048xf32>
    %get3A_3 = vector.shape_cast %get3A_2 : vector<1x3x2048xf32> to vector<3x2048xf32>
    %slice3A = vector.extract_strided_slice %get3A_3 {offsets = [0, 0], sizes = [1, 2048], strides = [1, 1]} : vector<3x2048xf32> to vector<1x2048xf32>
    %squeeze3A = vector.shape_cast %slice3A : vector<1x2048xf32> to vector<2048xf32>
    %slice3A_4 = vector.extract_strided_slice %get3A_3 {offsets = [1, 0], sizes = [1, 2048], strides = [1, 1]} : vector<3x2048xf32> to vector<1x2048xf32>
    %squeeze3A_5 = vector.shape_cast %slice3A_4 : vector<1x2048xf32> to vector<2048xf32>
    %slice3A_6 = vector.extract_strided_slice %get3A_3 {offsets = [2, 0], sizes = [1, 2048], strides = [1, 1]} : vector<3x2048xf32> to vector<1x2048xf32>
    %squeeze3A_7 = vector.shape_cast %slice3A_6 : vector<1x2048xf32> to vector<2048xf32>
    %mul3A = arith.mulf %squeeze3A, %squeeze3A : vector<2048xf32>
    %mul3A_8 = arith.mulf %squeeze3A_5, %squeeze3A_5 : vector<2048xf32>
    %add3A = arith.addf %mul3A, %mul3A_8 : vector<2048xf32>
    %mul3A_9 = arith.mulf %squeeze3A_7, %squeeze3A_7 : vector<2048xf32>
    %add3A_10 = arith.addf %add3A, %mul3A_9 : vector<2048xf32>
    %mul3A_11 = arith.constant 2048 : i32
    %mul3A_12 = arith.muli %arg1, %mul3A_11 : i32
    %get3A_13 = arith.constant 0 : index
    %get3A_14 = arith.constant 0 : index
    %get3A_15 = arith.index_cast %mul3A_12 : i32 to index
    %get3A_16 = vector.load %arg2[%get3A_13, %get3A_14, %get3A_15] : memref<1x3x2048xf32, #tpu.memory_space<vmem>>, vector<1x3x2048xf32>
    %get3A_17 = vector.shape_cast %get3A_16 : vector<1x3x2048xf32> to vector<3x2048xf32>
    %slice3A_18 = vector.extract_strided_slice %get3A_17 {offsets = [0, 0], sizes = [1, 2048], strides = [1, 1]} : vector<3x2048xf32> to vector<1x2048xf32>
    %squeeze3A_19 = vector.shape_cast %slice3A_18 : vector<1x2048xf32> to vector<2048xf32>
    %slice3A_20 = vector.extract_strided_slice %get3A_17 {offsets = [1, 0], sizes = [1, 2048], strides = [1, 1]} : vector<3x2048xf32> to vector<1x2048xf32>
    %squeeze3A_21 = vector.shape_cast %slice3A_20 : vector<1x2048xf32> to vector<2048xf32>
    %slice3A_22 = vector.extract_strided_slice %get3A_17 {offsets = [2, 0], sizes = [1, 2048], strides = [1, 1]} : vector<3x2048xf32> to vector<1x2048xf32>
    %squeeze3A_23 = vector.shape_cast %slice3A_22 : vector<1x2048xf32> to vector<2048xf32>
    %mul3A_24 = arith.mulf %squeeze3A_19, %squeeze3A_19 : vector<2048xf32>
    %mul3A_25 = arith.mulf %squeeze3A_21, %squeeze3A_21 : vector<2048xf32>
    %add3A_26 = arith.addf %mul3A_24, %mul3A_25 : vector<2048xf32>
    %mul3A_27 = arith.mulf %squeeze3A_23, %squeeze3A_23 : vector<2048xf32>
    %add3A_28 = arith.addf %add3A_26, %mul3A_27 : vector<2048xf32>
    %convert_element_type3A = arith.truncf %get3A_17 : vector<3x2048xf32> to vector<3x2048xbf16>
    %convert_element_type3A_29 = arith.truncf %get3A_3 : vector<3x2048xf32> to vector<3x2048xbf16>
    %dot_general3A = arith.constant dense<0.000000e+00> : vector<2048x2048xf32>
    %dot_general3A_30 = tpu.matmul %convert_element_type3A, %convert_element_type3A_29, %dot_general3A {dimension_numbers = #tpu.dot_dimension_numbers<[0], [0], [1], [1], [0, 1, 1, 1], [], []>, transpose_lhs_hint = false} : vector<3x2048xbf16>, vector<3x2048xbf16>, vector<2048x2048xf32> -> vector<2048x2048xf32>
    %broadcast_in_dim3A = vector.shape_cast %add3A_28 : vector<2048xf32> to vector<2048x1xf32>
    %broadcast_in_dim3A_31 = vector.shape_cast %add3A_10 : vector<2048xf32> to vector<1x2048xf32>
    %add3A_32 = vector.broadcast %broadcast_in_dim3A : vector<2048x1xf32> to vector<2048x2048xf32>
    %add3A_33 = vector.broadcast %broadcast_in_dim3A_31 : vector<1x2048xf32> to vector<2048x2048xf32>
    %add3A_34 = arith.addf %add3A_32, %add3A_33 : vector<2048x2048xf32>
    %mul3A_35 = arith.constant 2.000000e+00 : f32
    %mul3A_36 = vector.broadcast %mul3A_35 : f32 to vector<2048x2048xf32>
    %mul3A_37 = arith.mulf %mul3A_36, %dot_general3A_30 : vector<2048x2048xf32>
    %sub3A = arith.subf %add3A_34, %mul3A_37 : vector<2048x2048xf32>
    %le3A = arith.constant 2.500000e-03 : f32
    %le3A_38 = vector.broadcast %le3A : f32 to vector<2048x2048xf32>
    %le3A_39 = arith.cmpf ole, %sub3A, %le3A_38 : vector<2048x2048xf32>
    %convert_element_type3A_40 = arith.extui %le3A_39 : vector<2048x2048xi1> to vector<2048x2048xi32>
    %convert_element_type3A_41 = arith.sitofp %convert_element_type3A_40 : vector<2048x2048xi32> to vector<2048x2048xf32>
    %get3A_42 = arith.constant 0 : index
    %get3A_43 = arith.constant 0 : index
    %get3A_44 = vector.load %arg3[%get3A_42, %get3A_43] : memref<2048x64xf32, #tpu.memory_space<vmem>>, vector<2048x64xf32>
    %dot_general3A_45 = arith.constant dense<0.000000e+00> : vector<2048x64xf32>
    %dot_general3A_46 = tpu.matmul %convert_element_type3A_41, %get3A_44, %dot_general3A_45 {dimension_numbers = #tpu.dot_dimension_numbers<[1], [0], [0], [1], [0, 0, 1, 1], [], []>, transpose_lhs_hint = false} : vector<2048x2048xf32>, vector<2048x64xf32>, vector<2048x64xf32> -> vector<2048x64xf32>
    %swap3A = arith.constant 0 : index
    %swap3A_47 = arith.constant 0 : index
    %swap3A_48 = arith.constant 0 : index
    %swap3A_49 = vector.load %arg4[%swap3A, %swap3A_47, %swap3A_48] : memref<1x2048x64xf32, #tpu.memory_space<vmem>>, vector<1x2048x64xf32>
    %swap3A_50 = vector.shape_cast %swap3A_49 : vector<1x2048x64xf32> to vector<2048x64xf32>
    %swap3A_51 = vector.shape_cast %dot_general3A_46 : vector<2048x64xf32> to vector<1x2048x64xf32>
    tpu.vector_store %arg4[%swap3A, %swap3A_47, %swap3A_48], %swap3A_51 {strides = array<i32>} : memref<1x2048x64xf32, #tpu.memory_space<vmem>>, vector<1x2048x64xf32>,
    return
  }
  func.func @transform_0(%arg0: i32, %arg1: i32) -> (i32, i32, i32) {
    %c0_i32 = arith.constant 0 : i32
    %c0_i32_0 = arith.constant 0 : i32
    %c0_i32_1 = arith.constant 0 : i32
    return %arg0, %c0_i32, %c0_i32_0 : i32, i32, i32
  }
  func.func @transform_1(%arg0: i32, %arg1: i32) -> (i32, i32) {
    %c0_i32 = arith.constant 0 : i32
    %c0_i32_0 = arith.constant 0 : i32
    %c0_i32_1 = arith.constant 0 : i32
    return %c0_i32, %c0_i32_0 : i32, i32
  }
  func.func @transform_2(%arg0: i32, %arg1: i32) -> (i32, i32, i32) {
    %c0_i32 = arith.constant 0 : i32
    %c0_i32_0 = arith.constant 0 : i32
    return %arg0, %arg1, %c0_i32 : i32, i32, i32
  }
}

</mosaic_0001>

<sc_bundles>
// kernel: kernel.4.cloned.1.call-start
scs
__scs_entry_jumppad:
0x0: {  	(pc) =	sbr.rel $0x88, $3  }
0x1: {  	(tag) =	ssettag $0x0;
	lr =	simm.s32 $0x1  }
0x2: {  	[smem:$0x3FA0] =	sst lr;
	_ =	strace $0xD0000000  }
0x3: {  	_ = 	snop  }
0x4: {  	_ = 	snop  }
0x5: {  	_ = 	snop  }
0x6: {  	_ = 	snop  }
0x7: {  	_ = 	snop  }
__scs_overlays_trampoline_lowered:
0x8: {  	[smem:$0x3FAF] =	sst s0  }
0x9: {  	[smem:$0x3FB0] =	sst s1  }
0xa: {  	[smem:$0x3FB1] =	sst s2  }
0xb: {  	[smem:$0x3FB2] =	sst s3  }
0xc: {  	[smem:$0x3FB3] =	sst s4  }
0xd: {  	[smem:$0x3FB4] =	sst s5  }
0xe: {  	[smem:$0x3FB5] =	sst s6  }
0xf: {  	[smem:$0x3FB6] =	sst s7  }
0x10: {  	[smem:$0x3FB7] =	sst s8  }
0x11: {  	[smem:$0x3FB8] =	sst s9;
	s0 =	simm.s32 @!p0 $0x0  }
0x12: {  	s1 =	sld [smem:$0x3F9E];
	s0 =	simm.s32 @p0 $0x1  }
0x13: {  	[smem:$0x3FB9] =	sst s0;
	s0 =	simm.s32 @!p1 $0x0  }
0x14: {  	s2 =	sld [smem:$0x3F9D];
	s0 =	simm.s32 @p1 $0x1  }
0x15: {  	[smem:$0x3FBA] =	sst s0;
	s0 =	simm.s32 @!p2 $0x0  }
0x16: {  	s3 =	sld [smem:$0x3FDB];
	s0 =	simm.s32 @p2 $0x1  }
0x17: {  	s4 =	simm.s32 $0x1BF5;
	[smem:$0x3FBC] =	sst s0  }
0x18: {  	s0 =	sld [smem:$0x3F9F];
	_ =	swait.ge [sflag:s4], $0x0  }
0x19: {  	s7 =	sld [smem:$0x3FA0]  }
0x1a: {  	s8 =	sadd.s32 $0xFFFFE003, lr  }
0x1b: {  	s9 =	sadd.s32 $0xFFFFFEF7, lr;
	s5 =	simm.s32 $0xFFFFFFFF;
	p2 =	slt.u32 s8, $0xFFFFF086  }
0x1c: {  	p1 =	slt.u32 s9, $0xF7A;
	s5 =	simm.s32 @!p2 $0x0  }
0x1d: {  	s5 =	simm.s32 @p1 $0x1;
	p0 =	seq.s32 s7, s2  }
0x1e: {  	s7 =	smul.u32 @!p0 $0xF7A, s2;
	p2 =	seq.s32 @!p0 s5, $0x0  }
0x1f: {  	s9 =	smul.u32 $0xF7A, s1;
	s8 =	simm.s32 @!p0 $0x1BF5;
	p2 =	por !p2, p0  }
0x20: {  	[sflag:s8] =	ssyncset.s32 @!p0 $0xFFFFF086;
	s6 =	sadd.s32 @!p0 s3, s7;
	s7 =	simm.s32 @!p0 $0x108  }
0x21: {  	s3 =	sadd.s32 s3, s9;
	s6 =	sadd.s32 @!p0 $0x88, s6;
	s7 =	simm.s32 @p2 $0x1082  }
0x22: {  	[simem:s7], [sflag:s8] =	dma.local @!p0 [hbm:s6], $0xF7A  }
0x23: {  	s9 =	sor.u32 $0xD0000000, s2;
	s6 =	simm.s32 $0x108;
	_ =	swait.ge @!p0 [sflag:s8], $0x0  }
0x24: {  	s3 =	sadd.s32 $0x88, s3;
	s6 =	simm.s32 @!p1 $0x1082;
	[sflag:s4] =	ssyncset.s32 $0xFFFFF086  }
0x25: {  	[simem:s6], [sflag:s4] =	dma.local [hbm:s3], $0xF7A  }
0x26: {  	[smem:$0x3FA0] =	sst s1;
	(tag) =	ssettag s2;
	_ =	strace s9  }
0x27: {  	s1 =	sld [smem:$0x3FB0]  }
0x28: {  	s2 =	sld [smem:$0x3FB1]  }
0x29: {  	s4 =	sld [smem:$0x3FB3]  }
0x2a: {  	p0 =	seq.s32 s5, $0x0;
	s5 =	sld [smem:$0x3FB4]  }
0x2b: {  	s6 =	sld [smem:$0x3FB5]  }
0x2c: {  	s7 =	sld [smem:$0x3FB6]  }
0x2d: {  	s3 =	simm.s32 $0x108;
	s8 =	sld [smem:$0x3FB7]  }
0x2e: {  	s3 =	simm.s32 @!p0 $0x1082;
	s9 =	sld [smem:$0x3FB8]  }
0x2f: {  	lr =	sadd.s32 s0, s3;
	s0 =	sld [smem:$0x3FAF]  }
0x30: {  	s3 =	sld [smem:$0x3FB2]  }
0x31: {  	[smem:$0x3FBB] =	sst s10  }
0x32: {  	s10 =	sld [smem:$0x3FB9];
	_ =	sdelay $0x3  }
0x33: {  	p0 =	seq.s32 s10, $0x1;
	s10 =	sld [smem:$0x3FBB];
	_ =	sdelay $0x3  }
0x34: {  	[smem:$0x3FBB] =	sst s10  }
0x35: {  	s10 =	sld [smem:$0x3FBA];
	_ =	sdelay $0x3  }
0x36: {  	p1 =	seq.s32 s10, $0x1;
	s10 =	sld [smem:$0x3FBB];
	_ =	sdelay $0x3  }
0x37: {  	[smem:$0x3FBB] =	sst s10  }
0x38: {  	s10 =	sld [smem:$0x3FBC]  }
0x39: {  	_ = 	snop;
	(pc) =	sbr.ind lr, $3  }
0x3a: {  	_ = 	snop  }
0x3b: {  	_ = 	snop  }
0x3c: {  	p2 =	seq.s32 s10, $0x1;
	s10 =	sld [smem:$0x3FBB]  }
0x3d: {  	_ =	shalt  }
0x3e: {  	_ =	shalt  }
0x3f: {  	_ =	shalt  }
0x40: {  	_ =	shalt  }
0x41: {  	_ =	shalt  }
0x42: {  	_ =	shalt  }
0x43: {  	_ =	shalt  }
0x44: {  	_ =	shalt  }
0x45: {  	_ =	shalt  }
0x46: {  	_ =	shalt  }
0x47: {  	_ =	shalt  }
0x48: {  	_ =	shalt  }
0x49: {  	_ =	shalt  }
0x4a: {  	_ =	shalt  }
0x4b: {  	_ =	shalt  }
0x4c: {  	_ =	shalt  }
0x4d: {  	_ =	shalt  }
0x4e: {  	_ =	shalt  }
0x4f: {  	_ =	shalt  }
0x50: {  	_ =	shalt  }
0x51: {  	_ =	shalt  }
0x52: {  	_ =	shalt  }
0x53: {  	_ =	shalt  }
0x54: {  	_ =	shalt  }
0x55: {  	_ =	shalt  }
0x56: {  	_ =	shalt  }
0x57: {  	_ =	shalt  }
0x58: {  	_ =	shalt  }
0x59: {  	_ =	shalt  }
0x5a: {  	_ =	shalt  }
0x5b: {  	_ =	shalt  }
0x5c: {  	_ =	shalt  }
0x5d: {  	_ =	shalt  }
0x5e: {  	_ =	shalt  }
0x5f: {  	_ =	shalt  }
0x60: {  	_ =	shalt  }
0x61: {  	_ =	shalt  }
0x62: {  	_ =	shalt  }
0x63: {  	_ =	shalt  }
0x64: {  	_ =	shalt  }
0x65: {  	_ =	shalt  }
0x66: {  	_ =	shalt  }
0x67: {  	_ =	shalt  }
0x68: {  	_ =	shalt  }
0x69: {  	_ =	shalt  }
0x6a: {  	_ =	shalt  }
0x6b: {  	_ =	shalt  }
0x6c: {  	_ =	shalt  }
0x6d: {  	_ =	shalt  }
0x6e: {  	_ =	shalt  }
0x6f: {  	_ =	shalt  }
0x70: {  	_ =	shalt  }
0x71: {  	_ =	shalt  }
0x72: {  	_ =	shalt  }
0x73: {  	_ =	shalt  }
0x74: {  	_ =	shalt  }
0x75: {  	_ =	shalt  }
0x76: {  	_ =	shalt  }
0x77: {  	_ =	shalt  }
0x78: {  	_ =	shalt  }
0x79: {  	_ =	shalt  }
0x7a: {  	_ =	shalt  }
0x7b: {  	_ =	shalt  }
0x7c: {  	_ =	shalt  }
0x7d: {  	_ =	shalt  }
0x7e: {  	_ =	shalt  }
0x7f: {  	_ =	shalt  }
0x80: {  	_ =	shalt  }
0x81: {  	_ =	shalt  }
0x82: {  	_ =	shalt  }
0x83: {  	_ =	shalt  }
0x84: {  	_ =	shalt  }
0x85: {  	_ =	shalt  }
0x86: {  	_ =	shalt  }
0x87: {  	_ =	shalt  }
.Lfunc_end0:
.L_simem_size_0:
called_computation_lowered:
.L_overlay_start_0:
0x88: {  	s2 =	sld [smem:$0x3FD9]  }
0x89: {  	s3 =	sld [smem:$0x3FFE];
	_ =	sdelay $0x1  }
0x8a: {  	s1 =	srdreg.scid  }
0x8b: {  	s0 =	sand.u32 $0x1, s1  }
0x8c: {  	s17 =	sshll.u32 s0, $0xA;
	s2 =	sadd.s32 s3, s2  }
0x8d: {  	s2 =	sadd.s32 s2, s17  }
0x8e: {  	[smem:$0x3FC7] =	sst s2  }
0x8f: {  	_ = 	snop  }
0x90: {  	s2 =	sld [smem:$0x3FD0];
	(tm) =	ssettm $0x1  }
0x91: {  	s18 =	sld [smem:$0x3FFB];
	_ =	sdelay $0x3  }
0x92: {  	_ =	strace s18  }
0x93: {  	s3 =	sld [smem:$0x3FFC];
	_ =	sdelay $0x3  }
0x94: {  	_ =	strace s3  }
0x95: {  	s3 =	sld [smem:$0x3FFD];
	_ =	sdelay $0x3  }
0x96: {  	_ =	strace s3  }
0x97: {  	_ =	strace $0x8FFFFFFF  }
0x98: {  	s19 =	sld [smem:$0x3FDB];
	_ =	sdelay $0x1  }
0x99: {  	s4 =	simm.s32 $_scs_section_size  }
0x9a: {  	s5 =	simm.s32 $_size__tile_overlayer_lowered;
	s6 =	simm.s32 $_tile_overlayer_lowered  }
0x9b: {  	s22 =	simm.s32 $0x1BFF;
	s21 =	sshll.u32 s6, $0x1;
	s3 =	sadd.s32 s4, s19  }
0x9c: {  	s7 =	simm.s32 $0x0;
	s20 =	sshll.u32 s5, $0x1;
	s5 =	sadd.s32 s21, s3  }
0x9d: {  	[timem:s7], [sflag:s22] =	dma.local [hbm:s5], s20  }
0x9e: {  	_ =	swait.ge [sflag:s22], s20  }
0x9f: {  	s4 =	ssub.s32 $0x0, s20;
	[sflag:s22] =	ssyncset.done $0x0  }
0xa0: {  	[sflag:s22] =	ssyncadd.s32 s4;
	_ =	sdelay $0x1  }
0xa1: {  	s23 =	simm.s32 $0x1B8B  }
0xa2: {  	_ =	swait.ge [sflag:s23], $0x1  }
0xa3: {  	[sflag:s23] =	ssyncset.done $0x0  }
0xa4: {  	s25 =	simm.s32 $0x1B8E;
	s24 =	sld [smem:$0x3FFE];
	[sflag:s23] =	ssyncadd.s32 $0xFFFFFFFF  }
0xa5: {  	s26 =	simm.s32 $execute0_lowered;
	[smem:$0x3FD2] =	sst s25  }
0xa6: {  	s5 =	sshll.u32 s26, $0x1;
	_ =	strace $0x80000046;
	[dreg:$0x1] =	wrdreg $0xFFFFFFFF  }
0xa7: {  	s28 =	simm.s32 $_size_execute0_lowered;
	s3 =	sadd.s32 s3, s5;
	[dreg:$0x0] =	wrdreg $0x0  }
0xa8: {  	s5 =	sshll.u32 s28, $0x1;
	[dreg:$0x2] =	wrdreg s3  }
0xa9: {  	[dreg:$0x3] =	wrdreg s5  }
0xaa: {  	[dreg:$0x4] =	wrdreg $0xC0  }
0xab: {  	_ =	task [dreg:s7], $0x5FFFF  }
0xac: {  	[dreg:$0x1] =	wrdreg $0xFFFFFFFF  }
0xad: {  	[dreg:$0x0] =	wrdreg $0x60  }
0xae: {  	[dreg:$0x2] =	wrdreg s24  }
0xaf: {  	[dreg:$0x3] =	wrdreg s2  }
0xb0: {  	[dreg:$0x4] =	wrdreg $0x9  }
0xb1: {  	_ =	task.clear_ibuf [dreg:s7], $0x5FFFF;
	_ =	strace $0x90000046  }
0xb2: {  	s29 =	simm.s32 $0x9;
	_ =	strace $0x80000048  }
0xb3: {  	_ =	swait.ge [sflag:s29], $0x1  }
0xb4: {  	[sflag:s29] =	ssyncadd.s32 $0xFFFFFFFF  }
0xb5: {  	_ =	strace $0x90000048  }
0xb6: {  	_ =	sfence  }
0xb7: {  	s30 =	sld [smem:$0x0];
	_ =	sdelay $0x2  }
0xb8: {  	s31 =	sshll.u32 s1, $0xD;
	s1 =	sshrl.u32 s1, $0x2  }
0xb9: {  	s3 =	sand.u32 $0x4000, s31;
	s1 =	sadd.s32 s1, s30  }
0xba: {  	s0 =	sor.u32 s3, s0;
	s1 =	sshll.u32 s1, $0x11  }
0xbb: {  	s0 =	sor.u32 s1, s0  }
0xbc: {  	s0 =	sadd.s32 $0x8F2B, s0  }
0xbd: {  	[sflag:s0] =	ssyncadd.remote.s32 $0x1  }
0xbe: {  	_ =	sfence.sel $0xFFFF  }
0xbf: {  	[dreg:$0x0] =	wrdreg $0xFFFFFFFF;
	(pc) =	sbr.abs _section_cstart, $3  }
0xc0: {  	[dreg:$0x1] =	wrdreg $0xFFFFFFFF  }
0xc1: {  	_ =	task.clear_ibuf [dreg:s7], $0x2FFFF;
	_ =	strace $0x9FFFFFFF  }
0xc2: {  	(tm) =	ssettm $0x7FFFFFFF  }
0xc3: {  	_ =	shalt  }
tec
execute0_lowered:
.L_overlay_start_1:
0x0: {  	(tag) =	ssettag $0x1  }
0x1: {  	s3 =	rddreg [dreg:$0x0]  }
0x2: {  	s8 =	rddreg [dreg:$0x1]  }
0x3: {  	s0 =	rddreg [dreg:$0x2];
	s4 =	srdreg.scid  }
0x4: {  	s2 =	simm.s32 $0x0;
	s1 =	stileid.u32;
	s11 =	simm.s32 $0x1800  }
0x5: {  	s12 =	simm.s32 $0x0;
	s4 =	sand.u32 $0x1, s4;
	[smem:$0x7FF] =	sst s2  }
0x6: {  	s6 =	sshll.u32 s1, $0x1;
	s3 =	sadd.s32 $0x1B00, s3;
	s5 =	ssub.s32 $0x2, s4  }
0x7: {  	v0 =	vlaneseq.u32;
	_ =	strace $0x80000047;
	s9 =	sor.u32 s4, s6;
	s7 =	sshrl.u32 s5, $0x1  }
0x8: {  	v0 =	vmul.u32 $0x40, v0;
	s4 =	sshll.u32 s9, $0x6;
	s9 =	sshll.u32 s9, $0x9;
	s10 =	ssub.s32 s5, s7  }
0x9: {  	v1 =	vimm.f32 $0.0e+00;
	s5 =	sor.u32 $0x10, s4;
	s6 =	sor.u32 $0x20, s4;
	s7 =	sor.u32 $0x30, s4  }
0xa: {  	v2 =	vor.u32 $0x400, v0;
	v3 =	vor.u32 $0x800, v0;
	v4 =	vor.u32 $0xC00, v0;
	s8 =	sadd.s32 s8, s9;
	s9 =	smax.u32 s10, $0x1;
	s10 =	simm.s32 $0x1  }
.LBB2_1:
0xb: {  	[tilespmem:s2], [sflag:$0x1] =	stream.linear.gather [hbm4b:s3+s2], $0x1800, $0x38;
	[tilespmem:$0x4800] =	vst v63  }
0xc: {  	_ =	swait.ge [sflag:s10], $0x1800  }
0xd: {  	[sflag:s10] =	ssyncset.done $0x0  }
0xe: {  	[sflag:s10] =	ssyncadd.s32 $0xFFFFE800  }
0xf: {  	v5 =	vld [tilespmem:s2+$0x0]  }
0x10: {  	s13 =	sand.u32 $0x7F0, s2  }
0x11: {  	v6 =	vld [tilespmem:s13+$0x800]  }
0x12: {  	v7 =	vld [tilespmem:s13+$0x1000];
	_ =	sdelay $0x1  }
0x13: {  	v8 =	vshrl.u32 v5, $0x10  }
0x14: {  	v9 =	vmul.f32 v5, v5;
	v8 =	vand.u32 $0x1, v8  }
0x15: {  	v62 =	vshrl.u32 v6, $0x10;
	v10 =	vmul.f32 v6, v6;
	v5 =	vadd.s32 v8, v5  }
0x16: {  	v11 =	vshrl.u32 v7, $0x10;
	v8 =	vand.u32 $0x1, v62;
	v5 =	vadd.s32 $0x7FFF, v5  }
0x17: {  	v63 =	vand.u32 $0x1, v11;
	v6 =	vadd.s32 v8, v6;
	v5 =	vand.u32 $0xFFFF0000, v5  }
0x18: {  	v8 =	vadd.s32 v63, v7;
	v6 =	vadd.s32 $0x7FFF, v6;
	v5 =	vadd.f32 v5, v5  }
0x19: {  	s13 =	simm.s32 $0x2800;
	v9 =	vadd.f32 v10, v9;
	v8 =	vadd.s32 $0x7FFF, v8;
	v6 =	vand.u32 $0xFFFF0000, v6  }
0x1a: {  	v8 =	vand.u32 $0xFFFF0000, v8;
	v6 =	vadd.f32 v6, v6;
	[tilespmem:s13+$0x0] =	vst v5;
	v5 =	vmul.f32 v7, v7  }
0x1b: {  	s14 =	simm.s32 $0x3000;
	v7 =	vadd.f32 v8, v8  }
0x1c: {  	s16 =	simm.s32 $0x3800;
	s19 =	simm.s32 $0x4000;
	s15 =	simm.s32 $0x10;
	[tilespmem:s14+$0x0] =	vst v6;
	v5 =	vadd.f32 v5, v9  }
0x1d: {  	s17 =	simm.s32 $0x4010;
	s18 =	simm.s32 $0x0;
	[tilespmem:s16+$0x0] =	vst v7;
	s16 =	simm.s32 $0x3810  }
.LBB2_2:
0x1e: {  	[tilespmem:s19+$0x0] =	vst v5;
	s18 =	sadd.s32 $0x10, s18;
	s13 =	sadd.s32 $0x10, s13;
	s14 =	sadd.s32 $0x10, s14  }
0x1f: {  	p0 =	sne.s32 s15, $0x7F0;
	s19 =	smov.u32 s15;
	s15 =	sadd.s32 $0x10, s15;
	v5 =	vld [tilespmem:s18+$0x0]  }
0x20: {  	s20 =	sand.u32 $0x7F0, s19;
	s19 =	smov.u32 s17  }
0x21: {  	v6 =	vld [tilespmem:s20+$0x800]  }
0x22: {  	v7 =	vld [tilespmem:s20+$0x1000];
	_ =	sdelay $0x1  }
0x23: {  	v8 =	vshrl.u32 v5, $0x10  }
0x24: {  	v9 =	vmul.f32 v5, v5;
	v8 =	vand.u32 $0x1, v8  }
0x25: {  	v5 =	vadd.s32 v8, v5;
	v8 =	vshrl.u32 v6, $0x10;
	v10 =	vmul.f32 v6, v6  }
0x26: {  	v5 =	vadd.s32 $0x7FFF, v5;
	v8 =	vand.u32 $0x1, v8;
	v11 =	vshrl.u32 v7, $0x10  }
0x27: {  	v5 =	vand.u32 $0xFFFF0000, v5;
	v6 =	vadd.s32 v8, v6;
	v8 =	vand.u32 $0x1, v11  }
0x28: {  	v6 =	vadd.s32 $0x7FFF, v6;
	v8 =	vadd.s32 v8, v7;
	v5 =	vadd.f32 v5, v5  }
.Ltmp0:
0x29: {  	v9 =	vadd.f32 v10, v9;
	v6 =	vand.u32 $0xFFFF0000, v6;
	v8 =	vadd.s32 $0x7FFF, v8;
	(pc) =	sbr.rel @p0 .LBB2_2-.Ltmp0, $4  }
0x2a: {  	v8 =	vand.u32 $0xFFFF0000, v8;
	[tilespmem:s13+$0x0] =	vst v5;
	v5 =	vadd.f32 v6, v6;
	v6 =	vmul.f32 v7, v7  }
0x2b: {  	v7 =	vadd.f32 v8, v8  }
0x2c: {  	[tilespmem:s14+$0x0] =	vst v5;
	v5 =	vadd.f32 v6, v9  }
0x2d: {  	s17 =	sadd.s32 $0x10, s17;
	[tilespmem:s16+$0x0] =	vst v7;
	s16 =	sadd.s32 $0x10, s16  }
0x2e: {  	[tilespmem:s19+$0x0] =	vst v5  }
0x2f: {  	v5 =	vld [tilespmem:s4+$0x0]  }
0x30: {  	v6 =	vld [tilespmem:s4+$0x800]  }
0x31: {  	v17 =	vld [tilespmem:s4+$0x830]  }
0x32: {  	v18 =	vld [tilespmem:s4+$0x1030]  }
0x33: {  	v7 =	vld [tilespmem:s4+$0x1000]  }
0x34: {  	v11 =	vld [tilespmem:s4+$0x810]  }
0x35: {  	v9 =	vld [tilespmem:s5+$0x0];
	v8 =	vshrl.u32 v5, $0x10  }
0x36: {  	v10 =	vshrl.u32 v6, $0x10;
	v8 =	vand.u32 $0x1, v8  }
0x37: {  	v19 =	vshrl.u32 v17, $0x10;
	v20 =	vshrl.u32 v18, $0x10;
	v5 =	vadd.s32 v8, v5  }
0x38: {  	v12 =	vld [tilespmem:s4+$0x1010];
	v8 =	vand.u32 $0x1, v10;
	v10 =	vshrl.u32 v7, $0x10;
	v5 =	vadd.s32 $0x7FFF, v5  }
0x39: {  	v13 =	vld [tilespmem:s6+$0x0];
	v6 =	vadd.s32 v8, v6;
	v8 =	vand.u32 $0x1, v10;
	v10 =	vshrl.u32 v11, $0x10  }
0x3a: {  	v5 =	vand.u32 $0xFFFF0000, v5;
	v7 =	vadd.s32 v8, v7;
	v8 =	vshrl.u32 v9, $0x10  }
0x3b: {  	v14 =	vld [tilespmem:s4+$0x820];
	v6 =	vadd.s32 $0x7FFF, v6;
	v7 =	vadd.s32 $0x7FFF, v7;
	v8 =	vand.u32 $0x1, v8  }
0x3c: {  	v15 =	vld [tilespmem:s4+$0x1020];
	v6 =	vand.u32 $0xFFFF0000, v6;
	v7 =	vand.u32 $0xFFFF0000, v7;
	v8 =	vadd.s32 v8, v9  }
0x3d: {  	v9 =	vand.u32 $0x1, v10;
	v10 =	vshrl.u32 v12, $0x10;
	v8 =	vadd.s32 $0x7FFF, v8  }
0x3e: {  	v9 =	vadd.s32 v9, v11;
	v10 =	vand.u32 $0x1, v10;
	v11 =	vshrl.u32 v13, $0x10  }
0x3f: {  	v16 =	vld [tilespmem:s7+$0x0];
	v8 =	vand.u32 $0xFFFF0000, v8;
	v9 =	vadd.s32 $0x7FFF, v9;
	v10 =	vadd.s32 v10, v12  }
0x40: {  	v11 =	vand.u32 $0x1, v11;
	v12 =	vshrl.u32 v14, $0x10;
	v9 =	vand.u32 $0xFFFF0000, v9  }
0x41: {  	v10 =	vadd.s32 $0x7FFF, v10;
	v11 =	vadd.s32 v11, v13;
	v13 =	vshrl.u32 v15, $0x10  }
0x42: {  	v12 =	vand.u32 $0x1, v12;
	v10 =	vand.u32 $0xFFFF0000, v10;
	v13 =	vand.u32 $0x1, v13  }
0x43: {  	v11 =	vadd.s32 $0x7FFF, v11;
	v12 =	vadd.s32 v12, v14;
	v13 =	vadd.s32 v13, v15  }
0x44: {  	v12 =	vadd.s32 $0x7FFF, v12;
	v15 =	vadd.s32 $0x7FFF, v13;
	v13 =	vshrl.u32 v16, $0x10  }
0x45: {  	v11 =	vand.u32 $0xFFFF0000, v11;
	v12 =	vand.u32 $0xFFFF0000, v12;
	v14 =	vand.u32 $0x1, v13  }
0x46: {  	v13 =	vld [tilespmem:s4+$0x4000];
	v21 =	vadd.s32 v14, v16;
	v16 =	vand.u32 $0x1, v19;
	v19 =	vand.u32 $0x1, v20  }
0x47: {  	v15 =	vand.u32 $0xFFFF0000, v15;
	v14 =	vld [tilespmem:s5+$0x4000];
	v17 =	vadd.s32 v16, v17;
	v18 =	vadd.s32 v19, v18  }
0x48: {  	s13 =	simm.s32 $0x0;
	s14 =	simm.s32 $0x4010;
	v16 =	vld [tilespmem:s6+$0x4000];
	v19 =	vadd.s32 $0x7FFF, v21;
	v20 =	vadd.s32 $0x7FFF, v17;
	v21 =	vadd.s32 $0x7FFF, v18  }
0x49: {  	s15 =	simm.s32 $0x3810;
	s16 =	simm.s32 $0x3010;
	s17 =	simm.s32 $0x2810;
	v17 =	vand.u32 $0xFFFF0000, v19;
	v18 =	vand.u32 $0xFFFF0000, v20;
	v19 =	vand.u32 $0xFFFF0000, v21;
	v20 =	vld [tilespmem:s7+$0x4000]  }
.LBB2_4:
0x4a: {  	v24 =	vld [tilespmem:s17+$0xFFFFFFF0]  }
0x4b: {  	v23 =	vld [tilespmem:s16+$0xFFFFFFF0]  }
0x4c: {  	v22 =	vld [tilespmem:s15+$0xFFFFFFF0]  }
0x4d: {  	v21 =	vld [tilespmem:s14+$0xFFFFFFF0];
	_ =	sdelay $0x3  }
0x4e: {  	v25 =	vbroadcast v24, $0x0;
	v26 =	vbroadcast v23, $0x0  }
0x4f: {  	v29 =	vbroadcast v22, $0x0;
	v30 =	vbroadcast v21, $0x0  }
0x50: {  	v53 =	vbroadcast v24, $0x1;
	v54 =	vbroadcast v23, $0x1  }
0x51: {  	v58 =	vbroadcast v22, $0x1;
	v61 =	vbroadcast v21, $0x1  }
0x52: {  	v40 =	vbroadcast v22, $0x2;
	v27 =	vmul.f32 v5, v25  }
0x53: {  	v28 =	vmul.f32 v6, v26;
	v44 =	vmul.f32 v7, v29  }
0x54: {  	v31 =	vmul.f32 v8, v25;
	v32 =	vmul.f32 v9, v26  }
0x55: {  	v33 =	vmul.f32 v10, v29;
	v46 =	vmul.f32 v11, v25  }
0x56: {  	v45 =	vadd.f32 v30, v13;
	v34 =	vmul.f32 v12, v26;
	v49 =	vmul.f32 v15, v29  }
0x57: {  	v50 =	vadd.f32 v30, v14;
	v25 =	vmul.f32 v17, v25;
	v26 =	vmul.f32 v18, v26  }
0x58: {  	v51 =	vadd.f32 v30, v16;
	v52 =	vmul.f32 v19, v29;
	v56 =	vmul.f32 v5, v53  }
0x59: {  	v55 =	vadd.f32 v30, v20;
	v57 =	vmul.f32 v6, v54;
	v60 =	vmul.f32 v7, v58  }
0x5a: {  	v43 =	vadd.f32 v61, v13;
	v35 =	vmul.f32 v8, v53;
	v36 =	vmul.f32 v9, v54  }
0x5b: {  	v37 =	vmul.f32 v12, v54;
	v27 =	vadd.f32 v28, v27;
	v31 =	vadd.f32 v32, v31  }
0x5c: {  	v29 =	vmul.f32 v17, v53;
	v48 =	vadd.f32 v34, v46;
	v25 =	vadd.f32 v26, v25  }
0x5d: {  	v59 =	vadd.f32 v57, v56;
	v35 =	vadd.f32 v36, v35;
	v32 =	vmul.f32 v18, v54  }
0x5e: {  	v57 =	vmul.f32 v7, v40;
	v27 =	vadd.f32 v44, v27;
	v47 =	vadd.f32 v33, v31  }
0x5f: {  	v36 =	vbroadcast v23, $0x3;
	v31 =	vadd.f32 v49, v48;
	v25 =	vadd.f32 v52, v25  }
0x60: {  	v42 =	vadd.f32 v60, v59;
	v44 =	vmul.f32 v11, v53;
	v48 =	vadd.f32 v61, v14  }
0x61: {  	v49 =	vadd.f32 v61, v16;
	v52 =	vbroadcast v23, $0x2;
	v29 =	vadd.f32 v32, v29  }
0x62: {  	v53 =	vmul.f32 v19, v58;
	v33 =	vbroadcast v24, $0x4;
	v27 =	vsub.f32 v45, v27  }
0x63: {  	v28 =	vsub.f32 v50, v47;
	v31 =	vsub.f32 v51, v31;
	v45 =	vmul.f32 v10, v58  }
0x64: {  	v25 =	vsub.f32 v55, v25;
	v47 =	vmul.f32 v15, v58;
	v50 =	vbroadcast v24, $0x2  }
0x65: {  	v46 =	vadd.f32 v37, v44;
	v39 =	vmul.f32 v6, v52;
	v58 =	vbroadcast v21, $0x2  }
0x66: {  	v29 =	vadd.f32 v53, v29;
	v41 =	vmul.f32 v12, v52;
	v26 =	vmul.f32 v18, v52  }
0x67: {  	vm0 =	vle.f32 v27, $2.499999940e-03;
	vm1 =	vle.f32 v28, $2.499999940e-03;
	vm2 =	vle.f32 v31, $2.499999940e-03  }
0x68: {  	vm11 =	vle.f32 v25, $2.499999940e-03;
	v25 =	vsub.f32 v43, v42;
	v35 =	vadd.f32 v45, v35  }
0x69: {  	v54 =	vmul.f32 v5, v50;
	v28 =	vadd.f32 v61, v20;
	v61 =	vadd.f32 v58, v13  }
0x6a: {  	v42 =	vadd.f32 v58, v14;
	v43 =	vmul.f32 v15, v40;
	v44 =	vmul.f32 v17, v50  }
0x6b: {  	v45 =	vadd.f32 v58, v16;
	v62 =	vsel vm0, $0x3F800000, v1;
	v63 =	vsel vm1, $0x3F800000, v1  }
0x6c: {  	v38 =	vadd.f32 $2.000000000e+00, v62;
	vm12 =	vle.f32 v25, $2.499999940e-03;
	v25 =	vadd.f32 v47, v46  }
0x6d: {  	v34 =	vsel vm2, $0x3F800000, v1;
	v35 =	vsub.f32 v48, v35;
	v51 =	vadd.f32 $2.000000000e+00, v63  }
0x6e: {  	v27 =	vsel vm11, $0x3F800000, v1;
	v55 =	vadd.f32 $2.000000000e+00, v34;
	v56 =	vadd.f32 v39, v54  }
0x6f: {  	v28 =	vsub.f32 v28, v29;
	v59 =	vadd.f32 $2.000000000e+00, v27;
	v39 =	vmul.f32 v11, v50  }
0x70: {  	v26 =	vadd.f32 v26, v44;
	v46 =	vmul.f32 v19, v40;
	v30 =	vsel vm12, v38, v62  }
0x71: {  	v25 =	vsub.f32 v49, v25;
	vm13 =	vle.f32 v35, $2.499999940e-03;
	v60 =	vadd.f32 v57, v56  }
0x72: {  	vm15 =	vle.f32 v28, $2.499999940e-03;
	v62 =	vmul.f32 v8, v50;
	v38 =	vmul.f32 v10, v40  }
0x73: {  	v49 =	vmul.f32 v6, v36;
	v50 =	vbroadcast v22, $0x3;
	v26 =	vadd.f32 v46, v26  }
0x74: {  	v46 =	vmul.f32 v18, v36;
	v35 =	vbroadcast v23, $0x6;
	v31 =	vsel vm13, v51, v63  }
0x75: {  	v63 =	vmul.f32 v9, v52;
	v27 =	vsel vm15, v59, v27;
	v37 =	vadd.f32 $4.000000000e+00, v30  }
0x76: {  	v51 =	vadd.f32 v58, v20;
	vm14 =	vle.f32 v25, $2.499999940e-03;
	v25 =	vsub.f32 v61, v60  }
0x77: {  	v48 =	vadd.f32 $4.000000000e+00, v31;
	v53 =	vmul.f32 v7, v50;
	v60 =	vmul.f32 v9, v36  }
0x78: {  	v61 =	vadd.f32 $4.000000000e+00, v27;
	v44 =	vmul.f32 v15, v50;
	v34 =	vsel vm14, v55, v34  }
0x79: {  	v28 =	vadd.f32 v63, v62;
	v55 =	vbroadcast v21, $0x3;
	v56 =	vsub.f32 v51, v26  }
0x7a: {  	v63 =	vmul.f32 v10, v50;
	vm4 =	vle.f32 v25, $2.499999940e-03;
	v25 =	vadd.f32 v41, v39  }
0x7b: {  	v54 =	vadd.f32 $4.000000000e+00, v34;
	v39 =	vmul.f32 v12, v36;
	v29 =	vsel vm4, v37, v30  }
0x7c: {  	v28 =	vadd.f32 v38, v28;
	v30 =	vbroadcast v24, $0x3;
	v58 =	vadd.f32 v55, v13  }
0x7d: {  	vm7 =	vle.f32 v56, $2.499999940e-03;
	v51 =	vadd.f32 v55, v20;
	v25 =	vadd.f32 v43, v25  }
0x7e: {  	v43 =	vadd.f32 $8.000000000e+00, v29;
	v28 =	vsub.f32 v42, v28;
	v47 =	vmul.f32 v5, v30  }
0x7f: {  	v59 =	vmul.f32 v8, v30;
	v38 =	vmul.f32 v11, v30;
	v42 =	vadd.f32 v55, v14  }
0x80: {  	v25 =	vsub.f32 v45, v25;
	v45 =	vmul.f32 v17, v30;
	v52 =	vadd.f32 v49, v47  }
0x81: {  	vm5 =	vle.f32 v28, $2.499999940e-03;
	v62 =	vadd.f32 v60, v59;
	v47 =	vadd.f32 v55, v16  }
0x82: {  	v55 =	vbroadcast v22, $0x4;
	v59 =	vbroadcast v21, $0x4;
	v31 =	vsel vm5, v48, v31  }
0x83: {  	vm6 =	vle.f32 v25, $2.499999940e-03;
	v25 =	vsel vm7, v61, v27;
	v27 =	vadd.f32 v39, v38  }
0x84: {  	v28 =	vadd.f32 v46, v45;
	v48 =	vmul.f32 v19, v50;
	v50 =	vbroadcast v23, $0x4  }
0x85: {  	v38 =	vmul.f32 v9, v35;
	v57 =	vadd.f32 v53, v52;
	v34 =	vsel vm6, v54, v34  }
0x86: {  	v41 =	vadd.f32 v63, v62;
	v52 =	vmul.f32 v5, v33;
	v53 =	vadd.f32 $8.000000000e+00, v31  }
0x87: {  	v60 =	vadd.f32 $8.000000000e+00, v25;
	v62 =	vadd.f32 v59, v13;
	v63 =	vmul.f32 v8, v33  }
0x88: {  	v46 =	vmul.f32 v15, v55;
	v27 =	vadd.f32 v44, v27;
	v28 =	vadd.f32 v48, v28  }
0x89: {  	v54 =	vmul.f32 v6, v50;
	v56 =	vadd.f32 $8.000000000e+00, v34;
	v40 =	vmul.f32 v9, v50  }
0x8a: {  	v44 =	vmul.f32 v10, v55;
	v48 =	vadd.f32 v59, v16;
	v26 =	vsub.f32 v58, v57  }
0x8b: {  	v58 =	vmul.f32 v7, v55;
	v49 =	vsub.f32 v47, v27;
	v28 =	vsub.f32 v51, v28  }
0x8c: {  	v57 =	vadd.f32 v54, v52;
	v32 =	vadd.f32 v40, v63;
	v27 =	vmul.f32 v18, v50  }
0x8d: {  	v47 =	vadd.f32 v59, v14;
	v51 =	vbroadcast v23, $0x5;
	v52 =	vmul.f32 v19, v55  }
0x8e: {  	vm8 =	vle.f32 v26, $2.499999940e-03;
	v26 =	vsub.f32 v42, v41;
	v41 =	vmul.f32 v11, v33  }
0x8f: {  	v42 =	vmul.f32 v12, v50;
	v33 =	vmul.f32 v17, v33;
	v29 =	vsel vm8, v43, v29  }
0x90: {  	vm10 =	vle.f32 v49, $2.499999940e-03;
	vm11 =	vle.f32 v28, $2.499999940e-03;
	v61 =	vadd.f32 v58, v57  }
0x91: {  	v32 =	vadd.f32 v44, v32;
	v49 =	vbroadcast v24, $0x5;
	v55 =	vmul.f32 v6, v51  }
0x92: {  	v57 =	vadd.f32 v59, v20;
	v39 =	vmul.f32 v9, v51;
	v44 =	vmul.f32 v12, v51  }
0x93: {  	v30 =	vmul.f32 v18, v51;
	v51 =	vmul.f32 v6, v35;
	vm9 =	vle.f32 v26, $2.499999940e-03  }
0x94: {  	v26 =	vsel vm10, v56, v34;
	v25 =	vsel vm11, v60, v25;
	v43 =	vadd.f32 $1.600000000e+01, v29  }
0x95: {  	v45 =	vadd.f32 v42, v41;
	v27 =	vadd.f32 v27, v33;
	v56 =	vbroadcast v22, $0x5  }
0x96: {  	v60 =	vbroadcast v21, $0x5;
	v33 =	vbroadcast v24, $0x8;
	v31 =	vsel vm9, v53, v31  }
0x97: {  	v28 =	vsub.f32 v62, v61;
	v32 =	vsub.f32 v47, v32;
	v53 =	vmul.f32 v5, v49  }
0x98: {  	v54 =	vadd.f32 $1.600000000e+01, v26;
	v61 =	vadd.f32 $1.600000000e+01, v25;
	v36 =	vmul.f32 v8, v49  }
0x99: {  	v34 =	vmul.f32 v17, v49;
	v50 =	vadd.f32 $1.600000000e+01, v31;
	v27 =	vadd.f32 v52, v27  }
0x9a: {  	v59 =	vmul.f32 v7, v56;
	v63 =	vadd.f32 v60, v13;
	v42 =	vmul.f32 v10, v56  }
0x9b: {  	v47 =	vadd.f32 v60, v16;
	v52 =	vbroadcast v22, $0x6;
	vm12 =	vle.f32 v28, $2.499999940e-03  }
0x9c: {  	v28 =	vadd.f32 v46, v45;
	vm13 =	vle.f32 v32, $2.499999940e-03;
	v58 =	vadd.f32 v55, v53  }
0x9d: {  	v45 =	vadd.f32 v60, v14;
	v46 =	vmul.f32 v15, v56;
	v32 =	vbroadcast v24, $0x6  }
0x9e: {  	v30 =	vadd.f32 v30, v34;
	v55 =	vadd.f32 v60, v20;
	v29 =	vsel vm12, v43, v29  }
0x9f: {  	v31 =	vsel vm13, v50, v31;
	v27 =	vsub.f32 v57, v27;
	v43 =	vmul.f32 v11, v49  }
0xa0: {  	v57 =	vmul.f32 v7, v52;
	v28 =	vsub.f32 v48, v28;
	v62 =	vadd.f32 v59, v58  }
0xa1: {  	v41 =	vadd.f32 $3.200000000e+01, v29;
	v48 =	vmul.f32 v19, v56;
	v49 =	vmul.f32 v5, v32  }
0xa2: {  	v50 =	vadd.f32 $3.200000000e+01, v31;
	v59 =	vbroadcast v21, $0x6;
	vm15 =	vle.f32 v27, $2.499999940e-03  }
0xa3: {  	v27 =	vadd.f32 v39, v36;
	v36 =	vbroadcast v21, $0xA;
	vm14 =	vle.f32 v28, $2.499999940e-03  }
0xa4: {  	v25 =	vsel vm15, v61, v25;
	v28 =	vsub.f32 v63, v62;
	v56 =	vadd.f32 v51, v49  }
0xa5: {  	v62 =	vadd.f32 v59, v13;
	v63 =	vmul.f32 v8, v32;
	v49 =	vmul.f32 v17, v32  }
0xa6: {  	v51 =	vadd.f32 v59, v16;
	v26 =	vsel vm14, v54, v26;
	v27 =	vadd.f32 v42, v27  }
0xa7: {  	v54 =	vadd.f32 v48, v30;
	v39 =	vadd.f32 $3.200000000e+01, v25;
	v42 =	vmul.f32 v10, v52  }
0xa8: {  	v48 =	vmul.f32 v15, v52;
	v52 =	vmul.f32 v19, v52;
	vm4 =	vle.f32 v28, $2.499999940e-03  }
0xa9: {  	v28 =	vadd.f32 v44, v43;
	v58 =	vadd.f32 $3.200000000e+01, v26;
	v43 =	vmul.f32 v11, v32  }
0xaa: {  	v61 =	vadd.f32 v57, v56;
	v44 =	vmul.f32 v12, v35;
	v32 =	vbroadcast v24, $0x9  }
0xab: {  	v29 =	vsel vm4, v41, v29;
	v27 =	vsub.f32 v45, v27;
	v60 =	vsub.f32 v55, v54  }
0xac: {  	v41 =	vadd.f32 v38, v63;
	v54 =	vbroadcast v23, $0x7;
	v55 =	vadd.f32 v59, v20  }
0xad: {  	v63 =	vbroadcast v21, $0x7;
	v28 =	vadd.f32 v46, v28;
	v46 =	vadd.f32 v59, v14  }
0xae: {  	v59 =	vbroadcast v22, $0x7;
	vm5 =	vle.f32 v27, $2.499999940e-03;
	v45 =	vadd.f32 v42, v41  }
0xaf: {  	vm7 =	vle.f32 v60, $2.499999940e-03;
	v27 =	vadd.f32 v44, v43;
	v40 =	vadd.f32 v63, v13  }
0xb0: {  	v42 =	vmul.f32 v9, v54;
	v44 =	vmul.f32 v12, v54;
	v53 =	vsub.f32 v47, v28  }
0xb1: {  	v31 =	vsel vm5, v50, v31;
	v28 =	vsub.f32 v62, v61;
	v25 =	vsel vm7, v39, v25  }
0xb2: {  	v47 =	vadd.f32 $6.400000000e+01, v29;
	v50 =	vmul.f32 v18, v35;
	v62 =	vmul.f32 v7, v59  }
0xb3: {  	v35 =	vbroadcast v23, $0x9;
	v27 =	vadd.f32 v48, v27;
	v57 =	vadd.f32 $6.400000000e+01, v31  }
0xb4: {  	v38 =	vadd.f32 $6.400000000e+01, v25;
	v48 =	vmul.f32 v15, v59;
	vm6 =	vle.f32 v53, $2.499999940e-03  }
0xb5: {  	vm8 =	vle.f32 v28, $2.499999940e-03;
	v28 =	vsub.f32 v46, v45;
	v30 =	vadd.f32 v50, v49  }
0xb6: {  	v53 =	vbroadcast v24, $0x7;
	v46 =	vmul.f32 v10, v59;
	v49 =	vadd.f32 v63, v14  }
0xb7: {  	v50 =	vadd.f32 v63, v16;
	v26 =	vsel vm6, v58, v26;
	v29 =	vsel vm8, v47, v29  }
0xb8: {  	v27 =	vsub.f32 v51, v27;
	v58 =	vmul.f32 v6, v54;
	vm9 =	vle.f32 v28, $2.499999940e-03  }
0xb9: {  	v30 =	vadd.f32 v52, v30;
	v56 =	vmul.f32 v5, v53;
	v41 =	vmul.f32 v8, v53  }
0xba: {  	v60 =	vadd.f32 $6.400000000e+01, v26;
	v43 =	vmul.f32 v11, v53;
	v34 =	vmul.f32 v17, v53  }
0xbb: {  	v45 =	vadd.f32 $1.280000000e+02, v29;
	v28 =	vmul.f32 v18, v54;
	v52 =	vbroadcast v23, $0x8  }
0xbc: {  	v53 =	vmul.f32 v19, v59;
	v54 =	vmul.f32 v5, v33;
	v59 =	vadd.f32 v63, v20  }
0xbd: {  	vm10 =	vle.f32 v27, $2.499999940e-03;
	v31 =	vsel vm9, v57, v31;
	v30 =	vsub.f32 v55, v30  }
0xbe: {  	v57 =	vbroadcast v22, $0x8;
	v61 =	vadd.f32 v58, v56;
	v27 =	vadd.f32 v42, v41  }
0xbf: {  	v26 =	vsel vm10, v60, v26;
	v47 =	vadd.f32 v44, v43;
	v51 =	vadd.f32 $1.280000000e+02, v31  }
0xc0: {  	v28 =	vadd.f32 v28, v34;
	v56 =	vmul.f32 v6, v52;
	v42 =	vmul.f32 v8, v33  }
0xc1: {  	v43 =	vmul.f32 v9, v52;
	v55 =	vadd.f32 $1.280000000e+02, v26;
	vm11 =	vle.f32 v30, $2.499999940e-03  }
0xc2: {  	v39 =	vadd.f32 v62, v61;
	v27 =	vadd.f32 v46, v27;
	v61 =	vmul.f32 v7, v57  }
0xc3: {  	v58 =	vadd.f32 v53, v28;
	v62 =	vbroadcast v21, $0x8;
	v46 =	vmul.f32 v10, v57  }
0xc4: {  	v60 =	vadd.f32 v56, v54;
	v53 =	vmul.f32 v19, v57;
	v54 =	vmul.f32 v5, v32  }
0xc5: {  	v25 =	vsel vm11, v38, v25;
	v30 =	vsub.f32 v40, v39;
	v27 =	vsub.f32 v49, v27  }
0xc6: {  	v56 =	vmul.f32 v6, v35;
	v63 =	vadd.f32 $1.280000000e+02, v25;
	v39 =	vadd.f32 v61, v60  }
0xc7: {  	v41 =	vadd.f32 v62, v13;
	v49 =	vadd.f32 v62, v14;
	v40 =	vbroadcast v22, $0x9  }
0xc8: {  	v60 =	vadd.f32 v56, v54;
	v54 =	vmul.f32 v17, v32;
	vm12 =	vle.f32 v30, $2.499999940e-03  }
0xc9: {  	v30 =	vadd.f32 v48, v47;
	vm13 =	vle.f32 v27, $2.499999940e-03;
	v27 =	vsub.f32 v59, v58  }
0xca: {  	v44 =	vsub.f32 v41, v39;
	v47 =	vmul.f32 v11, v33;
	v48 =	vmul.f32 v12, v52  }
0xcb: {  	v33 =	vmul.f32 v17, v33;
	v59 =	vadd.f32 v62, v20;
	v61 =	vmul.f32 v7, v40  }
0xcc: {  	v29 =	vsel vm12, v45, v29;
	v31 =	vsel vm13, v51, v31;
	v51 =	vmul.f32 v18, v52  }
0xcd: {  	v52 =	vadd.f32 v62, v16;
	v30 =	vsub.f32 v50, v30;
	vm15 =	vle.f32 v27, $2.499999940e-03  }
0xce: {  	v45 =	vadd.f32 $2.560000000e+02, v29;
	v27 =	vadd.f32 v43, v42;
	vm4 =	vle.f32 v44, $2.499999940e-03  }
0xcf: {  	v28 =	vadd.f32 v48, v47;
	v50 =	vmul.f32 v15, v57;
	v43 =	vmul.f32 v8, v32  }
0xd0: {  	v41 =	vadd.f32 v61, v60;
	v44 =	vmul.f32 v9, v35;
	v47 =	vmul.f32 v10, v40  }
0xd1: {  	v25 =	vsel vm15, v63, v25;
	v63 =	vbroadcast v21, $0x9;
	v27 =	vadd.f32 v46, v27  }
0xd2: {  	vm14 =	vle.f32 v30, $2.499999940e-03;
	v28 =	vadd.f32 v50, v28;
	v30 =	vadd.f32 v51, v33  }
0xd3: {  	v29 =	vsel vm4, v45, v29;
	v45 =	vadd.f32 $2.560000000e+02, v25;
	v46 =	vadd.f32 v44, v43  }
0xd4: {  	v26 =	vsel vm14, v55, v26;
	v55 =	vadd.f32 $2.560000000e+02, v31;
	v42 =	vadd.f32 v63, v13  }
0xd5: {  	v48 =	vmul.f32 v11, v32;
	v51 =	vadd.f32 v63, v14;
	v56 =	vadd.f32 v63, v16  }
0xd6: {  	v32 =	vbroadcast v24, $0xC;
	v60 =	vadd.f32 v63, v20;
	v27 =	vsub.f32 v49, v27  }
0xd7: {  	v33 =	vbroadcast v24, $0xB;
	v57 =	vsub.f32 v52, v28;
	v58 =	vadd.f32 v53, v30  }
0xd8: {  	v62 =	vadd.f32 $2.560000000e+02, v26;
	v49 =	vmul.f32 v12, v35;
	v50 =	vadd.f32 v47, v46  }
0xd9: {  	v52 =	vadd.f32 $5.120000000e+02, v29;
	v53 =	vmul.f32 v15, v40;
	v46 =	vadd.f32 v36, v13  }
0xda: {  	v28 =	vsub.f32 v42, v41;
	vm5 =	vle.f32 v27, $2.499999940e-03;
	vm6 =	vle.f32 v57, $2.499999940e-03  }
0xdb: {  	v39 =	vsub.f32 v59, v58;
	v57 =	vmul.f32 v19, v40;
	v58 =	vbroadcast v24, $0xA  }
0xdc: {  	v27 =	vadd.f32 v49, v48;
	v59 =	vbroadcast v23, $0xA;
	v40 =	vbroadcast v22, $0xA  }
0xdd: {  	v31 =	vsel vm5, v55, v31;
	v26 =	vsel vm6, v62, v26;
	vm8 =	vle.f32 v28, $2.499999940e-03  }
0xde: {  	v28 =	vsub.f32 v51, v50;
	v55 =	vmul.f32 v18, v35;
	v35 =	vbroadcast v23, $0xC  }
0xdf: {  	vm7 =	vle.f32 v39, $2.499999940e-03;
	v61 =	vmul.f32 v5, v58;
	v63 =	vmul.f32 v6, v59  }
0xe0: {  	v29 =	vsel vm8, v52, v29;
	v43 =	vmul.f32 v7, v40;
	v47 =	vmul.f32 v8, v58  }
0xe1: {  	v27 =	vadd.f32 v53, v27;
	v48 =	vmul.f32 v9, v59;
	v49 =	vmul.f32 v11, v58  }
0xe2: {  	v62 =	vadd.f32 $5.120000000e+02, v31;
	v50 =	vmul.f32 v12, v59;
	v52 =	vmul.f32 v10, v40  }
0xe3: {  	v41 =	vadd.f32 $5.120000000e+02, v26;
	v34 =	vmul.f32 v17, v58;
	v58 =	vbroadcast v23, $0xB  }
0xe4: {  	v25 =	vsel vm7, v45, v25;
	v30 =	vadd.f32 v55, v54;
	vm9 =	vle.f32 v28, $2.499999940e-03  }
0xe5: {  	v51 =	vadd.f32 $1.024000000e+03, v29;
	v54 =	vmul.f32 v15, v40;
	v28 =	vmul.f32 v18, v59  }
0xe6: {  	v55 =	vadd.f32 v36, v14;
	v59 =	vmul.f32 v19, v40;
	v40 =	vbroadcast v22, $0xC  }
0xe7: {  	v27 =	vsub.f32 v56, v27;
	v42 =	vadd.f32 v63, v61;
	v31 =	vsel vm9, v62, v31  }
0xe8: {  	v44 =	vadd.f32 $5.120000000e+02, v25;
	v53 =	vadd.f32 v50, v49;
	v62 =	vmul.f32 v6, v58  }
0xe9: {  	v56 =	vadd.f32 v36, v16;
	v63 =	vbroadcast v22, $0xB;
	v49 =	vmul.f32 v8, v33  }
0xea: {  	v50 =	vmul.f32 v9, v58;
	v30 =	vadd.f32 v57, v30;
	v57 =	vadd.f32 $1.024000000e+03, v31  }
0xeb: {  	v28 =	vadd.f32 v28, v34;
	v39 =	vmul.f32 v19, v40;
	v45 =	vadd.f32 v43, v42  }
0xec: {  	vm10 =	vle.f32 v27, $2.499999940e-03;
	v27 =	vadd.f32 v48, v47;
	v42 =	vadd.f32 v36, v20  }
0xed: {  	v36 =	vmul.f32 v18, v35;
	v30 =	vsub.f32 v60, v30;
	v26 =	vsel vm10, v41, v26  }
0xee: {  	v60 =	vmul.f32 v5, v33;
	v41 =	vadd.f32 v59, v28;
	v27 =	vadd.f32 v52, v27  }
0xef: {  	v61 =	vadd.f32 $1.024000000e+03, v26;
	vm11 =	vle.f32 v30, $2.499999940e-03;
	v30 =	vsub.f32 v46, v45  }
0xf0: {  	v43 =	vadd.f32 v62, v60;
	v45 =	vbroadcast v21, $0xB;
	v60 =	vmul.f32 v19, v63  }
0xf1: {  	v25 =	vsel vm11, v44, v25;
	v27 =	vsub.f32 v55, v27;
	v44 =	vmul.f32 v7, v63  }
0xf2: {  	v55 =	vmul.f32 v12, v58;
	v58 =	vmul.f32 v18, v58;
	vm12 =	vle.f32 v30, $2.499999940e-03  }
0xf3: {  	v30 =	vadd.f32 v54, v53;
	v46 =	vadd.f32 $1.024000000e+03, v25;
	v53 =	vmul.f32 v10, v63  }
0xf4: {  	v48 =	vadd.f32 v45, v13;
	v54 =	vmul.f32 v11, v33;
	v33 =	vmul.f32 v17, v33  }
0xf5: {  	v59 =	vadd.f32 v45, v16;
	vm13 =	vle.f32 v27, $2.499999940e-03;
	v27 =	vsub.f32 v42, v41  }
0xf6: {  	v29 =	vsel vm12, v51, v29;
	v47 =	vadd.f32 v44, v43;
	v44 =	vadd.f32 v45, v20  }
0xf7: {  	v41 =	vbroadcast v23, $0xD;
	v30 =	vsub.f32 v56, v30;
	v52 =	vadd.f32 $2.048000000e+03, v29  }
0xf8: {  	v31 =	vsel vm13, v57, v31;
	v56 =	vadd.f32 v45, v14;
	v28 =	vadd.f32 v55, v54  }
0xf9: {  	v57 =	vmul.f32 v15, v63;
	v63 =	vmul.f32 v6, v35;
	v51 =	vsub.f32 v48, v47  }
0xfa: {  	vm15 =	vle.f32 v27, $2.499999940e-03;
	v27 =	vadd.f32 v50, v49;
	v62 =	vadd.f32 $2.048000000e+03, v31  }
0xfb: {  	v48 =	vbroadcast v21, $0xC;
	vm14 =	vle.f32 v30, $2.499999940e-03;
	v25 =	vsel vm15, v46, v25  }
0xfc: {  	v28 =	vadd.f32 v57, v28;
	v46 =	vmul.f32 v7, v40;
	v57 =	vmul.f32 v11, v32  }
0xfd: {  	v30 =	vadd.f32 v58, v33;
	v58 =	vmul.f32 v12, v35;
	v33 =	vbroadcast v24, $0xE  }
0xfe: {  	v26 =	vsel vm14, v61, v26;
	vm4 =	vle.f32 v51, $2.499999940e-03;
	v27 =	vadd.f32 v53, v27  }
0xff: {  	v61 =	vmul.f32 v5, v32;
	v51 =	vadd.f32 v48, v13;
	v54 =	vadd.f32 $2.048000000e+03, v25  }
0x100: {  	v53 =	vmul.f32 v9, v35;
	v38 =	vadd.f32 v48, v16;
	v42 =	vsub.f32 v59, v28  }
0x101: {  	v29 =	vsel vm4, v52, v29;
	v43 =	vadd.f32 v60, v30;
	v47 =	vadd.f32 $2.048000000e+03, v26  }
0x102: {  	v52 =	vmul.f32 v8, v32;
	v60 =	vadd.f32 v48, v14;
	v27 =	vsub.f32 v56, v27  }
0x103: {  	v45 =	vadd.f32 v63, v61;
	v56 =	vmul.f32 v10, v40;
	v61 =	vadd.f32 $4.096000000e+03, v29  }
0x104: {  	v63 =	vmul.f32 v17, v32;
	vm6 =	vle.f32 v42, $2.499999940e-03;
	v49 =	vsub.f32 v44, v43  }
0x105: {  	v55 =	vadd.f32 v53, v52;
	vm5 =	vle.f32 v27, $2.499999940e-03;
	v50 =	vadd.f32 v46, v45  }
0x106: {  	v26 =	vsel vm6, v47, v26;
	v27 =	vadd.f32 v58, v57;
	v58 =	vmul.f32 v6, v41  }
0x107: {  	v30 =	vadd.f32 v36, v63;
	v63 =	vbroadcast v21, $0xD;
	v46 =	vmul.f32 v9, v41  }
0x108: {  	v31 =	vsel vm5, v62, v31;
	vm7 =	vle.f32 v49, $2.499999940e-03;
	v59 =	vadd.f32 v56, v55  }
0x109: {  	v62 =	vmul.f32 v15, v40;
	v55 =	vadd.f32 v48, v20;
	v28 =	vsub.f32 v51, v50  }
0x10a: {  	v40 =	vbroadcast v24, $0xD;
	v30 =	vadd.f32 v39, v30;
	v57 =	vadd.f32 $4.096000000e+03, v31  }
0x10b: {  	v48 =	vmul.f32 v12, v41;
	v44 =	vadd.f32 v63, v13;
	v53 =	vadd.f32 v63, v14  }
0x10c: {  	v25 =	vsel vm7, v54, v25;
	v54 =	vadd.f32 v63, v16;
	v63 =	vadd.f32 v63, v20  }
0x10d: {  	v27 =	vadd.f32 v62, v27;
	v56 =	vmul.f32 v5, v40;
	v45 =	vmul.f32 v8, v40  }
0x10e: {  	v42 =	vadd.f32 $4.096000000e+03, v25;
	v47 =	vmul.f32 v11, v40;
	v34 =	vmul.f32 v17, v40  }
0x10f: {  	vm8 =	vle.f32 v28, $2.499999940e-03;
	v28 =	vsub.f32 v60, v59;
	v59 =	vbroadcast v22, $0xD  }
0x110: {  	v60 =	vadd.f32 $4.096000000e+03, v26;
	v30 =	vsub.f32 v55, v30;
	v29 =	vsel vm8, v61, v29  }
0x111: {  	v27 =	vsub.f32 v38, v27;
	v61 =	vadd.f32 v58, v56;
	v56 =	vbroadcast v23, $0xE  }
0x112: {  	v51 =	vadd.f32 v48, v47;
	v58 =	vmul.f32 v5, v33;
	v47 =	vmul.f32 v8, v33  }
0x113: {  	vm9 =	vle.f32 v28, $2.499999940e-03;
	v62 =	vmul.f32 v7, v59;
	vm11 =	vle.f32 v30, $2.499999940e-03  }
0x114: {  	v49 =	vadd.f32 $8.192000000e+03, v29;
	v50 =	vmul.f32 v10, v59;
	v52 =	vmul.f32 v15, v59  }
0x115: {  	v28 =	vmul.f32 v18, v41;
	vm10 =	vle.f32 v27, $2.499999940e-03;
	v31 =	vsel vm9, v57, v31  }
0x116: {  	v25 =	vsel vm11, v42, v25;
	v27 =	vadd.f32 v46, v45;
	v57 =	vmul.f32 v19, v59  }
0x117: {  	v26 =	vsel vm10, v60, v26;
	v43 =	vadd.f32 v62, v61;
	v55 =	vadd.f32 $8.192000000e+03, v31  }
0x118: {  	v28 =	vadd.f32 v28, v34;
	v60 =	vmul.f32 v6, v56;
	v27 =	vadd.f32 v50, v27  }
0x119: {  	v61 =	vbroadcast v22, $0xE;
	v59 =	vadd.f32 $8.192000000e+03, v26;
	v30 =	vsub.f32 v44, v43  }
0x11a: {  	v48 =	vmul.f32 v9, v56;
	v62 =	vadd.f32 v57, v28;
	v41 =	vadd.f32 v60, v58  }
0x11b: {  	v42 =	vmul.f32 v7, v61;
	v43 =	vbroadcast v21, $0xE;
	v44 =	vadd.f32 $8.192000000e+03, v25  }
0x11c: {  	v57 =	vbroadcast v24, $0xF;
	v60 =	vbroadcast v23, $0xF;
	v27 =	vsub.f32 v53, v27  }
0x11d: {  	v53 =	vmul.f32 v12, v56;
	v56 =	vmul.f32 v18, v56;
	vm12 =	vle.f32 v30, $2.499999940e-03  }
0x11e: {  	v30 =	vadd.f32 v52, v51;
	v45 =	vadd.f32 v42, v41;
	v51 =	vmul.f32 v10, v61  }
0x11f: {  	v46 =	vadd.f32 v43, v13;
	v52 =	vmul.f32 v11, v33;
	v33 =	vmul.f32 v17, v33  }
0x120: {  	v40 =	vmul.f32 v6, v60;
	v41 =	vbroadcast v22, $0xF;
	v42 =	vadd.f32 v43, v20  }
0x121: {  	v32 =	vmul.f32 v17, v57;
	v34 =	vmul.f32 v18, v60;
	v29 =	vsel vm12, v49, v29  }
0x122: {  	vm13 =	vle.f32 v27, $2.499999940e-03;
	v27 =	vsub.f32 v63, v62;
	v30 =	vsub.f32 v54, v30  }
0x123: {  	v62 =	vmul.f32 v5, v57;
	v49 =	vsub.f32 v46, v45;
	v50 =	vadd.f32 $1.638400000e+04, v29  }
0x124: {  	v31 =	vsel vm13, v55, v31;
	v54 =	vadd.f32 v43, v14;
	v28 =	vadd.f32 v53, v52  }
0x125: {  	v55 =	vmul.f32 v15, v61;
	v23 =	vadd.f32 v56, v33;
	v61 =	vmul.f32 v19, v61  }
0x126: {  	v46 =	vbroadcast v21, $0xF;
	v52 =	vmul.f32 v12, v60;
	v32 =	vadd.f32 v34, v32  }
0x127: {  	vm15 =	vle.f32 v27, $2.499999940e-03;
	v27 =	vadd.f32 v48, v47;
	v63 =	vadd.f32 $1.638400000e+04, v31  }
0x128: {  	v47 =	vmul.f32 v8, v57;
	v48 =	vmul.f32 v9, v60;
	vm14 =	vle.f32 v30, $2.499999940e-03  }
0x129: {  	v25 =	vsel vm15, v44, v25;
	v58 =	vadd.f32 v55, v28;
	v23 =	vadd.f32 v61, v23  }
0x12a: {  	vm4 =	vle.f32 v49, $2.499999940e-03;
	v53 =	vadd.f32 v46, v14;
	v56 =	vadd.f32 v46, v16  }
0x12b: {  	v44 =	vmul.f32 v7, v41;
	v61 =	vadd.f32 v46, v20;
	v27 =	vadd.f32 v51, v27  }
0x12c: {  	v26 =	vsel vm14, v59, v26;
	v59 =	vadd.f32 v43, v16;
	v43 =	vadd.f32 v40, v62  }
0x12d: {  	v29 =	vsel vm4, v50, v29;
	v49 =	vadd.f32 $1.638400000e+04, v25;
	v24 =	vadd.f32 v48, v47  }
0x12e: {  	v51 =	vmul.f32 v11, v57;
	v45 =	vadd.f32 $1.638400000e+04, v26;
	v21 =	vsub.f32 v42, v23  }
0x12f: {  	v57 =	vmul.f32 v19, v41;
	v23 =	vadd.f32 v46, v13;
	v27 =	vsub.f32 v54, v27  }
0x130: {  	v55 =	vmul.f32 v15, v41;
	v22 =	vsub.f32 v59, v58;
	v54 =	vadd.f32 $3.276800000e+04, v29  }
0x131: {  	v28 =	vadd.f32 v52, v51;
	v60 =	vadd.f32 v57, v32;
	vm7 =	vle.f32 v21, $2.499999940e-03  }
0x132: {  	v21 =	vld [tilespmem:s17+$0x0];
	vm5 =	vle.f32 v27, $2.499999940e-03;
	vm6 =	vle.f32 v22, $2.499999940e-03;
	v22 =	vadd.f32 v44, v43  }
0x133: {  	v25 =	vsel vm7, v49, v25;
	v28 =	vadd.f32 v55, v28;
	v30 =	vsel vm5, v63, v31  }
0x134: {  	v26 =	vsel vm6, v45, v26;
	v31 =	vsub.f32 v61, v60;
	v45 =	vadd.f32 $3.276800000e+04, v25  }
0x135: {  	v50 =	vmul.f32 v10, v41;
	v22 =	vsub.f32 v23, v22;
	v58 =	vsub.f32 v56, v28  }
0x136: {  	v23 =	vld [tilespmem:s16+$0x0];
	v63 =	vadd.f32 $3.276800000e+04, v30;
	v42 =	vadd.f32 $3.276800000e+04, v26;
	vm11 =	vle.f32 v31, $2.499999940e-03  }
0x137: {  	vm8 =	vle.f32 v22, $2.499999940e-03;
	v22 =	vadd.f32 v50, v24;
	v35 =	vbroadcast v21, $0x0  }
0x138: {  	v24 =	vld [tilespmem:s15+$0x0];
	vm10 =	vle.f32 v58, $2.499999940e-03;
	v25 =	vsel vm11, v45, v25;
	v33 =	vbroadcast v21, $0x1  }
0x139: {  	v29 =	vsel vm8, v54, v29;
	v62 =	vmul.f32 v5, v35;
	v48 =	vmul.f32 v8, v35  }
0x13a: {  	v26 =	vsel vm10, v42, v26;
	v50 =	vmul.f32 v11, v35;
	v58 =	vmul.f32 v17, v35  }
0x13b: {  	v27 =	vsub.f32 v53, v22;
	v22 =	vld [tilespmem:s14+$0x0];
	v61 =	vmul.f32 v5, v33;
	v59 =	vbroadcast v23, $0x0  }
0x13c: {  	v52 =	vadd.f32 $6.553600000e+04, v29;
	v32 =	vbroadcast v23, $0x1;
	v35 =	vbroadcast v23, $0x2  }
0x13d: {  	vm9 =	vle.f32 v27, $2.499999940e-03;
	v40 =	vmul.f32 v6, v59;
	v41 =	vbroadcast v24, $0x0  }
0x13e: {  	v30 =	vsel vm9, v63, v30;
	v49 =	vmul.f32 v9, v59;
	v51 =	vmul.f32 v12, v59  }
0x13f: {  	v28 =	vmul.f32 v18, v59;
	v63 =	vmul.f32 v6, v32;
	v59 =	vadd.f32 $6.553600000e+04, v30  }
0x140: {  	v43 =	vadd.f32 v40, v62;
	v44 =	vmul.f32 v7, v41;
	v36 =	vbroadcast v22, $0x0  }
0x141: {  	v27 =	vadd.f32 v49, v48;
	v53 =	vmul.f32 v10, v41;
	v54 =	vadd.f32 v51, v50  }
0x142: {  	v55 =	vmul.f32 v15, v41;
	v28 =	vadd.f32 v28, v58;
	v62 =	vadd.f32 $6.553600000e+04, v26  }
0x143: {  	v60 =	vmul.f32 v19, v41;
	v49 =	vadd.f32 $6.553600000e+04, v25;
	v46 =	vadd.f32 v44, v43  }
0x144: {  	v37 =	vbroadcast v22, $0x1;
	v47 =	vadd.f32 v36, v13;
	v27 =	vadd.f32 v53, v27  }
0x145: {  	v56 =	vadd.f32 v36, v14;
	v57 =	vadd.f32 v36, v16;
	v44 =	vbroadcast v24, $0x1  }
0x146: {  	v58 =	vmul.f32 v12, v32;
	v45 =	vadd.f32 v60, v28;
	v51 =	vadd.f32 v37, v13  }
0x147: {  	v53 =	vmul.f32 v9, v32;
	v31 =	vsub.f32 v47, v46;
	v48 =	vmul.f32 v7, v44  }
0x148: {  	v27 =	vsub.f32 v56, v27;
	v56 =	vmul.f32 v10, v44;
	v60 =	vmul.f32 v15, v44  }
0x149: {  	v47 =	vadd.f32 v63, v61;
	v61 =	vmul.f32 v18, v32;
	v32 =	vbroadcast v21, $0x2  }
0x14a: {  	v46 =	vadd.f32 v36, v20;
	v63 =	vmul.f32 v19, v44;
	v36 =	vmul.f32 v12, v35  }
0x14b: {  	vm12 =	vle.f32 v31, $2.499999940e-03;
	v31 =	vadd.f32 v55, v54;
	vm13 =	vle.f32 v27, $2.499999940e-03  }
0x14c: {  	v27 =	vsub.f32 v46, v45;
	v44 =	vmul.f32 v5, v32;
	v46 =	vmul.f32 v6, v35  }
0x14d: {  	v50 =	vadd.f32 v48, v47;
	v47 =	vbroadcast v24, $0x2;
	v43 =	vmul.f32 v17, v32  }
0x14e: {  	v29 =	vsel vm12, v52, v29;
	v30 =	vsel vm13, v59, v30;
	v52 =	vmul.f32 v8, v33  }
0x14f: {  	v59 =	vadd.f32 v37, v14;
	v31 =	vsub.f32 v57, v31;
	vm15 =	vle.f32 v27, $2.499999940e-03  }
0x150: {  	v54 =	vsub.f32 v51, v50;
	v55 =	vadd.f32 $1.310720000e+05, v29;
	v57 =	vmul.f32 v11, v33  }
0x151: {  	v33 =	vmul.f32 v17, v33;
	v45 =	vadd.f32 $1.310720000e+05, v30;
	v50 =	vadd.f32 v37, v20  }
0x152: {  	v51 =	vadd.f32 v46, v44;
	v42 =	vmul.f32 v15, v47;
	v44 =	vmul.f32 v18, v35  }
0x153: {  	v46 =	vmul.f32 v19, v47;
	v27 =	vadd.f32 v53, v52;
	v52 =	vmul.f32 v7, v47  }
0x154: {  	vm14 =	vle.f32 v31, $2.499999940e-03;
	vm4 =	vle.f32 v54, $2.499999940e-03;
	v28 =	vadd.f32 v58, v57  }
0x155: {  	v31 =	vadd.f32 v61, v33;
	v54 =	vbroadcast v22, $0x2;
	v27 =	vadd.f32 v56, v27  }
0x156: {  	v26 =	vsel vm14, v62, v26;
	v62 =	vadd.f32 v37, v16;
	v56 =	vadd.f32 v52, v51  }
0x157: {  	v25 =	vsel vm15, v49, v25;
	v28 =	vadd.f32 v60, v28;
	v49 =	vadd.f32 v63, v31  }
0x158: {  	v58 =	vmul.f32 v8, v32;
	v53 =	vadd.f32 $1.310720000e+05, v26;
	v57 =	vadd.f32 v54, v13  }
0x159: {  	v29 =	vsel vm4, v55, v29;
	v60 =	vadd.f32 $1.310720000e+05, v25;
	v39 =	vadd.f32 v54, v14  }
0x15a: {  	v63 =	vmul.f32 v11, v32;
	v41 =	vadd.f32 $2.621440000e+05, v29;
	v31 =	vadd.f32 v44, v43  }
0x15b: {  	v32 =	vbroadcast v21, $0x5;
	v27 =	vsub.f32 v59, v27;
	v59 =	vmul.f32 v9, v35  }
0x15c: {  	v35 =	vbroadcast v23, $0x5;
	v48 =	vsub.f32 v62, v28;
	v55 =	vsub.f32 v50, v49  }
0x15d: {  	v28 =	vsub.f32 v57, v56;
	v62 =	vmul.f32 v10, v47;
	v47 =	vbroadcast v21, $0x3  }
0x15e: {  	v31 =	vadd.f32 v46, v31;
	v49 =	vadd.f32 v54, v20;
	v57 =	vbroadcast v22, $0x3  }
0x15f: {  	vm5 =	vle.f32 v27, $2.499999940e-03;
	v61 =	vadd.f32 v59, v58;
	v27 =	vadd.f32 v36, v63  }
0x160: {  	v30 =	vsel vm5, v45, v30;
	vm6 =	vle.f32 v48, $2.499999940e-03;
	vm7 =	vle.f32 v55, $2.499999940e-03  }
0x161: {  	vm8 =	vle.f32 v28, $2.499999940e-03;
	v45 =	vadd.f32 v54, v16;
	v48 =	vbroadcast v23, $0x3  }
0x162: {  	v50 =	vmul.f32 v5, v47;
	v31 =	vsub.f32 v49, v31;
	v63 =	vmul.f32 v11, v47  }
0x163: {  	v46 =	vadd.f32 v57, v16;
	v34 =	vmul.f32 v17, v47;
	v49 =	vbroadcast v23, $0x4  }
0x164: {  	v26 =	vsel vm6, v53, v26;
	v25 =	vsel vm7, v60, v25;
	v38 =	vadd.f32 v62, v61  }
0x165: {  	v29 =	vsel vm8, v41, v29;
	v27 =	vadd.f32 v42, v27;
	v51 =	vadd.f32 $2.621440000e+05, v30  }
0x166: {  	v53 =	vbroadcast v24, $0x3;
	v60 =	vadd.f32 v57, v13;
	v61 =	vmul.f32 v8, v47  }
0x167: {  	v47 =	vbroadcast v21, $0x4;
	v52 =	vmul.f32 v6, v48;
	v54 =	vadd.f32 $2.621440000e+05, v26  }
0x168: {  	v58 =	vadd.f32 $2.621440000e+05, v25;
	vm11 =	vle.f32 v31, $2.499999940e-03;
	v62 =	vmul.f32 v9, v48  }
0x169: {  	v40 =	vmul.f32 v12, v48;
	v41 =	vadd.f32 $5.242880000e+05, v29;
	v36 =	vmul.f32 v9, v49  }
0x16a: {  	v28 =	vsub.f32 v39, v38;
	v27 =	vsub.f32 v45, v27;
	v56 =	vmul.f32 v7, v53  }
0x16b: {  	v42 =	vmul.f32 v10, v53;
	v44 =	vmul.f32 v15, v53;
	v45 =	vadd.f32 v57, v14  }
0x16c: {  	v33 =	vmul.f32 v17, v47;
	v55 =	vadd.f32 v52, v50;
	v25 =	vsel vm11, v58, v25  }
0x16d: {  	v43 =	vadd.f32 v40, v63;
	v50 =	vmul.f32 v19, v53;
	v53 =	vmul.f32 v6, v49  }
0x16e: {  	v63 =	vmul.f32 v8, v47;
	vm9 =	vle.f32 v28, $2.499999940e-03;
	vm10 =	vle.f32 v27, $2.499999940e-03  }
0x16f: {  	v27 =	vadd.f32 v62, v61;
	v28 =	vmul.f32 v18, v48;
	v30 =	vsel vm9, v51, v30  }
0x170: {  	v26 =	vsel vm10, v54, v26;
	v59 =	vadd.f32 v56, v55;
	v56 =	vadd.f32 v57, v20  }
0x171: {  	v51 =	vmul.f32 v5, v47;
	v27 =	vadd.f32 v42, v27;
	v48 =	vadd.f32 $5.242880000e+05, v30  }
0x172: {  	v54 =	vbroadcast v24, $0x4;
	v28 =	vadd.f32 v28, v34;
	v52 =	vadd.f32 $5.242880000e+05, v26  }
0x173: {  	v42 =	vmul.f32 v11, v47;
	v31 =	vsub.f32 v60, v59;
	v57 =	vadd.f32 v53, v51  }
0x174: {  	v58 =	vmul.f32 v7, v54;
	v59 =	vbroadcast v22, $0x4;
	v60 =	vadd.f32 $5.242880000e+05, v25  }
0x175: {  	v51 =	vmul.f32 v6, v35;
	v27 =	vsub.f32 v45, v27;
	v55 =	vadd.f32 v50, v28  }
0x176: {  	v45 =	vmul.f32 v15, v54;
	vm12 =	vle.f32 v31, $2.499999940e-03;
	v31 =	vadd.f32 v44, v43  }
0x177: {  	v61 =	vadd.f32 v58, v57;
	v62 =	vadd.f32 v59, v13;
	v43 =	vmul.f32 v12, v49  }
0x178: {  	v44 =	vadd.f32 v59, v14;
	v47 =	vadd.f32 v59, v16;
	v29 =	vsel vm12, v41, v29  }
0x179: {  	vm13 =	vle.f32 v27, $2.499999940e-03;
	v27 =	vsub.f32 v56, v55;
	v41 =	vmul.f32 v10, v54  }
0x17a: {  	v55 =	vadd.f32 v59, v20;
	v59 =	vbroadcast v22, $0x5;
	v31 =	vsub.f32 v46, v31  }
0x17b: {  	v30 =	vsel vm13, v48, v30;
	v38 =	vsub.f32 v62, v61;
	v39 =	vadd.f32 $1.048576000e+06, v29  }
0x17c: {  	v28 =	vadd.f32 v43, v42;
	v46 =	vmul.f32 v18, v49;
	v48 =	vmul.f32 v19, v54  }
0x17d: {  	v49 =	vmul.f32 v5, v32;
	vm15 =	vle.f32 v27, $2.499999940e-03;
	v27 =	vadd.f32 v36, v63  }
0x17e: {  	v43 =	vmul.f32 v11, v32;
	v50 =	vadd.f32 $1.048576000e+06, v30;
	v62 =	vadd.f32 v59, v13  }
0x17f: {  	v63 =	vmul.f32 v8, v32;
	v36 =	vbroadcast v22, $0x9;
	vm14 =	vle.f32 v31, $2.499999940e-03  }
0x180: {  	v25 =	vsel vm15, v60, v25;
	vm4 =	vle.f32 v38, $2.499999940e-03;
	v28 =	vadd.f32 v45, v28  }
0x181: {  	v31 =	vadd.f32 v46, v33;
	v56 =	vadd.f32 v51, v49;
	v38 =	vmul.f32 v9, v35  }
0x182: {  	v46 =	vadd.f32 v59, v14;
	v49 =	vmul.f32 v17, v32;
	v51 =	vadd.f32 v59, v16  }
0x183: {  	v33 =	vbroadcast v21, $0x7;
	v32 =	vbroadcast v21, $0x8;
	v26 =	vsel vm14, v52, v26  }
0x184: {  	v29 =	vsel vm4, v39, v29;
	v27 =	vadd.f32 v41, v27;
	v39 =	vadd.f32 $1.048576000e+06, v25  }
0x185: {  	v52 =	vbroadcast v24, $0x5;
	v53 =	vsub.f32 v47, v28;
	v54 =	vadd.f32 v48, v31  }
0x186: {  	v58 =	vadd.f32 $1.048576000e+06, v26;
	v41 =	vadd.f32 v38, v63;
	v63 =	vbroadcast v22, $0x6  }
0x187: {  	v47 =	vadd.f32 $2.097152000e+06, v29;
	v57 =	vmul.f32 v7, v52;
	v42 =	vmul.f32 v10, v52  }
0x188: {  	v27 =	vsub.f32 v44, v27;
	v44 =	vmul.f32 v12, v35;
	v48 =	vmul.f32 v15, v52  }
0x189: {  	v52 =	vmul.f32 v19, v52;
	vm6 =	vle.f32 v53, $2.499999940e-03;
	v60 =	vsub.f32 v55, v54  }
0x18a: {  	v53 =	vbroadcast v21, $0x6;
	v54 =	vbroadcast v23, $0x6;
	v55 =	vadd.f32 v59, v20  }
0x18b: {  	v59 =	vbroadcast v24, $0x6;
	v40 =	vadd.f32 v63, v13;
	vm5 =	vle.f32 v27, $2.499999940e-03  }
0x18c: {  	v61 =	vadd.f32 v57, v56;
	v26 =	vsel vm6, v58, v26;
	v45 =	vadd.f32 v42, v41  }
0x18d: {  	v30 =	vsel vm5, v50, v30;
	v50 =	vmul.f32 v18, v35;
	v56 =	vmul.f32 v5, v53  }
0x18e: {  	v27 =	vadd.f32 v44, v43;
	v58 =	vmul.f32 v6, v54;
	v41 =	vmul.f32 v8, v53  }
0x18f: {  	vm7 =	vle.f32 v60, $2.499999940e-03;
	v42 =	vmul.f32 v9, v54;
	v43 =	vmul.f32 v11, v53  }
0x190: {  	v60 =	vadd.f32 $2.097152000e+06, v26;
	v44 =	vmul.f32 v12, v54;
	v34 =	vmul.f32 v17, v53  }
0x191: {  	v53 =	vmul.f32 v19, v59;
	v35 =	vbroadcast v23, $0x8;
	v28 =	vsub.f32 v62, v61  }
0x192: {  	v25 =	vsel vm7, v39, v25;
	v27 =	vadd.f32 v48, v27;
	v57 =	vadd.f32 $2.097152000e+06, v30  }
0x193: {  	v62 =	vmul.f32 v7, v59;
	v31 =	vadd.f32 v50, v49;
	v61 =	vadd.f32 v58, v56  }
0x194: {  	v48 =	vmul.f32 v15, v59;
	v38 =	vadd.f32 $2.097152000e+06, v25;
	v49 =	vadd.f32 v63, v14  }
0x195: {  	v50 =	vadd.f32 v63, v16;
	vm8 =	vle.f32 v28, $2.499999940e-03;
	v28 =	vsub.f32 v46, v45  }
0x196: {  	v27 =	vsub.f32 v51, v27;
	v46 =	vmul.f32 v10, v59;
	v59 =	vadd.f32 v63, v20  }
0x197: {  	v29 =	vsel vm8, v47, v29;
	v31 =	vadd.f32 v52, v31;
	v39 =	vadd.f32 v62, v61  }
0x198: {  	v47 =	vadd.f32 v44, v43;
	v52 =	vbroadcast v23, $0x7;
	v62 =	vbroadcast v22, $0x7  }
0x199: {  	vm9 =	vle.f32 v28, $2.499999940e-03;
	vm10 =	vle.f32 v27, $2.499999940e-03;
	v45 =	vadd.f32 $4.194304000e+06, v29  }
0x19a: {  	v27 =	vadd.f32 v42, v41;
	v28 =	vmul.f32 v18, v54;
	v54 =	vmul.f32 v5, v33  }
0x19b: {  	v42 =	vmul.f32 v8, v33;
	v31 =	vsub.f32 v55, v31;
	v30 =	vsel vm9, v57, v30  }
0x19c: {  	v26 =	vsel vm10, v60, v26;
	v56 =	vmul.f32 v6, v52;
	v41 =	vadd.f32 v62, v13  }
0x19d: {  	v57 =	vbroadcast v24, $0x7;
	v27 =	vadd.f32 v46, v27;
	v51 =	vadd.f32 $4.194304000e+06, v30  }
0x19e: {  	v43 =	vmul.f32 v9, v52;
	v28 =	vadd.f32 v28, v34;
	v55 =	vadd.f32 $4.194304000e+06, v26  }
0x19f: {  	vm11 =	vle.f32 v31, $2.499999940e-03;
	v31 =	vsub.f32 v40, v39;
	v61 =	vmul.f32 v7, v57  }
0x1a0: {  	v60 =	vadd.f32 v56, v54;
	v46 =	vmul.f32 v10, v57;
	v54 =	vmul.f32 v5, v32  }
0x1a1: {  	v56 =	vmul.f32 v6, v35;
	v40 =	vbroadcast v24, $0x8;
	v27 =	vsub.f32 v49, v27  }
0x1a2: {  	v25 =	vsel vm11, v38, v25;
	v58 =	vadd.f32 v53, v28;
	v49 =	vadd.f32 v62, v14  }
0x1a3: {  	v53 =	vmul.f32 v19, v57;
	vm12 =	vle.f32 v31, $2.499999940e-03;
	v31 =	vadd.f32 v48, v47  }
0x1a4: {  	v63 =	vadd.f32 $4.194304000e+06, v25;
	v39 =	vadd.f32 v61, v60;
	v47 =	vmul.f32 v11, v33  }
0x1a5: {  	v48 =	vmul.f32 v12, v52;
	v33 =	vmul.f32 v17, v33;
	v60 =	vadd.f32 v56, v54  }
0x1a6: {  	v61 =	vmul.f32 v7, v40;
	v54 =	vmul.f32 v17, v32;
	v29 =	vsel vm12, v45, v29  }
0x1a7: {  	vm13 =	vle.f32 v27, $2.499999940e-03;
	v27 =	vsub.f32 v59, v58;
	v59 =	vadd.f32 v62, v20  }
0x1a8: {  	v31 =	vsub.f32 v50, v31;
	v30 =	vsel vm13, v51, v30;
	v44 =	vsub.f32 v41, v39  }
0x1a9: {  	v45 =	vadd.f32 $8.388608000e+06, v29;
	v28 =	vadd.f32 v48, v47;
	v50 =	vmul.f32 v15, v57  }
0x1aa: {  	v51 =	vmul.f32 v18, v52;
	v52 =	vadd.f32 v62, v16;
	v41 =	vadd.f32 v61, v60  }
0x1ab: {  	v47 =	vmul.f32 v10, v40;
	vm15 =	vle.f32 v27, $2.499999940e-03;
	v27 =	vadd.f32 v43, v42  }
0x1ac: {  	v43 =	vmul.f32 v8, v32;
	vm14 =	vle.f32 v31, $2.499999940e-03;
	v25 =	vsel vm15, v63, v25  }
0x1ad: {  	vm4 =	vle.f32 v44, $2.499999940e-03;
	v28 =	vadd.f32 v50, v28;
	v31 =	vadd.f32 v51, v33  }
0x1ae: {  	v63 =	vbroadcast v22, $0x8;
	v26 =	vsel vm14, v55, v26;
	v27 =	vadd.f32 v46, v27  }
0x1af: {  	v29 =	vsel vm4, v45, v29;
	v55 =	vadd.f32 $8.388608000e+06, v30;
	v45 =	vadd.f32 $8.388608000e+06, v25  }
0x1b0: {  	v44 =	vmul.f32 v9, v35;
	v57 =	vsub.f32 v52, v28;
	v58 =	vadd.f32 v53, v31  }
0x1b1: {  	v48 =	vmul.f32 v11, v32;
	v62 =	vadd.f32 $8.388608000e+06, v26;
	v42 =	vadd.f32 v63, v13  }
0x1b2: {  	v32 =	vbroadcast v21, $0xB;
	v46 =	vadd.f32 v44, v43;
	v51 =	vadd.f32 v63, v14  }
0x1b3: {  	v33 =	vbroadcast v21, $0xA;
	v52 =	vadd.f32 $1.677721600e+07, v29;
	v56 =	vadd.f32 v63, v16  }
0x1b4: {  	v53 =	vmul.f32 v15, v40;
	v60 =	vadd.f32 v63, v20;
	v27 =	vsub.f32 v49, v27  }
0x1b5: {  	v49 =	vmul.f32 v12, v35;
	vm6 =	vle.f32 v57, $2.499999940e-03;
	v39 =	vsub.f32 v59, v58  }
0x1b6: {  	v28 =	vsub.f32 v42, v41;
	v57 =	vmul.f32 v19, v40;
	v58 =	vbroadcast v21, $0x9  }
0x1b7: {  	v50 =	vadd.f32 v47, v46;
	v59 =	vbroadcast v23, $0x9;
	v40 =	vbroadcast v24, $0x9  }
0x1b8: {  	v46 =	vadd.f32 v36, v13;
	vm5 =	vle.f32 v27, $2.499999940e-03;
	v26 =	vsel vm6, v62, v26  }
0x1b9: {  	v27 =	vadd.f32 v49, v48;
	v30 =	vsel vm5, v55, v30;
	v55 =	vmul.f32 v18, v35  }
0x1ba: {  	vm7 =	vle.f32 v39, $2.499999940e-03;
	v61 =	vmul.f32 v5, v58;
	v63 =	vmul.f32 v6, v59  }
0x1bb: {  	vm8 =	vle.f32 v28, $2.499999940e-03;
	v43 =	vmul.f32 v7, v40;
	v47 =	vmul.f32 v8, v58  }
0x1bc: {  	v28 =	vsub.f32 v51, v50;
	v48 =	vmul.f32 v9, v59;
	v49 =	vmul.f32 v11, v58  }
0x1bd: {  	v41 =	vadd.f32 $1.677721600e+07, v26;
	v50 =	vmul.f32 v12, v59;
	v34 =	vmul.f32 v17, v58  }
0x1be: {  	v58 =	vbroadcast v23, $0xA;
	v35 =	vbroadcast v23, $0xB;
	v25 =	vsel vm7, v45, v25  }
0x1bf: {  	v29 =	vsel vm8, v52, v29;
	v27 =	vadd.f32 v53, v27;
	v62 =	vadd.f32 $1.677721600e+07, v30  }
0x1c0: {  	v52 =	vmul.f32 v10, v40;
	v31 =	vadd.f32 v55, v54;
	v42 =	vadd.f32 v63, v61  }
0x1c1: {  	vm9 =	vle.f32 v28, $2.499999940e-03;
	v44 =	vadd.f32 $1.677721600e+07, v25;
	v51 =	vadd.f32 $3.355443200e+07, v29  }
0x1c2: {  	v53 =	vadd.f32 v50, v49;
	v54 =	vmul.f32 v15, v40;
	v28 =	vmul.f32 v18, v59  }
0x1c3: {  	v55 =	vadd.f32 v36, v14;
	v59 =	vmul.f32 v19, v40;
	v63 =	vbroadcast v24, $0xA  }
0x1c4: {  	v49 =	vmul.f32 v8, v33;
	v50 =	vmul.f32 v9, v58;
	v27 =	vsub.f32 v56, v27  }
0x1c5: {  	v30 =	vsel vm9, v62, v30;
	v56 =	vadd.f32 v36, v16;
	v31 =	vadd.f32 v57, v31  }
0x1c6: {  	v40 =	vbroadcast v24, $0xB;
	v45 =	vadd.f32 v43, v42;
	v57 =	vadd.f32 $3.355443200e+07, v30  }
0x1c7: {  	v62 =	vmul.f32 v6, v58;
	v28 =	vadd.f32 v28, v34;
	v42 =	vadd.f32 v36, v20  }
0x1c8: {  	v36 =	vmul.f32 v18, v35;
	vm10 =	vle.f32 v27, $2.499999940e-03;
	v27 =	vadd.f32 v48, v47  }
0x1c9: {  	v39 =	vmul.f32 v19, v40;
	v31 =	vsub.f32 v60, v31;
	v26 =	vsel vm10, v41, v26  }
0x1ca: {  	v60 =	vmul.f32 v5, v33;
	v41 =	vadd.f32 v59, v28;
	v27 =	vadd.f32 v52, v27  }
0x1cb: {  	v61 =	vadd.f32 $3.355443200e+07, v26;
	vm11 =	vle.f32 v31, $2.499999940e-03;
	v31 =	vsub.f32 v46, v45  }
0x1cc: {  	v43 =	vadd.f32 v62, v60;
	v45 =	vbroadcast v22, $0xA;
	v60 =	vmul.f32 v19, v63  }
0x1cd: {  	v25 =	vsel vm11, v44, v25;
	v27 =	vsub.f32 v55, v27;
	v44 =	vmul.f32 v7, v63  }
0x1ce: {  	v55 =	vmul.f32 v12, v58;
	v58 =	vmul.f32 v18, v58;
	vm12 =	vle.f32 v31, $2.499999940e-03  }
0x1cf: {  	v31 =	vadd.f32 v54, v53;
	v46 =	vadd.f32 $3.355443200e+07, v25;
	v53 =	vmul.f32 v10, v63  }
0x1d0: {  	v48 =	vadd.f32 v45, v13;
	v54 =	vmul.f32 v11, v33;
	v33 =	vmul.f32 v17, v33  }
0x1d1: {  	v59 =	vadd.f32 v45, v16;
	vm13 =	vle.f32 v27, $2.499999940e-03;
	v27 =	vsub.f32 v42, v41  }
0x1d2: {  	v29 =	vsel vm12, v51, v29;
	v47 =	vadd.f32 v44, v43;
	v44 =	vadd.f32 v45, v20  }
0x1d3: {  	v41 =	vbroadcast v23, $0xC;
	v31 =	vsub.f32 v56, v31;
	v52 =	vadd.f32 $6.710886400e+07, v29  }
0x1d4: {  	v30 =	vsel vm13, v57, v30;
	v56 =	vadd.f32 v45, v14;
	v28 =	vadd.f32 v55, v54  }
0x1d5: {  	v57 =	vmul.f32 v15, v63;
	v63 =	vmul.f32 v6, v35;
	v51 =	vsub.f32 v48, v47  }
0x1d6: {  	vm15 =	vle.f32 v27, $2.499999940e-03;
	v27 =	vadd.f32 v50, v49;
	v62 =	vadd.f32 $6.710886400e+07, v30  }
0x1d7: {  	v48 =	vbroadcast v22, $0xB;
	vm14 =	vle.f32 v31, $2.499999940e-03;
	v25 =	vsel vm15, v46, v25  }
0x1d8: {  	v28 =	vadd.f32 v57, v28;
	v46 =	vmul.f32 v7, v40;
	v57 =	vmul.f32 v11, v32  }
0x1d9: {  	v31 =	vadd.f32 v58, v33;
	v58 =	vmul.f32 v12, v35;
	v33 =	vbroadcast v21, $0xD  }
0x1da: {  	v26 =	vsel vm14, v61, v26;
	vm4 =	vle.f32 v51, $2.499999940e-03;
	v27 =	vadd.f32 v53, v27  }
0x1db: {  	v61 =	vmul.f32 v5, v32;
	v51 =	vadd.f32 v48, v13;
	v54 =	vadd.f32 $6.710886400e+07, v25  }
0x1dc: {  	v53 =	vmul.f32 v9, v35;
	v38 =	vadd.f32 v48, v16;
	v42 =	vsub.f32 v59, v28  }
0x1dd: {  	v29 =	vsel vm4, v52, v29;
	v43 =	vadd.f32 v60, v31;
	v47 =	vadd.f32 $6.710886400e+07, v26  }
0x1de: {  	v52 =	vmul.f32 v8, v32;
	v60 =	vadd.f32 v48, v14;
	v27 =	vsub.f32 v56, v27  }
0x1df: {  	v45 =	vadd.f32 v63, v61;
	v56 =	vmul.f32 v10, v40;
	v61 =	vadd.f32 $1.342177280e+08, v29  }
0x1e0: {  	v63 =	vmul.f32 v17, v32;
	v32 =	vbroadcast v21, $0xE;
	vm6 =	vle.f32 v42, $2.499999940e-03  }
0x1e1: {  	v49 =	vsub.f32 v44, v43;
	v55 =	vadd.f32 v53, v52;
	vm5 =	vle.f32 v27, $2.499999940e-03  }
0x1e2: {  	v50 =	vadd.f32 v46, v45;
	v26 =	vsel vm6, v47, v26;
	v27 =	vadd.f32 v58, v57  }
0x1e3: {  	v31 =	vadd.f32 v36, v63;
	v58 =	vmul.f32 v6, v41;
	v63 =	vbroadcast v22, $0xC  }
0x1e4: {  	v46 =	vmul.f32 v9, v41;
	v30 =	vsel vm5, v62, v30;
	vm7 =	vle.f32 v49, $2.499999940e-03  }
0x1e5: {  	v59 =	vadd.f32 v56, v55;
	v62 =	vmul.f32 v15, v40;
	v55 =	vadd.f32 v48, v20  }
0x1e6: {  	v40 =	vbroadcast v21, $0xC;
	v28 =	vsub.f32 v51, v50;
	v31 =	vadd.f32 v39, v31  }
0x1e7: {  	v48 =	vmul.f32 v12, v41;
	v57 =	vadd.f32 $1.342177280e+08, v30;
	v44 =	vadd.f32 v63, v13  }
0x1e8: {  	v25 =	vsel vm7, v54, v25;
	v53 =	vadd.f32 v63, v14;
	v54 =	vadd.f32 v63, v16  }
0x1e9: {  	v21 =	vbroadcast v21, $0xF;
	v63 =	vadd.f32 v63, v20;
	v27 =	vadd.f32 v62, v27  }
0x1ea: {  	v56 =	vmul.f32 v5, v40;
	v42 =	vadd.f32 $1.342177280e+08, v25;
	v45 =	vmul.f32 v8, v40  }
0x1eb: {  	v47 =	vmul.f32 v11, v40;
	v34 =	vmul.f32 v17, v40;
	vm8 =	vle.f32 v28, $2.499999940e-03  }
0x1ec: {  	v28 =	vsub.f32 v60, v59;
	v59 =	vbroadcast v24, $0xC;
	v60 =	vadd.f32 $1.342177280e+08, v26  }
0x1ed: {  	v31 =	vsub.f32 v55, v31;
	v29 =	vsel vm8, v61, v29;
	v27 =	vsub.f32 v38, v27  }
0x1ee: {  	v61 =	vadd.f32 v58, v56;
	v51 =	vadd.f32 v48, v47;
	v56 =	vbroadcast v23, $0xD  }
0x1ef: {  	v58 =	vmul.f32 v5, v33;
	v47 =	vmul.f32 v8, v33;
	vm9 =	vle.f32 v28, $2.499999940e-03  }
0x1f0: {  	v62 =	vmul.f32 v7, v59;
	vm11 =	vle.f32 v31, $2.499999940e-03;
	v50 =	vmul.f32 v10, v59  }
0x1f1: {  	v49 =	vadd.f32 $2.684354560e+08, v29;
	v52 =	vmul.f32 v15, v59;
	v28 =	vmul.f32 v18, v41  }
0x1f2: {  	vm10 =	vle.f32 v27, $2.499999940e-03;
	v30 =	vsel vm9, v57, v30;
	v25 =	vsel vm11, v42, v25  }
0x1f3: {  	v27 =	vadd.f32 v46, v45;
	v57 =	vmul.f32 v19, v59;
	v43 =	vadd.f32 v62, v61  }
0x1f4: {  	v26 =	vsel vm10, v60, v26;
	v55 =	vadd.f32 $2.684354560e+08, v30;
	v28 =	vadd.f32 v28, v34  }
0x1f5: {  	v60 =	vmul.f32 v6, v56;
	v61 =	vbroadcast v24, $0xD;
	v27 =	vadd.f32 v50, v27  }
0x1f6: {  	v48 =	vmul.f32 v9, v56;
	v59 =	vadd.f32 $2.684354560e+08, v26;
	v31 =	vsub.f32 v44, v43  }
0x1f7: {  	v62 =	vadd.f32 v57, v28;
	v41 =	vadd.f32 v60, v58;
	v42 =	vmul.f32 v7, v61  }
0x1f8: {  	v43 =	vbroadcast v22, $0xD;
	v44 =	vadd.f32 $2.684354560e+08, v25;
	v58 =	vbroadcast v23, $0xE  }
0x1f9: {  	v60 =	vmul.f32 v5, v32;
	v23 =	vbroadcast v23, $0xF;
	v27 =	vsub.f32 v53, v27  }
0x1fa: {  	v53 =	vmul.f32 v12, v56;
	v56 =	vmul.f32 v18, v56;
	vm12 =	vle.f32 v31, $2.499999940e-03  }
0x1fb: {  	v31 =	vadd.f32 v52, v51;
	v45 =	vadd.f32 v42, v41;
	v51 =	vmul.f32 v10, v61  }
0x1fc: {  	v46 =	vadd.f32 v43, v13;
	v52 =	vmul.f32 v11, v33;
	v33 =	vmul.f32 v17, v33  }
0x1fd: {  	v57 =	vadd.f32 v43, v16;
	v40 =	vadd.f32 v43, v20;
	v35 =	vmul.f32 v18, v58  }
0x1fe: {  	v29 =	vsel vm12, v49, v29;
	vm13 =	vle.f32 v27, $2.499999940e-03;
	v27 =	vsub.f32 v63, v62  }
0x1ff: {  	v62 =	vbroadcast v24, $0xE;
	v24 =	vbroadcast v24, $0xF;
	v31 =	vsub.f32 v54, v31  }
0x200: {  	v30 =	vsel vm13, v55, v30;
	v49 =	vsub.f32 v46, v45;
	v54 =	vadd.f32 v43, v14  }
0x201: {  	v28 =	vadd.f32 v53, v52;
	v55 =	vmul.f32 v15, v61;
	v43 =	vbroadcast v22, $0xE  }
0x202: {  	v53 =	vmul.f32 v11, v32;
	v22 =	vbroadcast v22, $0xF;
	vm15 =	vle.f32 v27, $2.499999940e-03  }
0x203: {  	v27 =	vadd.f32 v48, v47;
	v41 =	vmul.f32 v7, v62;
	v47 =	vmul.f32 v8, v32  }
0x204: {  	v50 =	vadd.f32 $5.368709120e+08, v29;
	v48 =	vmul.f32 v9, v58;
	v52 =	vmul.f32 v10, v62  }
0x205: {  	v63 =	vadd.f32 $5.368709120e+08, v30;
	v32 =	vmul.f32 v17, v32;
	v37 =	vmul.f32 v7, v24  }
0x206: {  	vm14 =	vle.f32 v31, $2.499999940e-03;
	v25 =	vsel vm15, v44, v25;
	v28 =	vadd.f32 v55, v28  }
0x207: {  	vm4 =	vle.f32 v49, $2.499999940e-03;
	v31 =	vadd.f32 v56, v33;
	v46 =	vadd.f32 v43, v13  }
0x208: {  	v56 =	vmul.f32 v15, v62;
	v26 =	vsel vm14, v59, v26;
	v27 =	vadd.f32 v51, v27  }
0x209: {  	v29 =	vsel vm4, v50, v29;
	v49 =	vadd.f32 $5.368709120e+08, v25;
	v51 =	vadd.f32 v48, v47  }
0x20a: {  	v59 =	vmul.f32 v19, v61;
	v32 =	vadd.f32 v35, v32;
	v28 =	vsub.f32 v57, v28  }
0x20b: {  	v61 =	vmul.f32 v6, v58;
	v42 =	vadd.f32 $5.368709120e+08, v26;
	v55 =	vadd.f32 $1.073741820e+09, v29  }
0x20c: {  	v47 =	vmul.f32 v10, v24;
	v57 =	vadd.f32 v43, v14;
	v27 =	vsub.f32 v54, v27  }
0x20d: {  	v31 =	vadd.f32 v59, v31;
	v34 =	vadd.f32 v61, v60;
	v54 =	vmul.f32 v12, v58  }
0x20e: {  	v58 =	vadd.f32 v43, v16;
	v59 =	vmul.f32 v19, v62;
	v60 =	vmul.f32 v5, v21  }
0x20f: {  	v61 =	vmul.f32 v6, v23;
	vm6 =	vle.f32 v28, $2.499999940e-03;
	v44 =	vsub.f32 v40, v31  }
0x210: {  	vm5 =	vle.f32 v27, $2.499999940e-03;
	v45 =	vadd.f32 v41, v34;
	v31 =	vadd.f32 v52, v51  }
0x211: {  	v26 =	vsel vm6, v42, v26;
	v28 =	vadd.f32 v54, v53;
	v62 =	vadd.f32 v59, v32  }
0x212: {  	v36 =	vadd.f32 v61, v60;
	v42 =	vmul.f32 v8, v21;
	v51 =	vmul.f32 v11, v21  }
0x213: {  	v41 =	vadd.f32 v22, v13;
	v52 =	vmul.f32 v12, v23;
	v21 =	vmul.f32 v17, v21  }
0x214: {  	v60 =	vor.u32 s13, v4;
	v27 =	vsel vm5, v63, v30;
	v63 =	vadd.f32 v43, v20  }
0x215: {  	v43 =	vmul.f32 v9, v23;
	v50 =	vsub.f32 v46, v45;
	v28 =	vadd.f32 v56, v28  }
0x216: {  	v23 =	vmul.f32 v18, v23;
	v31 =	vsub.f32 v57, v31;
	v38 =	vadd.f32 $1.073741820e+09, v27  }
0x217: {  	vm7 =	vle.f32 v44, $2.499999940e-03;
	v40 =	vadd.f32 v37, v36;
	v44 =	vadd.f32 $1.073741820e+09, v26  }
0x218: {  	v54 =	vadd.f32 v52, v51;
	v56 =	vor.u32 s13, v0;
	v57 =	vadd.f32 v22, v16  }
0x219: {  	v25 =	vsel vm7, v49, v25;
	v39 =	vsub.f32 v63, v62;
	v46 =	vadd.f32 v43, v42  }
0x21a: {  	v21 =	vadd.f32 v23, v21;
	v23 =	vmul.f32 v19, v24;
	vm8 =	vle.f32 v50, $2.499999940e-03  }
0x21b: {  	v28 =	vsub.f32 v58, v28;
	vm9 =	vle.f32 v31, $2.499999940e-03;
	v45 =	vadd.f32 $1.073741820e+09, v25  }
0x21c: {  	v30 =	vsub.f32 v41, v40;
	v50 =	vadd.f32 v22, v14;
	v58 =	vor.u32 s13, v2  }
0x21d: {  	v22 =	vadd.f32 v22, v20;
	v29 =	vsel vm8, v55, v29;
	vm11 =	vle.f32 v39, $2.499999940e-03  }
0x21e: {  	v27 =	vsel vm9, v38, v27;
	v49 =	vadd.f32 v47, v46;
	v55 =	vmul.f32 v15, v24  }
0x21f: {  	v21 =	vadd.f32 v23, v21;
	v23 =	vor.u32 s13, v3;
	vm10 =	vle.f32 v28, $2.499999940e-03  }
0x220: {  	vm12 =	vle.f32 v30, $2.499999940e-03;
	v48 =	vadd.f32 $2.147483650e+09, v29;
	v30 =	vadd.f32 v55, v54  }
0x221: {  	v25 =	vsel vm11, v45, v25;
	v59 =	vadd.f32 $2.147483650e+09, v27;
	v53 =	vsub.f32 v50, v49  }
0x222: {  	p0 =	sne.s32 s13, $0x3F;
	v26 =	vsel vm10, v44, v26;
	v21 =	vsub.f32 v22, v21;
	v30 =	vsub.f32 v57, v30  }
.Ltmp1:
0x223: {  	v28 =	vsel vm12, v48, v29;
	v61 =	vadd.f32 $2.147483650e+09, v26;
	vm13 =	vle.f32 v53, $2.499999940e-03;
	(pc) =	sbr.rel @p0 .LBB2_4-.Ltmp1, $4  }
0x224: {  	v62 =	vadd.f32 $2.147483650e+09, v25;
	[tilespmem:v56+s11+$0x0] =	vst.idx.msk $0xffff, v28;
	v22 =	vsel vm13, v59, v27;
	vm14 =	vle.f32 v30, $2.499999940e-03  }
0x225: {  	vm15 =	vle.f32 v21, $2.499999940e-03;
	[tilespmem:v58+s11+$0x0] =	vst.idx.msk $0xffff, v22;
	v63 =	vsel vm14, v61, v26  }
0x226: {  	s17 =	sadd.s32 $0x20, s17;
	s16 =	sadd.s32 $0x20, s16;
	v21 =	vsel vm15, v62, v25;
	[tilespmem:v23+s11+$0x0] =	vst.idx.msk $0xffff, v63  }
0x227: {  	s15 =	sadd.s32 $0x20, s15;
	s14 =	sadd.s32 $0x20, s14;
	s13 =	sadd.s32 $0x1, s13;
	[tilespmem:v60+s11+$0x0] =	vst.idx.msk $0xffff, v21  }
0x228: {  	s12 =	sadd.s32 $0x1, s12  }
0x229: {  	p0 =	sne.s32 s12, s9  }
.Ltmp2:
0x22a: {  	_ = 	snop;
	(pc) =	sbr.rel @p0 .LBB2_1-.Ltmp2, $4  }
0x22b: {  	[hbm4b:s8+s2] =	stream.linear.scatter [tilespmem:s11], [sflag:$0x1], $0x1000, $0x38;
	[tilespmem:$0x4800] =	vst v63  }
0x22c: {  	_ =	swait.ge [sflag:s10], $0x1000  }
0x22d: {  	[sflag:s10] =	ssyncset.done $0x0  }
0x22e: {  	[sflag:s10] =	ssyncadd.s32 $0xFFFFF000  }
0x22f: {  	_ =	sfence.sel $0x180000  }
0x230: {  	[bflag:$0x0] =	sbarrier.arrive $0xFFFF  }
0x231: {  	p0 =	sne.s32 s1, $0x0;
	_ =	strace $0x90000047  }
0x232: {  	s0 =	sadd.s32 @!p0 $0x100000, s0;
	[bflag:$0x2] =	sbarrier.arrive $0xFFFF  }
0x233: {  	[sflag:s0] =	ssyncadd.tile.s32 @!p0 $0x1;
	_ =	shalt  }
.Lfunc_end2:
_tile_overlayer_lowered:
.L_overlay_start_2:
0x234: {  	(tag) =	ssettag $0x2  }
0x235: {  	s0 =	rddreg [dreg:$0x0];
	s2 =	stileid.u32  }
0x236: {  	s1 =	rddreg [dreg:$0x1];
	p0 =	sne.s32 s2, $0x0  }
0x237: {  	s3 =	rddreg [dreg:$0x2];
	[bflag:$0x3] =	sbarrier.arrive $0xFFFF;
	s2 =	simm.s32 @!p0 $0x1C01  }
0x238: {  	[timem:s3], [sflag:s2] =	dma.local @!p0 [hbm:s0], s1  }
0x239: {  	s0 =	simm.s32 @!p0 $0x1  }
0x23a: {  	_ =	swait.ge @!p0 [sflag:s0], s1  }
0x23b: {  	s1 =	ssub.s32 @!p0 $0x0, s1;
	[sflag:s0] =	ssyncset.done @!p0 $0x0  }
0x23c: {  	[sflag:s0] =	ssyncadd.s32 @!p0 s1  }
0x23d: {  	[bflag:$0x3] =	sbarrier.arrive $0xFFFF  }
0x23e: {  	_ =	shalt  }

</sc_bundles>
